<compile_context>
chip_gen: v7x
topology: tpu7x:2x2x1
jax: 0.10.2.dev20260603
libtpu: 0.0.44.dev20260713+nightly
codegen_flags: <defaults>
</compile_context>

<pallas_src>
import functools

import jax
import jax.numpy as jnp
from jax import lax
from jax.experimental import pallas as pl
from jax.experimental.pallas import tpu as pltpu
from jax.experimental.pallas import tpu_sc as plsc

N = 10000
E = 320000
D = 128
H = 128
O = 128
G = 128
L = 3

NC = 2
NS = 16
NW = NC * NS
CHUNK = 64
NBUF = 4
NCHUNKS = 160
NGROUPS = NCHUNKS // NBUF
NPAIR = NGROUPS // 2
EPAD = NW * NCHUNKS * CHUNK
ACC_ROWS = 16 * 640
ROWS_PER_TILE_OUT = 624


def _sc_agg_body(x_hbm, idx_hbm, out_hbm, ring, rows0, rows1, rows2, rows3,
                 acc_sh, gsem0, gsem1, gsem2, gsem3, ssem0, ssem1, ssem2,
                 ssem3, isem0, isem1):
    rows = (rows0, rows1, rows2, rows3)
    gsems = (gsem0, gsem1, gsem2, gsem3)
    ssems = (ssem0, ssem1, ssem2, ssem3)
    isems = (isem0, isem1)
    c = lax.axis_index("c")
    s = lax.axis_index("s")
    wid = s * NC + c

    pltpu.async_copy(idx_hbm.at[wid, 0], ring.at[0], isems[0]).wait()
    pltpu.async_copy(idx_hbm.at[wid, 1], ring.at[1], isems[1])

    for b in range(NBUF - 1):
        pltpu.async_copy(x_hbm.at[ring.at[0, 0, b]], rows[b], gsems[b])

    zero16 = jnp.zeros((16,), jnp.float32)

    def _zrow(i, _):
        def _zlane(k, _):
            rows3[i, pl.ds(k * 16, 16)] = zero16
            return 0
        return lax.fori_loop(0, D // 16, _zlane, 0)

    lax.fori_loop(0, CHUNK, _zrow, 0)

    zbase = s * 640
    for t in range(640 // CHUNK):
        pltpu.sync_copy(rows3, acc_sh.at[pl.ds(zbase + t * CHUNK, CHUNK)])

    plsc.subcore_barrier()

    pltpu.async_copy(x_hbm.at[ring.at[0, 0, NBUF - 1]], rows3,
                     gsems[NBUF - 1])

    def _phase(slot, other, nxt):
        for b in range(NBUF):
            pltpu.make_async_copy(x_hbm.at[ring.at[slot, 0, b]], rows[b],
                                  gsems[b]).wait()
            pltpu.sync_copy(rows[b], acc_sh.at[ring.at[slot, 1, b]],
                            add=True)
            if b == 0:
                pltpu.make_async_copy(idx_hbm.at[wid, 0], ring.at[other],
                                      isems[other]).wait()
            pltpu.async_copy(x_hbm.at[ring.at[other, 0, b]], rows[b],
                             gsems[b])
        pltpu.async_copy(idx_hbm.at[wid, nxt], ring.at[slot], isems[slot])

    def _pair(t, _):
        _phase(0, 1, jnp.minimum(2 * t + 2, NGROUPS - 1))
        _phase(1, 0, jnp.minimum(2 * t + 3, NGROUPS - 1))
        return 0

    lax.fori_loop(0, NPAIR, _pair, 0)

    for b in range(NBUF):
        pltpu.make_async_copy(x_hbm.at[ring.at[0, 0, b]], rows[b],
                              gsems[b]).wait()
    pltpu.make_async_copy(idx_hbm.at[wid, 0], ring.at[1], isems[1]).wait()

    plsc.subcore_barrier()

    r0 = s * ROWS_PER_TILE_OUT
    pltpu.sync_copy(acc_sh.at[pl.ds(r0, ROWS_PER_TILE_OUT)],
                    out_hbm.at[c, pl.ds(r0, ROWS_PER_TILE_OUT)])

    tail = NS * ROWS_PER_TILE_OUT

    @pl.when(s == 0)
    def _emit_tail():
        pltpu.sync_copy(acc_sh.at[pl.ds(tail, N - tail)],
                        out_hbm.at[c, pl.ds(tail, N - tail)])


@functools.lru_cache(maxsize=1)
def _sc_agg_kernel():
    return functools.partial(
        pl.kernel,
        out_type=jax.ShapeDtypeStruct((NC, N, D), jnp.float32),
        mesh=plsc.VectorSubcoreMesh(core_axis_name="c", subcore_axis_name="s"),
        scratch_types=[
            pltpu.VMEM((2, 2, NBUF, CHUNK), jnp.int32),
        ] + [pltpu.VMEM((CHUNK, D), jnp.float32)] * 4 + [
            pltpu.VMEM_SHARED((ACC_ROWS, D), jnp.float32),
        ] + [pltpu.SemaphoreType.DMA] * 10,
    )(_sc_agg_body)


def _mlp_body(agg_ref, x_ref, w1_ref, b1_ref, g_ref, be_ref, w2_ref, b2_ref,
              o_ref):
    h = agg_ref[0] + agg_ref[1] + x_ref[...]
    h = lax.dot_general(h, w1_ref[...], (((1,), (0,)), ((), ())),
                        preferred_element_type=jnp.float32,
                        precision=lax.Precision.HIGHEST) + b1_ref[...]
    mu = jnp.mean(h, axis=0, keepdims=True)
    var = jnp.mean(jnp.square(h - mu), axis=0, keepdims=True)
    h = (h - mu) / jnp.sqrt(var + 1e-5) * g_ref[...] + be_ref[...]
    h = jnp.maximum(h, 0.0)
    h = lax.dot_general(h, w2_ref[...], (((1,), (0,)), ((), ())),
                        preferred_element_type=jnp.float32,
                        precision=lax.Precision.HIGHEST) + b2_ref[...]
    o_ref[...] = jnp.maximum(h, 0.0)


def _mlp_call(agg, x, w1, b1, g, be, w2, b2):
    return pl.pallas_call(
        _mlp_body,
        out_shape=jax.ShapeDtypeStruct((N, H), jnp.float32),
    )(agg, x, w1, b1, g, be, w2, b2)


def _pool_body(x_ref, batch_ref, w1_ref, b1_ref, w2_ref, b2_ref, o_ref):
    gi = lax.broadcasted_iota(jnp.int32, (G, N), 0)
    oh = jnp.where(batch_ref[...] == gi, 1.0, 0.0).astype(jnp.float32)
    pooled = lax.dot_general(oh, x_ref[...], (((1,), (0,)), ((), ())),
                             preferred_element_type=jnp.float32,
                             precision=lax.Precision.HIGHEST)
    h = lax.dot_general(pooled, w1_ref[...], (((1,), (0,)), ((), ())),
                        preferred_element_type=jnp.float32,
                        precision=lax.Precision.HIGHEST) + b1_ref[...]
    h = jnp.maximum(h, 0.0)
    o_ref[...] = lax.dot_general(h, w2_ref[...], (((1,), (0,)), ((), ())),
                                 preferred_element_type=jnp.float32,
                                 precision=lax.Precision.HIGHEST) + b2_ref[...]


def _pool_call(x, batch_row, w1, b1, w2, b2):
    return pl.pallas_call(
        _pool_body,
        out_shape=jax.ShapeDtypeStruct((G, O), jnp.float32),
    )(x, batch_row, w1, b1, w2, b2)


def kernel(x, edge_index, batch, conv_W1, conv_b1, conv_gamma, conv_beta,
           conv_W2, conv_b2, mlp_W1, mlp_b1, mlp_W2, mlp_b2):
    src = edge_index[0]
    dst = edge_index[1]
    pad = EPAD - E
    ar = jnp.arange(pad, dtype=jnp.int32)
    src_p = jnp.concatenate([src, ar % N])
    dst_p = jnp.concatenate([dst, N + (ar % (ACC_ROWS - N))])
    src4 = src_p.reshape(NW, NGROUPS, NBUF, CHUNK)
    dst4 = dst_p.reshape(NW, NGROUPS, NBUF, CHUNK)
    idxcomb = jnp.stack([src4, dst4], axis=2)
    batch_row = batch.reshape(1, N)

    for l in range(L):
        parts = _sc_agg_kernel()(x, idxcomb)
        x = _mlp_call(parts, x, conv_W1[l], conv_b1[l].reshape(1, H),
                      conv_gamma[l].reshape(1, H), conv_beta[l].reshape(1, H),
                      conv_W2[l], conv_b2[l].reshape(1, H))

    return _pool_call(x, batch_row, mlp_W1, mlp_b1.reshape(1, H),
                      mlp_W2, mlp_b2.reshape(1, O))

# --- scband reference (transcript-rebuilt; emitter-appended) ---
"""Pipeline reference for scband-net-3736621547955 (READ-ONLY COPY).

The authoritative reference and input builder live on the scoring server;
editing this copy changes nothing except your own understanding.
"""

import jax, jax.numpy as jnp
import numpy as np

N = 10000
E = 320000
D = 128
H = 128
O = 128
G = 128
L = 3


def setup_inputs(seed: int = 0) -> dict:
    key = jax.random.key(seed)
    ks = jax.random.split(key, 10)
    inp = {}
    inp["x"] = jax.random.normal(ks[0], (N, D), dtype=jnp.float32)
    inp["edge_index"] = jax.random.randint(ks[1], (2, E), 0, N, dtype=jnp.int32)
    inp["batch"] = jnp.sort(jax.random.randint(ks[2], (N,), 0, G, dtype=jnp.int32))
    # GINConv MLP params, stacked over L layers (in=hidden=128 so shapes match)
    inp["conv_W1"] = jax.random.normal(ks[3], (L, D, H), dtype=jnp.float32) * 0.05
    inp["conv_b1"] = jnp.zeros((L, H), dtype=jnp.float32)
    inp["conv_gamma"] = jnp.ones((L, H), dtype=jnp.float32)
    inp["conv_beta"] = jnp.zeros((L, H), dtype=jnp.float32)
    inp["conv_W2"] = jax.random.normal(ks[4], (L, H, H), dtype=jnp.float32) * 0.05
    inp["conv_b2"] = jnp.zeros((L, H), dtype=jnp.float32)
    # final MLP (norm=None, dropout inactive in eval)
    inp["mlp_W1"] = jax.random.normal(ks[5], (H, H), dtype=jnp.float32) * 0.05
    inp["mlp_b1"] = jnp.zeros((H,), dtype=jnp.float32)
    inp["mlp_W2"] = jax.random.normal(ks[6], (H, O), dtype=jnp.float32) * 0.05
    inp["mlp_b2"] = jnp.zeros((O,), dtype=jnp.float32)
    return inp


def _gin_mlp(h, W1, b1, gamma, beta, W2, b2):
    # PyG MLP([in, hidden, hidden]): lin -> batchnorm -> relu -> lin (plain_last)
    h = h @ W1 + b1
    mu = jnp.mean(h, axis=0)
    var = jnp.var(h, axis=0)
    h = (h - mu) / jnp.sqrt(var + 1e-5) * gamma + beta
    h = jax.nn.relu(h)
    return h @ W2 + b2


def reference(x, edge_index, batch, conv_W1, conv_b1, conv_gamma, conv_beta, conv_W2, conv_b2, mlp_W1, mlp_b1, mlp_W2, mlp_b2):
    src = edge_index[0]
    dst = edge_index[1]
    for l in range(L):
        # GINConv: nn((1+eps)*x + sum_{j in N(i)} x_j), eps=0 (train_eps=False)
        agg = jax.ops.segment_sum(x[src], dst, num_segments=N)
        h = agg + x
        x = jax.nn.relu(_gin_mlp(h, conv_W1[l], conv_b1[l], conv_gamma[l], conv_beta[l], conv_W2[l], conv_b2[l]))
    pooled = jax.ops.segment_sum(x, batch, num_segments=G)
    # final MLP([hidden, hidden, out], norm=None, dropout=0.5) in eval: lin -> relu -> lin
    h = jax.nn.relu(pooled @ mlp_W1 + mlp_b1)
    return h @ mlp_W2 + mlp_b2

if __name__ == "__main__":
    import jax
    _d = setup_inputs()
    print(jax.jit(kernel)(*tuple(_d.values())))

</pallas_src>

<mosaic_0001>
#map = affine_map<(d0, d1) -> (0, 0)>
#map1 = affine_map<(d0, d1) -> (0, 0, 0, 0, 0)>
#map2 = affine_map<(d0, d1) -> (0, 0, 0)>
module attributes {stable_mosaic.version = 14 : i64} {
  func.func @_sc_agg_body(%arg0: i32, %arg1: i32, %arg2: memref<10000x128xf32, #tpu.memory_space<hbm>>, %arg3: memref<32x40x2x4x64xi32, #tpu.memory_space<hbm>>, %arg4: memref<2x10000x128xf32, #tpu.memory_space<hbm>>, %arg5: memref<2x2x4x64xi32, #tpu.memory_space<vmem>>, %arg6: memref<64x128xf32, #tpu.memory_space<vmem>>, %arg7: memref<64x128xf32, #tpu.memory_space<vmem>>, %arg8: memref<64x128xf32, #tpu.memory_space<vmem>>, %arg9: memref<64x128xf32, #tpu.memory_space<vmem>>, %arg10: memref<10240x128xf32, #tpu.memory_space<vmem_shared>>, %arg11: memref<!tpu.dma_semaphore, #tpu.memory_space<semaphore_mem>>, %arg12: memref<!tpu.dma_semaphore, #tpu.memory_space<semaphore_mem>>, %arg13: memref<!tpu.dma_semaphore, #tpu.memory_space<semaphore_mem>>, %arg14: memref<!tpu.dma_semaphore, #tpu.memory_space<semaphore_mem>>, %arg15: memref<!tpu.dma_semaphore, #tpu.memory_space<semaphore_mem>>, %arg16: memref<!tpu.dma_semaphore, #tpu.memory_space<semaphore_mem>>, %arg17: memref<!tpu.dma_semaphore, #tpu.memory_space<semaphore_mem>>, %arg18: memref<!tpu.dma_semaphore, #tpu.memory_space<semaphore_mem>>, %arg19: memref<!tpu.dma_semaphore, #tpu.memory_space<semaphore_mem>>, %arg20: memref<!tpu.dma_semaphore, #tpu.memory_space<semaphore_mem>>) attributes {dimension_semantics = [#tpu.dimension_semantics<core_parallel>, #tpu.dimension_semantics<subcore_parallel>], iteration_bounds = array<i64: 2, 16>, scalar_prefetch = 0 : i64, scratch_operands = 16 : i64, tpu.core_type = #tpu.core_type<sc_vector_subcore>, window_params = [{transform_indices = #map}, {transform_indices = #map1}, {transform_indices = #map2}]} {
    %mul3A = arith.constant 2 : i32
    %mul3A_0 = arith.muli %arg1, %mul3A : i32
    %add3A = arith.addi %mul3A_0, %arg0 : i32
    %dma_start3A = arith.constant 0 : i32
    %dma_start3A_1 = arith.constant 0 : i32
    %dma_start3A_2 = arith.constant 0 : i32
    %dma_start3A_3 = arith.constant 0 : i32
    %dma_start3A_4 = arith.constant 0 : i32
    %dma_start3A_5 = tpu.memref_slice %arg5[%dma_start3A_1, %dma_start3A_2, %dma_start3A_3, %dma_start3A_4] : memref<2x2x4x64xi32, #tpu.memory_space<vmem>> -> memref<1x2x4x64xi32, #tpu.memory_space<vmem>>
    %dma_start3A_6 = tpu.memref_squeeze %dma_start3A_5 : memref<1x2x4x64xi32, #tpu.memory_space<vmem>> -> memref<2x4x64xi32, #tpu.memory_space<vmem>>
    %dma_start3A_7 = arith.constant 0 : i32
    %dma_start3A_8 = arith.constant 0 : i32
    %dma_start3A_9 = arith.constant 0 : i32
    %dma_start3A_10 = tpu.memref_slice %arg3[%add3A, %dma_start3A, %dma_start3A_7, %dma_start3A_8, %dma_start3A_9] : memref<32x40x2x4x64xi32, #tpu.memory_space<hbm>> -> memref<1x1x2x4x64xi32, #tpu.memory_space<hbm>>
    %dma_start3A_11 = tpu.memref_squeeze %dma_start3A_10 : memref<1x1x2x4x64xi32, #tpu.memory_space<hbm>> -> memref<2x4x64xi32, #tpu.memory_space<hbm>>
    %dma_start3A_12 = arith.constant 0 : i32
    %dma_start3A_13 = arith.constant 0 : i32
    %dma_start3A_14 = arith.constant 0 : i32
    %dma_start3A_15 = tpu.memref_slice %arg5[%dma_start3A_1, %dma_start3A_12, %dma_start3A_13, %dma_start3A_14] : memref<2x2x4x64xi32, #tpu.memory_space<vmem>> -> memref<1x2x4x64xi32, #tpu.memory_space<vmem>>
    %dma_start3A_16 = tpu.memref_squeeze %dma_start3A_15 : memref<1x2x4x64xi32, #tpu.memory_space<vmem>> -> memref<2x4x64xi32, #tpu.memory_space<vmem>>
    %dma_start3A_17 = arith.constant 0 : i32
    %dma_start3A_18 = arith.constant 0 : i32
    %dma_start3A_19 = arith.constant 0 : i32
    %dma_start3A_20 = tpu.memref_slice %arg3[%add3A, %dma_start3A, %dma_start3A_17, %dma_start3A_18, %dma_start3A_19] : memref<32x40x2x4x64xi32, #tpu.memory_space<hbm>> -> memref<1x1x2x4x64xi32, #tpu.memory_space<hbm>>
    %dma_start3A_21 = tpu.memref_squeeze %dma_start3A_20 : memref<1x1x2x4x64xi32, #tpu.memory_space<hbm>> -> memref<2x4x64xi32, #tpu.memory_space<hbm>>
    tpu.enqueue_dma source(%dma_start3A_21 : memref<2x4x64xi32, #tpu.memory_space<hbm>>) target(%dma_start3A_16 : memref<2x4x64xi32, #tpu.memory_space<vmem>>) target_semaphore(%arg19 : memref<!tpu.dma_semaphore, #tpu.memory_space<semaphore_mem>>)
    %dma_wait3A = arith.constant 0 : i32
    %dma_wait3A_22 = arith.constant 0 : i32
    %dma_wait3A_23 = arith.constant 0 : i32
    %dma_wait3A_24 = arith.constant 0 : i32
    %dma_wait3A_25 = arith.constant 0 : i32
    %dma_wait3A_26 = tpu.memref_slice %arg5[%dma_wait3A_22, %dma_wait3A_23, %dma_wait3A_24, %dma_wait3A_25] : memref<2x2x4x64xi32, #tpu.memory_space<vmem>> -> memref<1x2x4x64xi32, #tpu.memory_space<vmem>>
    %dma_wait3A_27 = tpu.memref_squeeze %dma_wait3A_26 : memref<1x2x4x64xi32, #tpu.memory_space<vmem>> -> memref<2x4x64xi32, #tpu.memory_space<vmem>>
    %dma_wait3A_28 = arith.constant 0 : i32
    %dma_wait3A_29 = arith.constant 0 : i32
    %dma_wait3A_30 = arith.constant 0 : i32
    %dma_wait3A_31 = tpu.memref_slice %arg3[%add3A, %dma_wait3A, %dma_wait3A_28, %dma_wait3A_29, %dma_wait3A_30] : memref<32x40x2x4x64xi32, #tpu.memory_space<hbm>> -> memref<1x1x2x4x64xi32, #tpu.memory_space<hbm>>
    %dma_wait3A_32 = tpu.memref_squeeze %dma_wait3A_31 : memref<1x1x2x4x64xi32, #tpu.memory_space<hbm>> -> memref<2x4x64xi32, #tpu.memory_space<hbm>>
    %dma_wait3A_33 = arith.constant 0 : i32
    %dma_wait3A_34 = arith.constant 0 : i32
    %dma_wait3A_35 = arith.constant 0 : i32
    %dma_wait3A_36 = tpu.memref_slice %arg5[%dma_wait3A_22, %dma_wait3A_33, %dma_wait3A_34, %dma_wait3A_35] : memref<2x2x4x64xi32, #tpu.memory_space<vmem>> -> memref<1x2x4x64xi32, #tpu.memory_space<vmem>>
    %dma_wait3A_37 = tpu.memref_squeeze %dma_wait3A_36 : memref<1x2x4x64xi32, #tpu.memory_space<vmem>> -> memref<2x4x64xi32, #tpu.memory_space<vmem>>
    %dma_wait3A_38 = arith.constant 0 : i32
    %dma_wait3A_39 = arith.constant 0 : i32
    %dma_wait3A_40 = arith.constant 0 : i32
    %dma_wait3A_41 = tpu.memref_slice %arg3[%add3A, %dma_wait3A, %dma_wait3A_38, %dma_wait3A_39, %dma_wait3A_40] : memref<32x40x2x4x64xi32, #tpu.memory_space<hbm>> -> memref<1x1x2x4x64xi32, #tpu.memory_space<hbm>>
    %dma_wait3A_42 = tpu.memref_squeeze %dma_wait3A_41 : memref<1x1x2x4x64xi32, #tpu.memory_space<hbm>> -> memref<2x4x64xi32, #tpu.memory_space<hbm>>
    tpu.wait_dma2 semaphore(%arg19 : memref<!tpu.dma_semaphore, #tpu.memory_space<semaphore_mem>>) src(%dma_wait3A_42 : memref<2x4x64xi32, #tpu.memory_space<hbm>>) dst(%dma_wait3A_37 : memref<2x4x64xi32, #tpu.memory_space<vmem>>)
    %dma_start3A_43 = arith.constant 1 : i32
    %dma_start3A_44 = arith.constant 1 : i32
    %dma_start3A_45 = arith.constant 0 : i32
    %dma_start3A_46 = arith.constant 0 : i32
    %dma_start3A_47 = arith.constant 0 : i32
    %dma_start3A_48 = tpu.memref_slice %arg5[%dma_start3A_44, %dma_start3A_45, %dma_start3A_46, %dma_start3A_47] : memref<2x2x4x64xi32, #tpu.memory_space<vmem>> -> memref<1x2x4x64xi32, #tpu.memory_space<vmem>>
    %dma_start3A_49 = tpu.memref_squeeze %dma_start3A_48 : memref<1x2x4x64xi32, #tpu.memory_space<vmem>> -> memref<2x4x64xi32, #tpu.memory_space<vmem>>
    %dma_start3A_50 = arith.constant 0 : i32
    %dma_start3A_51 = arith.constant 0 : i32
    %dma_start3A_52 = arith.constant 0 : i32
    %dma_start3A_53 = tpu.memref_slice %arg3[%add3A, %dma_start3A_43, %dma_start3A_50, %dma_start3A_51, %dma_start3A_52] : memref<32x40x2x4x64xi32, #tpu.memory_space<hbm>> -> memref<1x1x2x4x64xi32, #tpu.memory_space<hbm>>
    %dma_start3A_54 = tpu.memref_squeeze %dma_start3A_53 : memref<1x1x2x4x64xi32, #tpu.memory_space<hbm>> -> memref<2x4x64xi32, #tpu.memory_space<hbm>>
    %dma_start3A_55 = arith.constant 0 : i32
    %dma_start3A_56 = arith.constant 0 : i32
    %dma_start3A_57 = arith.constant 0 : i32
    %dma_start3A_58 = tpu.memref_slice %arg5[%dma_start3A_44, %dma_start3A_55, %dma_start3A_56, %dma_start3A_57] : memref<2x2x4x64xi32, #tpu.memory_space<vmem>> -> memref<1x2x4x64xi32, #tpu.memory_space<vmem>>
    %dma_start3A_59 = tpu.memref_squeeze %dma_start3A_58 : memref<1x2x4x64xi32, #tpu.memory_space<vmem>> -> memref<2x4x64xi32, #tpu.memory_space<vmem>>
    %dma_start3A_60 = arith.constant 0 : i32
    %dma_start3A_61 = arith.constant 0 : i32
    %dma_start3A_62 = arith.constant 0 : i32
    %dma_start3A_63 = tpu.memref_slice %arg3[%add3A, %dma_start3A_43, %dma_start3A_60, %dma_start3A_61, %dma_start3A_62] : memref<32x40x2x4x64xi32, #tpu.memory_space<hbm>> -> memref<1x1x2x4x64xi32, #tpu.memory_space<hbm>>
    %dma_start3A_64 = tpu.memref_squeeze %dma_start3A_63 : memref<1x1x2x4x64xi32, #tpu.memory_space<hbm>> -> memref<2x4x64xi32, #tpu.memory_space<hbm>>
    tpu.enqueue_dma source(%dma_start3A_64 : memref<2x4x64xi32, #tpu.memory_space<hbm>>) target(%dma_start3A_59 : memref<2x4x64xi32, #tpu.memory_space<vmem>>) target_semaphore(%arg20 : memref<!tpu.dma_semaphore, #tpu.memory_space<semaphore_mem>>)
    %dma_start3A_65 = arith.constant 0 : i32
    %dma_start3A_66 = arith.constant 0 : i32
    %dma_start3A_67 = arith.constant 0 : i32
    %dma_start3A_68 = arith.constant 0 : i32
    %dma_start3A_69 = tpu.memref_slice %arg5[%dma_start3A_65, %dma_start3A_66, %dma_start3A_67, %dma_start3A_68] : memref<2x2x4x64xi32, #tpu.memory_space<vmem>> -> memref<1x1x1x64xi32, #tpu.memory_space<vmem>>
    %dma_start3A_70 = tpu.memref_squeeze %dma_start3A_69 : memref<1x1x1x64xi32, #tpu.memory_space<vmem>> -> memref<64xi32, #tpu.memory_space<vmem>>
    %dma_start3A_71 = arith.constant 0 : i32
    %dma_start3A_72 = arith.constant 0 : i32
    %dma_start3A_73 = tpu.memref_slice %arg2[%dma_start3A_71, %dma_start3A_72] : memref<10000x128xf32, #tpu.memory_space<hbm>> -> memref<10000x128xf32, #tpu.memory_space<hbm>>
    tpu.enqueue_indirect_dma source(%dma_start3A_73 : memref<10000x128xf32, #tpu.memory_space<hbm>>) target(%arg6 : memref<64x128xf32, #tpu.memory_space<vmem>>) offsets(%dma_start3A_70 : memref<64xi32, #tpu.memory_space<vmem>>) semaphore(%arg11 : memref<!tpu.dma_semaphore, #tpu.memory_space<semaphore_mem>>)
    %dma_start3A_74 = arith.constant 0 : i32
    %dma_start3A_75 = arith.constant 0 : i32
    %dma_start3A_76 = arith.constant 1 : i32
    %dma_start3A_77 = arith.constant 0 : i32
    %dma_start3A_78 = tpu.memref_slice %arg5[%dma_start3A_74, %dma_start3A_75, %dma_start3A_76, %dma_start3A_77] : memref<2x2x4x64xi32, #tpu.memory_space<vmem>> -> memref<1x1x1x64xi32, #tpu.memory_space<vmem>>
    %dma_start3A_79 = tpu.memref_squeeze %dma_start3A_78 : memref<1x1x1x64xi32, #tpu.memory_space<vmem>> -> memref<64xi32, #tpu.memory_space<vmem>>
    %dma_start3A_80 = arith.constant 0 : i32
    %dma_start3A_81 = arith.constant 0 : i32
    %dma_start3A_82 = tpu.memref_slice %arg2[%dma_start3A_80, %dma_start3A_81] : memref<10000x128xf32, #tpu.memory_space<hbm>> -> memref<10000x128xf32, #tpu.memory_space<hbm>>
    tpu.enqueue_indirect_dma source(%dma_start3A_82 : memref<10000x128xf32, #tpu.memory_space<hbm>>) target(%arg7 : memref<64x128xf32, #tpu.memory_space<vmem>>) offsets(%dma_start3A_79 : memref<64xi32, #tpu.memory_space<vmem>>) semaphore(%arg12 : memref<!tpu.dma_semaphore, #tpu.memory_space<semaphore_mem>>)
    %dma_start3A_83 = arith.constant 0 : i32
    %dma_start3A_84 = arith.constant 0 : i32
    %dma_start3A_85 = arith.constant 2 : i32
    %dma_start3A_86 = arith.constant 0 : i32
    %dma_start3A_87 = tpu.memref_slice %arg5[%dma_start3A_83, %dma_start3A_84, %dma_start3A_85, %dma_start3A_86] : memref<2x2x4x64xi32, #tpu.memory_space<vmem>> -> memref<1x1x1x64xi32, #tpu.memory_space<vmem>>
    %dma_start3A_88 = tpu.memref_squeeze %dma_start3A_87 : memref<1x1x1x64xi32, #tpu.memory_space<vmem>> -> memref<64xi32, #tpu.memory_space<vmem>>
    %dma_start3A_89 = arith.constant 0 : i32
    %dma_start3A_90 = arith.constant 0 : i32
    %dma_start3A_91 = tpu.memref_slice %arg2[%dma_start3A_89, %dma_start3A_90] : memref<10000x128xf32, #tpu.memory_space<hbm>> -> memref<10000x128xf32, #tpu.memory_space<hbm>>
    tpu.enqueue_indirect_dma source(%dma_start3A_91 : memref<10000x128xf32, #tpu.memory_space<hbm>>) target(%arg8 : memref<64x128xf32, #tpu.memory_space<vmem>>) offsets(%dma_start3A_88 : memref<64xi32, #tpu.memory_space<vmem>>) semaphore(%arg13 : memref<!tpu.dma_semaphore, #tpu.memory_space<semaphore_mem>>)
    %broadcast_in_dim3A = arith.constant 0.000000e+00 : f32
    %broadcast_in_dim3A_92 = vector.broadcast %broadcast_in_dim3A : f32 to vector<16xf32>
    %scan3A = arith.constant 0 : i32
    %scan3A_93 = arith.constant 0 : i32
    %scan3A_94 = arith.constant 64 : i32
    %scan3A_95 = arith.addi %scan3A_93, %scan3A_94 : i32
    %scan3A_96 = arith.constant 1 : i32
    %scan3A_97 = scf.for %scan3A_200 = %scan3A_93 to %scan3A_95 step %scan3A_96 iter_args(%scan3A_201 = %scan3A) -> (i32)  : i32 {
      %scan3A_202 = arith.constant 0 : i32
      %scan3A_203 = arith.constant 0 : i32
      %scan3A_204 = arith.constant 8 : i32
      %scan3A_205 = arith.addi %scan3A_203, %scan3A_204 : i32
      %scan3A_206 = arith.constant 1 : i32
      %scan3A_207 = scf.for %scan3A_209 = %scan3A_203 to %scan3A_205 step %scan3A_206 iter_args(%scan3A_210 = %scan3A_202) -> (i32)  : i32 {
        %mul3A_211 = arith.constant 16 : i32
        %mul3A_212 = arith.muli %scan3A_209, %mul3A_211 : i32
        %swap3A = arith.index_cast %scan3A_200 : i32 to index
        %swap3A_213 = arith.index_cast %mul3A_212 : i32 to index
        %swap3A_214 = tpu.vector_load %arg9[%swap3A, %swap3A_213] {strides = array<i32>} : memref<64x128xf32, #tpu.memory_space<vmem>>, vector<1x16xf32>,
        %swap3A_215 = vector.shape_cast %swap3A_214 : vector<1x16xf32> to vector<16xf32>
        %swap3A_216 = vector.shape_cast %broadcast_in_dim3A_92 : vector<16xf32> to vector<1x16xf32>
        tpu.vector_store %arg9[%swap3A, %swap3A_213], %swap3A_216 {strides = array<i32>} : memref<64x128xf32, #tpu.memory_space<vmem>>, vector<1x16xf32>,
        %scan3A_217 = arith.constant 0 : i32
        scf.yield %scan3A_217 : i32
      }
      %scan3A_208 = arith.constant 8 : i32
      scf.yield %scan3A_207 : i32
    }
    %scan3A_98 = arith.constant 64 : i32
    %mul3A_99 = arith.constant 640 : i32
    %mul3A_100 = arith.muli %arg1, %mul3A_99 : i32
    %add3A_101 = arith.constant 0 : i32
    %add3A_102 = arith.addi %mul3A_100, %add3A_101 : i32
    "tpu.region"() ({
      %run_scoped3A = tpu.sem_alloc : memref<!tpu.dma_semaphore, #tpu.memory_space<semaphore_mem>>
      %dma_start3A_200 = arith.constant 0 : i32
      %dma_start3A_201 = tpu.memref_slice %arg10[%add3A_102, %dma_start3A_200] : memref<10240x128xf32, #tpu.memory_space<vmem_shared>> -> memref<64x128xf32, #tpu.memory_space<vmem_shared>>
      %dma_start3A_202 = arith.constant 0 : i32
      %dma_start3A_203 = tpu.memref_slice %arg10[%add3A_102, %dma_start3A_202] : memref<10240x128xf32, #tpu.memory_space<vmem_shared>> -> memref<64x128xf32, #tpu.memory_space<vmem_shared>>
      tpu.enqueue_dma source(%arg9 : memref<64x128xf32, #tpu.memory_space<vmem>>) target(%dma_start3A_203 : memref<64x128xf32, #tpu.memory_space<vmem_shared>>) target_semaphore(%run_scoped3A : memref<!tpu.dma_semaphore, #tpu.memory_space<semaphore_mem>>)
      %dma_wait3A_204 = arith.constant 0 : i32
      %dma_wait3A_205 = tpu.memref_slice %arg10[%add3A_102, %dma_wait3A_204] : memref<10240x128xf32, #tpu.memory_space<vmem_shared>> -> memref<64x128xf32, #tpu.memory_space<vmem_shared>>
      %dma_wait3A_206 = arith.constant 0 : i32
      %dma_wait3A_207 = tpu.memref_slice %arg10[%add3A_102, %dma_wait3A_206] : memref<10240x128xf32, #tpu.memory_space<vmem_shared>> -> memref<64x128xf32, #tpu.memory_space<vmem_shared>>
      tpu.wait_dma2 semaphore(%run_scoped3A : memref<!tpu.dma_semaphore, #tpu.memory_space<semaphore_mem>>) src(%arg9 : memref<64x128xf32, #tpu.memory_space<vmem>>) dst(%dma_wait3A_207 : memref<64x128xf32, #tpu.memory_space<vmem_shared>>)
      tpu.yield
    }) : () -> ()
    %add3A_103 = arith.constant 64 : i32
    %add3A_104 = arith.addi %mul3A_100, %add3A_103 : i32
    "tpu.region"() ({
      %run_scoped3A = tpu.sem_alloc : memref<!tpu.dma_semaphore, #tpu.memory_space<semaphore_mem>>
      %dma_start3A_200 = arith.constant 0 : i32
      %dma_start3A_201 = tpu.memref_slice %arg10[%add3A_104, %dma_start3A_200] : memref<10240x128xf32, #tpu.memory_space<vmem_shared>> -> memref<64x128xf32, #tpu.memory_space<vmem_shared>>
      %dma_start3A_202 = arith.constant 0 : i32
      %dma_start3A_203 = tpu.memref_slice %arg10[%add3A_104, %dma_start3A_202] : memref<10240x128xf32, #tpu.memory_space<vmem_shared>> -> memref<64x128xf32, #tpu.memory_space<vmem_shared>>
      tpu.enqueue_dma source(%arg9 : memref<64x128xf32, #tpu.memory_space<vmem>>) target(%dma_start3A_203 : memref<64x128xf32, #tpu.memory_space<vmem_shared>>) target_semaphore(%run_scoped3A : memref<!tpu.dma_semaphore, #tpu.memory_space<semaphore_mem>>)
      %dma_wait3A_204 = arith.constant 0 : i32
      %dma_wait3A_205 = tpu.memref_slice %arg10[%add3A_104, %dma_wait3A_204] : memref<10240x128xf32, #tpu.memory_space<vmem_shared>> -> memref<64x128xf32, #tpu.memory_space<vmem_shared>>
      %dma_wait3A_206 = arith.constant 0 : i32
      %dma_wait3A_207 = tpu.memref_slice %arg10[%add3A_104, %dma_wait3A_206] : memref<10240x128xf32, #tpu.memory_space<vmem_shared>> -> memref<64x128xf32, #tpu.memory_space<vmem_shared>>
      tpu.wait_dma2 semaphore(%run_scoped3A : memref<!tpu.dma_semaphore, #tpu.memory_space<semaphore_mem>>) src(%arg9 : memref<64x128xf32, #tpu.memory_space<vmem>>) dst(%dma_wait3A_207 : memref<64x128xf32, #tpu.memory_space<vmem_shared>>)
      tpu.yield
    }) : () -> ()
    %add3A_105 = arith.constant 128 : i32
    %add3A_106 = arith.addi %mul3A_100, %add3A_105 : i32
    "tpu.region"() ({
      %run_scoped3A = tpu.sem_alloc : memref<!tpu.dma_semaphore, #tpu.memory_space<semaphore_mem>>
      %dma_start3A_200 = arith.constant 0 : i32
      %dma_start3A_201 = tpu.memref_slice %arg10[%add3A_106, %dma_start3A_200] : memref<10240x128xf32, #tpu.memory_space<vmem_shared>> -> memref<64x128xf32, #tpu.memory_space<vmem_shared>>
      %dma_start3A_202 = arith.constant 0 : i32
      %dma_start3A_203 = tpu.memref_slice %arg10[%add3A_106, %dma_start3A_202] : memref<10240x128xf32, #tpu.memory_space<vmem_shared>> -> memref<64x128xf32, #tpu.memory_space<vmem_shared>>
      tpu.enqueue_dma source(%arg9 : memref<64x128xf32, #tpu.memory_space<vmem>>) target(%dma_start3A_203 : memref<64x128xf32, #tpu.memory_space<vmem_shared>>) target_semaphore(%run_scoped3A : memref<!tpu.dma_semaphore, #tpu.memory_space<semaphore_mem>>)
      %dma_wait3A_204 = arith.constant 0 : i32
      %dma_wait3A_205 = tpu.memref_slice %arg10[%add3A_106, %dma_wait3A_204] : memref<10240x128xf32, #tpu.memory_space<vmem_shared>> -> memref<64x128xf32, #tpu.memory_space<vmem_shared>>
      %dma_wait3A_206 = arith.constant 0 : i32
      %dma_wait3A_207 = tpu.memref_slice %arg10[%add3A_106, %dma_wait3A_206] : memref<10240x128xf32, #tpu.memory_space<vmem_shared>> -> memref<64x128xf32, #tpu.memory_space<vmem_shared>>
      tpu.wait_dma2 semaphore(%run_scoped3A : memref<!tpu.dma_semaphore, #tpu.memory_space<semaphore_mem>>) src(%arg9 : memref<64x128xf32, #tpu.memory_space<vmem>>) dst(%dma_wait3A_207 : memref<64x128xf32, #tpu.memory_space<vmem_shared>>)
      tpu.yield
    }) : () -> ()
    %add3A_107 = arith.constant 192 : i32
    %add3A_108 = arith.addi %mul3A_100, %add3A_107 : i32
    "tpu.region"() ({
      %run_scoped3A = tpu.sem_alloc : memref<!tpu.dma_semaphore, #tpu.memory_space<semaphore_mem>>
      %dma_start3A_200 = arith.constant 0 : i32
      %dma_start3A_201 = tpu.memref_slice %arg10[%add3A_108, %dma_start3A_200] : memref<10240x128xf32, #tpu.memory_space<vmem_shared>> -> memref<64x128xf32, #tpu.memory_space<vmem_shared>>
      %dma_start3A_202 = arith.constant 0 : i32
      %dma_start3A_203 = tpu.memref_slice %arg10[%add3A_108, %dma_start3A_202] : memref<10240x128xf32, #tpu.memory_space<vmem_shared>> -> memref<64x128xf32, #tpu.memory_space<vmem_shared>>
      tpu.enqueue_dma source(%arg9 : memref<64x128xf32, #tpu.memory_space<vmem>>) target(%dma_start3A_203 : memref<64x128xf32, #tpu.memory_space<vmem_shared>>) target_semaphore(%run_scoped3A : memref<!tpu.dma_semaphore, #tpu.memory_space<semaphore_mem>>)
      %dma_wait3A_204 = arith.constant 0 : i32
      %dma_wait3A_205 = tpu.memref_slice %arg10[%add3A_108, %dma_wait3A_204] : memref<10240x128xf32, #tpu.memory_space<vmem_shared>> -> memref<64x128xf32, #tpu.memory_space<vmem_shared>>
      %dma_wait3A_206 = arith.constant 0 : i32
      %dma_wait3A_207 = tpu.memref_slice %arg10[%add3A_108, %dma_wait3A_206] : memref<10240x128xf32, #tpu.memory_space<vmem_shared>> -> memref<64x128xf32, #tpu.memory_space<vmem_shared>>
      tpu.wait_dma2 semaphore(%run_scoped3A : memref<!tpu.dma_semaphore, #tpu.memory_space<semaphore_mem>>) src(%arg9 : memref<64x128xf32, #tpu.memory_space<vmem>>) dst(%dma_wait3A_207 : memref<64x128xf32, #tpu.memory_space<vmem_shared>>)
      tpu.yield
    }) : () -> ()
    %add3A_109 = arith.constant 256 : i32
    %add3A_110 = arith.addi %mul3A_100, %add3A_109 : i32
    "tpu.region"() ({
      %run_scoped3A = tpu.sem_alloc : memref<!tpu.dma_semaphore, #tpu.memory_space<semaphore_mem>>
      %dma_start3A_200 = arith.constant 0 : i32
      %dma_start3A_201 = tpu.memref_slice %arg10[%add3A_110, %dma_start3A_200] : memref<10240x128xf32, #tpu.memory_space<vmem_shared>> -> memref<64x128xf32, #tpu.memory_space<vmem_shared>>
      %dma_start3A_202 = arith.constant 0 : i32
      %dma_start3A_203 = tpu.memref_slice %arg10[%add3A_110, %dma_start3A_202] : memref<10240x128xf32, #tpu.memory_space<vmem_shared>> -> memref<64x128xf32, #tpu.memory_space<vmem_shared>>
      tpu.enqueue_dma source(%arg9 : memref<64x128xf32, #tpu.memory_space<vmem>>) target(%dma_start3A_203 : memref<64x128xf32, #tpu.memory_space<vmem_shared>>) target_semaphore(%run_scoped3A : memref<!tpu.dma_semaphore, #tpu.memory_space<semaphore_mem>>)
      %dma_wait3A_204 = arith.constant 0 : i32
      %dma_wait3A_205 = tpu.memref_slice %arg10[%add3A_110, %dma_wait3A_204] : memref<10240x128xf32, #tpu.memory_space<vmem_shared>> -> memref<64x128xf32, #tpu.memory_space<vmem_shared>>
      %dma_wait3A_206 = arith.constant 0 : i32
      %dma_wait3A_207 = tpu.memref_slice %arg10[%add3A_110, %dma_wait3A_206] : memref<10240x128xf32, #tpu.memory_space<vmem_shared>> -> memref<64x128xf32, #tpu.memory_space<vmem_shared>>
      tpu.wait_dma2 semaphore(%run_scoped3A : memref<!tpu.dma_semaphore, #tpu.memory_space<semaphore_mem>>) src(%arg9 : memref<64x128xf32, #tpu.memory_space<vmem>>) dst(%dma_wait3A_207 : memref<64x128xf32, #tpu.memory_space<vmem_shared>>)
      tpu.yield
    }) : () -> ()
    %add3A_111 = arith.constant 320 : i32
    %add3A_112 = arith.addi %mul3A_100, %add3A_111 : i32
    "tpu.region"() ({
      %run_scoped3A = tpu.sem_alloc : memref<!tpu.dma_semaphore, #tpu.memory_space<semaphore_mem>>
      %dma_start3A_200 = arith.constant 0 : i32
      %dma_start3A_201 = tpu.memref_slice %arg10[%add3A_112, %dma_start3A_200] : memref<10240x128xf32, #tpu.memory_space<vmem_shared>> -> memref<64x128xf32, #tpu.memory_space<vmem_shared>>
      %dma_start3A_202 = arith.constant 0 : i32
      %dma_start3A_203 = tpu.memref_slice %arg10[%add3A_112, %dma_start3A_202] : memref<10240x128xf32, #tpu.memory_space<vmem_shared>> -> memref<64x128xf32, #tpu.memory_space<vmem_shared>>
      tpu.enqueue_dma source(%arg9 : memref<64x128xf32, #tpu.memory_space<vmem>>) target(%dma_start3A_203 : memref<64x128xf32, #tpu.memory_space<vmem_shared>>) target_semaphore(%run_scoped3A : memref<!tpu.dma_semaphore, #tpu.memory_space<semaphore_mem>>)
      %dma_wait3A_204 = arith.constant 0 : i32
      %dma_wait3A_205 = tpu.memref_slice %arg10[%add3A_112, %dma_wait3A_204] : memref<10240x128xf32, #tpu.memory_space<vmem_shared>> -> memref<64x128xf32, #tpu.memory_space<vmem_shared>>
      %dma_wait3A_206 = arith.constant 0 : i32
      %dma_wait3A_207 = tpu.memref_slice %arg10[%add3A_112, %dma_wait3A_206] : memref<10240x128xf32, #tpu.memory_space<vmem_shared>> -> memref<64x128xf32, #tpu.memory_space<vmem_shared>>
      tpu.wait_dma2 semaphore(%run_scoped3A : memref<!tpu.dma_semaphore, #tpu.memory_space<semaphore_mem>>) src(%arg9 : memref<64x128xf32, #tpu.memory_space<vmem>>) dst(%dma_wait3A_207 : memref<64x128xf32, #tpu.memory_space<vmem_shared>>)
      tpu.yield
    }) : () -> ()
    %add3A_113 = arith.constant 384 : i32
    %add3A_114 = arith.addi %mul3A_100, %add3A_113 : i32
    "tpu.region"() ({
      %run_scoped3A = tpu.sem_alloc : memref<!tpu.dma_semaphore, #tpu.memory_space<semaphore_mem>>
      %dma_start3A_200 = arith.constant 0 : i32
      %dma_start3A_201 = tpu.memref_slice %arg10[%add3A_114, %dma_start3A_200] : memref<10240x128xf32, #tpu.memory_space<vmem_shared>> -> memref<64x128xf32, #tpu.memory_space<vmem_shared>>
      %dma_start3A_202 = arith.constant 0 : i32
      %dma_start3A_203 = tpu.memref_slice %arg10[%add3A_114, %dma_start3A_202] : memref<10240x128xf32, #tpu.memory_space<vmem_shared>> -> memref<64x128xf32, #tpu.memory_space<vmem_shared>>
      tpu.enqueue_dma source(%arg9 : memref<64x128xf32, #tpu.memory_space<vmem>>) target(%dma_start3A_203 : memref<64x128xf32, #tpu.memory_space<vmem_shared>>) target_semaphore(%run_scoped3A : memref<!tpu.dma_semaphore, #tpu.memory_space<semaphore_mem>>)
      %dma_wait3A_204 = arith.constant 0 : i32
      %dma_wait3A_205 = tpu.memref_slice %arg10[%add3A_114, %dma_wait3A_204] : memref<10240x128xf32, #tpu.memory_space<vmem_shared>> -> memref<64x128xf32, #tpu.memory_space<vmem_shared>>
      %dma_wait3A_206 = arith.constant 0 : i32
      %dma_wait3A_207 = tpu.memref_slice %arg10[%add3A_114, %dma_wait3A_206] : memref<10240x128xf32, #tpu.memory_space<vmem_shared>> -> memref<64x128xf32, #tpu.memory_space<vmem_shared>>
      tpu.wait_dma2 semaphore(%run_scoped3A : memref<!tpu.dma_semaphore, #tpu.memory_space<semaphore_mem>>) src(%arg9 : memref<64x128xf32, #tpu.memory_space<vmem>>) dst(%dma_wait3A_207 : memref<64x128xf32, #tpu.memory_space<vmem_shared>>)
      tpu.yield
    }) : () -> ()
    %add3A_115 = arith.constant 448 : i32
    %add3A_116 = arith.addi %mul3A_100, %add3A_115 : i32
    "tpu.region"() ({
      %run_scoped3A = tpu.sem_alloc : memref<!tpu.dma_semaphore, #tpu.memory_space<semaphore_mem>>
      %dma_start3A_200 = arith.constant 0 : i32
      %dma_start3A_201 = tpu.memref_slice %arg10[%add3A_116, %dma_start3A_200] : memref<10240x128xf32, #tpu.memory_space<vmem_shared>> -> memref<64x128xf32, #tpu.memory_space<vmem_shared>>
      %dma_start3A_202 = arith.constant 0 : i32
      %dma_start3A_203 = tpu.memref_slice %arg10[%add3A_116, %dma_start3A_202] : memref<10240x128xf32, #tpu.memory_space<vmem_shared>> -> memref<64x128xf32, #tpu.memory_space<vmem_shared>>
      tpu.enqueue_dma source(%arg9 : memref<64x128xf32, #tpu.memory_space<vmem>>) target(%dma_start3A_203 : memref<64x128xf32, #tpu.memory_space<vmem_shared>>) target_semaphore(%run_scoped3A : memref<!tpu.dma_semaphore, #tpu.memory_space<semaphore_mem>>)
      %dma_wait3A_204 = arith.constant 0 : i32
      %dma_wait3A_205 = tpu.memref_slice %arg10[%add3A_116, %dma_wait3A_204] : memref<10240x128xf32, #tpu.memory_space<vmem_shared>> -> memref<64x128xf32, #tpu.memory_space<vmem_shared>>
      %dma_wait3A_206 = arith.constant 0 : i32
      %dma_wait3A_207 = tpu.memref_slice %arg10[%add3A_116, %dma_wait3A_206] : memref<10240x128xf32, #tpu.memory_space<vmem_shared>> -> memref<64x128xf32, #tpu.memory_space<vmem_shared>>
      tpu.wait_dma2 semaphore(%run_scoped3A : memref<!tpu.dma_semaphore, #tpu.memory_space<semaphore_mem>>) src(%arg9 : memref<64x128xf32, #tpu.memory_space<vmem>>) dst(%dma_wait3A_207 : memref<64x128xf32, #tpu.memory_space<vmem_shared>>)
      tpu.yield
    }) : () -> ()
    %add3A_117 = arith.constant 512 : i32
    %add3A_118 = arith.addi %mul3A_100, %add3A_117 : i32
    "tpu.region"() ({
      %run_scoped3A = tpu.sem_alloc : memref<!tpu.dma_semaphore, #tpu.memory_space<semaphore_mem>>
      %dma_start3A_200 = arith.constant 0 : i32
      %dma_start3A_201 = tpu.memref_slice %arg10[%add3A_118, %dma_start3A_200] : memref<10240x128xf32, #tpu.memory_space<vmem_shared>> -> memref<64x128xf32, #tpu.memory_space<vmem_shared>>
      %dma_start3A_202 = arith.constant 0 : i32
      %dma_start3A_203 = tpu.memref_slice %arg10[%add3A_118, %dma_start3A_202] : memref<10240x128xf32, #tpu.memory_space<vmem_shared>> -> memref<64x128xf32, #tpu.memory_space<vmem_shared>>
      tpu.enqueue_dma source(%arg9 : memref<64x128xf32, #tpu.memory_space<vmem>>) target(%dma_start3A_203 : memref<64x128xf32, #tpu.memory_space<vmem_shared>>) target_semaphore(%run_scoped3A : memref<!tpu.dma_semaphore, #tpu.memory_space<semaphore_mem>>)
      %dma_wait3A_204 = arith.constant 0 : i32
      %dma_wait3A_205 = tpu.memref_slice %arg10[%add3A_118, %dma_wait3A_204] : memref<10240x128xf32, #tpu.memory_space<vmem_shared>> -> memref<64x128xf32, #tpu.memory_space<vmem_shared>>
      %dma_wait3A_206 = arith.constant 0 : i32
      %dma_wait3A_207 = tpu.memref_slice %arg10[%add3A_118, %dma_wait3A_206] : memref<10240x128xf32, #tpu.memory_space<vmem_shared>> -> memref<64x128xf32, #tpu.memory_space<vmem_shared>>
      tpu.wait_dma2 semaphore(%run_scoped3A : memref<!tpu.dma_semaphore, #tpu.memory_space<semaphore_mem>>) src(%arg9 : memref<64x128xf32, #tpu.memory_space<vmem>>) dst(%dma_wait3A_207 : memref<64x128xf32, #tpu.memory_space<vmem_shared>>)
      tpu.yield
    }) : () -> ()
    %add3A_119 = arith.constant 576 : i32
    %add3A_120 = arith.addi %mul3A_100, %add3A_119 : i32
    "tpu.region"() ({
      %run_scoped3A = tpu.sem_alloc : memref<!tpu.dma_semaphore, #tpu.memory_space<semaphore_mem>>
      %dma_start3A_200 = arith.constant 0 : i32
      %dma_start3A_201 = tpu.memref_slice %arg10[%add3A_120, %dma_start3A_200] : memref<10240x128xf32, #tpu.memory_space<vmem_shared>> -> memref<64x128xf32, #tpu.memory_space<vmem_shared>>
      %dma_start3A_202 = arith.constant 0 : i32
      %dma_start3A_203 = tpu.memref_slice %arg10[%add3A_120, %dma_start3A_202] : memref<10240x128xf32, #tpu.memory_space<vmem_shared>> -> memref<64x128xf32, #tpu.memory_space<vmem_shared>>
      tpu.enqueue_dma source(%arg9 : memref<64x128xf32, #tpu.memory_space<vmem>>) target(%dma_start3A_203 : memref<64x128xf32, #tpu.memory_space<vmem_shared>>) target_semaphore(%run_scoped3A : memref<!tpu.dma_semaphore, #tpu.memory_space<semaphore_mem>>)
      %dma_wait3A_204 = arith.constant 0 : i32
      %dma_wait3A_205 = tpu.memref_slice %arg10[%add3A_120, %dma_wait3A_204] : memref<10240x128xf32, #tpu.memory_space<vmem_shared>> -> memref<64x128xf32, #tpu.memory_space<vmem_shared>>
      %dma_wait3A_206 = arith.constant 0 : i32
      %dma_wait3A_207 = tpu.memref_slice %arg10[%add3A_120, %dma_wait3A_206] : memref<10240x128xf32, #tpu.memory_space<vmem_shared>> -> memref<64x128xf32, #tpu.memory_space<vmem_shared>>
      tpu.wait_dma2 semaphore(%run_scoped3A : memref<!tpu.dma_semaphore, #tpu.memory_space<semaphore_mem>>) src(%arg9 : memref<64x128xf32, #tpu.memory_space<vmem>>) dst(%dma_wait3A_207 : memref<64x128xf32, #tpu.memory_space<vmem_shared>>)
      tpu.yield
    }) : () -> ()
    %barrier3A = arith.constant 0 : index
    tpu.barrier barrier_id(%barrier3A)
    %dma_start3A_121 = arith.constant 0 : i32
    %dma_start3A_122 = arith.constant 0 : i32
    %dma_start3A_123 = arith.constant 3 : i32
    %dma_start3A_124 = arith.constant 0 : i32
    %dma_start3A_125 = tpu.memref_slice %arg5[%dma_start3A_121, %dma_start3A_122, %dma_start3A_123, %dma_start3A_124] : memref<2x2x4x64xi32, #tpu.memory_space<vmem>> -> memref<1x1x1x64xi32, #tpu.memory_space<vmem>>
    %dma_start3A_126 = tpu.memref_squeeze %dma_start3A_125 : memref<1x1x1x64xi32, #tpu.memory_space<vmem>> -> memref<64xi32, #tpu.memory_space<vmem>>
    %dma_start3A_127 = arith.constant 0 : i32
    %dma_start3A_128 = arith.constant 0 : i32
    %dma_start3A_129 = tpu.memref_slice %arg2[%dma_start3A_127, %dma_start3A_128] : memref<10000x128xf32, #tpu.memory_space<hbm>> -> memref<10000x128xf32, #tpu.memory_space<hbm>>
    tpu.enqueue_indirect_dma source(%dma_start3A_129 : memref<10000x128xf32, #tpu.memory_space<hbm>>) target(%arg9 : memref<64x128xf32, #tpu.memory_space<vmem>>) offsets(%dma_start3A_126 : memref<64xi32, #tpu.memory_space<vmem>>) semaphore(%arg14 : memref<!tpu.dma_semaphore, #tpu.memory_space<semaphore_mem>>)
    %scan3A_130 = arith.constant 0 : i32
    %scan3A_131 = arith.constant 0 : i32
    %scan3A_132 = arith.constant 20 : i32
    %scan3A_133 = arith.addi %scan3A_131, %scan3A_132 : i32
    %scan3A_134 = arith.constant 1 : i32
    %scan3A_135 = scf.for %scan3A_200 = %scan3A_131 to %scan3A_133 step %scan3A_134 iter_args(%scan3A_201 = %scan3A_130) -> (i32)  : i32 {
      %mul3A_202 = arith.constant 2 : i32
      %mul3A_203 = arith.muli %mul3A_202, %scan3A_200 : i32
      %add3A_204 = arith.constant 2 : i32
      %add3A_205 = arith.addi %mul3A_203, %add3A_204 : i32
      %min3A = arith.constant 39 : i32
      %min3A_206 = arith.minsi %add3A_205, %min3A : i32
      %dma_wait3A_207 = arith.constant 0 : i32
      %dma_wait3A_208 = arith.constant 0 : i32
      %dma_wait3A_209 = arith.constant 0 : i32
      %dma_wait3A_210 = arith.constant 0 : i32
      %dma_wait3A_211 = tpu.memref_slice %arg5[%dma_wait3A_207, %dma_wait3A_208, %dma_wait3A_209, %dma_wait3A_210] : memref<2x2x4x64xi32, #tpu.memory_space<vmem>> -> memref<1x1x1x64xi32, #tpu.memory_space<vmem>>
      %dma_wait3A_212 = tpu.memref_squeeze %dma_wait3A_211 : memref<1x1x1x64xi32, #tpu.memory_space<vmem>> -> memref<64xi32, #tpu.memory_space<vmem>>
      %dma_wait3A_213 = arith.constant 0 : i32
      %dma_wait3A_214 = arith.constant 0 : i32
      %dma_wait3A_215 = tpu.memref_slice %arg2[%dma_wait3A_213, %dma_wait3A_214] : memref<10000x128xf32, #tpu.memory_space<hbm>> -> memref<10000x128xf32, #tpu.memory_space<hbm>>
      tpu.wait_indirect_dma semaphore(%arg11 : memref<!tpu.dma_semaphore, #tpu.memory_space<semaphore_mem>>) src(%dma_wait3A_215 : memref<10000x128xf32, #tpu.memory_space<hbm>>) dst(%arg6 : memref<64x128xf32, #tpu.memory_space<vmem>>)
      %run_scoped3A = arith.constant 0 : i32
      %run_scoped3A_216 = arith.constant 1 : i32
      %run_scoped3A_217 = arith.constant 0 : i32
      "tpu.region"() ({
        %run_scoped3A_467 = tpu.sem_alloc : memref<!tpu.dma_semaphore, #tpu.memory_space<semaphore_mem>>
        %dma_start3A_468 = arith.constant 0 : i32
        %dma_start3A_469 = tpu.memref_slice %arg5[%run_scoped3A, %run_scoped3A_216, %run_scoped3A_217, %dma_start3A_468] : memref<2x2x4x64xi32, #tpu.memory_space<vmem>> -> memref<1x1x1x64xi32, #tpu.memory_space<vmem>>
        %dma_start3A_470 = tpu.memref_squeeze %dma_start3A_469 : memref<1x1x1x64xi32, #tpu.memory_space<vmem>> -> memref<64xi32, #tpu.memory_space<vmem>>
        %dma_start3A_471 = arith.constant 0 : i32
        %dma_start3A_472 = arith.constant 0 : i32
        %dma_start3A_473 = tpu.memref_slice %arg10[%dma_start3A_471, %dma_start3A_472] : memref<10240x128xf32, #tpu.memory_space<vmem_shared>> -> memref<10240x128xf32, #tpu.memory_space<vmem_shared>>
        tpu.enqueue_indirect_dma source(%arg6 : memref<64x128xf32, #tpu.memory_space<vmem>>) target(%dma_start3A_473 : memref<10240x128xf32, #tpu.memory_space<vmem_shared>>) offsets(%dma_start3A_470 : memref<64xi32, #tpu.memory_space<vmem>>) semaphore(%run_scoped3A_467 : memref<!tpu.dma_semaphore, #tpu.memory_space<semaphore_mem>>) {add = true}
        %dma_wait3A_474 = arith.constant 0 : i32
        %dma_wait3A_475 = tpu.memref_slice %arg5[%run_scoped3A, %run_scoped3A_216, %run_scoped3A_217, %dma_wait3A_474] : memref<2x2x4x64xi32, #tpu.memory_space<vmem>> -> memref<1x1x1x64xi32, #tpu.memory_space<vmem>>
        %dma_wait3A_476 = tpu.memref_squeeze %dma_wait3A_475 : memref<1x1x1x64xi32, #tpu.memory_space<vmem>> -> memref<64xi32, #tpu.memory_space<vmem>>
        %dma_wait3A_477 = arith.constant 0 : i32
        %dma_wait3A_478 = arith.constant 0 : i32
        %dma_wait3A_479 = tpu.memref_slice %arg10[%dma_wait3A_477, %dma_wait3A_478] : memref<10240x128xf32, #tpu.memory_space<vmem_shared>> -> memref<10240x128xf32, #tpu.memory_space<vmem_shared>>
        tpu.wait_indirect_dma semaphore(%run_scoped3A_467 : memref<!tpu.dma_semaphore, #tpu.memory_space<semaphore_mem>>) src(%arg6 : memref<64x128xf32, #tpu.memory_space<vmem>>) dst(%dma_wait3A_479 : memref<10240x128xf32, #tpu.memory_space<vmem_shared>>)
        tpu.yield
      }) : () -> ()
      %dma_wait3A_218 = arith.constant 0 : i32
      %dma_wait3A_219 = arith.constant 1 : i32
      %dma_wait3A_220 = arith.constant 0 : i32
      %dma_wait3A_221 = arith.constant 0 : i32
      %dma_wait3A_222 = arith.constant 0 : i32
      %dma_wait3A_223 = tpu.memref_slice %arg5[%dma_wait3A_219, %dma_wait3A_220, %dma_wait3A_221, %dma_wait3A_222] : memref<2x2x4x64xi32, #tpu.memory_space<vmem>> -> memref<1x2x4x64xi32, #tpu.memory_space<vmem>>
      %dma_wait3A_224 = tpu.memref_squeeze %dma_wait3A_223 : memref<1x2x4x64xi32, #tpu.memory_space<vmem>> -> memref<2x4x64xi32, #tpu.memory_space<vmem>>
      %dma_wait3A_225 = arith.constant 0 : i32
      %dma_wait3A_226 = arith.constant 0 : i32
      %dma_wait3A_227 = arith.constant 0 : i32
      %dma_wait3A_228 = tpu.memref_slice %arg3[%add3A, %dma_wait3A_218, %dma_wait3A_225, %dma_wait3A_226, %dma_wait3A_227] : memref<32x40x2x4x64xi32, #tpu.memory_space<hbm>> -> memref<1x1x2x4x64xi32, #tpu.memory_space<hbm>>
      %dma_wait3A_229 = tpu.memref_squeeze %dma_wait3A_228 : memref<1x1x2x4x64xi32, #tpu.memory_space<hbm>> -> memref<2x4x64xi32, #tpu.memory_space<hbm>>
      %dma_wait3A_230 = arith.constant 0 : i32
      %dma_wait3A_231 = arith.constant 0 : i32
      %dma_wait3A_232 = arith.constant 0 : i32
      %dma_wait3A_233 = tpu.memref_slice %arg5[%dma_wait3A_219, %dma_wait3A_230, %dma_wait3A_231, %dma_wait3A_232] : memref<2x2x4x64xi32, #tpu.memory_space<vmem>> -> memref<1x2x4x64xi32, #tpu.memory_space<vmem>>
      %dma_wait3A_234 = tpu.memref_squeeze %dma_wait3A_233 : memref<1x2x4x64xi32, #tpu.memory_space<vmem>> -> memref<2x4x64xi32, #tpu.memory_space<vmem>>
      %dma_wait3A_235 = arith.constant 0 : i32
      %dma_wait3A_236 = arith.constant 0 : i32
      %dma_wait3A_237 = arith.constant 0 : i32
      %dma_wait3A_238 = tpu.memref_slice %arg3[%add3A, %dma_wait3A_218, %dma_wait3A_235, %dma_wait3A_236, %dma_wait3A_237] : memref<32x40x2x4x64xi32, #tpu.memory_space<hbm>> -> memref<1x1x2x4x64xi32, #tpu.memory_space<hbm>>
      %dma_wait3A_239 = tpu.memref_squeeze %dma_wait3A_238 : memref<1x1x2x4x64xi32, #tpu.memory_space<hbm>> -> memref<2x4x64xi32, #tpu.memory_space<hbm>>
      tpu.wait_dma2 semaphore(%arg20 : memref<!tpu.dma_semaphore, #tpu.memory_space<semaphore_mem>>) src(%dma_wait3A_239 : memref<2x4x64xi32, #tpu.memory_space<hbm>>) dst(%dma_wait3A_234 : memref<2x4x64xi32, #tpu.memory_space<vmem>>)
      %dma_start3A_240 = arith.constant 1 : i32
      %dma_start3A_241 = arith.constant 0 : i32
      %dma_start3A_242 = arith.constant 0 : i32
      %dma_start3A_243 = arith.constant 0 : i32
      %dma_start3A_244 = tpu.memref_slice %arg5[%dma_start3A_240, %dma_start3A_241, %dma_start3A_242, %dma_start3A_243] : memref<2x2x4x64xi32, #tpu.memory_space<vmem>> -> memref<1x1x1x64xi32, #tpu.memory_space<vmem>>
      %dma_start3A_245 = tpu.memref_squeeze %dma_start3A_244 : memref<1x1x1x64xi32, #tpu.memory_space<vmem>> -> memref<64xi32, #tpu.memory_space<vmem>>
      %dma_start3A_246 = arith.constant 0 : i32
      %dma_start3A_247 = arith.constant 0 : i32
      %dma_start3A_248 = tpu.memref_slice %arg2[%dma_start3A_246, %dma_start3A_247] : memref<10000x128xf32, #tpu.memory_space<hbm>> -> memref<10000x128xf32, #tpu.memory_space<hbm>>
      tpu.enqueue_indirect_dma source(%dma_start3A_248 : memref<10000x128xf32, #tpu.memory_space<hbm>>) target(%arg6 : memref<64x128xf32, #tpu.memory_space<vmem>>) offsets(%dma_start3A_245 : memref<64xi32, #tpu.memory_space<vmem>>) semaphore(%arg11 : memref<!tpu.dma_semaphore, #tpu.memory_space<semaphore_mem>>)
      %dma_wait3A_249 = arith.constant 0 : i32
      %dma_wait3A_250 = arith.constant 0 : i32
      %dma_wait3A_251 = arith.constant 1 : i32
      %dma_wait3A_252 = arith.constant 0 : i32
      %dma_wait3A_253 = tpu.memref_slice %arg5[%dma_wait3A_249, %dma_wait3A_250, %dma_wait3A_251, %dma_wait3A_252] : memref<2x2x4x64xi32, #tpu.memory_space<vmem>> -> memref<1x1x1x64xi32, #tpu.memory_space<vmem>>
      %dma_wait3A_254 = tpu.memref_squeeze %dma_wait3A_253 : memref<1x1x1x64xi32, #tpu.memory_space<vmem>> -> memref<64xi32, #tpu.memory_space<vmem>>
      %dma_wait3A_255 = arith.constant 0 : i32
      %dma_wait3A_256 = arith.constant 0 : i32
      %dma_wait3A_257 = tpu.memref_slice %arg2[%dma_wait3A_255, %dma_wait3A_256] : memref<10000x128xf32, #tpu.memory_space<hbm>> -> memref<10000x128xf32, #tpu.memory_space<hbm>>
      tpu.wait_indirect_dma semaphore(%arg12 : memref<!tpu.dma_semaphore, #tpu.memory_space<semaphore_mem>>) src(%dma_wait3A_257 : memref<10000x128xf32, #tpu.memory_space<hbm>>) dst(%arg7 : memref<64x128xf32, #tpu.memory_space<vmem>>)
      %run_scoped3A_258 = arith.constant 0 : i32
      %run_scoped3A_259 = arith.constant 1 : i32
      %run_scoped3A_260 = arith.constant 1 : i32
      "tpu.region"() ({
        %run_scoped3A_467 = tpu.sem_alloc : memref<!tpu.dma_semaphore, #tpu.memory_space<semaphore_mem>>
        %dma_start3A_468 = arith.constant 0 : i32
        %dma_start3A_469 = tpu.memref_slice %arg5[%run_scoped3A_258, %run_scoped3A_259, %run_scoped3A_260, %dma_start3A_468] : memref<2x2x4x64xi32, #tpu.memory_space<vmem>> -> memref<1x1x1x64xi32, #tpu.memory_space<vmem>>
        %dma_start3A_470 = tpu.memref_squeeze %dma_start3A_469 : memref<1x1x1x64xi32, #tpu.memory_space<vmem>> -> memref<64xi32, #tpu.memory_space<vmem>>
        %dma_start3A_471 = arith.constant 0 : i32
        %dma_start3A_472 = arith.constant 0 : i32
        %dma_start3A_473 = tpu.memref_slice %arg10[%dma_start3A_471, %dma_start3A_472] : memref<10240x128xf32, #tpu.memory_space<vmem_shared>> -> memref<10240x128xf32, #tpu.memory_space<vmem_shared>>
        tpu.enqueue_indirect_dma source(%arg7 : memref<64x128xf32, #tpu.memory_space<vmem>>) target(%dma_start3A_473 : memref<10240x128xf32, #tpu.memory_space<vmem_shared>>) offsets(%dma_start3A_470 : memref<64xi32, #tpu.memory_space<vmem>>) semaphore(%run_scoped3A_467 : memref<!tpu.dma_semaphore, #tpu.memory_space<semaphore_mem>>) {add = true}
        %dma_wait3A_474 = arith.constant 0 : i32
        %dma_wait3A_475 = tpu.memref_slice %arg5[%run_scoped3A_258, %run_scoped3A_259, %run_scoped3A_260, %dma_wait3A_474] : memref<2x2x4x64xi32, #tpu.memory_space<vmem>> -> memref<1x1x1x64xi32, #tpu.memory_space<vmem>>
        %dma_wait3A_476 = tpu.memref_squeeze %dma_wait3A_475 : memref<1x1x1x64xi32, #tpu.memory_space<vmem>> -> memref<64xi32, #tpu.memory_space<vmem>>
        %dma_wait3A_477 = arith.constant 0 : i32
        %dma_wait3A_478 = arith.constant 0 : i32
        %dma_wait3A_479 = tpu.memref_slice %arg10[%dma_wait3A_477, %dma_wait3A_478] : memref<10240x128xf32, #tpu.memory_space<vmem_shared>> -> memref<10240x128xf32, #tpu.memory_space<vmem_shared>>
        tpu.wait_indirect_dma semaphore(%run_scoped3A_467 : memref<!tpu.dma_semaphore, #tpu.memory_space<semaphore_mem>>) src(%arg7 : memref<64x128xf32, #tpu.memory_space<vmem>>) dst(%dma_wait3A_479 : memref<10240x128xf32, #tpu.memory_space<vmem_shared>>)
        tpu.yield
      }) : () -> ()
      %dma_start3A_261 = arith.constant 1 : i32
      %dma_start3A_262 = arith.constant 0 : i32
      %dma_start3A_263 = arith.constant 1 : i32
      %dma_start3A_264 = arith.constant 0 : i32
      %dma_start3A_265 = tpu.memref_slice %arg5[%dma_start3A_261, %dma_start3A_262, %dma_start3A_263, %dma_start3A_264] : memref<2x2x4x64xi32, #tpu.memory_space<vmem>> -> memref<1x1x1x64xi32, #tpu.memory_space<vmem>>
      %dma_start3A_266 = tpu.memref_squeeze %dma_start3A_265 : memref<1x1x1x64xi32, #tpu.memory_space<vmem>> -> memref<64xi32, #tpu.memory_space<vmem>>
      %dma_start3A_267 = arith.constant 0 : i32
      %dma_start3A_268 = arith.constant 0 : i32
      %dma_start3A_269 = tpu.memref_slice %arg2[%dma_start3A_267, %dma_start3A_268] : memref<10000x128xf32, #tpu.memory_space<hbm>> -> memref<10000x128xf32, #tpu.memory_space<hbm>>
      tpu.enqueue_indirect_dma source(%dma_start3A_269 : memref<10000x128xf32, #tpu.memory_space<hbm>>) target(%arg7 : memref<64x128xf32, #tpu.memory_space<vmem>>) offsets(%dma_start3A_266 : memref<64xi32, #tpu.memory_space<vmem>>) semaphore(%arg12 : memref<!tpu.dma_semaphore, #tpu.memory_space<semaphore_mem>>)
      %dma_wait3A_270 = arith.constant 0 : i32
      %dma_wait3A_271 = arith.constant 0 : i32
      %dma_wait3A_272 = arith.constant 2 : i32
      %dma_wait3A_273 = arith.constant 0 : i32
      %dma_wait3A_274 = tpu.memref_slice %arg5[%dma_wait3A_270, %dma_wait3A_271, %dma_wait3A_272, %dma_wait3A_273] : memref<2x2x4x64xi32, #tpu.memory_space<vmem>> -> memref<1x1x1x64xi32, #tpu.memory_space<vmem>>
      %dma_wait3A_275 = tpu.memref_squeeze %dma_wait3A_274 : memref<1x1x1x64xi32, #tpu.memory_space<vmem>> -> memref<64xi32, #tpu.memory_space<vmem>>
      %dma_wait3A_276 = arith.constant 0 : i32
      %dma_wait3A_277 = arith.constant 0 : i32
      %dma_wait3A_278 = tpu.memref_slice %arg2[%dma_wait3A_276, %dma_wait3A_277] : memref<10000x128xf32, #tpu.memory_space<hbm>> -> memref<10000x128xf32, #tpu.memory_space<hbm>>
      tpu.wait_indirect_dma semaphore(%arg13 : memref<!tpu.dma_semaphore, #tpu.memory_space<semaphore_mem>>) src(%dma_wait3A_278 : memref<10000x128xf32, #tpu.memory_space<hbm>>) dst(%arg8 : memref<64x128xf32, #tpu.memory_space<vmem>>)
      %run_scoped3A_279 = arith.constant 0 : i32
      %run_scoped3A_280 = arith.constant 1 : i32
      %run_scoped3A_281 = arith.constant 2 : i32
      "tpu.region"() ({
        %run_scoped3A_467 = tpu.sem_alloc : memref<!tpu.dma_semaphore, #tpu.memory_space<semaphore_mem>>
        %dma_start3A_468 = arith.constant 0 : i32
        %dma_start3A_469 = tpu.memref_slice %arg5[%run_scoped3A_279, %run_scoped3A_280, %run_scoped3A_281, %dma_start3A_468] : memref<2x2x4x64xi32, #tpu.memory_space<vmem>> -> memref<1x1x1x64xi32, #tpu.memory_space<vmem>>
        %dma_start3A_470 = tpu.memref_squeeze %dma_start3A_469 : memref<1x1x1x64xi32, #tpu.memory_space<vmem>> -> memref<64xi32, #tpu.memory_space<vmem>>
        %dma_start3A_471 = arith.constant 0 : i32
        %dma_start3A_472 = arith.constant 0 : i32
        %dma_start3A_473 = tpu.memref_slice %arg10[%dma_start3A_471, %dma_start3A_472] : memref<10240x128xf32, #tpu.memory_space<vmem_shared>> -> memref<10240x128xf32, #tpu.memory_space<vmem_shared>>
        tpu.enqueue_indirect_dma source(%arg8 : memref<64x128xf32, #tpu.memory_space<vmem>>) target(%dma_start3A_473 : memref<10240x128xf32, #tpu.memory_space<vmem_shared>>) offsets(%dma_start3A_470 : memref<64xi32, #tpu.memory_space<vmem>>) semaphore(%run_scoped3A_467 : memref<!tpu.dma_semaphore, #tpu.memory_space<semaphore_mem>>) {add = true}
        %dma_wait3A_474 = arith.constant 0 : i32
        %dma_wait3A_475 = tpu.memref_slice %arg5[%run_scoped3A_279, %run_scoped3A_280, %run_scoped3A_281, %dma_wait3A_474] : memref<2x2x4x64xi32, #tpu.memory_space<vmem>> -> memref<1x1x1x64xi32, #tpu.memory_space<vmem>>
        %dma_wait3A_476 = tpu.memref_squeeze %dma_wait3A_475 : memref<1x1x1x64xi32, #tpu.memory_space<vmem>> -> memref<64xi32, #tpu.memory_space<vmem>>
        %dma_wait3A_477 = arith.constant 0 : i32
        %dma_wait3A_478 = arith.constant 0 : i32
        %dma_wait3A_479 = tpu.memref_slice %arg10[%dma_wait3A_477, %dma_wait3A_478] : memref<10240x128xf32, #tpu.memory_space<vmem_shared>> -> memref<10240x128xf32, #tpu.memory_space<vmem_shared>>
        tpu.wait_indirect_dma semaphore(%run_scoped3A_467 : memref<!tpu.dma_semaphore, #tpu.memory_space<semaphore_mem>>) src(%arg8 : memref<64x128xf32, #tpu.memory_space<vmem>>) dst(%dma_wait3A_479 : memref<10240x128xf32, #tpu.memory_space<vmem_shared>>)
        tpu.yield
      }) : () -> ()
      %dma_start3A_282 = arith.constant 1 : i32
      %dma_start3A_283 = arith.constant 0 : i32
      %dma_start3A_284 = arith.constant 2 : i32
      %dma_start3A_285 = arith.constant 0 : i32
      %dma_start3A_286 = tpu.memref_slice %arg5[%dma_start3A_282, %dma_start3A_283, %dma_start3A_284, %dma_start3A_285] : memref<2x2x4x64xi32, #tpu.memory_space<vmem>> -> memref<1x1x1x64xi32, #tpu.memory_space<vmem>>
      %dma_start3A_287 = tpu.memref_squeeze %dma_start3A_286 : memref<1x1x1x64xi32, #tpu.memory_space<vmem>> -> memref<64xi32, #tpu.memory_space<vmem>>
      %dma_start3A_288 = arith.constant 0 : i32
      %dma_start3A_289 = arith.constant 0 : i32
      %dma_start3A_290 = tpu.memref_slice %arg2[%dma_start3A_288, %dma_start3A_289] : memref<10000x128xf32, #tpu.memory_space<hbm>> -> memref<10000x128xf32, #tpu.memory_space<hbm>>
      tpu.enqueue_indirect_dma source(%dma_start3A_290 : memref<10000x128xf32, #tpu.memory_space<hbm>>) target(%arg8 : memref<64x128xf32, #tpu.memory_space<vmem>>) offsets(%dma_start3A_287 : memref<64xi32, #tpu.memory_space<vmem>>) semaphore(%arg13 : memref<!tpu.dma_semaphore, #tpu.memory_space<semaphore_mem>>)
      %dma_wait3A_291 = arith.constant 0 : i32
      %dma_wait3A_292 = arith.constant 0 : i32
      %dma_wait3A_293 = arith.constant 3 : i32
      %dma_wait3A_294 = arith.constant 0 : i32
      %dma_wait3A_295 = tpu.memref_slice %arg5[%dma_wait3A_291, %dma_wait3A_292, %dma_wait3A_293, %dma_wait3A_294] : memref<2x2x4x64xi32, #tpu.memory_space<vmem>> -> memref<1x1x1x64xi32, #tpu.memory_space<vmem>>
      %dma_wait3A_296 = tpu.memref_squeeze %dma_wait3A_295 : memref<1x1x1x64xi32, #tpu.memory_space<vmem>> -> memref<64xi32, #tpu.memory_space<vmem>>
      %dma_wait3A_297 = arith.constant 0 : i32
      %dma_wait3A_298 = arith.constant 0 : i32
      %dma_wait3A_299 = tpu.memref_slice %arg2[%dma_wait3A_297, %dma_wait3A_298] : memref<10000x128xf32, #tpu.memory_space<hbm>> -> memref<10000x128xf32, #tpu.memory_space<hbm>>
      tpu.wait_indirect_dma semaphore(%arg14 : memref<!tpu.dma_semaphore, #tpu.memory_space<semaphore_mem>>) src(%dma_wait3A_299 : memref<10000x128xf32, #tpu.memory_space<hbm>>) dst(%arg9 : memref<64x128xf32, #tpu.memory_space<vmem>>)
      %run_scoped3A_300 = arith.constant 0 : i32
      %run_scoped3A_301 = arith.constant 1 : i32
      %run_scoped3A_302 = arith.constant 3 : i32
      "tpu.region"() ({
        %run_scoped3A_467 = tpu.sem_alloc : memref<!tpu.dma_semaphore, #tpu.memory_space<semaphore_mem>>
        %dma_start3A_468 = arith.constant 0 : i32
        %dma_start3A_469 = tpu.memref_slice %arg5[%run_scoped3A_300, %run_scoped3A_301, %run_scoped3A_302, %dma_start3A_468] : memref<2x2x4x64xi32, #tpu.memory_space<vmem>> -> memref<1x1x1x64xi32, #tpu.memory_space<vmem>>
        %dma_start3A_470 = tpu.memref_squeeze %dma_start3A_469 : memref<1x1x1x64xi32, #tpu.memory_space<vmem>> -> memref<64xi32, #tpu.memory_space<vmem>>
        %dma_start3A_471 = arith.constant 0 : i32
        %dma_start3A_472 = arith.constant 0 : i32
        %dma_start3A_473 = tpu.memref_slice %arg10[%dma_start3A_471, %dma_start3A_472] : memref<10240x128xf32, #tpu.memory_space<vmem_shared>> -> memref<10240x128xf32, #tpu.memory_space<vmem_shared>>
        tpu.enqueue_indirect_dma source(%arg9 : memref<64x128xf32, #tpu.memory_space<vmem>>) target(%dma_start3A_473 : memref<10240x128xf32, #tpu.memory_space<vmem_shared>>) offsets(%dma_start3A_470 : memref<64xi32, #tpu.memory_space<vmem>>) semaphore(%run_scoped3A_467 : memref<!tpu.dma_semaphore, #tpu.memory_space<semaphore_mem>>) {add = true}
        %dma_wait3A_474 = arith.constant 0 : i32
        %dma_wait3A_475 = tpu.memref_slice %arg5[%run_scoped3A_300, %run_scoped3A_301, %run_scoped3A_302, %dma_wait3A_474] : memref<2x2x4x64xi32, #tpu.memory_space<vmem>> -> memref<1x1x1x64xi32, #tpu.memory_space<vmem>>
        %dma_wait3A_476 = tpu.memref_squeeze %dma_wait3A_475 : memref<1x1x1x64xi32, #tpu.memory_space<vmem>> -> memref<64xi32, #tpu.memory_space<vmem>>
        %dma_wait3A_477 = arith.constant 0 : i32
        %dma_wait3A_478 = arith.constant 0 : i32
        %dma_wait3A_479 = tpu.memref_slice %arg10[%dma_wait3A_477, %dma_wait3A_478] : memref<10240x128xf32, #tpu.memory_space<vmem_shared>> -> memref<10240x128xf32, #tpu.memory_space<vmem_shared>>
        tpu.wait_indirect_dma semaphore(%run_scoped3A_467 : memref<!tpu.dma_semaphore, #tpu.memory_space<semaphore_mem>>) src(%arg9 : memref<64x128xf32, #tpu.memory_space<vmem>>) dst(%dma_wait3A_479 : memref<10240x128xf32, #tpu.memory_space<vmem_shared>>)
        tpu.yield
      }) : () -> ()
      %dma_start3A_303 = arith.constant 1 : i32
      %dma_start3A_304 = arith.constant 0 : i32
      %dma_start3A_305 = arith.constant 3 : i32
      %dma_start3A_306 = arith.constant 0 : i32
      %dma_start3A_307 = tpu.memref_slice %arg5[%dma_start3A_303, %dma_start3A_304, %dma_start3A_305, %dma_start3A_306] : memref<2x2x4x64xi32, #tpu.memory_space<vmem>> -> memref<1x1x1x64xi32, #tpu.memory_space<vmem>>
      %dma_start3A_308 = tpu.memref_squeeze %dma_start3A_307 : memref<1x1x1x64xi32, #tpu.memory_space<vmem>> -> memref<64xi32, #tpu.memory_space<vmem>>
      %dma_start3A_309 = arith.constant 0 : i32
      %dma_start3A_310 = arith.constant 0 : i32
      %dma_start3A_311 = tpu.memref_slice %arg2[%dma_start3A_309, %dma_start3A_310] : memref<10000x128xf32, #tpu.memory_space<hbm>> -> memref<10000x128xf32, #tpu.memory_space<hbm>>
      tpu.enqueue_indirect_dma source(%dma_start3A_311 : memref<10000x128xf32, #tpu.memory_space<hbm>>) target(%arg9 : memref<64x128xf32, #tpu.memory_space<vmem>>) offsets(%dma_start3A_308 : memref<64xi32, #tpu.memory_space<vmem>>) semaphore(%arg14 : memref<!tpu.dma_semaphore, #tpu.memory_space<semaphore_mem>>)
      %dma_start3A_312 = arith.constant 0 : i32
      %dma_start3A_313 = arith.constant 0 : i32
      %dma_start3A_314 = arith.constant 0 : i32
      %dma_start3A_315 = arith.constant 0 : i32
      %dma_start3A_316 = tpu.memref_slice %arg5[%dma_start3A_312, %dma_start3A_313, %dma_start3A_314, %dma_start3A_315] : memref<2x2x4x64xi32, #tpu.memory_space<vmem>> -> memref<1x2x4x64xi32, #tpu.memory_space<vmem>>
      %dma_start3A_317 = tpu.memref_squeeze %dma_start3A_316 : memref<1x2x4x64xi32, #tpu.memory_space<vmem>> -> memref<2x4x64xi32, #tpu.memory_space<vmem>>
      %dma_start3A_318 = arith.constant 0 : i32
      %dma_start3A_319 = arith.constant 0 : i32
      %dma_start3A_320 = arith.constant 0 : i32
      %dma_start3A_321 = tpu.memref_slice %arg3[%add3A, %min3A_206, %dma_start3A_318, %dma_start3A_319, %dma_start3A_320] : memref<32x40x2x4x64xi32, #tpu.memory_space<hbm>> -> memref<1x1x2x4x64xi32, #tpu.memory_space<hbm>>
      %dma_start3A_322 = tpu.memref_squeeze %dma_start3A_321 : memref<1x1x2x4x64xi32, #tpu.memory_space<hbm>> -> memref<2x4x64xi32, #tpu.memory_space<hbm>>
      %dma_start3A_323 = arith.constant 0 : i32
      %dma_start3A_324 = arith.constant 0 : i32
      %dma_start3A_325 = arith.constant 0 : i32
      %dma_start3A_326 = tpu.memref_slice %arg5[%dma_start3A_312, %dma_start3A_323, %dma_start3A_324, %dma_start3A_325] : memref<2x2x4x64xi32, #tpu.memory_space<vmem>> -> memref<1x2x4x64xi32, #tpu.memory_space<vmem>>
      %dma_start3A_327 = tpu.memref_squeeze %dma_start3A_326 : memref<1x2x4x64xi32, #tpu.memory_space<vmem>> -> memref<2x4x64xi32, #tpu.memory_space<vmem>>
      %dma_start3A_328 = arith.constant 0 : i32
      %dma_start3A_329 = arith.constant 0 : i32
      %dma_start3A_330 = arith.constant 0 : i32
      %dma_start3A_331 = tpu.memref_slice %arg3[%add3A, %min3A_206, %dma_start3A_328, %dma_start3A_329, %dma_start3A_330] : memref<32x40x2x4x64xi32, #tpu.memory_space<hbm>> -> memref<1x1x2x4x64xi32, #tpu.memory_space<hbm>>
      %dma_start3A_332 = tpu.memref_squeeze %dma_start3A_331 : memref<1x1x2x4x64xi32, #tpu.memory_space<hbm>> -> memref<2x4x64xi32, #tpu.memory_space<hbm>>
      tpu.enqueue_dma source(%dma_start3A_332 : memref<2x4x64xi32, #tpu.memory_space<hbm>>) target(%dma_start3A_327 : memref<2x4x64xi32, #tpu.memory_space<vmem>>) target_semaphore(%arg19 : memref<!tpu.dma_semaphore, #tpu.memory_space<semaphore_mem>>)
      %mul3A_333 = arith.constant 2 : i32
      %mul3A_334 = arith.muli %mul3A_333, %scan3A_200 : i32
      %add3A_335 = arith.constant 3 : i32
      %add3A_336 = arith.addi %mul3A_334, %add3A_335 : i32
      %min3A_337 = arith.constant 39 : i32
      %min3A_338 = arith.minsi %add3A_336, %min3A_337 : i32
      %dma_wait3A_339 = arith.constant 1 : i32
      %dma_wait3A_340 = arith.constant 0 : i32
      %dma_wait3A_341 = arith.constant 0 : i32
      %dma_wait3A_342 = arith.constant 0 : i32
      %dma_wait3A_343 = tpu.memref_slice %arg5[%dma_wait3A_339, %dma_wait3A_340, %dma_wait3A_341, %dma_wait3A_342] : memref<2x2x4x64xi32, #tpu.memory_space<vmem>> -> memref<1x1x1x64xi32, #tpu.memory_space<vmem>>
      %dma_wait3A_344 = tpu.memref_squeeze %dma_wait3A_343 : memref<1x1x1x64xi32, #tpu.memory_space<vmem>> -> memref<64xi32, #tpu.memory_space<vmem>>
      %dma_wait3A_345 = arith.constant 0 : i32
      %dma_wait3A_346 = arith.constant 0 : i32
      %dma_wait3A_347 = tpu.memref_slice %arg2[%dma_wait3A_345, %dma_wait3A_346] : memref<10000x128xf32, #tpu.memory_space<hbm>> -> memref<10000x128xf32, #tpu.memory_space<hbm>>
      tpu.wait_indirect_dma semaphore(%arg11 : memref<!tpu.dma_semaphore, #tpu.memory_space<semaphore_mem>>) src(%dma_wait3A_347 : memref<10000x128xf32, #tpu.memory_space<hbm>>) dst(%arg6 : memref<64x128xf32, #tpu.memory_space<vmem>>)
      %run_scoped3A_348 = arith.constant 1 : i32
      %run_scoped3A_349 = arith.constant 1 : i32
      %run_scoped3A_350 = arith.constant 0 : i32
      "tpu.region"() ({
        %run_scoped3A_467 = tpu.sem_alloc : memref<!tpu.dma_semaphore, #tpu.memory_space<semaphore_mem>>
        %dma_start3A_468 = arith.constant 0 : i32
        %dma_start3A_469 = tpu.memref_slice %arg5[%run_scoped3A_348, %run_scoped3A_349, %run_scoped3A_350, %dma_start3A_468] : memref<2x2x4x64xi32, #tpu.memory_space<vmem>> -> memref<1x1x1x64xi32, #tpu.memory_space<vmem>>
        %dma_start3A_470 = tpu.memref_squeeze %dma_start3A_469 : memref<1x1x1x64xi32, #tpu.memory_space<vmem>> -> memref<64xi32, #tpu.memory_space<vmem>>
        %dma_start3A_471 = arith.constant 0 : i32
        %dma_start3A_472 = arith.constant 0 : i32
        %dma_start3A_473 = tpu.memref_slice %arg10[%dma_start3A_471, %dma_start3A_472] : memref<10240x128xf32, #tpu.memory_space<vmem_shared>> -> memref<10240x128xf32, #tpu.memory_space<vmem_shared>>
        tpu.enqueue_indirect_dma source(%arg6 : memref<64x128xf32, #tpu.memory_space<vmem>>) target(%dma_start3A_473 : memref<10240x128xf32, #tpu.memory_space<vmem_shared>>) offsets(%dma_start3A_470 : memref<64xi32, #tpu.memory_space<vmem>>) semaphore(%run_scoped3A_467 : memref<!tpu.dma_semaphore, #tpu.memory_space<semaphore_mem>>) {add = true}
        %dma_wait3A_474 = arith.constant 0 : i32
        %dma_wait3A_475 = tpu.memref_slice %arg5[%run_scoped3A_348, %run_scoped3A_349, %run_scoped3A_350, %dma_wait3A_474] : memref<2x2x4x64xi32, #tpu.memory_space<vmem>> -> memref<1x1x1x64xi32, #tpu.memory_space<vmem>>
        %dma_wait3A_476 = tpu.memref_squeeze %dma_wait3A_475 : memref<1x1x1x64xi32, #tpu.memory_space<vmem>> -> memref<64xi32, #tpu.memory_space<vmem>>
        %dma_wait3A_477 = arith.constant 0 : i32
        %dma_wait3A_478 = arith.constant 0 : i32
        %dma_wait3A_479 = tpu.memref_slice %arg10[%dma_wait3A_477, %dma_wait3A_478] : memref<10240x128xf32, #tpu.memory_space<vmem_shared>> -> memref<10240x128xf32, #tpu.memory_space<vmem_shared>>
        tpu.wait_indirect_dma semaphore(%run_scoped3A_467 : memref<!tpu.dma_semaphore, #tpu.memory_space<semaphore_mem>>) src(%arg6 : memref<64x128xf32, #tpu.memory_space<vmem>>) dst(%dma_wait3A_479 : memref<10240x128xf32, #tpu.memory_space<vmem_shared>>)
        tpu.yield
      }) : () -> ()
      %dma_wait3A_351 = arith.constant 0 : i32
      %dma_wait3A_352 = arith.constant 0 : i32
      %dma_wait3A_353 = arith.constant 0 : i32
      %dma_wait3A_354 = arith.constant 0 : i32
      %dma_wait3A_355 = arith.constant 0 : i32
      %dma_wait3A_356 = tpu.memref_slice %arg5[%dma_wait3A_352, %dma_wait3A_353, %dma_wait3A_354, %dma_wait3A_355] : memref<2x2x4x64xi32, #tpu.memory_space<vmem>> -> memref<1x2x4x64xi32, #tpu.memory_space<vmem>>
      %dma_wait3A_357 = tpu.memref_squeeze %dma_wait3A_356 : memref<1x2x4x64xi32, #tpu.memory_space<vmem>> -> memref<2x4x64xi32, #tpu.memory_space<vmem>>
      %dma_wait3A_358 = arith.constant 0 : i32
      %dma_wait3A_359 = arith.constant 0 : i32
      %dma_wait3A_360 = arith.constant 0 : i32
      %dma_wait3A_361 = tpu.memref_slice %arg3[%add3A, %dma_wait3A_351, %dma_wait3A_358, %dma_wait3A_359, %dma_wait3A_360] : memref<32x40x2x4x64xi32, #tpu.memory_space<hbm>> -> memref<1x1x2x4x64xi32, #tpu.memory_space<hbm>>
      %dma_wait3A_362 = tpu.memref_squeeze %dma_wait3A_361 : memref<1x1x2x4x64xi32, #tpu.memory_space<hbm>> -> memref<2x4x64xi32, #tpu.memory_space<hbm>>
      %dma_wait3A_363 = arith.constant 0 : i32
      %dma_wait3A_364 = arith.constant 0 : i32
      %dma_wait3A_365 = arith.constant 0 : i32
      %dma_wait3A_366 = tpu.memref_slice %arg5[%dma_wait3A_352, %dma_wait3A_363, %dma_wait3A_364, %dma_wait3A_365] : memref<2x2x4x64xi32, #tpu.memory_space<vmem>> -> memref<1x2x4x64xi32, #tpu.memory_space<vmem>>
      %dma_wait3A_367 = tpu.memref_squeeze %dma_wait3A_366 : memref<1x2x4x64xi32, #tpu.memory_space<vmem>> -> memref<2x4x64xi32, #tpu.memory_space<vmem>>
      %dma_wait3A_368 = arith.constant 0 : i32
      %dma_wait3A_369 = arith.constant 0 : i32
      %dma_wait3A_370 = arith.constant 0 : i32
      %dma_wait3A_371 = tpu.memref_slice %arg3[%add3A, %dma_wait3A_351, %dma_wait3A_368, %dma_wait3A_369, %dma_wait3A_370] : memref<32x40x2x4x64xi32, #tpu.memory_space<hbm>> -> memref<1x1x2x4x64xi32, #tpu.memory_space<hbm>>
      %dma_wait3A_372 = tpu.memref_squeeze %dma_wait3A_371 : memref<1x1x2x4x64xi32, #tpu.memory_space<hbm>> -> memref<2x4x64xi32, #tpu.memory_space<hbm>>
      tpu.wait_dma2 semaphore(%arg19 : memref<!tpu.dma_semaphore, #tpu.memory_space<semaphore_mem>>) src(%dma_wait3A_372 : memref<2x4x64xi32, #tpu.memory_space<hbm>>) dst(%dma_wait3A_367 : memref<2x4x64xi32, #tpu.memory_space<vmem>>)
      %dma_start3A_373 = arith.constant 0 : i32
      %dma_start3A_374 = arith.constant 0 : i32
      %dma_start3A_375 = arith.constant 0 : i32
      %dma_start3A_376 = arith.constant 0 : i32
      %dma_start3A_377 = tpu.memref_slice %arg5[%dma_start3A_373, %dma_start3A_374, %dma_start3A_375, %dma_start3A_376] : memref<2x2x4x64xi32, #tpu.memory_space<vmem>> -> memref<1x1x1x64xi32, #tpu.memory_space<vmem>>
      %dma_start3A_378 = tpu.memref_squeeze %dma_start3A_377 : memref<1x1x1x64xi32, #tpu.memory_space<vmem>> -> memref<64xi32, #tpu.memory_space<vmem>>
      %dma_start3A_379 = arith.constant 0 : i32
      %dma_start3A_380 = arith.constant 0 : i32
      %dma_start3A_381 = tpu.memref_slice %arg2[%dma_start3A_379, %dma_start3A_380] : memref<10000x128xf32, #tpu.memory_space<hbm>> -> memref<10000x128xf32, #tpu.memory_space<hbm>>
      tpu.enqueue_indirect_dma source(%dma_start3A_381 : memref<10000x128xf32, #tpu.memory_space<hbm>>) target(%arg6 : memref<64x128xf32, #tpu.memory_space<vmem>>) offsets(%dma_start3A_378 : memref<64xi32, #tpu.memory_space<vmem>>) semaphore(%arg11 : memref<!tpu.dma_semaphore, #tpu.memory_space<semaphore_mem>>)
      %dma_wait3A_382 = arith.constant 1 : i32
      %dma_wait3A_383 = arith.constant 0 : i32
      %dma_wait3A_384 = arith.constant 1 : i32
      %dma_wait3A_385 = arith.constant 0 : i32
      %dma_wait3A_386 = tpu.memref_slice %arg5[%dma_wait3A_382, %dma_wait3A_383, %dma_wait3A_384, %dma_wait3A_385] : memref<2x2x4x64xi32, #tpu.memory_space<vmem>> -> memref<1x1x1x64xi32, #tpu.memory_space<vmem>>
      %dma_wait3A_387 = tpu.memref_squeeze %dma_wait3A_386 : memref<1x1x1x64xi32, #tpu.memory_space<vmem>> -> memref<64xi32, #tpu.memory_space<vmem>>
      %dma_wait3A_388 = arith.constant 0 : i32
      %dma_wait3A_389 = arith.constant 0 : i32
      %dma_wait3A_390 = tpu.memref_slice %arg2[%dma_wait3A_388, %dma_wait3A_389] : memref<10000x128xf32, #tpu.memory_space<hbm>> -> memref<10000x128xf32, #tpu.memory_space<hbm>>
      tpu.wait_indirect_dma semaphore(%arg12 : memref<!tpu.dma_semaphore, #tpu.memory_space<semaphore_mem>>) src(%dma_wait3A_390 : memref<10000x128xf32, #tpu.memory_space<hbm>>) dst(%arg7 : memref<64x128xf32, #tpu.memory_space<vmem>>)
      %run_scoped3A_391 = arith.constant 1 : i32
      %run_scoped3A_392 = arith.constant 1 : i32
      %run_scoped3A_393 = arith.constant 1 : i32
      "tpu.region"() ({
        %run_scoped3A_467 = tpu.sem_alloc : memref<!tpu.dma_semaphore, #tpu.memory_space<semaphore_mem>>
        %dma_start3A_468 = arith.constant 0 : i32
        %dma_start3A_469 = tpu.memref_slice %arg5[%run_scoped3A_391, %run_scoped3A_392, %run_scoped3A_393, %dma_start3A_468] : memref<2x2x4x64xi32, #tpu.memory_space<vmem>> -> memref<1x1x1x64xi32, #tpu.memory_space<vmem>>
        %dma_start3A_470 = tpu.memref_squeeze %dma_start3A_469 : memref<1x1x1x64xi32, #tpu.memory_space<vmem>> -> memref<64xi32, #tpu.memory_space<vmem>>
        %dma_start3A_471 = arith.constant 0 : i32
        %dma_start3A_472 = arith.constant 0 : i32
        %dma_start3A_473 = tpu.memref_slice %arg10[%dma_start3A_471, %dma_start3A_472] : memref<10240x128xf32, #tpu.memory_space<vmem_shared>> -> memref<10240x128xf32, #tpu.memory_space<vmem_shared>>
        tpu.enqueue_indirect_dma source(%arg7 : memref<64x128xf32, #tpu.memory_space<vmem>>) target(%dma_start3A_473 : memref<10240x128xf32, #tpu.memory_space<vmem_shared>>) offsets(%dma_start3A_470 : memref<64xi32, #tpu.memory_space<vmem>>) semaphore(%run_scoped3A_467 : memref<!tpu.dma_semaphore, #tpu.memory_space<semaphore_mem>>) {add = true}
        %dma_wait3A_474 = arith.constant 0 : i32
        %dma_wait3A_475 = tpu.memref_slice %arg5[%run_scoped3A_391, %run_scoped3A_392, %run_scoped3A_393, %dma_wait3A_474] : memref<2x2x4x64xi32, #tpu.memory_space<vmem>> -> memref<1x1x1x64xi32, #tpu.memory_space<vmem>>
        %dma_wait3A_476 = tpu.memref_squeeze %dma_wait3A_475 : memref<1x1x1x64xi32, #tpu.memory_space<vmem>> -> memref<64xi32, #tpu.memory_space<vmem>>
        %dma_wait3A_477 = arith.constant 0 : i32
        %dma_wait3A_478 = arith.constant 0 : i32
        %dma_wait3A_479 = tpu.memref_slice %arg10[%dma_wait3A_477, %dma_wait3A_478] : memref<10240x128xf32, #tpu.memory_space<vmem_shared>> -> memref<10240x128xf32, #tpu.memory_space<vmem_shared>>
        tpu.wait_indirect_dma semaphore(%run_scoped3A_467 : memref<!tpu.dma_semaphore, #tpu.memory_space<semaphore_mem>>) src(%arg7 : memref<64x128xf32, #tpu.memory_space<vmem>>) dst(%dma_wait3A_479 : memref<10240x128xf32, #tpu.memory_space<vmem_shared>>)
        tpu.yield
      }) : () -> ()
      %dma_start3A_394 = arith.constant 0 : i32
      %dma_start3A_395 = arith.constant 0 : i32
      %dma_start3A_396 = arith.constant 1 : i32
      %dma_start3A_397 = arith.constant 0 : i32
      %dma_start3A_398 = tpu.memref_slice %arg5[%dma_start3A_394, %dma_start3A_395, %dma_start3A_396, %dma_start3A_397] : memref<2x2x4x64xi32, #tpu.memory_space<vmem>> -> memref<1x1x1x64xi32, #tpu.memory_space<vmem>>
      %dma_start3A_399 = tpu.memref_squeeze %dma_start3A_398 : memref<1x1x1x64xi32, #tpu.memory_space<vmem>> -> memref<64xi32, #tpu.memory_space<vmem>>
      %dma_start3A_400 = arith.constant 0 : i32
      %dma_start3A_401 = arith.constant 0 : i32
      %dma_start3A_402 = tpu.memref_slice %arg2[%dma_start3A_400, %dma_start3A_401] : memref<10000x128xf32, #tpu.memory_space<hbm>> -> memref<10000x128xf32, #tpu.memory_space<hbm>>
      tpu.enqueue_indirect_dma source(%dma_start3A_402 : memref<10000x128xf32, #tpu.memory_space<hbm>>) target(%arg7 : memref<64x128xf32, #tpu.memory_space<vmem>>) offsets(%dma_start3A_399 : memref<64xi32, #tpu.memory_space<vmem>>) semaphore(%arg12 : memref<!tpu.dma_semaphore, #tpu.memory_space<semaphore_mem>>)
      %dma_wait3A_403 = arith.constant 1 : i32
      %dma_wait3A_404 = arith.constant 0 : i32
      %dma_wait3A_405 = arith.constant 2 : i32
      %dma_wait3A_406 = arith.constant 0 : i32
      %dma_wait3A_407 = tpu.memref_slice %arg5[%dma_wait3A_403, %dma_wait3A_404, %dma_wait3A_405, %dma_wait3A_406] : memref<2x2x4x64xi32, #tpu.memory_space<vmem>> -> memref<1x1x1x64xi32, #tpu.memory_space<vmem>>
      %dma_wait3A_408 = tpu.memref_squeeze %dma_wait3A_407 : memref<1x1x1x64xi32, #tpu.memory_space<vmem>> -> memref<64xi32, #tpu.memory_space<vmem>>
      %dma_wait3A_409 = arith.constant 0 : i32
      %dma_wait3A_410 = arith.constant 0 : i32
      %dma_wait3A_411 = tpu.memref_slice %arg2[%dma_wait3A_409, %dma_wait3A_410] : memref<10000x128xf32, #tpu.memory_space<hbm>> -> memref<10000x128xf32, #tpu.memory_space<hbm>>
      tpu.wait_indirect_dma semaphore(%arg13 : memref<!tpu.dma_semaphore, #tpu.memory_space<semaphore_mem>>) src(%dma_wait3A_411 : memref<10000x128xf32, #tpu.memory_space<hbm>>) dst(%arg8 : memref<64x128xf32, #tpu.memory_space<vmem>>)
      %run_scoped3A_412 = arith.constant 1 : i32
      %run_scoped3A_413 = arith.constant 1 : i32
      %run_scoped3A_414 = arith.constant 2 : i32
      "tpu.region"() ({
        %run_scoped3A_467 = tpu.sem_alloc : memref<!tpu.dma_semaphore, #tpu.memory_space<semaphore_mem>>
        %dma_start3A_468 = arith.constant 0 : i32
        %dma_start3A_469 = tpu.memref_slice %arg5[%run_scoped3A_412, %run_scoped3A_413, %run_scoped3A_414, %dma_start3A_468] : memref<2x2x4x64xi32, #tpu.memory_space<vmem>> -> memref<1x1x1x64xi32, #tpu.memory_space<vmem>>
        %dma_start3A_470 = tpu.memref_squeeze %dma_start3A_469 : memref<1x1x1x64xi32, #tpu.memory_space<vmem>> -> memref<64xi32, #tpu.memory_space<vmem>>
        %dma_start3A_471 = arith.constant 0 : i32
        %dma_start3A_472 = arith.constant 0 : i32
        %dma_start3A_473 = tpu.memref_slice %arg10[%dma_start3A_471, %dma_start3A_472] : memref<10240x128xf32, #tpu.memory_space<vmem_shared>> -> memref<10240x128xf32, #tpu.memory_space<vmem_shared>>
        tpu.enqueue_indirect_dma source(%arg8 : memref<64x128xf32, #tpu.memory_space<vmem>>) target(%dma_start3A_473 : memref<10240x128xf32, #tpu.memory_space<vmem_shared>>) offsets(%dma_start3A_470 : memref<64xi32, #tpu.memory_space<vmem>>) semaphore(%run_scoped3A_467 : memref<!tpu.dma_semaphore, #tpu.memory_space<semaphore_mem>>) {add = true}
        %dma_wait3A_474 = arith.constant 0 : i32
        %dma_wait3A_475 = tpu.memref_slice %arg5[%run_scoped3A_412, %run_scoped3A_413, %run_scoped3A_414, %dma_wait3A_474] : memref<2x2x4x64xi32, #tpu.memory_space<vmem>> -> memref<1x1x1x64xi32, #tpu.memory_space<vmem>>
        %dma_wait3A_476 = tpu.memref_squeeze %dma_wait3A_475 : memref<1x1x1x64xi32, #tpu.memory_space<vmem>> -> memref<64xi32, #tpu.memory_space<vmem>>
        %dma_wait3A_477 = arith.constant 0 : i32
        %dma_wait3A_478 = arith.constant 0 : i32
        %dma_wait3A_479 = tpu.memref_slice %arg10[%dma_wait3A_477, %dma_wait3A_478] : memref<10240x128xf32, #tpu.memory_space<vmem_shared>> -> memref<10240x128xf32, #tpu.memory_space<vmem_shared>>
        tpu.wait_indirect_dma semaphore(%run_scoped3A_467 : memref<!tpu.dma_semaphore, #tpu.memory_space<semaphore_mem>>) src(%arg8 : memref<64x128xf32, #tpu.memory_space<vmem>>) dst(%dma_wait3A_479 : memref<10240x128xf32, #tpu.memory_space<vmem_shared>>)
        tpu.yield
      }) : () -> ()
      %dma_start3A_415 = arith.constant 0 : i32
      %dma_start3A_416 = arith.constant 0 : i32
      %dma_start3A_417 = arith.constant 2 : i32
      %dma_start3A_418 = arith.constant 0 : i32
      %dma_start3A_419 = tpu.memref_slice %arg5[%dma_start3A_415, %dma_start3A_416, %dma_start3A_417, %dma_start3A_418] : memref<2x2x4x64xi32, #tpu.memory_space<vmem>> -> memref<1x1x1x64xi32, #tpu.memory_space<vmem>>
      %dma_start3A_420 = tpu.memref_squeeze %dma_start3A_419 : memref<1x1x1x64xi32, #tpu.memory_space<vmem>> -> memref<64xi32, #tpu.memory_space<vmem>>
      %dma_start3A_421 = arith.constant 0 : i32
      %dma_start3A_422 = arith.constant 0 : i32
      %dma_start3A_423 = tpu.memref_slice %arg2[%dma_start3A_421, %dma_start3A_422] : memref<10000x128xf32, #tpu.memory_space<hbm>> -> memref<10000x128xf32, #tpu.memory_space<hbm>>
      tpu.enqueue_indirect_dma source(%dma_start3A_423 : memref<10000x128xf32, #tpu.memory_space<hbm>>) target(%arg8 : memref<64x128xf32, #tpu.memory_space<vmem>>) offsets(%dma_start3A_420 : memref<64xi32, #tpu.memory_space<vmem>>) semaphore(%arg13 : memref<!tpu.dma_semaphore, #tpu.memory_space<semaphore_mem>>)
      %dma_wait3A_424 = arith.constant 1 : i32
      %dma_wait3A_425 = arith.constant 0 : i32
      %dma_wait3A_426 = arith.constant 3 : i32
      %dma_wait3A_427 = arith.constant 0 : i32
      %dma_wait3A_428 = tpu.memref_slice %arg5[%dma_wait3A_424, %dma_wait3A_425, %dma_wait3A_426, %dma_wait3A_427] : memref<2x2x4x64xi32, #tpu.memory_space<vmem>> -> memref<1x1x1x64xi32, #tpu.memory_space<vmem>>
      %dma_wait3A_429 = tpu.memref_squeeze %dma_wait3A_428 : memref<1x1x1x64xi32, #tpu.memory_space<vmem>> -> memref<64xi32, #tpu.memory_space<vmem>>
      %dma_wait3A_430 = arith.constant 0 : i32
      %dma_wait3A_431 = arith.constant 0 : i32
      %dma_wait3A_432 = tpu.memref_slice %arg2[%dma_wait3A_430, %dma_wait3A_431] : memref<10000x128xf32, #tpu.memory_space<hbm>> -> memref<10000x128xf32, #tpu.memory_space<hbm>>
      tpu.wait_indirect_dma semaphore(%arg14 : memref<!tpu.dma_semaphore, #tpu.memory_space<semaphore_mem>>) src(%dma_wait3A_432 : memref<10000x128xf32, #tpu.memory_space<hbm>>) dst(%arg9 : memref<64x128xf32, #tpu.memory_space<vmem>>)
      %run_scoped3A_433 = arith.constant 1 : i32
      %run_scoped3A_434 = arith.constant 1 : i32
      %run_scoped3A_435 = arith.constant 3 : i32
      "tpu.region"() ({
        %run_scoped3A_467 = tpu.sem_alloc : memref<!tpu.dma_semaphore, #tpu.memory_space<semaphore_mem>>
        %dma_start3A_468 = arith.constant 0 : i32
        %dma_start3A_469 = tpu.memref_slice %arg5[%run_scoped3A_433, %run_scoped3A_434, %run_scoped3A_435, %dma_start3A_468] : memref<2x2x4x64xi32, #tpu.memory_space<vmem>> -> memref<1x1x1x64xi32, #tpu.memory_space<vmem>>
        %dma_start3A_470 = tpu.memref_squeeze %dma_start3A_469 : memref<1x1x1x64xi32, #tpu.memory_space<vmem>> -> memref<64xi32, #tpu.memory_space<vmem>>
        %dma_start3A_471 = arith.constant 0 : i32
        %dma_start3A_472 = arith.constant 0 : i32
        %dma_start3A_473 = tpu.memref_slice %arg10[%dma_start3A_471, %dma_start3A_472] : memref<10240x128xf32, #tpu.memory_space<vmem_shared>> -> memref<10240x128xf32, #tpu.memory_space<vmem_shared>>
        tpu.enqueue_indirect_dma source(%arg9 : memref<64x128xf32, #tpu.memory_space<vmem>>) target(%dma_start3A_473 : memref<10240x128xf32, #tpu.memory_space<vmem_shared>>) offsets(%dma_start3A_470 : memref<64xi32, #tpu.memory_space<vmem>>) semaphore(%run_scoped3A_467 : memref<!tpu.dma_semaphore, #tpu.memory_space<semaphore_mem>>) {add = true}
        %dma_wait3A_474 = arith.constant 0 : i32
        %dma_wait3A_475 = tpu.memref_slice %arg5[%run_scoped3A_433, %run_scoped3A_434, %run_scoped3A_435, %dma_wait3A_474] : memref<2x2x4x64xi32, #tpu.memory_space<vmem>> -> memref<1x1x1x64xi32, #tpu.memory_space<vmem>>
        %dma_wait3A_476 = tpu.memref_squeeze %dma_wait3A_475 : memref<1x1x1x64xi32, #tpu.memory_space<vmem>> -> memref<64xi32, #tpu.memory_space<vmem>>
        %dma_wait3A_477 = arith.constant 0 : i32
        %dma_wait3A_478 = arith.constant 0 : i32
        %dma_wait3A_479 = tpu.memref_slice %arg10[%dma_wait3A_477, %dma_wait3A_478] : memref<10240x128xf32, #tpu.memory_space<vmem_shared>> -> memref<10240x128xf32, #tpu.memory_space<vmem_shared>>
        tpu.wait_indirect_dma semaphore(%run_scoped3A_467 : memref<!tpu.dma_semaphore, #tpu.memory_space<semaphore_mem>>) src(%arg9 : memref<64x128xf32, #tpu.memory_space<vmem>>) dst(%dma_wait3A_479 : memref<10240x128xf32, #tpu.memory_space<vmem_shared>>)
        tpu.yield
      }) : () -> ()
      %dma_start3A_436 = arith.constant 0 : i32
      %dma_start3A_437 = arith.constant 0 : i32
      %dma_start3A_438 = arith.constant 3 : i32
      %dma_start3A_439 = arith.constant 0 : i32
      %dma_start3A_440 = tpu.memref_slice %arg5[%dma_start3A_436, %dma_start3A_437, %dma_start3A_438, %dma_start3A_439] : memref<2x2x4x64xi32, #tpu.memory_space<vmem>> -> memref<1x1x1x64xi32, #tpu.memory_space<vmem>>
      %dma_start3A_441 = tpu.memref_squeeze %dma_start3A_440 : memref<1x1x1x64xi32, #tpu.memory_space<vmem>> -> memref<64xi32, #tpu.memory_space<vmem>>
      %dma_start3A_442 = arith.constant 0 : i32
      %dma_start3A_443 = arith.constant 0 : i32
      %dma_start3A_444 = tpu.memref_slice %arg2[%dma_start3A_442, %dma_start3A_443] : memref<10000x128xf32, #tpu.memory_space<hbm>> -> memref<10000x128xf32, #tpu.memory_space<hbm>>
      tpu.enqueue_indirect_dma source(%dma_start3A_444 : memref<10000x128xf32, #tpu.memory_space<hbm>>) target(%arg9 : memref<64x128xf32, #tpu.memory_space<vmem>>) offsets(%dma_start3A_441 : memref<64xi32, #tpu.memory_space<vmem>>) semaphore(%arg14 : memref<!tpu.dma_semaphore, #tpu.memory_space<semaphore_mem>>)
      %dma_start3A_445 = arith.constant 1 : i32
      %dma_start3A_446 = arith.constant 0 : i32
      %dma_start3A_447 = arith.constant 0 : i32
      %dma_start3A_448 = arith.constant 0 : i32
      %dma_start3A_449 = tpu.memref_slice %arg5[%dma_start3A_445, %dma_start3A_446, %dma_start3A_447, %dma_start3A_448] : memref<2x2x4x64xi32, #tpu.memory_space<vmem>> -> memref<1x2x4x64xi32, #tpu.memory_space<vmem>>
      %dma_start3A_450 = tpu.memref_squeeze %dma_start3A_449 : memref<1x2x4x64xi32, #tpu.memory_space<vmem>> -> memref<2x4x64xi32, #tpu.memory_space<vmem>>
      %dma_start3A_451 = arith.constant 0 : i32
      %dma_start3A_452 = arith.constant 0 : i32
      %dma_start3A_453 = arith.constant 0 : i32
      %dma_start3A_454 = tpu.memref_slice %arg3[%add3A, %min3A_338, %dma_start3A_451, %dma_start3A_452, %dma_start3A_453] : memref<32x40x2x4x64xi32, #tpu.memory_space<hbm>> -> memref<1x1x2x4x64xi32, #tpu.memory_space<hbm>>
      %dma_start3A_455 = tpu.memref_squeeze %dma_start3A_454 : memref<1x1x2x4x64xi32, #tpu.memory_space<hbm>> -> memref<2x4x64xi32, #tpu.memory_space<hbm>>
      %dma_start3A_456 = arith.constant 0 : i32
      %dma_start3A_457 = arith.constant 0 : i32
      %dma_start3A_458 = arith.constant 0 : i32
      %dma_start3A_459 = tpu.memref_slice %arg5[%dma_start3A_445, %dma_start3A_456, %dma_start3A_457, %dma_start3A_458] : memref<2x2x4x64xi32, #tpu.memory_space<vmem>> -> memref<1x2x4x64xi32, #tpu.memory_space<vmem>>
      %dma_start3A_460 = tpu.memref_squeeze %dma_start3A_459 : memref<1x2x4x64xi32, #tpu.memory_space<vmem>> -> memref<2x4x64xi32, #tpu.memory_space<vmem>>
      %dma_start3A_461 = arith.constant 0 : i32
      %dma_start3A_462 = arith.constant 0 : i32
      %dma_start3A_463 = arith.constant 0 : i32
      %dma_start3A_464 = tpu.memref_slice %arg3[%add3A, %min3A_338, %dma_start3A_461, %dma_start3A_462, %dma_start3A_463] : memref<32x40x2x4x64xi32, #tpu.memory_space<hbm>> -> memref<1x1x2x4x64xi32, #tpu.memory_space<hbm>>
      %dma_start3A_465 = tpu.memref_squeeze %dma_start3A_464 : memref<1x1x2x4x64xi32, #tpu.memory_space<hbm>> -> memref<2x4x64xi32, #tpu.memory_space<hbm>>
      tpu.enqueue_dma source(%dma_start3A_465 : memref<2x4x64xi32, #tpu.memory_space<hbm>>) target(%dma_start3A_460 : memref<2x4x64xi32, #tpu.memory_space<vmem>>) target_semaphore(%arg20 : memref<!tpu.dma_semaphore, #tpu.memory_space<semaphore_mem>>)
      %scan3A_466 = arith.constant 0 : i32
      scf.yield %scan3A_466 : i32
    }
    %scan3A_136 = arith.constant 20 : i32
    %dma_wait3A_137 = arith.constant 0 : i32
    %dma_wait3A_138 = arith.constant 0 : i32
    %dma_wait3A_139 = arith.constant 0 : i32
    %dma_wait3A_140 = arith.constant 0 : i32
    %dma_wait3A_141 = tpu.memref_slice %arg5[%dma_wait3A_137, %dma_wait3A_138, %dma_wait3A_139, %dma_wait3A_140] : memref<2x2x4x64xi32, #tpu.memory_space<vmem>> -> memref<1x1x1x64xi32, #tpu.memory_space<vmem>>
    %dma_wait3A_142 = tpu.memref_squeeze %dma_wait3A_141 : memref<1x1x1x64xi32, #tpu.memory_space<vmem>> -> memref<64xi32, #tpu.memory_space<vmem>>
    %dma_wait3A_143 = arith.constant 0 : i32
    %dma_wait3A_144 = arith.constant 0 : i32
    %dma_wait3A_145 = tpu.memref_slice %arg2[%dma_wait3A_143, %dma_wait3A_144] : memref<10000x128xf32, #tpu.memory_space<hbm>> -> memref<10000x128xf32, #tpu.memory_space<hbm>>
    tpu.wait_indirect_dma semaphore(%arg11 : memref<!tpu.dma_semaphore, #tpu.memory_space<semaphore_mem>>) src(%dma_wait3A_145 : memref<10000x128xf32, #tpu.memory_space<hbm>>) dst(%arg6 : memref<64x128xf32, #tpu.memory_space<vmem>>)
    %dma_wait3A_146 = arith.constant 0 : i32
    %dma_wait3A_147 = arith.constant 0 : i32
    %dma_wait3A_148 = arith.constant 1 : i32
    %dma_wait3A_149 = arith.constant 0 : i32
    %dma_wait3A_150 = tpu.memref_slice %arg5[%dma_wait3A_146, %dma_wait3A_147, %dma_wait3A_148, %dma_wait3A_149] : memref<2x2x4x64xi32, #tpu.memory_space<vmem>> -> memref<1x1x1x64xi32, #tpu.memory_space<vmem>>
    %dma_wait3A_151 = tpu.memref_squeeze %dma_wait3A_150 : memref<1x1x1x64xi32, #tpu.memory_space<vmem>> -> memref<64xi32, #tpu.memory_space<vmem>>
    %dma_wait3A_152 = arith.constant 0 : i32
    %dma_wait3A_153 = arith.constant 0 : i32
    %dma_wait3A_154 = tpu.memref_slice %arg2[%dma_wait3A_152, %dma_wait3A_153] : memref<10000x128xf32, #tpu.memory_space<hbm>> -> memref<10000x128xf32, #tpu.memory_space<hbm>>
    tpu.wait_indirect_dma semaphore(%arg12 : memref<!tpu.dma_semaphore, #tpu.memory_space<semaphore_mem>>) src(%dma_wait3A_154 : memref<10000x128xf32, #tpu.memory_space<hbm>>) dst(%arg7 : memref<64x128xf32, #tpu.memory_space<vmem>>)
    %dma_wait3A_155 = arith.constant 0 : i32
    %dma_wait3A_156 = arith.constant 0 : i32
    %dma_wait3A_157 = arith.constant 2 : i32
    %dma_wait3A_158 = arith.constant 0 : i32
    %dma_wait3A_159 = tpu.memref_slice %arg5[%dma_wait3A_155, %dma_wait3A_156, %dma_wait3A_157, %dma_wait3A_158] : memref<2x2x4x64xi32, #tpu.memory_space<vmem>> -> memref<1x1x1x64xi32, #tpu.memory_space<vmem>>
    %dma_wait3A_160 = tpu.memref_squeeze %dma_wait3A_159 : memref<1x1x1x64xi32, #tpu.memory_space<vmem>> -> memref<64xi32, #tpu.memory_space<vmem>>
    %dma_wait3A_161 = arith.constant 0 : i32
    %dma_wait3A_162 = arith.constant 0 : i32
    %dma_wait3A_163 = tpu.memref_slice %arg2[%dma_wait3A_161, %dma_wait3A_162] : memref<10000x128xf32, #tpu.memory_space<hbm>> -> memref<10000x128xf32, #tpu.memory_space<hbm>>
    tpu.wait_indirect_dma semaphore(%arg13 : memref<!tpu.dma_semaphore, #tpu.memory_space<semaphore_mem>>) src(%dma_wait3A_163 : memref<10000x128xf32, #tpu.memory_space<hbm>>) dst(%arg8 : memref<64x128xf32, #tpu.memory_space<vmem>>)
    %dma_wait3A_164 = arith.constant 0 : i32
    %dma_wait3A_165 = arith.constant 0 : i32
    %dma_wait3A_166 = arith.constant 3 : i32
    %dma_wait3A_167 = arith.constant 0 : i32
    %dma_wait3A_168 = tpu.memref_slice %arg5[%dma_wait3A_164, %dma_wait3A_165, %dma_wait3A_166, %dma_wait3A_167] : memref<2x2x4x64xi32, #tpu.memory_space<vmem>> -> memref<1x1x1x64xi32, #tpu.memory_space<vmem>>
    %dma_wait3A_169 = tpu.memref_squeeze %dma_wait3A_168 : memref<1x1x1x64xi32, #tpu.memory_space<vmem>> -> memref<64xi32, #tpu.memory_space<vmem>>
    %dma_wait3A_170 = arith.constant 0 : i32
    %dma_wait3A_171 = arith.constant 0 : i32
    %dma_wait3A_172 = tpu.memref_slice %arg2[%dma_wait3A_170, %dma_wait3A_171] : memref<10000x128xf32, #tpu.memory_space<hbm>> -> memref<10000x128xf32, #tpu.memory_space<hbm>>
    tpu.wait_indirect_dma semaphore(%arg14 : memref<!tpu.dma_semaphore, #tpu.memory_space<semaphore_mem>>) src(%dma_wait3A_172 : memref<10000x128xf32, #tpu.memory_space<hbm>>) dst(%arg9 : memref<64x128xf32, #tpu.memory_space<vmem>>)
    %dma_wait3A_173 = arith.constant 0 : i32
    %dma_wait3A_174 = arith.constant 1 : i32
    %dma_wait3A_175 = arith.constant 0 : i32
    %dma_wait3A_176 = arith.constant 0 : i32
    %dma_wait3A_177 = arith.constant 0 : i32
    %dma_wait3A_178 = tpu.memref_slice %arg5[%dma_wait3A_174, %dma_wait3A_175, %dma_wait3A_176, %dma_wait3A_177] : memref<2x2x4x64xi32, #tpu.memory_space<vmem>> -> memref<1x2x4x64xi32, #tpu.memory_space<vmem>>
    %dma_wait3A_179 = tpu.memref_squeeze %dma_wait3A_178 : memref<1x2x4x64xi32, #tpu.memory_space<vmem>> -> memref<2x4x64xi32, #tpu.memory_space<vmem>>
    %dma_wait3A_180 = arith.constant 0 : i32
    %dma_wait3A_181 = arith.constant 0 : i32
    %dma_wait3A_182 = arith.constant 0 : i32
    %dma_wait3A_183 = tpu.memref_slice %arg3[%add3A, %dma_wait3A_173, %dma_wait3A_180, %dma_wait3A_181, %dma_wait3A_182] : memref<32x40x2x4x64xi32, #tpu.memory_space<hbm>> -> memref<1x1x2x4x64xi32, #tpu.memory_space<hbm>>
    %dma_wait3A_184 = tpu.memref_squeeze %dma_wait3A_183 : memref<1x1x2x4x64xi32, #tpu.memory_space<hbm>> -> memref<2x4x64xi32, #tpu.memory_space<hbm>>
    %dma_wait3A_185 = arith.constant 0 : i32
    %dma_wait3A_186 = arith.constant 0 : i32
    %dma_wait3A_187 = arith.constant 0 : i32
    %dma_wait3A_188 = tpu.memref_slice %arg5[%dma_wait3A_174, %dma_wait3A_185, %dma_wait3A_186, %dma_wait3A_187] : memref<2x2x4x64xi32, #tpu.memory_space<vmem>> -> memref<1x2x4x64xi32, #tpu.memory_space<vmem>>
    %dma_wait3A_189 = tpu.memref_squeeze %dma_wait3A_188 : memref<1x2x4x64xi32, #tpu.memory_space<vmem>> -> memref<2x4x64xi32, #tpu.memory_space<vmem>>
    %dma_wait3A_190 = arith.constant 0 : i32
    %dma_wait3A_191 = arith.constant 0 : i32
    %dma_wait3A_192 = arith.constant 0 : i32
    %dma_wait3A_193 = tpu.memref_slice %arg3[%add3A, %dma_wait3A_173, %dma_wait3A_190, %dma_wait3A_191, %dma_wait3A_192] : memref<32x40x2x4x64xi32, #tpu.memory_space<hbm>> -> memref<1x1x2x4x64xi32, #tpu.memory_space<hbm>>
    %dma_wait3A_194 = tpu.memref_squeeze %dma_wait3A_193 : memref<1x1x2x4x64xi32, #tpu.memory_space<hbm>> -> memref<2x4x64xi32, #tpu.memory_space<hbm>>
    tpu.wait_dma2 semaphore(%arg20 : memref<!tpu.dma_semaphore, #tpu.memory_space<semaphore_mem>>) src(%dma_wait3A_194 : memref<2x4x64xi32, #tpu.memory_space<hbm>>) dst(%dma_wait3A_189 : memref<2x4x64xi32, #tpu.memory_space<vmem>>)
    %barrier3A_195 = arith.constant 0 : index
    tpu.barrier barrier_id(%barrier3A_195)
    %mul3A_196 = arith.constant 624 : i32
    %mul3A_197 = arith.muli %arg1, %mul3A_196 : i32
    "tpu.region"() ({
      %run_scoped3A = tpu.sem_alloc : memref<!tpu.dma_semaphore, #tpu.memory_space<semaphore_mem>>
      %dma_start3A_200 = arith.constant 0 : i32
      %dma_start3A_201 = tpu.memref_slice %arg4[%arg0, %mul3A_197, %dma_start3A_200] : memref<2x10000x128xf32, #tpu.memory_space<hbm>> -> memref<1x624x128xf32, #tpu.memory_space<hbm>>
      %dma_start3A_202 = tpu.memref_squeeze %dma_start3A_201 : memref<1x624x128xf32, #tpu.memory_space<hbm>> -> memref<624x128xf32, #tpu.memory_space<hbm>>
      %dma_start3A_203 = arith.constant 0 : i32
      %dma_start3A_204 = tpu.memref_slice %arg10[%mul3A_197, %dma_start3A_203] : memref<10240x128xf32, #tpu.memory_space<vmem_shared>> -> memref<624x128xf32, #tpu.memory_space<vmem_shared>>
      tpu.enqueue_dma source(%dma_start3A_204 : memref<624x128xf32, #tpu.memory_space<vmem_shared>>) target(%dma_start3A_202 : memref<624x128xf32, #tpu.memory_space<hbm>>) target_semaphore(%run_scoped3A : memref<!tpu.dma_semaphore, #tpu.memory_space<semaphore_mem>>)
      %dma_wait3A_205 = arith.constant 0 : i32
      %dma_wait3A_206 = tpu.memref_slice %arg4[%arg0, %mul3A_197, %dma_wait3A_205] : memref<2x10000x128xf32, #tpu.memory_space<hbm>> -> memref<1x624x128xf32, #tpu.memory_space<hbm>>
      %dma_wait3A_207 = tpu.memref_squeeze %dma_wait3A_206 : memref<1x624x128xf32, #tpu.memory_space<hbm>> -> memref<624x128xf32, #tpu.memory_space<hbm>>
      %dma_wait3A_208 = arith.constant 0 : i32
      %dma_wait3A_209 = tpu.memref_slice %arg10[%mul3A_197, %dma_wait3A_208] : memref<10240x128xf32, #tpu.memory_space<vmem_shared>> -> memref<624x128xf32, #tpu.memory_space<vmem_shared>>
      tpu.wait_dma2 semaphore(%run_scoped3A : memref<!tpu.dma_semaphore, #tpu.memory_space<semaphore_mem>>) src(%dma_wait3A_209 : memref<624x128xf32, #tpu.memory_space<vmem_shared>>) dst(%dma_wait3A_207 : memref<624x128xf32, #tpu.memory_space<hbm>>)
      tpu.yield
    }) : () -> ()
    %eq3A = arith.constant 0 : i32
    %eq3A_198 = arith.cmpi eq, %arg1, %eq3A : i32
    %convert_element_type3A = arith.extui %eq3A_198 : i1 to i32
    %cond3A = arith.constant 0 : i32
    %cond3A_199 = arith.cmpi ne, %convert_element_type3A, %cond3A : i32
    scf.if %cond3A_199 {
      "tpu.region"() ({
        %run_scoped3A = tpu.sem_alloc : memref<!tpu.dma_semaphore, #tpu.memory_space<semaphore_mem>>
        %dma_start3A_200 = arith.constant 9984 : i32
        %dma_start3A_201 = arith.constant 0 : i32
        %dma_start3A_202 = tpu.memref_slice %arg4[%arg0, %dma_start3A_200, %dma_start3A_201] : memref<2x10000x128xf32, #tpu.memory_space<hbm>> -> memref<1x16x128xf32, #tpu.memory_space<hbm>>
        %dma_start3A_203 = tpu.memref_squeeze %dma_start3A_202 : memref<1x16x128xf32, #tpu.memory_space<hbm>> -> memref<16x128xf32, #tpu.memory_space<hbm>>
        %dma_start3A_204 = arith.constant 9984 : i32
        %dma_start3A_205 = arith.constant 0 : i32
        %dma_start3A_206 = tpu.memref_slice %arg10[%dma_start3A_204, %dma_start3A_205] : memref<10240x128xf32, #tpu.memory_space<vmem_shared>> -> memref<16x128xf32, #tpu.memory_space<vmem_shared>>
        tpu.enqueue_dma source(%dma_start3A_206 : memref<16x128xf32, #tpu.memory_space<vmem_shared>>) target(%dma_start3A_203 : memref<16x128xf32, #tpu.memory_space<hbm>>) target_semaphore(%run_scoped3A : memref<!tpu.dma_semaphore, #tpu.memory_space<semaphore_mem>>)
        %dma_wait3A_207 = arith.constant 9984 : i32
        %dma_wait3A_208 = arith.constant 0 : i32
        %dma_wait3A_209 = tpu.memref_slice %arg4[%arg0, %dma_wait3A_207, %dma_wait3A_208] : memref<2x10000x128xf32, #tpu.memory_space<hbm>> -> memref<1x16x128xf32, #tpu.memory_space<hbm>>
        %dma_wait3A_210 = tpu.memref_squeeze %dma_wait3A_209 : memref<1x16x128xf32, #tpu.memory_space<hbm>> -> memref<16x128xf32, #tpu.memory_space<hbm>>
        %dma_wait3A_211 = arith.constant 9984 : i32
        %dma_wait3A_212 = arith.constant 0 : i32
        %dma_wait3A_213 = tpu.memref_slice %arg10[%dma_wait3A_211, %dma_wait3A_212] : memref<10240x128xf32, #tpu.memory_space<vmem_shared>> -> memref<16x128xf32, #tpu.memory_space<vmem_shared>>
        tpu.wait_dma2 semaphore(%run_scoped3A : memref<!tpu.dma_semaphore, #tpu.memory_space<semaphore_mem>>) src(%dma_wait3A_213 : memref<16x128xf32, #tpu.memory_space<vmem_shared>>) dst(%dma_wait3A_210 : memref<16x128xf32, #tpu.memory_space<hbm>>)
        tpu.yield
      }) : () -> ()
    } else {
    }
    return
  }
}

#map = affine_map<(d0, d1) -> (0, 0)>
#map1 = affine_map<(d0, d1) -> (0, 0, 0, 0, 0)>
#map2 = affine_map<(d0, d1) -> (0, 0, 0)>
module attributes {stable_mosaic.version = 14 : i64} {
  func.func @_sc_agg_body(%arg0: i32, %arg1: i32, %arg2: memref<10000x128xf32, #tpu.memory_space<hbm>>, %arg3: memref<32x40x2x4x64xi32, #tpu.memory_space<hbm>>, %arg4: memref<2x10000x128xf32, #tpu.memory_space<hbm>>, %arg5: memref<2x2x4x64xi32, #tpu.memory_space<vmem>>, %arg6: memref<64x128xf32, #tpu.memory_space<vmem>>, %arg7: memref<64x128xf32, #tpu.memory_space<vmem>>, %arg8: memref<64x128xf32, #tpu.memory_space<vmem>>, %arg9: memref<64x128xf32, #tpu.memory_space<vmem>>, %arg10: memref<10240x128xf32, #tpu.memory_space<vmem_shared>>, %arg11: memref<!tpu.dma_semaphore, #tpu.memory_space<semaphore_mem>>, %arg12: memref<!tpu.dma_semaphore, #tpu.memory_space<semaphore_mem>>, %arg13: memref<!tpu.dma_semaphore, #tpu.memory_space<semaphore_mem>>, %arg14: memref<!tpu.dma_semaphore, #tpu.memory_space<semaphore_mem>>, %arg15: memref<!tpu.dma_semaphore, #tpu.memory_space<semaphore_mem>>, %arg16: memref<!tpu.dma_semaphore, #tpu.memory_space<semaphore_mem>>, %arg17: memref<!tpu.dma_semaphore, #tpu.memory_space<semaphore_mem>>, %arg18: memref<!tpu.dma_semaphore, #tpu.memory_space<semaphore_mem>>, %arg19: memref<!tpu.dma_semaphore, #tpu.memory_space<semaphore_mem>>, %arg20: memref<!tpu.dma_semaphore, #tpu.memory_space<semaphore_mem>>) attributes {dimension_semantics = [#tpu.dimension_semantics<core_parallel>, #tpu.dimension_semantics<subcore_parallel>], iteration_bounds = array<i64: 2, 16>, scalar_prefetch = 0 : i64, scratch_operands = 16 : i64, tpu.core_type = #tpu.core_type<sc_vector_subcore>, window_params = [{transform_indices = #map}, {transform_indices = #map1}, {transform_indices = #map2}]} {
    %mul3A = arith.constant 2 : i32
    %mul3A_0 = arith.muli %arg1, %mul3A : i32
    %add3A = arith.addi %mul3A_0, %arg0 : i32
    %dma_start3A = arith.constant 0 : i32
    %dma_start3A_1 = arith.constant 0 : i32
    %dma_start3A_2 = arith.constant 0 : i32
    %dma_start3A_3 = arith.constant 0 : i32
    %dma_start3A_4 = arith.constant 0 : i32
    %dma_start3A_5 = tpu.memref_slice %arg5[%dma_start3A_1, %dma_start3A_2, %dma_start3A_3, %dma_start3A_4] : memref<2x2x4x64xi32, #tpu.memory_space<vmem>> -> memref<1x2x4x64xi32, #tpu.memory_space<vmem>>
    %dma_start3A_6 = tpu.memref_squeeze %dma_start3A_5 : memref<1x2x4x64xi32, #tpu.memory_space<vmem>> -> memref<2x4x64xi32, #tpu.memory_space<vmem>>
    %dma_start3A_7 = arith.constant 0 : i32
    %dma_start3A_8 = arith.constant 0 : i32
    %dma_start3A_9 = arith.constant 0 : i32
    %dma_start3A_10 = tpu.memref_slice %arg3[%add3A, %dma_start3A, %dma_start3A_7, %dma_start3A_8, %dma_start3A_9] : memref<32x40x2x4x64xi32, #tpu.memory_space<hbm>> -> memref<1x1x2x4x64xi32, #tpu.memory_space<hbm>>
    %dma_start3A_11 = tpu.memref_squeeze %dma_start3A_10 : memref<1x1x2x4x64xi32, #tpu.memory_space<hbm>> -> memref<2x4x64xi32, #tpu.memory_space<hbm>>
    %dma_start3A_12 = arith.constant 0 : i32
    %dma_start3A_13 = arith.constant 0 : i32
    %dma_start3A_14 = arith.constant 0 : i32
    %dma_start3A_15 = tpu.memref_slice %arg5[%dma_start3A_1, %dma_start3A_12, %dma_start3A_13, %dma_start3A_14] : memref<2x2x4x64xi32, #tpu.memory_space<vmem>> -> memref<1x2x4x64xi32, #tpu.memory_space<vmem>>
    %dma_start3A_16 = tpu.memref_squeeze %dma_start3A_15 : memref<1x2x4x64xi32, #tpu.memory_space<vmem>> -> memref<2x4x64xi32, #tpu.memory_space<vmem>>
    %dma_start3A_17 = arith.constant 0 : i32
    %dma_start3A_18 = arith.constant 0 : i32
    %dma_start3A_19 = arith.constant 0 : i32
    %dma_start3A_20 = tpu.memref_slice %arg3[%add3A, %dma_start3A, %dma_start3A_17, %dma_start3A_18, %dma_start3A_19] : memref<32x40x2x4x64xi32, #tpu.memory_space<hbm>> -> memref<1x1x2x4x64xi32, #tpu.memory_space<hbm>>
    %dma_start3A_21 = tpu.memref_squeeze %dma_start3A_20 : memref<1x1x2x4x64xi32, #tpu.memory_space<hbm>> -> memref<2x4x64xi32, #tpu.memory_space<hbm>>
    tpu.enqueue_dma source(%dma_start3A_21 : memref<2x4x64xi32, #tpu.memory_space<hbm>>) target(%dma_start3A_16 : memref<2x4x64xi32, #tpu.memory_space<vmem>>) target_semaphore(%arg19 : memref<!tpu.dma_semaphore, #tpu.memory_space<semaphore_mem>>)
    %dma_wait3A = arith.constant 0 : i32
    %dma_wait3A_22 = arith.constant 0 : i32
    %dma_wait3A_23 = arith.constant 0 : i32
    %dma_wait3A_24 = arith.constant 0 : i32
    %dma_wait3A_25 = arith.constant 0 : i32
    %dma_wait3A_26 = tpu.memref_slice %arg5[%dma_wait3A_22, %dma_wait3A_23, %dma_wait3A_24, %dma_wait3A_25] : memref<2x2x4x64xi32, #tpu.memory_space<vmem>> -> memref<1x2x4x64xi32, #tpu.memory_space<vmem>>
    %dma_wait3A_27 = tpu.memref_squeeze %dma_wait3A_26 : memref<1x2x4x64xi32, #tpu.memory_space<vmem>> -> memref<2x4x64xi32, #tpu.memory_space<vmem>>
    %dma_wait3A_28 = arith.constant 0 : i32
    %dma_wait3A_29 = arith.constant 0 : i32
    %dma_wait3A_30 = arith.constant 0 : i32
    %dma_wait3A_31 = tpu.memref_slice %arg3[%add3A, %dma_wait3A, %dma_wait3A_28, %dma_wait3A_29, %dma_wait3A_30] : memref<32x40x2x4x64xi32, #tpu.memory_space<hbm>> -> memref<1x1x2x4x64xi32, #tpu.memory_space<hbm>>
    %dma_wait3A_32 = tpu.memref_squeeze %dma_wait3A_31 : memref<1x1x2x4x64xi32, #tpu.memory_space<hbm>> -> memref<2x4x64xi32, #tpu.memory_space<hbm>>
    %dma_wait3A_33 = arith.constant 0 : i32
    %dma_wait3A_34 = arith.constant 0 : i32
    %dma_wait3A_35 = arith.constant 0 : i32
    %dma_wait3A_36 = tpu.memref_slice %arg5[%dma_wait3A_22, %dma_wait3A_33, %dma_wait3A_34, %dma_wait3A_35] : memref<2x2x4x64xi32, #tpu.memory_space<vmem>> -> memref<1x2x4x64xi32, #tpu.memory_space<vmem>>
    %dma_wait3A_37 = tpu.memref_squeeze %dma_wait3A_36 : memref<1x2x4x64xi32, #tpu.memory_space<vmem>> -> memref<2x4x64xi32, #tpu.memory_space<vmem>>
    %dma_wait3A_38 = arith.constant 0 : i32
    %dma_wait3A_39 = arith.constant 0 : i32
    %dma_wait3A_40 = arith.constant 0 : i32
    %dma_wait3A_41 = tpu.memref_slice %arg3[%add3A, %dma_wait3A, %dma_wait3A_38, %dma_wait3A_39, %dma_wait3A_40] : memref<32x40x2x4x64xi32, #tpu.memory_space<hbm>> -> memref<1x1x2x4x64xi32, #tpu.memory_space<hbm>>
    %dma_wait3A_42 = tpu.memref_squeeze %dma_wait3A_41 : memref<1x1x2x4x64xi32, #tpu.memory_space<hbm>> -> memref<2x4x64xi32, #tpu.memory_space<hbm>>
    tpu.wait_dma2 semaphore(%arg19 : memref<!tpu.dma_semaphore, #tpu.memory_space<semaphore_mem>>) src(%dma_wait3A_42 : memref<2x4x64xi32, #tpu.memory_space<hbm>>) dst(%dma_wait3A_37 : memref<2x4x64xi32, #tpu.memory_space<vmem>>)
    %dma_start3A_43 = arith.constant 1 : i32
    %dma_start3A_44 = arith.constant 1 : i32
    %dma_start3A_45 = arith.constant 0 : i32
    %dma_start3A_46 = arith.constant 0 : i32
    %dma_start3A_47 = arith.constant 0 : i32
    %dma_start3A_48 = tpu.memref_slice %arg5[%dma_start3A_44, %dma_start3A_45, %dma_start3A_46, %dma_start3A_47] : memref<2x2x4x64xi32, #tpu.memory_space<vmem>> -> memref<1x2x4x64xi32, #tpu.memory_space<vmem>>
    %dma_start3A_49 = tpu.memref_squeeze %dma_start3A_48 : memref<1x2x4x64xi32, #tpu.memory_space<vmem>> -> memref<2x4x64xi32, #tpu.memory_space<vmem>>
    %dma_start3A_50 = arith.constant 0 : i32
    %dma_start3A_51 = arith.constant 0 : i32
    %dma_start3A_52 = arith.constant 0 : i32
    %dma_start3A_53 = tpu.memref_slice %arg3[%add3A, %dma_start3A_43, %dma_start3A_50, %dma_start3A_51, %dma_start3A_52] : memref<32x40x2x4x64xi32, #tpu.memory_space<hbm>> -> memref<1x1x2x4x64xi32, #tpu.memory_space<hbm>>
    %dma_start3A_54 = tpu.memref_squeeze %dma_start3A_53 : memref<1x1x2x4x64xi32, #tpu.memory_space<hbm>> -> memref<2x4x64xi32, #tpu.memory_space<hbm>>
    %dma_start3A_55 = arith.constant 0 : i32
    %dma_start3A_56 = arith.constant 0 : i32
    %dma_start3A_57 = arith.constant 0 : i32
    %dma_start3A_58 = tpu.memref_slice %arg5[%dma_start3A_44, %dma_start3A_55, %dma_start3A_56, %dma_start3A_57] : memref<2x2x4x64xi32, #tpu.memory_space<vmem>> -> memref<1x2x4x64xi32, #tpu.memory_space<vmem>>
    %dma_start3A_59 = tpu.memref_squeeze %dma_start3A_58 : memref<1x2x4x64xi32, #tpu.memory_space<vmem>> -> memref<2x4x64xi32, #tpu.memory_space<vmem>>
    %dma_start3A_60 = arith.constant 0 : i32
    %dma_start3A_61 = arith.constant 0 : i32
    %dma_start3A_62 = arith.constant 0 : i32
    %dma_start3A_63 = tpu.memref_slice %arg3[%add3A, %dma_start3A_43, %dma_start3A_60, %dma_start3A_61, %dma_start3A_62] : memref<32x40x2x4x64xi32, #tpu.memory_space<hbm>> -> memref<1x1x2x4x64xi32, #tpu.memory_space<hbm>>
    %dma_start3A_64 = tpu.memref_squeeze %dma_start3A_63 : memref<1x1x2x4x64xi32, #tpu.memory_space<hbm>> -> memref<2x4x64xi32, #tpu.memory_space<hbm>>
    tpu.enqueue_dma source(%dma_start3A_64 : memref<2x4x64xi32, #tpu.memory_space<hbm>>) target(%dma_start3A_59 : memref<2x4x64xi32, #tpu.memory_space<vmem>>) target_semaphore(%arg20 : memref<!tpu.dma_semaphore, #tpu.memory_space<semaphore_mem>>)
    %dma_start3A_65 = arith.constant 0 : i32
    %dma_start3A_66 = arith.constant 0 : i32
    %dma_start3A_67 = arith.constant 0 : i32
    %dma_start3A_68 = arith.constant 0 : i32
    %dma_start3A_69 = tpu.memref_slice %arg5[%dma_start3A_65, %dma_start3A_66, %dma_start3A_67, %dma_start3A_68] : memref<2x2x4x64xi32, #tpu.memory_space<vmem>> -> memref<1x1x1x64xi32, #tpu.memory_space<vmem>>
    %dma_start3A_70 = tpu.memref_squeeze %dma_start3A_69 : memref<1x1x1x64xi32, #tpu.memory_space<vmem>> -> memref<64xi32, #tpu.memory_space<vmem>>
    %dma_start3A_71 = arith.constant 0 : i32
    %dma_start3A_72 = arith.constant 0 : i32
    %dma_start3A_73 = tpu.memref_slice %arg2[%dma_start3A_71, %dma_start3A_72] : memref<10000x128xf32, #tpu.memory_space<hbm>> -> memref<10000x128xf32, #tpu.memory_space<hbm>>
    tpu.enqueue_indirect_dma source(%dma_start3A_73 : memref<10000x128xf32, #tpu.memory_space<hbm>>) target(%arg6 : memref<64x128xf32, #tpu.memory_space<vmem>>) offsets(%dma_start3A_70 : memref<64xi32, #tpu.memory_space<vmem>>) semaphore(%arg11 : memref<!tpu.dma_semaphore, #tpu.memory_space<semaphore_mem>>)
    %dma_start3A_74 = arith.constant 0 : i32
    %dma_start3A_75 = arith.constant 0 : i32
    %dma_start3A_76 = arith.constant 1 : i32
    %dma_start3A_77 = arith.constant 0 : i32
    %dma_start3A_78 = tpu.memref_slice %arg5[%dma_start3A_74, %dma_start3A_75, %dma_start3A_76, %dma_start3A_77] : memref<2x2x4x64xi32, #tpu.memory_space<vmem>> -> memref<1x1x1x64xi32, #tpu.memory_space<vmem>>
    %dma_start3A_79 = tpu.memref_squeeze %dma_start3A_78 : memref<1x1x1x64xi32, #tpu.memory_space<vmem>> -> memref<64xi32, #tpu.memory_space<vmem>>
    %dma_start3A_80 = arith.constant 0 : i32
    %dma_start3A_81 = arith.constant 0 : i32
    %dma_start3A_82 = tpu.memref_slice %arg2[%dma_start3A_80, %dma_start3A_81] : memref<10000x128xf32, #tpu.memory_space<hbm>> -> memref<10000x128xf32, #tpu.memory_space<hbm>>
    tpu.enqueue_indirect_dma source(%dma_start3A_82 : memref<10000x128xf32, #tpu.memory_space<hbm>>) target(%arg7 : memref<64x128xf32, #tpu.memory_space<vmem>>) offsets(%dma_start3A_79 : memref<64xi32, #tpu.memory_space<vmem>>) semaphore(%arg12 : memref<!tpu.dma_semaphore, #tpu.memory_space<semaphore_mem>>)
    %dma_start3A_83 = arith.constant 0 : i32
    %dma_start3A_84 = arith.constant 0 : i32
    %dma_start3A_85 = arith.constant 2 : i32
    %dma_start3A_86 = arith.constant 0 : i32
    %dma_start3A_87 = tpu.memref_slice %arg5[%dma_start3A_83, %dma_start3A_84, %dma_start3A_85, %dma_start3A_86] : memref<2x2x4x64xi32, #tpu.memory_space<vmem>> -> memref<1x1x1x64xi32, #tpu.memory_space<vmem>>
    %dma_start3A_88 = tpu.memref_squeeze %dma_start3A_87 : memref<1x1x1x64xi32, #tpu.memory_space<vmem>> -> memref<64xi32, #tpu.memory_space<vmem>>
    %dma_start3A_89 = arith.constant 0 : i32
    %dma_start3A_90 = arith.constant 0 : i32
    %dma_start3A_91 = tpu.memref_slice %arg2[%dma_start3A_89, %dma_start3A_90] : memref<10000x128xf32, #tpu.memory_space<hbm>> -> memref<10000x128xf32, #tpu.memory_space<hbm>>
    tpu.enqueue_indirect_dma source(%dma_start3A_91 : memref<10000x128xf32, #tpu.memory_space<hbm>>) target(%arg8 : memref<64x128xf32, #tpu.memory_space<vmem>>) offsets(%dma_start3A_88 : memref<64xi32, #tpu.memory_space<vmem>>) semaphore(%arg13 : memref<!tpu.dma_semaphore, #tpu.memory_space<semaphore_mem>>)
    %broadcast_in_dim3A = arith.constant 0.000000e+00 : f32
    %broadcast_in_dim3A_92 = vector.broadcast %broadcast_in_dim3A : f32 to vector<16xf32>
    %scan3A = arith.constant 0 : i32
    %scan3A_93 = arith.constant 0 : i32
    %scan3A_94 = arith.constant 64 : i32
    %scan3A_95 = arith.addi %scan3A_93, %scan3A_94 : i32
    %scan3A_96 = arith.constant 1 : i32
    %scan3A_97 = scf.for %scan3A_200 = %scan3A_93 to %scan3A_95 step %scan3A_96 iter_args(%scan3A_201 = %scan3A) -> (i32)  : i32 {
      %scan3A_202 = arith.constant 0 : i32
      %scan3A_203 = arith.constant 0 : i32
      %scan3A_204 = arith.constant 8 : i32
      %scan3A_205 = arith.addi %scan3A_203, %scan3A_204 : i32
      %scan3A_206 = arith.constant 1 : i32
      %scan3A_207 = scf.for %scan3A_209 = %scan3A_203 to %scan3A_205 step %scan3A_206 iter_args(%scan3A_210 = %scan3A_202) -> (i32)  : i32 {
        %mul3A_211 = arith.constant 16 : i32
        %mul3A_212 = arith.muli %scan3A_209, %mul3A_211 : i32
        %swap3A = arith.index_cast %scan3A_200 : i32 to index
        %swap3A_213 = arith.index_cast %mul3A_212 : i32 to index
        %swap3A_214 = tpu.vector_load %arg9[%swap3A, %swap3A_213] {strides = array<i32>} : memref<64x128xf32, #tpu.memory_space<vmem>>, vector<1x16xf32>,
        %swap3A_215 = vector.shape_cast %swap3A_214 : vector<1x16xf32> to vector<16xf32>
        %swap3A_216 = vector.shape_cast %broadcast_in_dim3A_92 : vector<16xf32> to vector<1x16xf32>
        tpu.vector_store %arg9[%swap3A, %swap3A_213], %swap3A_216 {strides = array<i32>} : memref<64x128xf32, #tpu.memory_space<vmem>>, vector<1x16xf32>,
        %scan3A_217 = arith.constant 0 : i32
        scf.yield %scan3A_217 : i32
      }
      %scan3A_208 = arith.constant 8 : i32
      scf.yield %scan3A_207 : i32
    }
    %scan3A_98 = arith.constant 64 : i32
    %mul3A_99 = arith.constant 640 : i32
    %mul3A_100 = arith.muli %arg1, %mul3A_99 : i32
    %add3A_101 = arith.constant 0 : i32
    %add3A_102 = arith.addi %mul3A_100, %add3A_101 : i32
    "tpu.region"() ({
      %run_scoped3A = tpu.sem_alloc : memref<!tpu.dma_semaphore, #tpu.memory_space<semaphore_mem>>
      %dma_start3A_200 = arith.constant 0 : i32
      %dma_start3A_201 = tpu.memref_slice %arg10[%add3A_102, %dma_start3A_200] : memref<10240x128xf32, #tpu.memory_space<vmem_shared>> -> memref<64x128xf32, #tpu.memory_space<vmem_shared>>
      %dma_start3A_202 = arith.constant 0 : i32
      %dma_start3A_203 = tpu.memref_slice %arg10[%add3A_102, %dma_start3A_202] : memref<10240x128xf32, #tpu.memory_space<vmem_shared>> -> memref<64x128xf32, #tpu.memory_space<vmem_shared>>
      tpu.enqueue_dma source(%arg9 : memref<64x128xf32, #tpu.memory_space<vmem>>) target(%dma_start3A_203 : memref<64x128xf32, #tpu.memory_space<vmem_shared>>) target_semaphore(%run_scoped3A : memref<!tpu.dma_semaphore, #tpu.memory_space<semaphore_mem>>)
      %dma_wait3A_204 = arith.constant 0 : i32
      %dma_wait3A_205 = tpu.memref_slice %arg10[%add3A_102, %dma_wait3A_204] : memref<10240x128xf32, #tpu.memory_space<vmem_shared>> -> memref<64x128xf32, #tpu.memory_space<vmem_shared>>
      %dma_wait3A_206 = arith.constant 0 : i32
      %dma_wait3A_207 = tpu.memref_slice %arg10[%add3A_102, %dma_wait3A_206] : memref<10240x128xf32, #tpu.memory_space<vmem_shared>> -> memref<64x128xf32, #tpu.memory_space<vmem_shared>>
      tpu.wait_dma2 semaphore(%run_scoped3A : memref<!tpu.dma_semaphore, #tpu.memory_space<semaphore_mem>>) src(%arg9 : memref<64x128xf32, #tpu.memory_space<vmem>>) dst(%dma_wait3A_207 : memref<64x128xf32, #tpu.memory_space<vmem_shared>>)
      tpu.yield
    }) : () -> ()
    %add3A_103 = arith.constant 64 : i32
    %add3A_104 = arith.addi %mul3A_100, %add3A_103 : i32
    "tpu.region"() ({
      %run_scoped3A = tpu.sem_alloc : memref<!tpu.dma_semaphore, #tpu.memory_space<semaphore_mem>>
      %dma_start3A_200 = arith.constant 0 : i32
      %dma_start3A_201 = tpu.memref_slice %arg10[%add3A_104, %dma_start3A_200] : memref<10240x128xf32, #tpu.memory_space<vmem_shared>> -> memref<64x128xf32, #tpu.memory_space<vmem_shared>>
      %dma_start3A_202 = arith.constant 0 : i32
      %dma_start3A_203 = tpu.memref_slice %arg10[%add3A_104, %dma_start3A_202] : memref<10240x128xf32, #tpu.memory_space<vmem_shared>> -> memref<64x128xf32, #tpu.memory_space<vmem_shared>>
      tpu.enqueue_dma source(%arg9 : memref<64x128xf32, #tpu.memory_space<vmem>>) target(%dma_start3A_203 : memref<64x128xf32, #tpu.memory_space<vmem_shared>>) target_semaphore(%run_scoped3A : memref<!tpu.dma_semaphore, #tpu.memory_space<semaphore_mem>>)
      %dma_wait3A_204 = arith.constant 0 : i32
      %dma_wait3A_205 = tpu.memref_slice %arg10[%add3A_104, %dma_wait3A_204] : memref<10240x128xf32, #tpu.memory_space<vmem_shared>> -> memref<64x128xf32, #tpu.memory_space<vmem_shared>>
      %dma_wait3A_206 = arith.constant 0 : i32
      %dma_wait3A_207 = tpu.memref_slice %arg10[%add3A_104, %dma_wait3A_206] : memref<10240x128xf32, #tpu.memory_space<vmem_shared>> -> memref<64x128xf32, #tpu.memory_space<vmem_shared>>
      tpu.wait_dma2 semaphore(%run_scoped3A : memref<!tpu.dma_semaphore, #tpu.memory_space<semaphore_mem>>) src(%arg9 : memref<64x128xf32, #tpu.memory_space<vmem>>) dst(%dma_wait3A_207 : memref<64x128xf32, #tpu.memory_space<vmem_shared>>)
      tpu.yield
    }) : () -> ()
    %add3A_105 = arith.constant 128 : i32
    %add3A_106 = arith.addi %mul3A_100, %add3A_105 : i32
    "tpu.region"() ({
      %run_scoped3A = tpu.sem_alloc : memref<!tpu.dma_semaphore, #tpu.memory_space<semaphore_mem>>
      %dma_start3A_200 = arith.constant 0 : i32
      %dma_start3A_201 = tpu.memref_slice %arg10[%add3A_106, %dma_start3A_200] : memref<10240x128xf32, #tpu.memory_space<vmem_shared>> -> memref<64x128xf32, #tpu.memory_space<vmem_shared>>
      %dma_start3A_202 = arith.constant 0 : i32
      %dma_start3A_203 = tpu.memref_slice %arg10[%add3A_106, %dma_start3A_202] : memref<10240x128xf32, #tpu.memory_space<vmem_shared>> -> memref<64x128xf32, #tpu.memory_space<vmem_shared>>
      tpu.enqueue_dma source(%arg9 : memref<64x128xf32, #tpu.memory_space<vmem>>) target(%dma_start3A_203 : memref<64x128xf32, #tpu.memory_space<vmem_shared>>) target_semaphore(%run_scoped3A : memref<!tpu.dma_semaphore, #tpu.memory_space<semaphore_mem>>)
      %dma_wait3A_204 = arith.constant 0 : i32
      %dma_wait3A_205 = tpu.memref_slice %arg10[%add3A_106, %dma_wait3A_204] : memref<10240x128xf32, #tpu.memory_space<vmem_shared>> -> memref<64x128xf32, #tpu.memory_space<vmem_shared>>
      %dma_wait3A_206 = arith.constant 0 : i32
      %dma_wait3A_207 = tpu.memref_slice %arg10[%add3A_106, %dma_wait3A_206] : memref<10240x128xf32, #tpu.memory_space<vmem_shared>> -> memref<64x128xf32, #tpu.memory_space<vmem_shared>>
      tpu.wait_dma2 semaphore(%run_scoped3A : memref<!tpu.dma_semaphore, #tpu.memory_space<semaphore_mem>>) src(%arg9 : memref<64x128xf32, #tpu.memory_space<vmem>>) dst(%dma_wait3A_207 : memref<64x128xf32, #tpu.memory_space<vmem_shared>>)
      tpu.yield
    }) : () -> ()
    %add3A_107 = arith.constant 192 : i32
    %add3A_108 = arith.addi %mul3A_100, %add3A_107 : i32
    "tpu.region"() ({
      %run_scoped3A = tpu.sem_alloc : memref<!tpu.dma_semaphore, #tpu.memory_space<semaphore_mem>>
      %dma_start3A_200 = arith.constant 0 : i32
      %dma_start3A_201 = tpu.memref_slice %arg10[%add3A_108, %dma_start3A_200] : memref<10240x128xf32, #tpu.memory_space<vmem_shared>> -> memref<64x128xf32, #tpu.memory_space<vmem_shared>>
      %dma_start3A_202 = arith.constant 0 : i32
      %dma_start3A_203 = tpu.memref_slice %arg10[%add3A_108, %dma_start3A_202] : memref<10240x128xf32, #tpu.memory_space<vmem_shared>> -> memref<64x128xf32, #tpu.memory_space<vmem_shared>>
      tpu.enqueue_dma source(%arg9 : memref<64x128xf32, #tpu.memory_space<vmem>>) target(%dma_start3A_203 : memref<64x128xf32, #tpu.memory_space<vmem_shared>>) target_semaphore(%run_scoped3A : memref<!tpu.dma_semaphore, #tpu.memory_space<semaphore_mem>>)
      %dma_wait3A_204 = arith.constant 0 : i32
      %dma_wait3A_205 = tpu.memref_slice %arg10[%add3A_108, %dma_wait3A_204] : memref<10240x128xf32, #tpu.memory_space<vmem_shared>> -> memref<64x128xf32, #tpu.memory_space<vmem_shared>>
      %dma_wait3A_206 = arith.constant 0 : i32
      %dma_wait3A_207 = tpu.memref_slice %arg10[%add3A_108, %dma_wait3A_206] : memref<10240x128xf32, #tpu.memory_space<vmem_shared>> -> memref<64x128xf32, #tpu.memory_space<vmem_shared>>
      tpu.wait_dma2 semaphore(%run_scoped3A : memref<!tpu.dma_semaphore, #tpu.memory_space<semaphore_mem>>) src(%arg9 : memref<64x128xf32, #tpu.memory_space<vmem>>) dst(%dma_wait3A_207 : memref<64x128xf32, #tpu.memory_space<vmem_shared>>)
      tpu.yield
    }) : () -> ()
    %add3A_109 = arith.constant 256 : i32
    %add3A_110 = arith.addi %mul3A_100, %add3A_109 : i32
    "tpu.region"() ({
      %run_scoped3A = tpu.sem_alloc : memref<!tpu.dma_semaphore, #tpu.memory_space<semaphore_mem>>
      %dma_start3A_200 = arith.constant 0 : i32
      %dma_start3A_201 = tpu.memref_slice %arg10[%add3A_110, %dma_start3A_200] : memref<10240x128xf32, #tpu.memory_space<vmem_shared>> -> memref<64x128xf32, #tpu.memory_space<vmem_shared>>
      %dma_start3A_202 = arith.constant 0 : i32
      %dma_start3A_203 = tpu.memref_slice %arg10[%add3A_110, %dma_start3A_202] : memref<10240x128xf32, #tpu.memory_space<vmem_shared>> -> memref<64x128xf32, #tpu.memory_space<vmem_shared>>
      tpu.enqueue_dma source(%arg9 : memref<64x128xf32, #tpu.memory_space<vmem>>) target(%dma_start3A_203 : memref<64x128xf32, #tpu.memory_space<vmem_shared>>) target_semaphore(%run_scoped3A : memref<!tpu.dma_semaphore, #tpu.memory_space<semaphore_mem>>)
      %dma_wait3A_204 = arith.constant 0 : i32
      %dma_wait3A_205 = tpu.memref_slice %arg10[%add3A_110, %dma_wait3A_204] : memref<10240x128xf32, #tpu.memory_space<vmem_shared>> -> memref<64x128xf32, #tpu.memory_space<vmem_shared>>
      %dma_wait3A_206 = arith.constant 0 : i32
      %dma_wait3A_207 = tpu.memref_slice %arg10[%add3A_110, %dma_wait3A_206] : memref<10240x128xf32, #tpu.memory_space<vmem_shared>> -> memref<64x128xf32, #tpu.memory_space<vmem_shared>>
      tpu.wait_dma2 semaphore(%run_scoped3A : memref<!tpu.dma_semaphore, #tpu.memory_space<semaphore_mem>>) src(%arg9 : memref<64x128xf32, #tpu.memory_space<vmem>>) dst(%dma_wait3A_207 : memref<64x128xf32, #tpu.memory_space<vmem_shared>>)
      tpu.yield
    }) : () -> ()
    %add3A_111 = arith.constant 320 : i32
    %add3A_112 = arith.addi %mul3A_100, %add3A_111 : i32
    "tpu.region"() ({
      %run_scoped3A = tpu.sem_alloc : memref<!tpu.dma_semaphore, #tpu.memory_space<semaphore_mem>>
      %dma_start3A_200 = arith.constant 0 : i32
      %dma_start3A_201 = tpu.memref_slice %arg10[%add3A_112, %dma_start3A_200] : memref<10240x128xf32, #tpu.memory_space<vmem_shared>> -> memref<64x128xf32, #tpu.memory_space<vmem_shared>>
      %dma_start3A_202 = arith.constant 0 : i32
      %dma_start3A_203 = tpu.memref_slice %arg10[%add3A_112, %dma_start3A_202] : memref<10240x128xf32, #tpu.memory_space<vmem_shared>> -> memref<64x128xf32, #tpu.memory_space<vmem_shared>>
      tpu.enqueue_dma source(%arg9 : memref<64x128xf32, #tpu.memory_space<vmem>>) target(%dma_start3A_203 : memref<64x128xf32, #tpu.memory_space<vmem_shared>>) target_semaphore(%run_scoped3A : memref<!tpu.dma_semaphore, #tpu.memory_space<semaphore_mem>>)
      %dma_wait3A_204 = arith.constant 0 : i32
      %dma_wait3A_205 = tpu.memref_slice %arg10[%add3A_112, %dma_wait3A_204] : memref<10240x128xf32, #tpu.memory_space<vmem_shared>> -> memref<64x128xf32, #tpu.memory_space<vmem_shared>>
      %dma_wait3A_206 = arith.constant 0 : i32
      %dma_wait3A_207 = tpu.memref_slice %arg10[%add3A_112, %dma_wait3A_206] : memref<10240x128xf32, #tpu.memory_space<vmem_shared>> -> memref<64x128xf32, #tpu.memory_space<vmem_shared>>
      tpu.wait_dma2 semaphore(%run_scoped3A : memref<!tpu.dma_semaphore, #tpu.memory_space<semaphore_mem>>) src(%arg9 : memref<64x128xf32, #tpu.memory_space<vmem>>) dst(%dma_wait3A_207 : memref<64x128xf32, #tpu.memory_space<vmem_shared>>)
      tpu.yield
    }) : () -> ()
    %add3A_113 = arith.constant 384 : i32
    %add3A_114 = arith.addi %mul3A_100, %add3A_113 : i32
    "tpu.region"() ({
      %run_scoped3A = tpu.sem_alloc : memref<!tpu.dma_semaphore, #tpu.memory_space<semaphore_mem>>
      %dma_start3A_200 = arith.constant 0 : i32
      %dma_start3A_201 = tpu.memref_slice %arg10[%add3A_114, %dma_start3A_200] : memref<10240x128xf32, #tpu.memory_space<vmem_shared>> -> memref<64x128xf32, #tpu.memory_space<vmem_shared>>
      %dma_start3A_202 = arith.constant 0 : i32
      %dma_start3A_203 = tpu.memref_slice %arg10[%add3A_114, %dma_start3A_202] : memref<10240x128xf32, #tpu.memory_space<vmem_shared>> -> memref<64x128xf32, #tpu.memory_space<vmem_shared>>
      tpu.enqueue_dma source(%arg9 : memref<64x128xf32, #tpu.memory_space<vmem>>) target(%dma_start3A_203 : memref<64x128xf32, #tpu.memory_space<vmem_shared>>) target_semaphore(%run_scoped3A : memref<!tpu.dma_semaphore, #tpu.memory_space<semaphore_mem>>)
      %dma_wait3A_204 = arith.constant 0 : i32
      %dma_wait3A_205 = tpu.memref_slice %arg10[%add3A_114, %dma_wait3A_204] : memref<10240x128xf32, #tpu.memory_space<vmem_shared>> -> memref<64x128xf32, #tpu.memory_space<vmem_shared>>
      %dma_wait3A_206 = arith.constant 0 : i32
      %dma_wait3A_207 = tpu.memref_slice %arg10[%add3A_114, %dma_wait3A_206] : memref<10240x128xf32, #tpu.memory_space<vmem_shared>> -> memref<64x128xf32, #tpu.memory_space<vmem_shared>>
      tpu.wait_dma2 semaphore(%run_scoped3A : memref<!tpu.dma_semaphore, #tpu.memory_space<semaphore_mem>>) src(%arg9 : memref<64x128xf32, #tpu.memory_space<vmem>>) dst(%dma_wait3A_207 : memref<64x128xf32, #tpu.memory_space<vmem_shared>>)
      tpu.yield
    }) : () -> ()
    %add3A_115 = arith.constant 448 : i32
    %add3A_116 = arith.addi %mul3A_100, %add3A_115 : i32
    "tpu.region"() ({
      %run_scoped3A = tpu.sem_alloc : memref<!tpu.dma_semaphore, #tpu.memory_space<semaphore_mem>>
      %dma_start3A_200 = arith.constant 0 : i32
      %dma_start3A_201 = tpu.memref_slice %arg10[%add3A_116, %dma_start3A_200] : memref<10240x128xf32, #tpu.memory_space<vmem_shared>> -> memref<64x128xf32, #tpu.memory_space<vmem_shared>>
      %dma_start3A_202 = arith.constant 0 : i32
      %dma_start3A_203 = tpu.memref_slice %arg10[%add3A_116, %dma_start3A_202] : memref<10240x128xf32, #tpu.memory_space<vmem_shared>> -> memref<64x128xf32, #tpu.memory_space<vmem_shared>>
      tpu.enqueue_dma source(%arg9 : memref<64x128xf32, #tpu.memory_space<vmem>>) target(%dma_start3A_203 : memref<64x128xf32, #tpu.memory_space<vmem_shared>>) target_semaphore(%run_scoped3A : memref<!tpu.dma_semaphore, #tpu.memory_space<semaphore_mem>>)
      %dma_wait3A_204 = arith.constant 0 : i32
      %dma_wait3A_205 = tpu.memref_slice %arg10[%add3A_116, %dma_wait3A_204] : memref<10240x128xf32, #tpu.memory_space<vmem_shared>> -> memref<64x128xf32, #tpu.memory_space<vmem_shared>>
      %dma_wait3A_206 = arith.constant 0 : i32
      %dma_wait3A_207 = tpu.memref_slice %arg10[%add3A_116, %dma_wait3A_206] : memref<10240x128xf32, #tpu.memory_space<vmem_shared>> -> memref<64x128xf32, #tpu.memory_space<vmem_shared>>
      tpu.wait_dma2 semaphore(%run_scoped3A : memref<!tpu.dma_semaphore, #tpu.memory_space<semaphore_mem>>) src(%arg9 : memref<64x128xf32, #tpu.memory_space<vmem>>) dst(%dma_wait3A_207 : memref<64x128xf32, #tpu.memory_space<vmem_shared>>)
      tpu.yield
    }) : () -> ()
    %add3A_117 = arith.constant 512 : i32
    %add3A_118 = arith.addi %mul3A_100, %add3A_117 : i32
    "tpu.region"() ({
      %run_scoped3A = tpu.sem_alloc : memref<!tpu.dma_semaphore, #tpu.memory_space<semaphore_mem>>
      %dma_start3A_200 = arith.constant 0 : i32
      %dma_start3A_201 = tpu.memref_slice %arg10[%add3A_118, %dma_start3A_200] : memref<10240x128xf32, #tpu.memory_space<vmem_shared>> -> memref<64x128xf32, #tpu.memory_space<vmem_shared>>
      %dma_start3A_202 = arith.constant 0 : i32
      %dma_start3A_203 = tpu.memref_slice %arg10[%add3A_118, %dma_start3A_202] : memref<10240x128xf32, #tpu.memory_space<vmem_shared>> -> memref<64x128xf32, #tpu.memory_space<vmem_shared>>
      tpu.enqueue_dma source(%arg9 : memref<64x128xf32, #tpu.memory_space<vmem>>) target(%dma_start3A_203 : memref<64x128xf32, #tpu.memory_space<vmem_shared>>) target_semaphore(%run_scoped3A : memref<!tpu.dma_semaphore, #tpu.memory_space<semaphore_mem>>)
      %dma_wait3A_204 = arith.constant 0 : i32
      %dma_wait3A_205 = tpu.memref_slice %arg10[%add3A_118, %dma_wait3A_204] : memref<10240x128xf32, #tpu.memory_space<vmem_shared>> -> memref<64x128xf32, #tpu.memory_space<vmem_shared>>
      %dma_wait3A_206 = arith.constant 0 : i32
      %dma_wait3A_207 = tpu.memref_slice %arg10[%add3A_118, %dma_wait3A_206] : memref<10240x128xf32, #tpu.memory_space<vmem_shared>> -> memref<64x128xf32, #tpu.memory_space<vmem_shared>>
      tpu.wait_dma2 semaphore(%run_scoped3A : memref<!tpu.dma_semaphore, #tpu.memory_space<semaphore_mem>>) src(%arg9 : memref<64x128xf32, #tpu.memory_space<vmem>>) dst(%dma_wait3A_207 : memref<64x128xf32, #tpu.memory_space<vmem_shared>>)
      tpu.yield
    }) : () -> ()
    %add3A_119 = arith.constant 576 : i32
    %add3A_120 = arith.addi %mul3A_100, %add3A_119 : i32
    "tpu.region"() ({
      %run_scoped3A = tpu.sem_alloc : memref<!tpu.dma_semaphore, #tpu.memory_space<semaphore_mem>>
      %dma_start3A_200 = arith.constant 0 : i32
      %dma_start3A_201 = tpu.memref_slice %arg10[%add3A_120, %dma_start3A_200] : memref<10240x128xf32, #tpu.memory_space<vmem_shared>> -> memref<64x128xf32, #tpu.memory_space<vmem_shared>>
      %dma_start3A_202 = arith.constant 0 : i32
      %dma_start3A_203 = tpu.memref_slice %arg10[%add3A_120, %dma_start3A_202] : memref<10240x128xf32, #tpu.memory_space<vmem_shared>> -> memref<64x128xf32, #tpu.memory_space<vmem_shared>>
      tpu.enqueue_dma source(%arg9 : memref<64x128xf32, #tpu.memory_space<vmem>>) target(%dma_start3A_203 : memref<64x128xf32, #tpu.memory_space<vmem_shared>>) target_semaphore(%run_scoped3A : memref<!tpu.dma_semaphore, #tpu.memory_space<semaphore_mem>>)
      %dma_wait3A_204 = arith.constant 0 : i32
      %dma_wait3A_205 = tpu.memref_slice %arg10[%add3A_120, %dma_wait3A_204] : memref<10240x128xf32, #tpu.memory_space<vmem_shared>> -> memref<64x128xf32, #tpu.memory_space<vmem_shared>>
      %dma_wait3A_206 = arith.constant 0 : i32
      %dma_wait3A_207 = tpu.memref_slice %arg10[%add3A_120, %dma_wait3A_206] : memref<10240x128xf32, #tpu.memory_space<vmem_shared>> -> memref<64x128xf32, #tpu.memory_space<vmem_shared>>
      tpu.wait_dma2 semaphore(%run_scoped3A : memref<!tpu.dma_semaphore, #tpu.memory_space<semaphore_mem>>) src(%arg9 : memref<64x128xf32, #tpu.memory_space<vmem>>) dst(%dma_wait3A_207 : memref<64x128xf32, #tpu.memory_space<vmem_shared>>)
      tpu.yield
    }) : () -> ()
    %barrier3A = arith.constant 0 : index
    tpu.barrier barrier_id(%barrier3A)
    %dma_start3A_121 = arith.constant 0 : i32
    %dma_start3A_122 = arith.constant 0 : i32
    %dma_start3A_123 = arith.constant 3 : i32
    %dma_start3A_124 = arith.constant 0 : i32
    %dma_start3A_125 = tpu.memref_slice %arg5[%dma_start3A_121, %dma_start3A_122, %dma_start3A_123, %dma_start3A_124] : memref<2x2x4x64xi32, #tpu.memory_space<vmem>> -> memref<1x1x1x64xi32, #tpu.memory_space<vmem>>
    %dma_start3A_126 = tpu.memref_squeeze %dma_start3A_125 : memref<1x1x1x64xi32, #tpu.memory_space<vmem>> -> memref<64xi32, #tpu.memory_space<vmem>>
    %dma_start3A_127 = arith.constant 0 : i32
    %dma_start3A_128 = arith.constant 0 : i32
    %dma_start3A_129 = tpu.memref_slice %arg2[%dma_start3A_127, %dma_start3A_128] : memref<10000x128xf32, #tpu.memory_space<hbm>> -> memref<10000x128xf32, #tpu.memory_space<hbm>>
    tpu.enqueue_indirect_dma source(%dma_start3A_129 : memref<10000x128xf32, #tpu.memory_space<hbm>>) target(%arg9 : memref<64x128xf32, #tpu.memory_space<vmem>>) offsets(%dma_start3A_126 : memref<64xi32, #tpu.memory_space<vmem>>) semaphore(%arg14 : memref<!tpu.dma_semaphore, #tpu.memory_space<semaphore_mem>>)
    %scan3A_130 = arith.constant 0 : i32
    %scan3A_131 = arith.constant 0 : i32
    %scan3A_132 = arith.constant 20 : i32
    %scan3A_133 = arith.addi %scan3A_131, %scan3A_132 : i32
    %scan3A_134 = arith.constant 1 : i32
    %scan3A_135 = scf.for %scan3A_200 = %scan3A_131 to %scan3A_133 step %scan3A_134 iter_args(%scan3A_201 = %scan3A_130) -> (i32)  : i32 {
      %mul3A_202 = arith.constant 2 : i32
      %mul3A_203 = arith.muli %mul3A_202, %scan3A_200 : i32
      %add3A_204 = arith.constant 2 : i32
      %add3A_205 = arith.addi %mul3A_203, %add3A_204 : i32
      %min3A = arith.constant 39 : i32
      %min3A_206 = arith.minsi %add3A_205, %min3A : i32
      %dma_wait3A_207 = arith.constant 0 : i32
      %dma_wait3A_208 = arith.constant 0 : i32
      %dma_wait3A_209 = arith.constant 0 : i32
      %dma_wait3A_210 = arith.constant 0 : i32
      %dma_wait3A_211 = tpu.memref_slice %arg5[%dma_wait3A_207, %dma_wait3A_208, %dma_wait3A_209, %dma_wait3A_210] : memref<2x2x4x64xi32, #tpu.memory_space<vmem>> -> memref<1x1x1x64xi32, #tpu.memory_space<vmem>>
      %dma_wait3A_212 = tpu.memref_squeeze %dma_wait3A_211 : memref<1x1x1x64xi32, #tpu.memory_space<vmem>> -> memref<64xi32, #tpu.memory_space<vmem>>
      %dma_wait3A_213 = arith.constant 0 : i32
      %dma_wait3A_214 = arith.constant 0 : i32
      %dma_wait3A_215 = tpu.memref_slice %arg2[%dma_wait3A_213, %dma_wait3A_214] : memref<10000x128xf32, #tpu.memory_space<hbm>> -> memref<10000x128xf32, #tpu.memory_space<hbm>>
      tpu.wait_indirect_dma semaphore(%arg11 : memref<!tpu.dma_semaphore, #tpu.memory_space<semaphore_mem>>) src(%dma_wait3A_215 : memref<10000x128xf32, #tpu.memory_space<hbm>>) dst(%arg6 : memref<64x128xf32, #tpu.memory_space<vmem>>)
      %run_scoped3A = arith.constant 0 : i32
      %run_scoped3A_216 = arith.constant 1 : i32
      %run_scoped3A_217 = arith.constant 0 : i32
      "tpu.region"() ({
        %run_scoped3A_467 = tpu.sem_alloc : memref<!tpu.dma_semaphore, #tpu.memory_space<semaphore_mem>>
        %dma_start3A_468 = arith.constant 0 : i32
        %dma_start3A_469 = tpu.memref_slice %arg5[%run_scoped3A, %run_scoped3A_216, %run_scoped3A_217, %dma_start3A_468] : memref<2x2x4x64xi32, #tpu.memory_space<vmem>> -> memref<1x1x1x64xi32, #tpu.memory_space<vmem>>
        %dma_start3A_470 = tpu.memref_squeeze %dma_start3A_469 : memref<1x1x1x64xi32, #tpu.memory_space<vmem>> -> memref<64xi32, #tpu.memory_space<vmem>>
        %dma_start3A_471 = arith.constant 0 : i32
        %dma_start3A_472 = arith.constant 0 : i32
        %dma_start3A_473 = tpu.memref_slice %arg10[%dma_start3A_471, %dma_start3A_472] : memref<10240x128xf32, #tpu.memory_space<vmem_shared>> -> memref<10240x128xf32, #tpu.memory_space<vmem_shared>>
        tpu.enqueue_indirect_dma source(%arg6 : memref<64x128xf32, #tpu.memory_space<vmem>>) target(%dma_start3A_473 : memref<10240x128xf32, #tpu.memory_space<vmem_shared>>) offsets(%dma_start3A_470 : memref<64xi32, #tpu.memory_space<vmem>>) semaphore(%run_scoped3A_467 : memref<!tpu.dma_semaphore, #tpu.memory_space<semaphore_mem>>) {add = true}
        %dma_wait3A_474 = arith.constant 0 : i32
        %dma_wait3A_475 = tpu.memref_slice %arg5[%run_scoped3A, %run_scoped3A_216, %run_scoped3A_217, %dma_wait3A_474] : memref<2x2x4x64xi32, #tpu.memory_space<vmem>> -> memref<1x1x1x64xi32, #tpu.memory_space<vmem>>
        %dma_wait3A_476 = tpu.memref_squeeze %dma_wait3A_475 : memref<1x1x1x64xi32, #tpu.memory_space<vmem>> -> memref<64xi32, #tpu.memory_space<vmem>>
        %dma_wait3A_477 = arith.constant 0 : i32
        %dma_wait3A_478 = arith.constant 0 : i32
        %dma_wait3A_479 = tpu.memref_slice %arg10[%dma_wait3A_477, %dma_wait3A_478] : memref<10240x128xf32, #tpu.memory_space<vmem_shared>> -> memref<10240x128xf32, #tpu.memory_space<vmem_shared>>
        tpu.wait_indirect_dma semaphore(%run_scoped3A_467 : memref<!tpu.dma_semaphore, #tpu.memory_space<semaphore_mem>>) src(%arg6 : memref<64x128xf32, #tpu.memory_space<vmem>>) dst(%dma_wait3A_479 : memref<10240x128xf32, #tpu.memory_space<vmem_shared>>)
        tpu.yield
      }) : () -> ()
      %dma_wait3A_218 = arith.constant 0 : i32
      %dma_wait3A_219 = arith.constant 1 : i32
      %dma_wait3A_220 = arith.constant 0 : i32
      %dma_wait3A_221 = arith.constant 0 : i32
      %dma_wait3A_222 = arith.constant 0 : i32
      %dma_wait3A_223 = tpu.memref_slice %arg5[%dma_wait3A_219, %dma_wait3A_220, %dma_wait3A_221, %dma_wait3A_222] : memref<2x2x4x64xi32, #tpu.memory_space<vmem>> -> memref<1x2x4x64xi32, #tpu.memory_space<vmem>>
      %dma_wait3A_224 = tpu.memref_squeeze %dma_wait3A_223 : memref<1x2x4x64xi32, #tpu.memory_space<vmem>> -> memref<2x4x64xi32, #tpu.memory_space<vmem>>
      %dma_wait3A_225 = arith.constant 0 : i32
      %dma_wait3A_226 = arith.constant 0 : i32
      %dma_wait3A_227 = arith.constant 0 : i32
      %dma_wait3A_228 = tpu.memref_slice %arg3[%add3A, %dma_wait3A_218, %dma_wait3A_225, %dma_wait3A_226, %dma_wait3A_227] : memref<32x40x2x4x64xi32, #tpu.memory_space<hbm>> -> memref<1x1x2x4x64xi32, #tpu.memory_space<hbm>>
      %dma_wait3A_229 = tpu.memref_squeeze %dma_wait3A_228 : memref<1x1x2x4x64xi32, #tpu.memory_space<hbm>> -> memref<2x4x64xi32, #tpu.memory_space<hbm>>
      %dma_wait3A_230 = arith.constant 0 : i32
      %dma_wait3A_231 = arith.constant 0 : i32
      %dma_wait3A_232 = arith.constant 0 : i32
      %dma_wait3A_233 = tpu.memref_slice %arg5[%dma_wait3A_219, %dma_wait3A_230, %dma_wait3A_231, %dma_wait3A_232] : memref<2x2x4x64xi32, #tpu.memory_space<vmem>> -> memref<1x2x4x64xi32, #tpu.memory_space<vmem>>
      %dma_wait3A_234 = tpu.memref_squeeze %dma_wait3A_233 : memref<1x2x4x64xi32, #tpu.memory_space<vmem>> -> memref<2x4x64xi32, #tpu.memory_space<vmem>>
      %dma_wait3A_235 = arith.constant 0 : i32
      %dma_wait3A_236 = arith.constant 0 : i32
      %dma_wait3A_237 = arith.constant 0 : i32
      %dma_wait3A_238 = tpu.memref_slice %arg3[%add3A, %dma_wait3A_218, %dma_wait3A_235, %dma_wait3A_236, %dma_wait3A_237] : memref<32x40x2x4x64xi32, #tpu.memory_space<hbm>> -> memref<1x1x2x4x64xi32, #tpu.memory_space<hbm>>
      %dma_wait3A_239 = tpu.memref_squeeze %dma_wait3A_238 : memref<1x1x2x4x64xi32, #tpu.memory_space<hbm>> -> memref<2x4x64xi32, #tpu.memory_space<hbm>>
      tpu.wait_dma2 semaphore(%arg20 : memref<!tpu.dma_semaphore, #tpu.memory_space<semaphore_mem>>) src(%dma_wait3A_239 : memref<2x4x64xi32, #tpu.memory_space<hbm>>) dst(%dma_wait3A_234 : memref<2x4x64xi32, #tpu.memory_space<vmem>>)
      %dma_start3A_240 = arith.constant 1 : i32
      %dma_start3A_241 = arith.constant 0 : i32
      %dma_start3A_242 = arith.constant 0 : i32
      %dma_start3A_243 = arith.constant 0 : i32
      %dma_start3A_244 = tpu.memref_slice %arg5[%dma_start3A_240, %dma_start3A_241, %dma_start3A_242, %dma_start3A_243] : memref<2x2x4x64xi32, #tpu.memory_space<vmem>> -> memref<1x1x1x64xi32, #tpu.memory_space<vmem>>
      %dma_start3A_245 = tpu.memref_squeeze %dma_start3A_244 : memref<1x1x1x64xi32, #tpu.memory_space<vmem>> -> memref<64xi32, #tpu.memory_space<vmem>>
      %dma_start3A_246 = arith.constant 0 : i32
      %dma_start3A_247 = arith.constant 0 : i32
      %dma_start3A_248 = tpu.memref_slice %arg2[%dma_start3A_246, %dma_start3A_247] : memref<10000x128xf32, #tpu.memory_space<hbm>> -> memref<10000x128xf32, #tpu.memory_space<hbm>>
      tpu.enqueue_indirect_dma source(%dma_start3A_248 : memref<10000x128xf32, #tpu.memory_space<hbm>>) target(%arg6 : memref<64x128xf32, #tpu.memory_space<vmem>>) offsets(%dma_start3A_245 : memref<64xi32, #tpu.memory_space<vmem>>) semaphore(%arg11 : memref<!tpu.dma_semaphore, #tpu.memory_space<semaphore_mem>>)
      %dma_wait3A_249 = arith.constant 0 : i32
      %dma_wait3A_250 = arith.constant 0 : i32
      %dma_wait3A_251 = arith.constant 1 : i32
      %dma_wait3A_252 = arith.constant 0 : i32
      %dma_wait3A_253 = tpu.memref_slice %arg5[%dma_wait3A_249, %dma_wait3A_250, %dma_wait3A_251, %dma_wait3A_252] : memref<2x2x4x64xi32, #tpu.memory_space<vmem>> -> memref<1x1x1x64xi32, #tpu.memory_space<vmem>>
      %dma_wait3A_254 = tpu.memref_squeeze %dma_wait3A_253 : memref<1x1x1x64xi32, #tpu.memory_space<vmem>> -> memref<64xi32, #tpu.memory_space<vmem>>
      %dma_wait3A_255 = arith.constant 0 : i32
      %dma_wait3A_256 = arith.constant 0 : i32
      %dma_wait3A_257 = tpu.memref_slice %arg2[%dma_wait3A_255, %dma_wait3A_256] : memref<10000x128xf32, #tpu.memory_space<hbm>> -> memref<10000x128xf32, #tpu.memory_space<hbm>>
      tpu.wait_indirect_dma semaphore(%arg12 : memref<!tpu.dma_semaphore, #tpu.memory_space<semaphore_mem>>) src(%dma_wait3A_257 : memref<10000x128xf32, #tpu.memory_space<hbm>>) dst(%arg7 : memref<64x128xf32, #tpu.memory_space<vmem>>)
      %run_scoped3A_258 = arith.constant 0 : i32
      %run_scoped3A_259 = arith.constant 1 : i32
      %run_scoped3A_260 = arith.constant 1 : i32
      "tpu.region"() ({
        %run_scoped3A_467 = tpu.sem_alloc : memref<!tpu.dma_semaphore, #tpu.memory_space<semaphore_mem>>
        %dma_start3A_468 = arith.constant 0 : i32
        %dma_start3A_469 = tpu.memref_slice %arg5[%run_scoped3A_258, %run_scoped3A_259, %run_scoped3A_260, %dma_start3A_468] : memref<2x2x4x64xi32, #tpu.memory_space<vmem>> -> memref<1x1x1x64xi32, #tpu.memory_space<vmem>>
        %dma_start3A_470 = tpu.memref_squeeze %dma_start3A_469 : memref<1x1x1x64xi32, #tpu.memory_space<vmem>> -> memref<64xi32, #tpu.memory_space<vmem>>
        %dma_start3A_471 = arith.constant 0 : i32
        %dma_start3A_472 = arith.constant 0 : i32
        %dma_start3A_473 = tpu.memref_slice %arg10[%dma_start3A_471, %dma_start3A_472] : memref<10240x128xf32, #tpu.memory_space<vmem_shared>> -> memref<10240x128xf32, #tpu.memory_space<vmem_shared>>
        tpu.enqueue_indirect_dma source(%arg7 : memref<64x128xf32, #tpu.memory_space<vmem>>) target(%dma_start3A_473 : memref<10240x128xf32, #tpu.memory_space<vmem_shared>>) offsets(%dma_start3A_470 : memref<64xi32, #tpu.memory_space<vmem>>) semaphore(%run_scoped3A_467 : memref<!tpu.dma_semaphore, #tpu.memory_space<semaphore_mem>>) {add = true}
        %dma_wait3A_474 = arith.constant 0 : i32
        %dma_wait3A_475 = tpu.memref_slice %arg5[%run_scoped3A_258, %run_scoped3A_259, %run_scoped3A_260, %dma_wait3A_474] : memref<2x2x4x64xi32, #tpu.memory_space<vmem>> -> memref<1x1x1x64xi32, #tpu.memory_space<vmem>>
        %dma_wait3A_476 = tpu.memref_squeeze %dma_wait3A_475 : memref<1x1x1x64xi32, #tpu.memory_space<vmem>> -> memref<64xi32, #tpu.memory_space<vmem>>
        %dma_wait3A_477 = arith.constant 0 : i32
        %dma_wait3A_478 = arith.constant 0 : i32
        %dma_wait3A_479 = tpu.memref_slice %arg10[%dma_wait3A_477, %dma_wait3A_478] : memref<10240x128xf32, #tpu.memory_space<vmem_shared>> -> memref<10240x128xf32, #tpu.memory_space<vmem_shared>>
        tpu.wait_indirect_dma semaphore(%run_scoped3A_467 : memref<!tpu.dma_semaphore, #tpu.memory_space<semaphore_mem>>) src(%arg7 : memref<64x128xf32, #tpu.memory_space<vmem>>) dst(%dma_wait3A_479 : memref<10240x128xf32, #tpu.memory_space<vmem_shared>>)
        tpu.yield
      }) : () -> ()
      %dma_start3A_261 = arith.constant 1 : i32
      %dma_start3A_262 = arith.constant 0 : i32
      %dma_start3A_263 = arith.constant 1 : i32
      %dma_start3A_264 = arith.constant 0 : i32
      %dma_start3A_265 = tpu.memref_slice %arg5[%dma_start3A_261, %dma_start3A_262, %dma_start3A_263, %dma_start3A_264] : memref<2x2x4x64xi32, #tpu.memory_space<vmem>> -> memref<1x1x1x64xi32, #tpu.memory_space<vmem>>
      %dma_start3A_266 = tpu.memref_squeeze %dma_start3A_265 : memref<1x1x1x64xi32, #tpu.memory_space<vmem>> -> memref<64xi32, #tpu.memory_space<vmem>>
      %dma_start3A_267 = arith.constant 0 : i32
      %dma_start3A_268 = arith.constant 0 : i32
      %dma_start3A_269 = tpu.memref_slice %arg2[%dma_start3A_267, %dma_start3A_268] : memref<10000x128xf32, #tpu.memory_space<hbm>> -> memref<10000x128xf32, #tpu.memory_space<hbm>>
      tpu.enqueue_indirect_dma source(%dma_start3A_269 : memref<10000x128xf32, #tpu.memory_space<hbm>>) target(%arg7 : memref<64x128xf32, #tpu.memory_space<vmem>>) offsets(%dma_start3A_266 : memref<64xi32, #tpu.memory_space<vmem>>) semaphore(%arg12 : memref<!tpu.dma_semaphore, #tpu.memory_space<semaphore_mem>>)
      %dma_wait3A_270 = arith.constant 0 : i32
      %dma_wait3A_271 = arith.constant 0 : i32
      %dma_wait3A_272 = arith.constant 2 : i32
      %dma_wait3A_273 = arith.constant 0 : i32
      %dma_wait3A_274 = tpu.memref_slice %arg5[%dma_wait3A_270, %dma_wait3A_271, %dma_wait3A_272, %dma_wait3A_273] : memref<2x2x4x64xi32, #tpu.memory_space<vmem>> -> memref<1x1x1x64xi32, #tpu.memory_space<vmem>>
      %dma_wait3A_275 = tpu.memref_squeeze %dma_wait3A_274 : memref<1x1x1x64xi32, #tpu.memory_space<vmem>> -> memref<64xi32, #tpu.memory_space<vmem>>
      %dma_wait3A_276 = arith.constant 0 : i32
      %dma_wait3A_277 = arith.constant 0 : i32
      %dma_wait3A_278 = tpu.memref_slice %arg2[%dma_wait3A_276, %dma_wait3A_277] : memref<10000x128xf32, #tpu.memory_space<hbm>> -> memref<10000x128xf32, #tpu.memory_space<hbm>>
      tpu.wait_indirect_dma semaphore(%arg13 : memref<!tpu.dma_semaphore, #tpu.memory_space<semaphore_mem>>) src(%dma_wait3A_278 : memref<10000x128xf32, #tpu.memory_space<hbm>>) dst(%arg8 : memref<64x128xf32, #tpu.memory_space<vmem>>)
      %run_scoped3A_279 = arith.constant 0 : i32
      %run_scoped3A_280 = arith.constant 1 : i32
      %run_scoped3A_281 = arith.constant 2 : i32
      "tpu.region"() ({
        %run_scoped3A_467 = tpu.sem_alloc : memref<!tpu.dma_semaphore, #tpu.memory_space<semaphore_mem>>
        %dma_start3A_468 = arith.constant 0 : i32
        %dma_start3A_469 = tpu.memref_slice %arg5[%run_scoped3A_279, %run_scoped3A_280, %run_scoped3A_281, %dma_start3A_468] : memref<2x2x4x64xi32, #tpu.memory_space<vmem>> -> memref<1x1x1x64xi32, #tpu.memory_space<vmem>>
        %dma_start3A_470 = tpu.memref_squeeze %dma_start3A_469 : memref<1x1x1x64xi32, #tpu.memory_space<vmem>> -> memref<64xi32, #tpu.memory_space<vmem>>
        %dma_start3A_471 = arith.constant 0 : i32
        %dma_start3A_472 = arith.constant 0 : i32
        %dma_start3A_473 = tpu.memref_slice %arg10[%dma_start3A_471, %dma_start3A_472] : memref<10240x128xf32, #tpu.memory_space<vmem_shared>> -> memref<10240x128xf32, #tpu.memory_space<vmem_shared>>
        tpu.enqueue_indirect_dma source(%arg8 : memref<64x128xf32, #tpu.memory_space<vmem>>) target(%dma_start3A_473 : memref<10240x128xf32, #tpu.memory_space<vmem_shared>>) offsets(%dma_start3A_470 : memref<64xi32, #tpu.memory_space<vmem>>) semaphore(%run_scoped3A_467 : memref<!tpu.dma_semaphore, #tpu.memory_space<semaphore_mem>>) {add = true}
        %dma_wait3A_474 = arith.constant 0 : i32
        %dma_wait3A_475 = tpu.memref_slice %arg5[%run_scoped3A_279, %run_scoped3A_280, %run_scoped3A_281, %dma_wait3A_474] : memref<2x2x4x64xi32, #tpu.memory_space<vmem>> -> memref<1x1x1x64xi32, #tpu.memory_space<vmem>>
        %dma_wait3A_476 = tpu.memref_squeeze %dma_wait3A_475 : memref<1x1x1x64xi32, #tpu.memory_space<vmem>> -> memref<64xi32, #tpu.memory_space<vmem>>
        %dma_wait3A_477 = arith.constant 0 : i32
        %dma_wait3A_478 = arith.constant 0 : i32
        %dma_wait3A_479 = tpu.memref_slice %arg10[%dma_wait3A_477, %dma_wait3A_478] : memref<10240x128xf32, #tpu.memory_space<vmem_shared>> -> memref<10240x128xf32, #tpu.memory_space<vmem_shared>>
        tpu.wait_indirect_dma semaphore(%run_scoped3A_467 : memref<!tpu.dma_semaphore, #tpu.memory_space<semaphore_mem>>) src(%arg8 : memref<64x128xf32, #tpu.memory_space<vmem>>) dst(%dma_wait3A_479 : memref<10240x128xf32, #tpu.memory_space<vmem_shared>>)
        tpu.yield
      }) : () -> ()
      %dma_start3A_282 = arith.constant 1 : i32
      %dma_start3A_283 = arith.constant 0 : i32
      %dma_start3A_284 = arith.constant 2 : i32
      %dma_start3A_285 = arith.constant 0 : i32
      %dma_start3A_286 = tpu.memref_slice %arg5[%dma_start3A_282, %dma_start3A_283, %dma_start3A_284, %dma_start3A_285] : memref<2x2x4x64xi32, #tpu.memory_space<vmem>> -> memref<1x1x1x64xi32, #tpu.memory_space<vmem>>
      %dma_start3A_287 = tpu.memref_squeeze %dma_start3A_286 : memref<1x1x1x64xi32, #tpu.memory_space<vmem>> -> memref<64xi32, #tpu.memory_space<vmem>>
      %dma_start3A_288 = arith.constant 0 : i32
      %dma_start3A_289 = arith.constant 0 : i32
      %dma_start3A_290 = tpu.memref_slice %arg2[%dma_start3A_288, %dma_start3A_289] : memref<10000x128xf32, #tpu.memory_space<hbm>> -> memref<10000x128xf32, #tpu.memory_space<hbm>>
      tpu.enqueue_indirect_dma source(%dma_start3A_290 : memref<10000x128xf32, #tpu.memory_space<hbm>>) target(%arg8 : memref<64x128xf32, #tpu.memory_space<vmem>>) offsets(%dma_start3A_287 : memref<64xi32, #tpu.memory_space<vmem>>) semaphore(%arg13 : memref<!tpu.dma_semaphore, #tpu.memory_space<semaphore_mem>>)
      %dma_wait3A_291 = arith.constant 0 : i32
      %dma_wait3A_292 = arith.constant 0 : i32
      %dma_wait3A_293 = arith.constant 3 : i32
      %dma_wait3A_294 = arith.constant 0 : i32
      %dma_wait3A_295 = tpu.memref_slice %arg5[%dma_wait3A_291, %dma_wait3A_292, %dma_wait3A_293, %dma_wait3A_294] : memref<2x2x4x64xi32, #tpu.memory_space<vmem>> -> memref<1x1x1x64xi32, #tpu.memory_space<vmem>>
      %dma_wait3A_296 = tpu.memref_squeeze %dma_wait3A_295 : memref<1x1x1x64xi32, #tpu.memory_space<vmem>> -> memref<64xi32, #tpu.memory_space<vmem>>
      %dma_wait3A_297 = arith.constant 0 : i32
      %dma_wait3A_298 = arith.constant 0 : i32
      %dma_wait3A_299 = tpu.memref_slice %arg2[%dma_wait3A_297, %dma_wait3A_298] : memref<10000x128xf32, #tpu.memory_space<hbm>> -> memref<10000x128xf32, #tpu.memory_space<hbm>>
      tpu.wait_indirect_dma semaphore(%arg14 : memref<!tpu.dma_semaphore, #tpu.memory_space<semaphore_mem>>) src(%dma_wait3A_299 : memref<10000x128xf32, #tpu.memory_space<hbm>>) dst(%arg9 : memref<64x128xf32, #tpu.memory_space<vmem>>)
      %run_scoped3A_300 = arith.constant 0 : i32
      %run_scoped3A_301 = arith.constant 1 : i32
      %run_scoped3A_302 = arith.constant 3 : i32
      "tpu.region"() ({
        %run_scoped3A_467 = tpu.sem_alloc : memref<!tpu.dma_semaphore, #tpu.memory_space<semaphore_mem>>
        %dma_start3A_468 = arith.constant 0 : i32
        %dma_start3A_469 = tpu.memref_slice %arg5[%run_scoped3A_300, %run_scoped3A_301, %run_scoped3A_302, %dma_start3A_468] : memref<2x2x4x64xi32, #tpu.memory_space<vmem>> -> memref<1x1x1x64xi32, #tpu.memory_space<vmem>>
        %dma_start3A_470 = tpu.memref_squeeze %dma_start3A_469 : memref<1x1x1x64xi32, #tpu.memory_space<vmem>> -> memref<64xi32, #tpu.memory_space<vmem>>
        %dma_start3A_471 = arith.constant 0 : i32
        %dma_start3A_472 = arith.constant 0 : i32
        %dma_start3A_473 = tpu.memref_slice %arg10[%dma_start3A_471, %dma_start3A_472] : memref<10240x128xf32, #tpu.memory_space<vmem_shared>> -> memref<10240x128xf32, #tpu.memory_space<vmem_shared>>
        tpu.enqueue_indirect_dma source(%arg9 : memref<64x128xf32, #tpu.memory_space<vmem>>) target(%dma_start3A_473 : memref<10240x128xf32, #tpu.memory_space<vmem_shared>>) offsets(%dma_start3A_470 : memref<64xi32, #tpu.memory_space<vmem>>) semaphore(%run_scoped3A_467 : memref<!tpu.dma_semaphore, #tpu.memory_space<semaphore_mem>>) {add = true}
        %dma_wait3A_474 = arith.constant 0 : i32
        %dma_wait3A_475 = tpu.memref_slice %arg5[%run_scoped3A_300, %run_scoped3A_301, %run_scoped3A_302, %dma_wait3A_474] : memref<2x2x4x64xi32, #tpu.memory_space<vmem>> -> memref<1x1x1x64xi32, #tpu.memory_space<vmem>>
        %dma_wait3A_476 = tpu.memref_squeeze %dma_wait3A_475 : memref<1x1x1x64xi32, #tpu.memory_space<vmem>> -> memref<64xi32, #tpu.memory_space<vmem>>
        %dma_wait3A_477 = arith.constant 0 : i32
        %dma_wait3A_478 = arith.constant 0 : i32
        %dma_wait3A_479 = tpu.memref_slice %arg10[%dma_wait3A_477, %dma_wait3A_478] : memref<10240x128xf32, #tpu.memory_space<vmem_shared>> -> memref<10240x128xf32, #tpu.memory_space<vmem_shared>>
        tpu.wait_indirect_dma semaphore(%run_scoped3A_467 : memref<!tpu.dma_semaphore, #tpu.memory_space<semaphore_mem>>) src(%arg9 : memref<64x128xf32, #tpu.memory_space<vmem>>) dst(%dma_wait3A_479 : memref<10240x128xf32, #tpu.memory_space<vmem_shared>>)
        tpu.yield
      }) : () -> ()
      %dma_start3A_303 = arith.constant 1 : i32
      %dma_start3A_304 = arith.constant 0 : i32
      %dma_start3A_305 = arith.constant 3 : i32
      %dma_start3A_306 = arith.constant 0 : i32
      %dma_start3A_307 = tpu.memref_slice %arg5[%dma_start3A_303, %dma_start3A_304, %dma_start3A_305, %dma_start3A_306] : memref<2x2x4x64xi32, #tpu.memory_space<vmem>> -> memref<1x1x1x64xi32, #tpu.memory_space<vmem>>
      %dma_start3A_308 = tpu.memref_squeeze %dma_start3A_307 : memref<1x1x1x64xi32, #tpu.memory_space<vmem>> -> memref<64xi32, #tpu.memory_space<vmem>>
      %dma_start3A_309 = arith.constant 0 : i32
      %dma_start3A_310 = arith.constant 0 : i32
      %dma_start3A_311 = tpu.memref_slice %arg2[%dma_start3A_309, %dma_start3A_310] : memref<10000x128xf32, #tpu.memory_space<hbm>> -> memref<10000x128xf32, #tpu.memory_space<hbm>>
      tpu.enqueue_indirect_dma source(%dma_start3A_311 : memref<10000x128xf32, #tpu.memory_space<hbm>>) target(%arg9 : memref<64x128xf32, #tpu.memory_space<vmem>>) offsets(%dma_start3A_308 : memref<64xi32, #tpu.memory_space<vmem>>) semaphore(%arg14 : memref<!tpu.dma_semaphore, #tpu.memory_space<semaphore_mem>>)
      %dma_start3A_312 = arith.constant 0 : i32
      %dma_start3A_313 = arith.constant 0 : i32
      %dma_start3A_314 = arith.constant 0 : i32
      %dma_start3A_315 = arith.constant 0 : i32
      %dma_start3A_316 = tpu.memref_slice %arg5[%dma_start3A_312, %dma_start3A_313, %dma_start3A_314, %dma_start3A_315] : memref<2x2x4x64xi32, #tpu.memory_space<vmem>> -> memref<1x2x4x64xi32, #tpu.memory_space<vmem>>
      %dma_start3A_317 = tpu.memref_squeeze %dma_start3A_316 : memref<1x2x4x64xi32, #tpu.memory_space<vmem>> -> memref<2x4x64xi32, #tpu.memory_space<vmem>>
      %dma_start3A_318 = arith.constant 0 : i32
      %dma_start3A_319 = arith.constant 0 : i32
      %dma_start3A_320 = arith.constant 0 : i32
      %dma_start3A_321 = tpu.memref_slice %arg3[%add3A, %min3A_206, %dma_start3A_318, %dma_start3A_319, %dma_start3A_320] : memref<32x40x2x4x64xi32, #tpu.memory_space<hbm>> -> memref<1x1x2x4x64xi32, #tpu.memory_space<hbm>>
      %dma_start3A_322 = tpu.memref_squeeze %dma_start3A_321 : memref<1x1x2x4x64xi32, #tpu.memory_space<hbm>> -> memref<2x4x64xi32, #tpu.memory_space<hbm>>
      %dma_start3A_323 = arith.constant 0 : i32
      %dma_start3A_324 = arith.constant 0 : i32
      %dma_start3A_325 = arith.constant 0 : i32
      %dma_start3A_326 = tpu.memref_slice %arg5[%dma_start3A_312, %dma_start3A_323, %dma_start3A_324, %dma_start3A_325] : memref<2x2x4x64xi32, #tpu.memory_space<vmem>> -> memref<1x2x4x64xi32, #tpu.memory_space<vmem>>
      %dma_start3A_327 = tpu.memref_squeeze %dma_start3A_326 : memref<1x2x4x64xi32, #tpu.memory_space<vmem>> -> memref<2x4x64xi32, #tpu.memory_space<vmem>>
      %dma_start3A_328 = arith.constant 0 : i32
      %dma_start3A_329 = arith.constant 0 : i32
      %dma_start3A_330 = arith.constant 0 : i32
      %dma_start3A_331 = tpu.memref_slice %arg3[%add3A, %min3A_206, %dma_start3A_328, %dma_start3A_329, %dma_start3A_330] : memref<32x40x2x4x64xi32, #tpu.memory_space<hbm>> -> memref<1x1x2x4x64xi32, #tpu.memory_space<hbm>>
      %dma_start3A_332 = tpu.memref_squeeze %dma_start3A_331 : memref<1x1x2x4x64xi32, #tpu.memory_space<hbm>> -> memref<2x4x64xi32, #tpu.memory_space<hbm>>
      tpu.enqueue_dma source(%dma_start3A_332 : memref<2x4x64xi32, #tpu.memory_space<hbm>>) target(%dma_start3A_327 : memref<2x4x64xi32, #tpu.memory_space<vmem>>) target_semaphore(%arg19 : memref<!tpu.dma_semaphore, #tpu.memory_space<semaphore_mem>>)
      %mul3A_333 = arith.constant 2 : i32
      %mul3A_334 = arith.muli %mul3A_333, %scan3A_200 : i32
      %add3A_335 = arith.constant 3 : i32
      %add3A_336 = arith.addi %mul3A_334, %add3A_335 : i32
      %min3A_337 = arith.constant 39 : i32
      %min3A_338 = arith.minsi %add3A_336, %min3A_337 : i32
      %dma_wait3A_339 = arith.constant 1 : i32
      %dma_wait3A_340 = arith.constant 0 : i32
      %dma_wait3A_341 = arith.constant 0 : i32
      %dma_wait3A_342 = arith.constant 0 : i32
      %dma_wait3A_343 = tpu.memref_slice %arg5[%dma_wait3A_339, %dma_wait3A_340, %dma_wait3A_341, %dma_wait3A_342] : memref<2x2x4x64xi32, #tpu.memory_space<vmem>> -> memref<1x1x1x64xi32, #tpu.memory_space<vmem>>
      %dma_wait3A_344 = tpu.memref_squeeze %dma_wait3A_343 : memref<1x1x1x64xi32, #tpu.memory_space<vmem>> -> memref<64xi32, #tpu.memory_space<vmem>>
      %dma_wait3A_345 = arith.constant 0 : i32
      %dma_wait3A_346 = arith.constant 0 : i32
      %dma_wait3A_347 = tpu.memref_slice %arg2[%dma_wait3A_345, %dma_wait3A_346] : memref<10000x128xf32, #tpu.memory_space<hbm>> -> memref<10000x128xf32, #tpu.memory_space<hbm>>
      tpu.wait_indirect_dma semaphore(%arg11 : memref<!tpu.dma_semaphore, #tpu.memory_space<semaphore_mem>>) src(%dma_wait3A_347 : memref<10000x128xf32, #tpu.memory_space<hbm>>) dst(%arg6 : memref<64x128xf32, #tpu.memory_space<vmem>>)
      %run_scoped3A_348 = arith.constant 1 : i32
      %run_scoped3A_349 = arith.constant 1 : i32
      %run_scoped3A_350 = arith.constant 0 : i32
      "tpu.region"() ({
        %run_scoped3A_467 = tpu.sem_alloc : memref<!tpu.dma_semaphore, #tpu.memory_space<semaphore_mem>>
        %dma_start3A_468 = arith.constant 0 : i32
        %dma_start3A_469 = tpu.memref_slice %arg5[%run_scoped3A_348, %run_scoped3A_349, %run_scoped3A_350, %dma_start3A_468] : memref<2x2x4x64xi32, #tpu.memory_space<vmem>> -> memref<1x1x1x64xi32, #tpu.memory_space<vmem>>
        %dma_start3A_470 = tpu.memref_squeeze %dma_start3A_469 : memref<1x1x1x64xi32, #tpu.memory_space<vmem>> -> memref<64xi32, #tpu.memory_space<vmem>>
        %dma_start3A_471 = arith.constant 0 : i32
        %dma_start3A_472 = arith.constant 0 : i32
        %dma_start3A_473 = tpu.memref_slice %arg10[%dma_start3A_471, %dma_start3A_472] : memref<10240x128xf32, #tpu.memory_space<vmem_shared>> -> memref<10240x128xf32, #tpu.memory_space<vmem_shared>>
        tpu.enqueue_indirect_dma source(%arg6 : memref<64x128xf32, #tpu.memory_space<vmem>>) target(%dma_start3A_473 : memref<10240x128xf32, #tpu.memory_space<vmem_shared>>) offsets(%dma_start3A_470 : memref<64xi32, #tpu.memory_space<vmem>>) semaphore(%run_scoped3A_467 : memref<!tpu.dma_semaphore, #tpu.memory_space<semaphore_mem>>) {add = true}
        %dma_wait3A_474 = arith.constant 0 : i32
        %dma_wait3A_475 = tpu.memref_slice %arg5[%run_scoped3A_348, %run_scoped3A_349, %run_scoped3A_350, %dma_wait3A_474] : memref<2x2x4x64xi32, #tpu.memory_space<vmem>> -> memref<1x1x1x64xi32, #tpu.memory_space<vmem>>
        %dma_wait3A_476 = tpu.memref_squeeze %dma_wait3A_475 : memref<1x1x1x64xi32, #tpu.memory_space<vmem>> -> memref<64xi32, #tpu.memory_space<vmem>>
        %dma_wait3A_477 = arith.constant 0 : i32
        %dma_wait3A_478 = arith.constant 0 : i32
        %dma_wait3A_479 = tpu.memref_slice %arg10[%dma_wait3A_477, %dma_wait3A_478] : memref<10240x128xf32, #tpu.memory_space<vmem_shared>> -> memref<10240x128xf32, #tpu.memory_space<vmem_shared>>
        tpu.wait_indirect_dma semaphore(%run_scoped3A_467 : memref<!tpu.dma_semaphore, #tpu.memory_space<semaphore_mem>>) src(%arg6 : memref<64x128xf32, #tpu.memory_space<vmem>>) dst(%dma_wait3A_479 : memref<10240x128xf32, #tpu.memory_space<vmem_shared>>)
        tpu.yield
      }) : () -> ()
      %dma_wait3A_351 = arith.constant 0 : i32
      %dma_wait3A_352 = arith.constant 0 : i32
      %dma_wait3A_353 = arith.constant 0 : i32
      %dma_wait3A_354 = arith.constant 0 : i32
      %dma_wait3A_355 = arith.constant 0 : i32
      %dma_wait3A_356 = tpu.memref_slice %arg5[%dma_wait3A_352, %dma_wait3A_353, %dma_wait3A_354, %dma_wait3A_355] : memref<2x2x4x64xi32, #tpu.memory_space<vmem>> -> memref<1x2x4x64xi32, #tpu.memory_space<vmem>>
      %dma_wait3A_357 = tpu.memref_squeeze %dma_wait3A_356 : memref<1x2x4x64xi32, #tpu.memory_space<vmem>> -> memref<2x4x64xi32, #tpu.memory_space<vmem>>
      %dma_wait3A_358 = arith.constant 0 : i32
      %dma_wait3A_359 = arith.constant 0 : i32
      %dma_wait3A_360 = arith.constant 0 : i32
      %dma_wait3A_361 = tpu.memref_slice %arg3[%add3A, %dma_wait3A_351, %dma_wait3A_358, %dma_wait3A_359, %dma_wait3A_360] : memref<32x40x2x4x64xi32, #tpu.memory_space<hbm>> -> memref<1x1x2x4x64xi32, #tpu.memory_space<hbm>>
      %dma_wait3A_362 = tpu.memref_squeeze %dma_wait3A_361 : memref<1x1x2x4x64xi32, #tpu.memory_space<hbm>> -> memref<2x4x64xi32, #tpu.memory_space<hbm>>
      %dma_wait3A_363 = arith.constant 0 : i32
      %dma_wait3A_364 = arith.constant 0 : i32
      %dma_wait3A_365 = arith.constant 0 : i32
      %dma_wait3A_366 = tpu.memref_slice %arg5[%dma_wait3A_352, %dma_wait3A_363, %dma_wait3A_364, %dma_wait3A_365] : memref<2x2x4x64xi32, #tpu.memory_space<vmem>> -> memref<1x2x4x64xi32, #tpu.memory_space<vmem>>
      %dma_wait3A_367 = tpu.memref_squeeze %dma_wait3A_366 : memref<1x2x4x64xi32, #tpu.memory_space<vmem>> -> memref<2x4x64xi32, #tpu.memory_space<vmem>>
      %dma_wait3A_368 = arith.constant 0 : i32
      %dma_wait3A_369 = arith.constant 0 : i32
      %dma_wait3A_370 = arith.constant 0 : i32
      %dma_wait3A_371 = tpu.memref_slice %arg3[%add3A, %dma_wait3A_351, %dma_wait3A_368, %dma_wait3A_369, %dma_wait3A_370] : memref<32x40x2x4x64xi32, #tpu.memory_space<hbm>> -> memref<1x1x2x4x64xi32, #tpu.memory_space<hbm>>
      %dma_wait3A_372 = tpu.memref_squeeze %dma_wait3A_371 : memref<1x1x2x4x64xi32, #tpu.memory_space<hbm>> -> memref<2x4x64xi32, #tpu.memory_space<hbm>>
      tpu.wait_dma2 semaphore(%arg19 : memref<!tpu.dma_semaphore, #tpu.memory_space<semaphore_mem>>) src(%dma_wait3A_372 : memref<2x4x64xi32, #tpu.memory_space<hbm>>) dst(%dma_wait3A_367 : memref<2x4x64xi32, #tpu.memory_space<vmem>>)
      %dma_start3A_373 = arith.constant 0 : i32
      %dma_start3A_374 = arith.constant 0 : i32
      %dma_start3A_375 = arith.constant 0 : i32
      %dma_start3A_376 = arith.constant 0 : i32
      %dma_start3A_377 = tpu.memref_slice %arg5[%dma_start3A_373, %dma_start3A_374, %dma_start3A_375, %dma_start3A_376] : memref<2x2x4x64xi32, #tpu.memory_space<vmem>> -> memref<1x1x1x64xi32, #tpu.memory_space<vmem>>
      %dma_start3A_378 = tpu.memref_squeeze %dma_start3A_377 : memref<1x1x1x64xi32, #tpu.memory_space<vmem>> -> memref<64xi32, #tpu.memory_space<vmem>>
      %dma_start3A_379 = arith.constant 0 : i32
      %dma_start3A_380 = arith.constant 0 : i32
      %dma_start3A_381 = tpu.memref_slice %arg2[%dma_start3A_379, %dma_start3A_380] : memref<10000x128xf32, #tpu.memory_space<hbm>> -> memref<10000x128xf32, #tpu.memory_space<hbm>>
      tpu.enqueue_indirect_dma source(%dma_start3A_381 : memref<10000x128xf32, #tpu.memory_space<hbm>>) target(%arg6 : memref<64x128xf32, #tpu.memory_space<vmem>>) offsets(%dma_start3A_378 : memref<64xi32, #tpu.memory_space<vmem>>) semaphore(%arg11 : memref<!tpu.dma_semaphore, #tpu.memory_space<semaphore_mem>>)
      %dma_wait3A_382 = arith.constant 1 : i32
      %dma_wait3A_383 = arith.constant 0 : i32
      %dma_wait3A_384 = arith.constant 1 : i32
      %dma_wait3A_385 = arith.constant 0 : i32
      %dma_wait3A_386 = tpu.memref_slice %arg5[%dma_wait3A_382, %dma_wait3A_383, %dma_wait3A_384, %dma_wait3A_385] : memref<2x2x4x64xi32, #tpu.memory_space<vmem>> -> memref<1x1x1x64xi32, #tpu.memory_space<vmem>>
      %dma_wait3A_387 = tpu.memref_squeeze %dma_wait3A_386 : memref<1x1x1x64xi32, #tpu.memory_space<vmem>> -> memref<64xi32, #tpu.memory_space<vmem>>
      %dma_wait3A_388 = arith.constant 0 : i32
      %dma_wait3A_389 = arith.constant 0 : i32
      %dma_wait3A_390 = tpu.memref_slice %arg2[%dma_wait3A_388, %dma_wait3A_389] : memref<10000x128xf32, #tpu.memory_space<hbm>> -> memref<10000x128xf32, #tpu.memory_space<hbm>>
      tpu.wait_indirect_dma semaphore(%arg12 : memref<!tpu.dma_semaphore, #tpu.memory_space<semaphore_mem>>) src(%dma_wait3A_390 : memref<10000x128xf32, #tpu.memory_space<hbm>>) dst(%arg7 : memref<64x128xf32, #tpu.memory_space<vmem>>)
      %run_scoped3A_391 = arith.constant 1 : i32
      %run_scoped3A_392 = arith.constant 1 : i32
      %run_scoped3A_393 = arith.constant 1 : i32
      "tpu.region"() ({
        %run_scoped3A_467 = tpu.sem_alloc : memref<!tpu.dma_semaphore, #tpu.memory_space<semaphore_mem>>
        %dma_start3A_468 = arith.constant 0 : i32
        %dma_start3A_469 = tpu.memref_slice %arg5[%run_scoped3A_391, %run_scoped3A_392, %run_scoped3A_393, %dma_start3A_468] : memref<2x2x4x64xi32, #tpu.memory_space<vmem>> -> memref<1x1x1x64xi32, #tpu.memory_space<vmem>>
        %dma_start3A_470 = tpu.memref_squeeze %dma_start3A_469 : memref<1x1x1x64xi32, #tpu.memory_space<vmem>> -> memref<64xi32, #tpu.memory_space<vmem>>
        %dma_start3A_471 = arith.constant 0 : i32
        %dma_start3A_472 = arith.constant 0 : i32
        %dma_start3A_473 = tpu.memref_slice %arg10[%dma_start3A_471, %dma_start3A_472] : memref<10240x128xf32, #tpu.memory_space<vmem_shared>> -> memref<10240x128xf32, #tpu.memory_space<vmem_shared>>
        tpu.enqueue_indirect_dma source(%arg7 : memref<64x128xf32, #tpu.memory_space<vmem>>) target(%dma_start3A_473 : memref<10240x128xf32, #tpu.memory_space<vmem_shared>>) offsets(%dma_start3A_470 : memref<64xi32, #tpu.memory_space<vmem>>) semaphore(%run_scoped3A_467 : memref<!tpu.dma_semaphore, #tpu.memory_space<semaphore_mem>>) {add = true}
        %dma_wait3A_474 = arith.constant 0 : i32
        %dma_wait3A_475 = tpu.memref_slice %arg5[%run_scoped3A_391, %run_scoped3A_392, %run_scoped3A_393, %dma_wait3A_474] : memref<2x2x4x64xi32, #tpu.memory_space<vmem>> -> memref<1x1x1x64xi32, #tpu.memory_space<vmem>>
        %dma_wait3A_476 = tpu.memref_squeeze %dma_wait3A_475 : memref<1x1x1x64xi32, #tpu.memory_space<vmem>> -> memref<64xi32, #tpu.memory_space<vmem>>
        %dma_wait3A_477 = arith.constant 0 : i32
        %dma_wait3A_478 = arith.constant 0 : i32
        %dma_wait3A_479 = tpu.memref_slice %arg10[%dma_wait3A_477, %dma_wait3A_478] : memref<10240x128xf32, #tpu.memory_space<vmem_shared>> -> memref<10240x128xf32, #tpu.memory_space<vmem_shared>>
        tpu.wait_indirect_dma semaphore(%run_scoped3A_467 : memref<!tpu.dma_semaphore, #tpu.memory_space<semaphore_mem>>) src(%arg7 : memref<64x128xf32, #tpu.memory_space<vmem>>) dst(%dma_wait3A_479 : memref<10240x128xf32, #tpu.memory_space<vmem_shared>>)
        tpu.yield
      }) : () -> ()
      %dma_start3A_394 = arith.constant 0 : i32
      %dma_start3A_395 = arith.constant 0 : i32
      %dma_start3A_396 = arith.constant 1 : i32
      %dma_start3A_397 = arith.constant 0 : i32
      %dma_start3A_398 = tpu.memref_slice %arg5[%dma_start3A_394, %dma_start3A_395, %dma_start3A_396, %dma_start3A_397] : memref<2x2x4x64xi32, #tpu.memory_space<vmem>> -> memref<1x1x1x64xi32, #tpu.memory_space<vmem>>
      %dma_start3A_399 = tpu.memref_squeeze %dma_start3A_398 : memref<1x1x1x64xi32, #tpu.memory_space<vmem>> -> memref<64xi32, #tpu.memory_space<vmem>>
      %dma_start3A_400 = arith.constant 0 : i32
      %dma_start3A_401 = arith.constant 0 : i32
      %dma_start3A_402 = tpu.memref_slice %arg2[%dma_start3A_400, %dma_start3A_401] : memref<10000x128xf32, #tpu.memory_space<hbm>> -> memref<10000x128xf32, #tpu.memory_space<hbm>>
      tpu.enqueue_indirect_dma source(%dma_start3A_402 : memref<10000x128xf32, #tpu.memory_space<hbm>>) target(%arg7 : memref<64x128xf32, #tpu.memory_space<vmem>>) offsets(%dma_start3A_399 : memref<64xi32, #tpu.memory_space<vmem>>) semaphore(%arg12 : memref<!tpu.dma_semaphore, #tpu.memory_space<semaphore_mem>>)
      %dma_wait3A_403 = arith.constant 1 : i32
      %dma_wait3A_404 = arith.constant 0 : i32
      %dma_wait3A_405 = arith.constant 2 : i32
      %dma_wait3A_406 = arith.constant 0 : i32
      %dma_wait3A_407 = tpu.memref_slice %arg5[%dma_wait3A_403, %dma_wait3A_404, %dma_wait3A_405, %dma_wait3A_406] : memref<2x2x4x64xi32, #tpu.memory_space<vmem>> -> memref<1x1x1x64xi32, #tpu.memory_space<vmem>>
      %dma_wait3A_408 = tpu.memref_squeeze %dma_wait3A_407 : memref<1x1x1x64xi32, #tpu.memory_space<vmem>> -> memref<64xi32, #tpu.memory_space<vmem>>
      %dma_wait3A_409 = arith.constant 0 : i32
      %dma_wait3A_410 = arith.constant 0 : i32
      %dma_wait3A_411 = tpu.memref_slice %arg2[%dma_wait3A_409, %dma_wait3A_410] : memref<10000x128xf32, #tpu.memory_space<hbm>> -> memref<10000x128xf32, #tpu.memory_space<hbm>>
      tpu.wait_indirect_dma semaphore(%arg13 : memref<!tpu.dma_semaphore, #tpu.memory_space<semaphore_mem>>) src(%dma_wait3A_411 : memref<10000x128xf32, #tpu.memory_space<hbm>>) dst(%arg8 : memref<64x128xf32, #tpu.memory_space<vmem>>)
      %run_scoped3A_412 = arith.constant 1 : i32
      %run_scoped3A_413 = arith.constant 1 : i32
      %run_scoped3A_414 = arith.constant 2 : i32
      "tpu.region"() ({
        %run_scoped3A_467 = tpu.sem_alloc : memref<!tpu.dma_semaphore, #tpu.memory_space<semaphore_mem>>
        %dma_start3A_468 = arith.constant 0 : i32
        %dma_start3A_469 = tpu.memref_slice %arg5[%run_scoped3A_412, %run_scoped3A_413, %run_scoped3A_414, %dma_start3A_468] : memref<2x2x4x64xi32, #tpu.memory_space<vmem>> -> memref<1x1x1x64xi32, #tpu.memory_space<vmem>>
        %dma_start3A_470 = tpu.memref_squeeze %dma_start3A_469 : memref<1x1x1x64xi32, #tpu.memory_space<vmem>> -> memref<64xi32, #tpu.memory_space<vmem>>
        %dma_start3A_471 = arith.constant 0 : i32
        %dma_start3A_472 = arith.constant 0 : i32
        %dma_start3A_473 = tpu.memref_slice %arg10[%dma_start3A_471, %dma_start3A_472] : memref<10240x128xf32, #tpu.memory_space<vmem_shared>> -> memref<10240x128xf32, #tpu.memory_space<vmem_shared>>
        tpu.enqueue_indirect_dma source(%arg8 : memref<64x128xf32, #tpu.memory_space<vmem>>) target(%dma_start3A_473 : memref<10240x128xf32, #tpu.memory_space<vmem_shared>>) offsets(%dma_start3A_470 : memref<64xi32, #tpu.memory_space<vmem>>) semaphore(%run_scoped3A_467 : memref<!tpu.dma_semaphore, #tpu.memory_space<semaphore_mem>>) {add = true}
        %dma_wait3A_474 = arith.constant 0 : i32
        %dma_wait3A_475 = tpu.memref_slice %arg5[%run_scoped3A_412, %run_scoped3A_413, %run_scoped3A_414, %dma_wait3A_474] : memref<2x2x4x64xi32, #tpu.memory_space<vmem>> -> memref<1x1x1x64xi32, #tpu.memory_space<vmem>>
        %dma_wait3A_476 = tpu.memref_squeeze %dma_wait3A_475 : memref<1x1x1x64xi32, #tpu.memory_space<vmem>> -> memref<64xi32, #tpu.memory_space<vmem>>
        %dma_wait3A_477 = arith.constant 0 : i32
        %dma_wait3A_478 = arith.constant 0 : i32
        %dma_wait3A_479 = tpu.memref_slice %arg10[%dma_wait3A_477, %dma_wait3A_478] : memref<10240x128xf32, #tpu.memory_space<vmem_shared>> -> memref<10240x128xf32, #tpu.memory_space<vmem_shared>>
        tpu.wait_indirect_dma semaphore(%run_scoped3A_467 : memref<!tpu.dma_semaphore, #tpu.memory_space<semaphore_mem>>) src(%arg8 : memref<64x128xf32, #tpu.memory_space<vmem>>) dst(%dma_wait3A_479 : memref<10240x128xf32, #tpu.memory_space<vmem_shared>>)
        tpu.yield
      }) : () -> ()
      %dma_start3A_415 = arith.constant 0 : i32
      %dma_start3A_416 = arith.constant 0 : i32
      %dma_start3A_417 = arith.constant 2 : i32
      %dma_start3A_418 = arith.constant 0 : i32
      %dma_start3A_419 = tpu.memref_slice %arg5[%dma_start3A_415, %dma_start3A_416, %dma_start3A_417, %dma_start3A_418] : memref<2x2x4x64xi32, #tpu.memory_space<vmem>> -> memref<1x1x1x64xi32, #tpu.memory_space<vmem>>
      %dma_start3A_420 = tpu.memref_squeeze %dma_start3A_419 : memref<1x1x1x64xi32, #tpu.memory_space<vmem>> -> memref<64xi32, #tpu.memory_space<vmem>>
      %dma_start3A_421 = arith.constant 0 : i32
      %dma_start3A_422 = arith.constant 0 : i32
      %dma_start3A_423 = tpu.memref_slice %arg2[%dma_start3A_421, %dma_start3A_422] : memref<10000x128xf32, #tpu.memory_space<hbm>> -> memref<10000x128xf32, #tpu.memory_space<hbm>>
      tpu.enqueue_indirect_dma source(%dma_start3A_423 : memref<10000x128xf32, #tpu.memory_space<hbm>>) target(%arg8 : memref<64x128xf32, #tpu.memory_space<vmem>>) offsets(%dma_start3A_420 : memref<64xi32, #tpu.memory_space<vmem>>) semaphore(%arg13 : memref<!tpu.dma_semaphore, #tpu.memory_space<semaphore_mem>>)
      %dma_wait3A_424 = arith.constant 1 : i32
      %dma_wait3A_425 = arith.constant 0 : i32
      %dma_wait3A_426 = arith.constant 3 : i32
      %dma_wait3A_427 = arith.constant 0 : i32
      %dma_wait3A_428 = tpu.memref_slice %arg5[%dma_wait3A_424, %dma_wait3A_425, %dma_wait3A_426, %dma_wait3A_427] : memref<2x2x4x64xi32, #tpu.memory_space<vmem>> -> memref<1x1x1x64xi32, #tpu.memory_space<vmem>>
      %dma_wait3A_429 = tpu.memref_squeeze %dma_wait3A_428 : memref<1x1x1x64xi32, #tpu.memory_space<vmem>> -> memref<64xi32, #tpu.memory_space<vmem>>
      %dma_wait3A_430 = arith.constant 0 : i32
      %dma_wait3A_431 = arith.constant 0 : i32
      %dma_wait3A_432 = tpu.memref_slice %arg2[%dma_wait3A_430, %dma_wait3A_431] : memref<10000x128xf32, #tpu.memory_space<hbm>> -> memref<10000x128xf32, #tpu.memory_space<hbm>>
      tpu.wait_indirect_dma semaphore(%arg14 : memref<!tpu.dma_semaphore, #tpu.memory_space<semaphore_mem>>) src(%dma_wait3A_432 : memref<10000x128xf32, #tpu.memory_space<hbm>>) dst(%arg9 : memref<64x128xf32, #tpu.memory_space<vmem>>)
      %run_scoped3A_433 = arith.constant 1 : i32
      %run_scoped3A_434 = arith.constant 1 : i32
      %run_scoped3A_435 = arith.constant 3 : i32
      "tpu.region"() ({
        %run_scoped3A_467 = tpu.sem_alloc : memref<!tpu.dma_semaphore, #tpu.memory_space<semaphore_mem>>
        %dma_start3A_468 = arith.constant 0 : i32
        %dma_start3A_469 = tpu.memref_slice %arg5[%run_scoped3A_433, %run_scoped3A_434, %run_scoped3A_435, %dma_start3A_468] : memref<2x2x4x64xi32, #tpu.memory_space<vmem>> -> memref<1x1x1x64xi32, #tpu.memory_space<vmem>>
        %dma_start3A_470 = tpu.memref_squeeze %dma_start3A_469 : memref<1x1x1x64xi32, #tpu.memory_space<vmem>> -> memref<64xi32, #tpu.memory_space<vmem>>
        %dma_start3A_471 = arith.constant 0 : i32
        %dma_start3A_472 = arith.constant 0 : i32
        %dma_start3A_473 = tpu.memref_slice %arg10[%dma_start3A_471, %dma_start3A_472] : memref<10240x128xf32, #tpu.memory_space<vmem_shared>> -> memref<10240x128xf32, #tpu.memory_space<vmem_shared>>
        tpu.enqueue_indirect_dma source(%arg9 : memref<64x128xf32, #tpu.memory_space<vmem>>) target(%dma_start3A_473 : memref<10240x128xf32, #tpu.memory_space<vmem_shared>>) offsets(%dma_start3A_470 : memref<64xi32, #tpu.memory_space<vmem>>) semaphore(%run_scoped3A_467 : memref<!tpu.dma_semaphore, #tpu.memory_space<semaphore_mem>>) {add = true}
        %dma_wait3A_474 = arith.constant 0 : i32
        %dma_wait3A_475 = tpu.memref_slice %arg5[%run_scoped3A_433, %run_scoped3A_434, %run_scoped3A_435, %dma_wait3A_474] : memref<2x2x4x64xi32, #tpu.memory_space<vmem>> -> memref<1x1x1x64xi32, #tpu.memory_space<vmem>>
        %dma_wait3A_476 = tpu.memref_squeeze %dma_wait3A_475 : memref<1x1x1x64xi32, #tpu.memory_space<vmem>> -> memref<64xi32, #tpu.memory_space<vmem>>
        %dma_wait3A_477 = arith.constant 0 : i32
        %dma_wait3A_478 = arith.constant 0 : i32
        %dma_wait3A_479 = tpu.memref_slice %arg10[%dma_wait3A_477, %dma_wait3A_478] : memref<10240x128xf32, #tpu.memory_space<vmem_shared>> -> memref<10240x128xf32, #tpu.memory_space<vmem_shared>>
        tpu.wait_indirect_dma semaphore(%run_scoped3A_467 : memref<!tpu.dma_semaphore, #tpu.memory_space<semaphore_mem>>) src(%arg9 : memref<64x128xf32, #tpu.memory_space<vmem>>) dst(%dma_wait3A_479 : memref<10240x128xf32, #tpu.memory_space<vmem_shared>>)
        tpu.yield
      }) : () -> ()
      %dma_start3A_436 = arith.constant 0 : i32
      %dma_start3A_437 = arith.constant 0 : i32
      %dma_start3A_438 = arith.constant 3 : i32
      %dma_start3A_439 = arith.constant 0 : i32
      %dma_start3A_440 = tpu.memref_slice %arg5[%dma_start3A_436, %dma_start3A_437, %dma_start3A_438, %dma_start3A_439] : memref<2x2x4x64xi32, #tpu.memory_space<vmem>> -> memref<1x1x1x64xi32, #tpu.memory_space<vmem>>
      %dma_start3A_441 = tpu.memref_squeeze %dma_start3A_440 : memref<1x1x1x64xi32, #tpu.memory_space<vmem>> -> memref<64xi32, #tpu.memory_space<vmem>>
      %dma_start3A_442 = arith.constant 0 : i32
      %dma_start3A_443 = arith.constant 0 : i32
      %dma_start3A_444 = tpu.memref_slice %arg2[%dma_start3A_442, %dma_start3A_443] : memref<10000x128xf32, #tpu.memory_space<hbm>> -> memref<10000x128xf32, #tpu.memory_space<hbm>>
      tpu.enqueue_indirect_dma source(%dma_start3A_444 : memref<10000x128xf32, #tpu.memory_space<hbm>>) target(%arg9 : memref<64x128xf32, #tpu.memory_space<vmem>>) offsets(%dma_start3A_441 : memref<64xi32, #tpu.memory_space<vmem>>) semaphore(%arg14 : memref<!tpu.dma_semaphore, #tpu.memory_space<semaphore_mem>>)
      %dma_start3A_445 = arith.constant 1 : i32
      %dma_start3A_446 = arith.constant 0 : i32
      %dma_start3A_447 = arith.constant 0 : i32
      %dma_start3A_448 = arith.constant 0 : i32
      %dma_start3A_449 = tpu.memref_slice %arg5[%dma_start3A_445, %dma_start3A_446, %dma_start3A_447, %dma_start3A_448] : memref<2x2x4x64xi32, #tpu.memory_space<vmem>> -> memref<1x2x4x64xi32, #tpu.memory_space<vmem>>
      %dma_start3A_450 = tpu.memref_squeeze %dma_start3A_449 : memref<1x2x4x64xi32, #tpu.memory_space<vmem>> -> memref<2x4x64xi32, #tpu.memory_space<vmem>>
      %dma_start3A_451 = arith.constant 0 : i32
      %dma_start3A_452 = arith.constant 0 : i32
      %dma_start3A_453 = arith.constant 0 : i32
      %dma_start3A_454 = tpu.memref_slice %arg3[%add3A, %min3A_338, %dma_start3A_451, %dma_start3A_452, %dma_start3A_453] : memref<32x40x2x4x64xi32, #tpu.memory_space<hbm>> -> memref<1x1x2x4x64xi32, #tpu.memory_space<hbm>>
      %dma_start3A_455 = tpu.memref_squeeze %dma_start3A_454 : memref<1x1x2x4x64xi32, #tpu.memory_space<hbm>> -> memref<2x4x64xi32, #tpu.memory_space<hbm>>
      %dma_start3A_456 = arith.constant 0 : i32
      %dma_start3A_457 = arith.constant 0 : i32
      %dma_start3A_458 = arith.constant 0 : i32
      %dma_start3A_459 = tpu.memref_slice %arg5[%dma_start3A_445, %dma_start3A_456, %dma_start3A_457, %dma_start3A_458] : memref<2x2x4x64xi32, #tpu.memory_space<vmem>> -> memref<1x2x4x64xi32, #tpu.memory_space<vmem>>
      %dma_start3A_460 = tpu.memref_squeeze %dma_start3A_459 : memref<1x2x4x64xi32, #tpu.memory_space<vmem>> -> memref<2x4x64xi32, #tpu.memory_space<vmem>>
      %dma_start3A_461 = arith.constant 0 : i32
      %dma_start3A_462 = arith.constant 0 : i32
      %dma_start3A_463 = arith.constant 0 : i32
      %dma_start3A_464 = tpu.memref_slice %arg3[%add3A, %min3A_338, %dma_start3A_461, %dma_start3A_462, %dma_start3A_463] : memref<32x40x2x4x64xi32, #tpu.memory_space<hbm>> -> memref<1x1x2x4x64xi32, #tpu.memory_space<hbm>>
      %dma_start3A_465 = tpu.memref_squeeze %dma_start3A_464 : memref<1x1x2x4x64xi32, #tpu.memory_space<hbm>> -> memref<2x4x64xi32, #tpu.memory_space<hbm>>
      tpu.enqueue_dma source(%dma_start3A_465 : memref<2x4x64xi32, #tpu.memory_space<hbm>>) target(%dma_start3A_460 : memref<2x4x64xi32, #tpu.memory_space<vmem>>) target_semaphore(%arg20 : memref<!tpu.dma_semaphore, #tpu.memory_space<semaphore_mem>>)
      %scan3A_466 = arith.constant 0 : i32
      scf.yield %scan3A_466 : i32
    }
    %scan3A_136 = arith.constant 20 : i32
    %dma_wait3A_137 = arith.constant 0 : i32
    %dma_wait3A_138 = arith.constant 0 : i32
    %dma_wait3A_139 = arith.constant 0 : i32
    %dma_wait3A_140 = arith.constant 0 : i32
    %dma_wait3A_141 = tpu.memref_slice %arg5[%dma_wait3A_137, %dma_wait3A_138, %dma_wait3A_139, %dma_wait3A_140] : memref<2x2x4x64xi32, #tpu.memory_space<vmem>> -> memref<1x1x1x64xi32, #tpu.memory_space<vmem>>
    %dma_wait3A_142 = tpu.memref_squeeze %dma_wait3A_141 : memref<1x1x1x64xi32, #tpu.memory_space<vmem>> -> memref<64xi32, #tpu.memory_space<vmem>>
    %dma_wait3A_143 = arith.constant 0 : i32
    %dma_wait3A_144 = arith.constant 0 : i32
    %dma_wait3A_145 = tpu.memref_slice %arg2[%dma_wait3A_143, %dma_wait3A_144] : memref<10000x128xf32, #tpu.memory_space<hbm>> -> memref<10000x128xf32, #tpu.memory_space<hbm>>
    tpu.wait_indirect_dma semaphore(%arg11 : memref<!tpu.dma_semaphore, #tpu.memory_space<semaphore_mem>>) src(%dma_wait3A_145 : memref<10000x128xf32, #tpu.memory_space<hbm>>) dst(%arg6 : memref<64x128xf32, #tpu.memory_space<vmem>>)
    %dma_wait3A_146 = arith.constant 0 : i32
    %dma_wait3A_147 = arith.constant 0 : i32
    %dma_wait3A_148 = arith.constant 1 : i32
    %dma_wait3A_149 = arith.constant 0 : i32
    %dma_wait3A_150 = tpu.memref_slice %arg5[%dma_wait3A_146, %dma_wait3A_147, %dma_wait3A_148, %dma_wait3A_149] : memref<2x2x4x64xi32, #tpu.memory_space<vmem>> -> memref<1x1x1x64xi32, #tpu.memory_space<vmem>>
    %dma_wait3A_151 = tpu.memref_squeeze %dma_wait3A_150 : memref<1x1x1x64xi32, #tpu.memory_space<vmem>> -> memref<64xi32, #tpu.memory_space<vmem>>
    %dma_wait3A_152 = arith.constant 0 : i32
    %dma_wait3A_153 = arith.constant 0 : i32
    %dma_wait3A_154 = tpu.memref_slice %arg2[%dma_wait3A_152, %dma_wait3A_153] : memref<10000x128xf32, #tpu.memory_space<hbm>> -> memref<10000x128xf32, #tpu.memory_space<hbm>>
    tpu.wait_indirect_dma semaphore(%arg12 : memref<!tpu.dma_semaphore, #tpu.memory_space<semaphore_mem>>) src(%dma_wait3A_154 : memref<10000x128xf32, #tpu.memory_space<hbm>>) dst(%arg7 : memref<64x128xf32, #tpu.memory_space<vmem>>)
    %dma_wait3A_155 = arith.constant 0 : i32
    %dma_wait3A_156 = arith.constant 0 : i32
    %dma_wait3A_157 = arith.constant 2 : i32
    %dma_wait3A_158 = arith.constant 0 : i32
    %dma_wait3A_159 = tpu.memref_slice %arg5[%dma_wait3A_155, %dma_wait3A_156, %dma_wait3A_157, %dma_wait3A_158] : memref<2x2x4x64xi32, #tpu.memory_space<vmem>> -> memref<1x1x1x64xi32, #tpu.memory_space<vmem>>
    %dma_wait3A_160 = tpu.memref_squeeze %dma_wait3A_159 : memref<1x1x1x64xi32, #tpu.memory_space<vmem>> -> memref<64xi32, #tpu.memory_space<vmem>>
    %dma_wait3A_161 = arith.constant 0 : i32
    %dma_wait3A_162 = arith.constant 0 : i32
    %dma_wait3A_163 = tpu.memref_slice %arg2[%dma_wait3A_161, %dma_wait3A_162] : memref<10000x128xf32, #tpu.memory_space<hbm>> -> memref<10000x128xf32, #tpu.memory_space<hbm>>
    tpu.wait_indirect_dma semaphore(%arg13 : memref<!tpu.dma_semaphore, #tpu.memory_space<semaphore_mem>>) src(%dma_wait3A_163 : memref<10000x128xf32, #tpu.memory_space<hbm>>) dst(%arg8 : memref<64x128xf32, #tpu.memory_space<vmem>>)
    %dma_wait3A_164 = arith.constant 0 : i32
    %dma_wait3A_165 = arith.constant 0 : i32
    %dma_wait3A_166 = arith.constant 3 : i32
    %dma_wait3A_167 = arith.constant 0 : i32
    %dma_wait3A_168 = tpu.memref_slice %arg5[%dma_wait3A_164, %dma_wait3A_165, %dma_wait3A_166, %dma_wait3A_167] : memref<2x2x4x64xi32, #tpu.memory_space<vmem>> -> memref<1x1x1x64xi32, #tpu.memory_space<vmem>>
    %dma_wait3A_169 = tpu.memref_squeeze %dma_wait3A_168 : memref<1x1x1x64xi32, #tpu.memory_space<vmem>> -> memref<64xi32, #tpu.memory_space<vmem>>
    %dma_wait3A_170 = arith.constant 0 : i32
    %dma_wait3A_171 = arith.constant 0 : i32
    %dma_wait3A_172 = tpu.memref_slice %arg2[%dma_wait3A_170, %dma_wait3A_171] : memref<10000x128xf32, #tpu.memory_space<hbm>> -> memref<10000x128xf32, #tpu.memory_space<hbm>>
    tpu.wait_indirect_dma semaphore(%arg14 : memref<!tpu.dma_semaphore, #tpu.memory_space<semaphore_mem>>) src(%dma_wait3A_172 : memref<10000x128xf32, #tpu.memory_space<hbm>>) dst(%arg9 : memref<64x128xf32, #tpu.memory_space<vmem>>)
    %dma_wait3A_173 = arith.constant 0 : i32
    %dma_wait3A_174 = arith.constant 1 : i32
    %dma_wait3A_175 = arith.constant 0 : i32
    %dma_wait3A_176 = arith.constant 0 : i32
    %dma_wait3A_177 = arith.constant 0 : i32
    %dma_wait3A_178 = tpu.memref_slice %arg5[%dma_wait3A_174, %dma_wait3A_175, %dma_wait3A_176, %dma_wait3A_177] : memref<2x2x4x64xi32, #tpu.memory_space<vmem>> -> memref<1x2x4x64xi32, #tpu.memory_space<vmem>>
    %dma_wait3A_179 = tpu.memref_squeeze %dma_wait3A_178 : memref<1x2x4x64xi32, #tpu.memory_space<vmem>> -> memref<2x4x64xi32, #tpu.memory_space<vmem>>
    %dma_wait3A_180 = arith.constant 0 : i32
    %dma_wait3A_181 = arith.constant 0 : i32
    %dma_wait3A_182 = arith.constant 0 : i32
    %dma_wait3A_183 = tpu.memref_slice %arg3[%add3A, %dma_wait3A_173, %dma_wait3A_180, %dma_wait3A_181, %dma_wait3A_182] : memref<32x40x2x4x64xi32, #tpu.memory_space<hbm>> -> memref<1x1x2x4x64xi32, #tpu.memory_space<hbm>>
    %dma_wait3A_184 = tpu.memref_squeeze %dma_wait3A_183 : memref<1x1x2x4x64xi32, #tpu.memory_space<hbm>> -> memref<2x4x64xi32, #tpu.memory_space<hbm>>
    %dma_wait3A_185 = arith.constant 0 : i32
    %dma_wait3A_186 = arith.constant 0 : i32
    %dma_wait3A_187 = arith.constant 0 : i32
    %dma_wait3A_188 = tpu.memref_slice %arg5[%dma_wait3A_174, %dma_wait3A_185, %dma_wait3A_186, %dma_wait3A_187] : memref<2x2x4x64xi32, #tpu.memory_space<vmem>> -> memref<1x2x4x64xi32, #tpu.memory_space<vmem>>
    %dma_wait3A_189 = tpu.memref_squeeze %dma_wait3A_188 : memref<1x2x4x64xi32, #tpu.memory_space<vmem>> -> memref<2x4x64xi32, #tpu.memory_space<vmem>>
    %dma_wait3A_190 = arith.constant 0 : i32
    %dma_wait3A_191 = arith.constant 0 : i32
    %dma_wait3A_192 = arith.constant 0 : i32
    %dma_wait3A_193 = tpu.memref_slice %arg3[%add3A, %dma_wait3A_173, %dma_wait3A_190, %dma_wait3A_191, %dma_wait3A_192] : memref<32x40x2x4x64xi32, #tpu.memory_space<hbm>> -> memref<1x1x2x4x64xi32, #tpu.memory_space<hbm>>
    %dma_wait3A_194 = tpu.memref_squeeze %dma_wait3A_193 : memref<1x1x2x4x64xi32, #tpu.memory_space<hbm>> -> memref<2x4x64xi32, #tpu.memory_space<hbm>>
    tpu.wait_dma2 semaphore(%arg20 : memref<!tpu.dma_semaphore, #tpu.memory_space<semaphore_mem>>) src(%dma_wait3A_194 : memref<2x4x64xi32, #tpu.memory_space<hbm>>) dst(%dma_wait3A_189 : memref<2x4x64xi32, #tpu.memory_space<vmem>>)
    %barrier3A_195 = arith.constant 0 : index
    tpu.barrier barrier_id(%barrier3A_195)
    %mul3A_196 = arith.constant 624 : i32
    %mul3A_197 = arith.muli %arg1, %mul3A_196 : i32
    "tpu.region"() ({
      %run_scoped3A = tpu.sem_alloc : memref<!tpu.dma_semaphore, #tpu.memory_space<semaphore_mem>>
      %dma_start3A_200 = arith.constant 0 : i32
      %dma_start3A_201 = tpu.memref_slice %arg4[%arg0, %mul3A_197, %dma_start3A_200] : memref<2x10000x128xf32, #tpu.memory_space<hbm>> -> memref<1x624x128xf32, #tpu.memory_space<hbm>>
      %dma_start3A_202 = tpu.memref_squeeze %dma_start3A_201 : memref<1x624x128xf32, #tpu.memory_space<hbm>> -> memref<624x128xf32, #tpu.memory_space<hbm>>
      %dma_start3A_203 = arith.constant 0 : i32
      %dma_start3A_204 = tpu.memref_slice %arg10[%mul3A_197, %dma_start3A_203] : memref<10240x128xf32, #tpu.memory_space<vmem_shared>> -> memref<624x128xf32, #tpu.memory_space<vmem_shared>>
      tpu.enqueue_dma source(%dma_start3A_204 : memref<624x128xf32, #tpu.memory_space<vmem_shared>>) target(%dma_start3A_202 : memref<624x128xf32, #tpu.memory_space<hbm>>) target_semaphore(%run_scoped3A : memref<!tpu.dma_semaphore, #tpu.memory_space<semaphore_mem>>)
      %dma_wait3A_205 = arith.constant 0 : i32
      %dma_wait3A_206 = tpu.memref_slice %arg4[%arg0, %mul3A_197, %dma_wait3A_205] : memref<2x10000x128xf32, #tpu.memory_space<hbm>> -> memref<1x624x128xf32, #tpu.memory_space<hbm>>
      %dma_wait3A_207 = tpu.memref_squeeze %dma_wait3A_206 : memref<1x624x128xf32, #tpu.memory_space<hbm>> -> memref<624x128xf32, #tpu.memory_space<hbm>>
      %dma_wait3A_208 = arith.constant 0 : i32
      %dma_wait3A_209 = tpu.memref_slice %arg10[%mul3A_197, %dma_wait3A_208] : memref<10240x128xf32, #tpu.memory_space<vmem_shared>> -> memref<624x128xf32, #tpu.memory_space<vmem_shared>>
      tpu.wait_dma2 semaphore(%run_scoped3A : memref<!tpu.dma_semaphore, #tpu.memory_space<semaphore_mem>>) src(%dma_wait3A_209 : memref<624x128xf32, #tpu.memory_space<vmem_shared>>) dst(%dma_wait3A_207 : memref<624x128xf32, #tpu.memory_space<hbm>>)
      tpu.yield
    }) : () -> ()
    %eq3A = arith.constant 0 : i32
    %eq3A_198 = arith.cmpi eq, %arg1, %eq3A : i32
    %convert_element_type3A = arith.extui %eq3A_198 : i1 to i32
    %cond3A = arith.constant 0 : i32
    %cond3A_199 = arith.cmpi ne, %convert_element_type3A, %cond3A : i32
    scf.if %cond3A_199 {
      "tpu.region"() ({
        %run_scoped3A = tpu.sem_alloc : memref<!tpu.dma_semaphore, #tpu.memory_space<semaphore_mem>>
        %dma_start3A_200 = arith.constant 9984 : i32
        %dma_start3A_201 = arith.constant 0 : i32
        %dma_start3A_202 = tpu.memref_slice %arg4[%arg0, %dma_start3A_200, %dma_start3A_201] : memref<2x10000x128xf32, #tpu.memory_space<hbm>> -> memref<1x16x128xf32, #tpu.memory_space<hbm>>
        %dma_start3A_203 = tpu.memref_squeeze %dma_start3A_202 : memref<1x16x128xf32, #tpu.memory_space<hbm>> -> memref<16x128xf32, #tpu.memory_space<hbm>>
        %dma_start3A_204 = arith.constant 9984 : i32
        %dma_start3A_205 = arith.constant 0 : i32
        %dma_start3A_206 = tpu.memref_slice %arg10[%dma_start3A_204, %dma_start3A_205] : memref<10240x128xf32, #tpu.memory_space<vmem_shared>> -> memref<16x128xf32, #tpu.memory_space<vmem_shared>>
        tpu.enqueue_dma source(%dma_start3A_206 : memref<16x128xf32, #tpu.memory_space<vmem_shared>>) target(%dma_start3A_203 : memref<16x128xf32, #tpu.memory_space<hbm>>) target_semaphore(%run_scoped3A : memref<!tpu.dma_semaphore, #tpu.memory_space<semaphore_mem>>)
        %dma_wait3A_207 = arith.constant 9984 : i32
        %dma_wait3A_208 = arith.constant 0 : i32
        %dma_wait3A_209 = tpu.memref_slice %arg4[%arg0, %dma_wait3A_207, %dma_wait3A_208] : memref<2x10000x128xf32, #tpu.memory_space<hbm>> -> memref<1x16x128xf32, #tpu.memory_space<hbm>>
        %dma_wait3A_210 = tpu.memref_squeeze %dma_wait3A_209 : memref<1x16x128xf32, #tpu.memory_space<hbm>> -> memref<16x128xf32, #tpu.memory_space<hbm>>
        %dma_wait3A_211 = arith.constant 9984 : i32
        %dma_wait3A_212 = arith.constant 0 : i32
        %dma_wait3A_213 = tpu.memref_slice %arg10[%dma_wait3A_211, %dma_wait3A_212] : memref<10240x128xf32, #tpu.memory_space<vmem_shared>> -> memref<16x128xf32, #tpu.memory_space<vmem_shared>>
        tpu.wait_dma2 semaphore(%run_scoped3A : memref<!tpu.dma_semaphore, #tpu.memory_space<semaphore_mem>>) src(%dma_wait3A_213 : memref<16x128xf32, #tpu.memory_space<vmem_shared>>) dst(%dma_wait3A_210 : memref<16x128xf32, #tpu.memory_space<hbm>>)
        tpu.yield
      }) : () -> ()
    } else {
    }
    return
  }
}

#map = affine_map<(d0, d1) -> (0, 0)>
#map1 = affine_map<(d0, d1) -> (0, 0, 0, 0, 0)>
#map2 = affine_map<(d0, d1) -> (0, 0, 0)>
module attributes {stable_mosaic.version = 14 : i64} {
  func.func @_sc_agg_body(%arg0: i32, %arg1: i32, %arg2: memref<10000x128xf32, #tpu.memory_space<hbm>>, %arg3: memref<32x40x2x4x64xi32, #tpu.memory_space<hbm>>, %arg4: memref<2x10000x128xf32, #tpu.memory_space<hbm>>, %arg5: memref<2x2x4x64xi32, #tpu.memory_space<vmem>>, %arg6: memref<64x128xf32, #tpu.memory_space<vmem>>, %arg7: memref<64x128xf32, #tpu.memory_space<vmem>>, %arg8: memref<64x128xf32, #tpu.memory_space<vmem>>, %arg9: memref<64x128xf32, #tpu.memory_space<vmem>>, %arg10: memref<10240x128xf32, #tpu.memory_space<vmem_shared>>, %arg11: memref<!tpu.dma_semaphore, #tpu.memory_space<semaphore_mem>>, %arg12: memref<!tpu.dma_semaphore, #tpu.memory_space<semaphore_mem>>, %arg13: memref<!tpu.dma_semaphore, #tpu.memory_space<semaphore_mem>>, %arg14: memref<!tpu.dma_semaphore, #tpu.memory_space<semaphore_mem>>, %arg15: memref<!tpu.dma_semaphore, #tpu.memory_space<semaphore_mem>>, %arg16: memref<!tpu.dma_semaphore, #tpu.memory_space<semaphore_mem>>, %arg17: memref<!tpu.dma_semaphore, #tpu.memory_space<semaphore_mem>>, %arg18: memref<!tpu.dma_semaphore, #tpu.memory_space<semaphore_mem>>, %arg19: memref<!tpu.dma_semaphore, #tpu.memory_space<semaphore_mem>>, %arg20: memref<!tpu.dma_semaphore, #tpu.memory_space<semaphore_mem>>) attributes {dimension_semantics = [#tpu.dimension_semantics<core_parallel>, #tpu.dimension_semantics<subcore_parallel>], iteration_bounds = array<i64: 2, 16>, scalar_prefetch = 0 : i64, scratch_operands = 16 : i64, tpu.core_type = #tpu.core_type<sc_vector_subcore>, window_params = [{transform_indices = #map}, {transform_indices = #map1}, {transform_indices = #map2}]} {
    %mul3A = arith.constant 2 : i32
    %mul3A_0 = arith.muli %arg1, %mul3A : i32
    %add3A = arith.addi %mul3A_0, %arg0 : i32
    %dma_start3A = arith.constant 0 : i32
    %dma_start3A_1 = arith.constant 0 : i32
    %dma_start3A_2 = arith.constant 0 : i32
    %dma_start3A_3 = arith.constant 0 : i32
    %dma_start3A_4 = arith.constant 0 : i32
    %dma_start3A_5 = tpu.memref_slice %arg5[%dma_start3A_1, %dma_start3A_2, %dma_start3A_3, %dma_start3A_4] : memref<2x2x4x64xi32, #tpu.memory_space<vmem>> -> memref<1x2x4x64xi32, #tpu.memory_space<vmem>>
    %dma_start3A_6 = tpu.memref_squeeze %dma_start3A_5 : memref<1x2x4x64xi32, #tpu.memory_space<vmem>> -> memref<2x4x64xi32, #tpu.memory_space<vmem>>
    %dma_start3A_7 = arith.constant 0 : i32
    %dma_start3A_8 = arith.constant 0 : i32
    %dma_start3A_9 = arith.constant 0 : i32
    %dma_start3A_10 = tpu.memref_slice %arg3[%add3A, %dma_start3A, %dma_start3A_7, %dma_start3A_8, %dma_start3A_9] : memref<32x40x2x4x64xi32, #tpu.memory_space<hbm>> -> memref<1x1x2x4x64xi32, #tpu.memory_space<hbm>>
    %dma_start3A_11 = tpu.memref_squeeze %dma_start3A_10 : memref<1x1x2x4x64xi32, #tpu.memory_space<hbm>> -> memref<2x4x64xi32, #tpu.memory_space<hbm>>
    %dma_start3A_12 = arith.constant 0 : i32
    %dma_start3A_13 = arith.constant 0 : i32
    %dma_start3A_14 = arith.constant 0 : i32
    %dma_start3A_15 = tpu.memref_slice %arg5[%dma_start3A_1, %dma_start3A_12, %dma_start3A_13, %dma_start3A_14] : memref<2x2x4x64xi32, #tpu.memory_space<vmem>> -> memref<1x2x4x64xi32, #tpu.memory_space<vmem>>
    %dma_start3A_16 = tpu.memref_squeeze %dma_start3A_15 : memref<1x2x4x64xi32, #tpu.memory_space<vmem>> -> memref<2x4x64xi32, #tpu.memory_space<vmem>>
    %dma_start3A_17 = arith.constant 0 : i32
    %dma_start3A_18 = arith.constant 0 : i32
    %dma_start3A_19 = arith.constant 0 : i32
    %dma_start3A_20 = tpu.memref_slice %arg3[%add3A, %dma_start3A, %dma_start3A_17, %dma_start3A_18, %dma_start3A_19] : memref<32x40x2x4x64xi32, #tpu.memory_space<hbm>> -> memref<1x1x2x4x64xi32, #tpu.memory_space<hbm>>
    %dma_start3A_21 = tpu.memref_squeeze %dma_start3A_20 : memref<1x1x2x4x64xi32, #tpu.memory_space<hbm>> -> memref<2x4x64xi32, #tpu.memory_space<hbm>>
    tpu.enqueue_dma source(%dma_start3A_21 : memref<2x4x64xi32, #tpu.memory_space<hbm>>) target(%dma_start3A_16 : memref<2x4x64xi32, #tpu.memory_space<vmem>>) target_semaphore(%arg19 : memref<!tpu.dma_semaphore, #tpu.memory_space<semaphore_mem>>)
    %dma_wait3A = arith.constant 0 : i32
    %dma_wait3A_22 = arith.constant 0 : i32
    %dma_wait3A_23 = arith.constant 0 : i32
    %dma_wait3A_24 = arith.constant 0 : i32
    %dma_wait3A_25 = arith.constant 0 : i32
    %dma_wait3A_26 = tpu.memref_slice %arg5[%dma_wait3A_22, %dma_wait3A_23, %dma_wait3A_24, %dma_wait3A_25] : memref<2x2x4x64xi32, #tpu.memory_space<vmem>> -> memref<1x2x4x64xi32, #tpu.memory_space<vmem>>
    %dma_wait3A_27 = tpu.memref_squeeze %dma_wait3A_26 : memref<1x2x4x64xi32, #tpu.memory_space<vmem>> -> memref<2x4x64xi32, #tpu.memory_space<vmem>>
    %dma_wait3A_28 = arith.constant 0 : i32
    %dma_wait3A_29 = arith.constant 0 : i32
    %dma_wait3A_30 = arith.constant 0 : i32
    %dma_wait3A_31 = tpu.memref_slice %arg3[%add3A, %dma_wait3A, %dma_wait3A_28, %dma_wait3A_29, %dma_wait3A_30] : memref<32x40x2x4x64xi32, #tpu.memory_space<hbm>> -> memref<1x1x2x4x64xi32, #tpu.memory_space<hbm>>
    %dma_wait3A_32 = tpu.memref_squeeze %dma_wait3A_31 : memref<1x1x2x4x64xi32, #tpu.memory_space<hbm>> -> memref<2x4x64xi32, #tpu.memory_space<hbm>>
    %dma_wait3A_33 = arith.constant 0 : i32
    %dma_wait3A_34 = arith.constant 0 : i32
    %dma_wait3A_35 = arith.constant 0 : i32
    %dma_wait3A_36 = tpu.memref_slice %arg5[%dma_wait3A_22, %dma_wait3A_33, %dma_wait3A_34, %dma_wait3A_35] : memref<2x2x4x64xi32, #tpu.memory_space<vmem>> -> memref<1x2x4x64xi32, #tpu.memory_space<vmem>>
    %dma_wait3A_37 = tpu.memref_squeeze %dma_wait3A_36 : memref<1x2x4x64xi32, #tpu.memory_space<vmem>> -> memref<2x4x64xi32, #tpu.memory_space<vmem>>
    %dma_wait3A_38 = arith.constant 0 : i32
    %dma_wait3A_39 = arith.constant 0 : i32
    %dma_wait3A_40 = arith.constant 0 : i32
    %dma_wait3A_41 = tpu.memref_slice %arg3[%add3A, %dma_wait3A, %dma_wait3A_38, %dma_wait3A_39, %dma_wait3A_40] : memref<32x40x2x4x64xi32, #tpu.memory_space<hbm>> -> memref<1x1x2x4x64xi32, #tpu.memory_space<hbm>>
    %dma_wait3A_42 = tpu.memref_squeeze %dma_wait3A_41 : memref<1x1x2x4x64xi32, #tpu.memory_space<hbm>> -> memref<2x4x64xi32, #tpu.memory_space<hbm>>
    tpu.wait_dma2 semaphore(%arg19 : memref<!tpu.dma_semaphore, #tpu.memory_space<semaphore_mem>>) src(%dma_wait3A_42 : memref<2x4x64xi32, #tpu.memory_space<hbm>>) dst(%dma_wait3A_37 : memref<2x4x64xi32, #tpu.memory_space<vmem>>)
    %dma_start3A_43 = arith.constant 1 : i32
    %dma_start3A_44 = arith.constant 1 : i32
    %dma_start3A_45 = arith.constant 0 : i32
    %dma_start3A_46 = arith.constant 0 : i32
    %dma_start3A_47 = arith.constant 0 : i32
    %dma_start3A_48 = tpu.memref_slice %arg5[%dma_start3A_44, %dma_start3A_45, %dma_start3A_46, %dma_start3A_47] : memref<2x2x4x64xi32, #tpu.memory_space<vmem>> -> memref<1x2x4x64xi32, #tpu.memory_space<vmem>>
    %dma_start3A_49 = tpu.memref_squeeze %dma_start3A_48 : memref<1x2x4x64xi32, #tpu.memory_space<vmem>> -> memref<2x4x64xi32, #tpu.memory_space<vmem>>
    %dma_start3A_50 = arith.constant 0 : i32
    %dma_start3A_51 = arith.constant 0 : i32
    %dma_start3A_52 = arith.constant 0 : i32
    %dma_start3A_53 = tpu.memref_slice %arg3[%add3A, %dma_start3A_43, %dma_start3A_50, %dma_start3A_51, %dma_start3A_52] : memref<32x40x2x4x64xi32, #tpu.memory_space<hbm>> -> memref<1x1x2x4x64xi32, #tpu.memory_space<hbm>>
    %dma_start3A_54 = tpu.memref_squeeze %dma_start3A_53 : memref<1x1x2x4x64xi32, #tpu.memory_space<hbm>> -> memref<2x4x64xi32, #tpu.memory_space<hbm>>
    %dma_start3A_55 = arith.constant 0 : i32
    %dma_start3A_56 = arith.constant 0 : i32
    %dma_start3A_57 = arith.constant 0 : i32
    %dma_start3A_58 = tpu.memref_slice %arg5[%dma_start3A_44, %dma_start3A_55, %dma_start3A_56, %dma_start3A_57] : memref<2x2x4x64xi32, #tpu.memory_space<vmem>> -> memref<1x2x4x64xi32, #tpu.memory_space<vmem>>
    %dma_start3A_59 = tpu.memref_squeeze %dma_start3A_58 : memref<1x2x4x64xi32, #tpu.memory_space<vmem>> -> memref<2x4x64xi32, #tpu.memory_space<vmem>>
    %dma_start3A_60 = arith.constant 0 : i32
    %dma_start3A_61 = arith.constant 0 : i32
    %dma_start3A_62 = arith.constant 0 : i32
    %dma_start3A_63 = tpu.memref_slice %arg3[%add3A, %dma_start3A_43, %dma_start3A_60, %dma_start3A_61, %dma_start3A_62] : memref<32x40x2x4x64xi32, #tpu.memory_space<hbm>> -> memref<1x1x2x4x64xi32, #tpu.memory_space<hbm>>
    %dma_start3A_64 = tpu.memref_squeeze %dma_start3A_63 : memref<1x1x2x4x64xi32, #tpu.memory_space<hbm>> -> memref<2x4x64xi32, #tpu.memory_space<hbm>>
    tpu.enqueue_dma source(%dma_start3A_64 : memref<2x4x64xi32, #tpu.memory_space<hbm>>) target(%dma_start3A_59 : memref<2x4x64xi32, #tpu.memory_space<vmem>>) target_semaphore(%arg20 : memref<!tpu.dma_semaphore, #tpu.memory_space<semaphore_mem>>)
    %dma_start3A_65 = arith.constant 0 : i32
    %dma_start3A_66 = arith.constant 0 : i32
    %dma_start3A_67 = arith.constant 0 : i32
    %dma_start3A_68 = arith.constant 0 : i32
    %dma_start3A_69 = tpu.memref_slice %arg5[%dma_start3A_65, %dma_start3A_66, %dma_start3A_67, %dma_start3A_68] : memref<2x2x4x64xi32, #tpu.memory_space<vmem>> -> memref<1x1x1x64xi32, #tpu.memory_space<vmem>>
    %dma_start3A_70 = tpu.memref_squeeze %dma_start3A_69 : memref<1x1x1x64xi32, #tpu.memory_space<vmem>> -> memref<64xi32, #tpu.memory_space<vmem>>
    %dma_start3A_71 = arith.constant 0 : i32
    %dma_start3A_72 = arith.constant 0 : i32
    %dma_start3A_73 = tpu.memref_slice %arg2[%dma_start3A_71, %dma_start3A_72] : memref<10000x128xf32, #tpu.memory_space<hbm>> -> memref<10000x128xf32, #tpu.memory_space<hbm>>
    tpu.enqueue_indirect_dma source(%dma_start3A_73 : memref<10000x128xf32, #tpu.memory_space<hbm>>) target(%arg6 : memref<64x128xf32, #tpu.memory_space<vmem>>) offsets(%dma_start3A_70 : memref<64xi32, #tpu.memory_space<vmem>>) semaphore(%arg11 : memref<!tpu.dma_semaphore, #tpu.memory_space<semaphore_mem>>)
    %dma_start3A_74 = arith.constant 0 : i32
    %dma_start3A_75 = arith.constant 0 : i32
    %dma_start3A_76 = arith.constant 1 : i32
    %dma_start3A_77 = arith.constant 0 : i32
    %dma_start3A_78 = tpu.memref_slice %arg5[%dma_start3A_74, %dma_start3A_75, %dma_start3A_76, %dma_start3A_77] : memref<2x2x4x64xi32, #tpu.memory_space<vmem>> -> memref<1x1x1x64xi32, #tpu.memory_space<vmem>>
    %dma_start3A_79 = tpu.memref_squeeze %dma_start3A_78 : memref<1x1x1x64xi32, #tpu.memory_space<vmem>> -> memref<64xi32, #tpu.memory_space<vmem>>
    %dma_start3A_80 = arith.constant 0 : i32
    %dma_start3A_81 = arith.constant 0 : i32
    %dma_start3A_82 = tpu.memref_slice %arg2[%dma_start3A_80, %dma_start3A_81] : memref<10000x128xf32, #tpu.memory_space<hbm>> -> memref<10000x128xf32, #tpu.memory_space<hbm>>
    tpu.enqueue_indirect_dma source(%dma_start3A_82 : memref<10000x128xf32, #tpu.memory_space<hbm>>) target(%arg7 : memref<64x128xf32, #tpu.memory_space<vmem>>) offsets(%dma_start3A_79 : memref<64xi32, #tpu.memory_space<vmem>>) semaphore(%arg12 : memref<!tpu.dma_semaphore, #tpu.memory_space<semaphore_mem>>)
    %dma_start3A_83 = arith.constant 0 : i32
    %dma_start3A_84 = arith.constant 0 : i32
    %dma_start3A_85 = arith.constant 2 : i32
    %dma_start3A_86 = arith.constant 0 : i32
    %dma_start3A_87 = tpu.memref_slice %arg5[%dma_start3A_83, %dma_start3A_84, %dma_start3A_85, %dma_start3A_86] : memref<2x2x4x64xi32, #tpu.memory_space<vmem>> -> memref<1x1x1x64xi32, #tpu.memory_space<vmem>>
    %dma_start3A_88 = tpu.memref_squeeze %dma_start3A_87 : memref<1x1x1x64xi32, #tpu.memory_space<vmem>> -> memref<64xi32, #tpu.memory_space<vmem>>
    %dma_start3A_89 = arith.constant 0 : i32
    %dma_start3A_90 = arith.constant 0 : i32
    %dma_start3A_91 = tpu.memref_slice %arg2[%dma_start3A_89, %dma_start3A_90] : memref<10000x128xf32, #tpu.memory_space<hbm>> -> memref<10000x128xf32, #tpu.memory_space<hbm>>
    tpu.enqueue_indirect_dma source(%dma_start3A_91 : memref<10000x128xf32, #tpu.memory_space<hbm>>) target(%arg8 : memref<64x128xf32, #tpu.memory_space<vmem>>) offsets(%dma_start3A_88 : memref<64xi32, #tpu.memory_space<vmem>>) semaphore(%arg13 : memref<!tpu.dma_semaphore, #tpu.memory_space<semaphore_mem>>)
    %broadcast_in_dim3A = arith.constant 0.000000e+00 : f32
    %broadcast_in_dim3A_92 = vector.broadcast %broadcast_in_dim3A : f32 to vector<16xf32>
    %scan3A = arith.constant 0 : i32
    %scan3A_93 = arith.constant 0 : i32
    %scan3A_94 = arith.constant 64 : i32
    %scan3A_95 = arith.addi %scan3A_93, %scan3A_94 : i32
    %scan3A_96 = arith.constant 1 : i32
    %scan3A_97 = scf.for %scan3A_200 = %scan3A_93 to %scan3A_95 step %scan3A_96 iter_args(%scan3A_201 = %scan3A) -> (i32)  : i32 {
      %scan3A_202 = arith.constant 0 : i32
      %scan3A_203 = arith.constant 0 : i32
      %scan3A_204 = arith.constant 8 : i32
      %scan3A_205 = arith.addi %scan3A_203, %scan3A_204 : i32
      %scan3A_206 = arith.constant 1 : i32
      %scan3A_207 = scf.for %scan3A_209 = %scan3A_203 to %scan3A_205 step %scan3A_206 iter_args(%scan3A_210 = %scan3A_202) -> (i32)  : i32 {
        %mul3A_211 = arith.constant 16 : i32
        %mul3A_212 = arith.muli %scan3A_209, %mul3A_211 : i32
        %swap3A = arith.index_cast %scan3A_200 : i32 to index
        %swap3A_213 = arith.index_cast %mul3A_212 : i32 to index
        %swap3A_214 = tpu.vector_load %arg9[%swap3A, %swap3A_213] {strides = array<i32>} : memref<64x128xf32, #tpu.memory_space<vmem>>, vector<1x16xf32>,
        %swap3A_215 = vector.shape_cast %swap3A_214 : vector<1x16xf32> to vector<16xf32>
        %swap3A_216 = vector.shape_cast %broadcast_in_dim3A_92 : vector<16xf32> to vector<1x16xf32>
        tpu.vector_store %arg9[%swap3A, %swap3A_213], %swap3A_216 {strides = array<i32>} : memref<64x128xf32, #tpu.memory_space<vmem>>, vector<1x16xf32>,
        %scan3A_217 = arith.constant 0 : i32
        scf.yield %scan3A_217 : i32
      }
      %scan3A_208 = arith.constant 8 : i32
      scf.yield %scan3A_207 : i32
    }
    %scan3A_98 = arith.constant 64 : i32
    %mul3A_99 = arith.constant 640 : i32
    %mul3A_100 = arith.muli %arg1, %mul3A_99 : i32
    %add3A_101 = arith.constant 0 : i32
    %add3A_102 = arith.addi %mul3A_100, %add3A_101 : i32
    "tpu.region"() ({
      %run_scoped3A = tpu.sem_alloc : memref<!tpu.dma_semaphore, #tpu.memory_space<semaphore_mem>>
      %dma_start3A_200 = arith.constant 0 : i32
      %dma_start3A_201 = tpu.memref_slice %arg10[%add3A_102, %dma_start3A_200] : memref<10240x128xf32, #tpu.memory_space<vmem_shared>> -> memref<64x128xf32, #tpu.memory_space<vmem_shared>>
      %dma_start3A_202 = arith.constant 0 : i32
      %dma_start3A_203 = tpu.memref_slice %arg10[%add3A_102, %dma_start3A_202] : memref<10240x128xf32, #tpu.memory_space<vmem_shared>> -> memref<64x128xf32, #tpu.memory_space<vmem_shared>>
      tpu.enqueue_dma source(%arg9 : memref<64x128xf32, #tpu.memory_space<vmem>>) target(%dma_start3A_203 : memref<64x128xf32, #tpu.memory_space<vmem_shared>>) target_semaphore(%run_scoped3A : memref<!tpu.dma_semaphore, #tpu.memory_space<semaphore_mem>>)
      %dma_wait3A_204 = arith.constant 0 : i32
      %dma_wait3A_205 = tpu.memref_slice %arg10[%add3A_102, %dma_wait3A_204] : memref<10240x128xf32, #tpu.memory_space<vmem_shared>> -> memref<64x128xf32, #tpu.memory_space<vmem_shared>>
      %dma_wait3A_206 = arith.constant 0 : i32
      %dma_wait3A_207 = tpu.memref_slice %arg10[%add3A_102, %dma_wait3A_206] : memref<10240x128xf32, #tpu.memory_space<vmem_shared>> -> memref<64x128xf32, #tpu.memory_space<vmem_shared>>
      tpu.wait_dma2 semaphore(%run_scoped3A : memref<!tpu.dma_semaphore, #tpu.memory_space<semaphore_mem>>) src(%arg9 : memref<64x128xf32, #tpu.memory_space<vmem>>) dst(%dma_wait3A_207 : memref<64x128xf32, #tpu.memory_space<vmem_shared>>)
      tpu.yield
    }) : () -> ()
    %add3A_103 = arith.constant 64 : i32
    %add3A_104 = arith.addi %mul3A_100, %add3A_103 : i32
    "tpu.region"() ({
      %run_scoped3A = tpu.sem_alloc : memref<!tpu.dma_semaphore, #tpu.memory_space<semaphore_mem>>
      %dma_start3A_200 = arith.constant 0 : i32
      %dma_start3A_201 = tpu.memref_slice %arg10[%add3A_104, %dma_start3A_200] : memref<10240x128xf32, #tpu.memory_space<vmem_shared>> -> memref<64x128xf32, #tpu.memory_space<vmem_shared>>
      %dma_start3A_202 = arith.constant 0 : i32
      %dma_start3A_203 = tpu.memref_slice %arg10[%add3A_104, %dma_start3A_202] : memref<10240x128xf32, #tpu.memory_space<vmem_shared>> -> memref<64x128xf32, #tpu.memory_space<vmem_shared>>
      tpu.enqueue_dma source(%arg9 : memref<64x128xf32, #tpu.memory_space<vmem>>) target(%dma_start3A_203 : memref<64x128xf32, #tpu.memory_space<vmem_shared>>) target_semaphore(%run_scoped3A : memref<!tpu.dma_semaphore, #tpu.memory_space<semaphore_mem>>)
      %dma_wait3A_204 = arith.constant 0 : i32
      %dma_wait3A_205 = tpu.memref_slice %arg10[%add3A_104, %dma_wait3A_204] : memref<10240x128xf32, #tpu.memory_space<vmem_shared>> -> memref<64x128xf32, #tpu.memory_space<vmem_shared>>
      %dma_wait3A_206 = arith.constant 0 : i32
      %dma_wait3A_207 = tpu.memref_slice %arg10[%add3A_104, %dma_wait3A_206] : memref<10240x128xf32, #tpu.memory_space<vmem_shared>> -> memref<64x128xf32, #tpu.memory_space<vmem_shared>>
      tpu.wait_dma2 semaphore(%run_scoped3A : memref<!tpu.dma_semaphore, #tpu.memory_space<semaphore_mem>>) src(%arg9 : memref<64x128xf32, #tpu.memory_space<vmem>>) dst(%dma_wait3A_207 : memref<64x128xf32, #tpu.memory_space<vmem_shared>>)
      tpu.yield
    }) : () -> ()
    %add3A_105 = arith.constant 128 : i32
    %add3A_106 = arith.addi %mul3A_100, %add3A_105 : i32
    "tpu.region"() ({
      %run_scoped3A = tpu.sem_alloc : memref<!tpu.dma_semaphore, #tpu.memory_space<semaphore_mem>>
      %dma_start3A_200 = arith.constant 0 : i32
      %dma_start3A_201 = tpu.memref_slice %arg10[%add3A_106, %dma_start3A_200] : memref<10240x128xf32, #tpu.memory_space<vmem_shared>> -> memref<64x128xf32, #tpu.memory_space<vmem_shared>>
      %dma_start3A_202 = arith.constant 0 : i32
      %dma_start3A_203 = tpu.memref_slice %arg10[%add3A_106, %dma_start3A_202] : memref<10240x128xf32, #tpu.memory_space<vmem_shared>> -> memref<64x128xf32, #tpu.memory_space<vmem_shared>>
      tpu.enqueue_dma source(%arg9 : memref<64x128xf32, #tpu.memory_space<vmem>>) target(%dma_start3A_203 : memref<64x128xf32, #tpu.memory_space<vmem_shared>>) target_semaphore(%run_scoped3A : memref<!tpu.dma_semaphore, #tpu.memory_space<semaphore_mem>>)
      %dma_wait3A_204 = arith.constant 0 : i32
      %dma_wait3A_205 = tpu.memref_slice %arg10[%add3A_106, %dma_wait3A_204] : memref<10240x128xf32, #tpu.memory_space<vmem_shared>> -> memref<64x128xf32, #tpu.memory_space<vmem_shared>>
      %dma_wait3A_206 = arith.constant 0 : i32
      %dma_wait3A_207 = tpu.memref_slice %arg10[%add3A_106, %dma_wait3A_206] : memref<10240x128xf32, #tpu.memory_space<vmem_shared>> -> memref<64x128xf32, #tpu.memory_space<vmem_shared>>
      tpu.wait_dma2 semaphore(%run_scoped3A : memref<!tpu.dma_semaphore, #tpu.memory_space<semaphore_mem>>) src(%arg9 : memref<64x128xf32, #tpu.memory_space<vmem>>) dst(%dma_wait3A_207 : memref<64x128xf32, #tpu.memory_space<vmem_shared>>)
      tpu.yield
    }) : () -> ()
    %add3A_107 = arith.constant 192 : i32
    %add3A_108 = arith.addi %mul3A_100, %add3A_107 : i32
    "tpu.region"() ({
      %run_scoped3A = tpu.sem_alloc : memref<!tpu.dma_semaphore, #tpu.memory_space<semaphore_mem>>
      %dma_start3A_200 = arith.constant 0 : i32
      %dma_start3A_201 = tpu.memref_slice %arg10[%add3A_108, %dma_start3A_200] : memref<10240x128xf32, #tpu.memory_space<vmem_shared>> -> memref<64x128xf32, #tpu.memory_space<vmem_shared>>
      %dma_start3A_202 = arith.constant 0 : i32
      %dma_start3A_203 = tpu.memref_slice %arg10[%add3A_108, %dma_start3A_202] : memref<10240x128xf32, #tpu.memory_space<vmem_shared>> -> memref<64x128xf32, #tpu.memory_space<vmem_shared>>
      tpu.enqueue_dma source(%arg9 : memref<64x128xf32, #tpu.memory_space<vmem>>) target(%dma_start3A_203 : memref<64x128xf32, #tpu.memory_space<vmem_shared>>) target_semaphore(%run_scoped3A : memref<!tpu.dma_semaphore, #tpu.memory_space<semaphore_mem>>)
      %dma_wait3A_204 = arith.constant 0 : i32
      %dma_wait3A_205 = tpu.memref_slice %arg10[%add3A_108, %dma_wait3A_204] : memref<10240x128xf32, #tpu.memory_space<vmem_shared>> -> memref<64x128xf32, #tpu.memory_space<vmem_shared>>
      %dma_wait3A_206 = arith.constant 0 : i32
      %dma_wait3A_207 = tpu.memref_slice %arg10[%add3A_108, %dma_wait3A_206] : memref<10240x128xf32, #tpu.memory_space<vmem_shared>> -> memref<64x128xf32, #tpu.memory_space<vmem_shared>>
      tpu.wait_dma2 semaphore(%run_scoped3A : memref<!tpu.dma_semaphore, #tpu.memory_space<semaphore_mem>>) src(%arg9 : memref<64x128xf32, #tpu.memory_space<vmem>>) dst(%dma_wait3A_207 : memref<64x128xf32, #tpu.memory_space<vmem_shared>>)
      tpu.yield
    }) : () -> ()
    %add3A_109 = arith.constant 256 : i32
    %add3A_110 = arith.addi %mul3A_100, %add3A_109 : i32
    "tpu.region"() ({
      %run_scoped3A = tpu.sem_alloc : memref<!tpu.dma_semaphore, #tpu.memory_space<semaphore_mem>>
      %dma_start3A_200 = arith.constant 0 : i32
      %dma_start3A_201 = tpu.memref_slice %arg10[%add3A_110, %dma_start3A_200] : memref<10240x128xf32, #tpu.memory_space<vmem_shared>> -> memref<64x128xf32, #tpu.memory_space<vmem_shared>>
      %dma_start3A_202 = arith.constant 0 : i32
      %dma_start3A_203 = tpu.memref_slice %arg10[%add3A_110, %dma_start3A_202] : memref<10240x128xf32, #tpu.memory_space<vmem_shared>> -> memref<64x128xf32, #tpu.memory_space<vmem_shared>>
      tpu.enqueue_dma source(%arg9 : memref<64x128xf32, #tpu.memory_space<vmem>>) target(%dma_start3A_203 : memref<64x128xf32, #tpu.memory_space<vmem_shared>>) target_semaphore(%run_scoped3A : memref<!tpu.dma_semaphore, #tpu.memory_space<semaphore_mem>>)
      %dma_wait3A_204 = arith.constant 0 : i32
      %dma_wait3A_205 = tpu.memref_slice %arg10[%add3A_110, %dma_wait3A_204] : memref<10240x128xf32, #tpu.memory_space<vmem_shared>> -> memref<64x128xf32, #tpu.memory_space<vmem_shared>>
      %dma_wait3A_206 = arith.constant 0 : i32
      %dma_wait3A_207 = tpu.memref_slice %arg10[%add3A_110, %dma_wait3A_206] : memref<10240x128xf32, #tpu.memory_space<vmem_shared>> -> memref<64x128xf32, #tpu.memory_space<vmem_shared>>
      tpu.wait_dma2 semaphore(%run_scoped3A : memref<!tpu.dma_semaphore, #tpu.memory_space<semaphore_mem>>) src(%arg9 : memref<64x128xf32, #tpu.memory_space<vmem>>) dst(%dma_wait3A_207 : memref<64x128xf32, #tpu.memory_space<vmem_shared>>)
      tpu.yield
    }) : () -> ()
    %add3A_111 = arith.constant 320 : i32
    %add3A_112 = arith.addi %mul3A_100, %add3A_111 : i32
    "tpu.region"() ({
      %run_scoped3A = tpu.sem_alloc : memref<!tpu.dma_semaphore, #tpu.memory_space<semaphore_mem>>
      %dma_start3A_200 = arith.constant 0 : i32
      %dma_start3A_201 = tpu.memref_slice %arg10[%add3A_112, %dma_start3A_200] : memref<10240x128xf32, #tpu.memory_space<vmem_shared>> -> memref<64x128xf32, #tpu.memory_space<vmem_shared>>
      %dma_start3A_202 = arith.constant 0 : i32
      %dma_start3A_203 = tpu.memref_slice %arg10[%add3A_112, %dma_start3A_202] : memref<10240x128xf32, #tpu.memory_space<vmem_shared>> -> memref<64x128xf32, #tpu.memory_space<vmem_shared>>
      tpu.enqueue_dma source(%arg9 : memref<64x128xf32, #tpu.memory_space<vmem>>) target(%dma_start3A_203 : memref<64x128xf32, #tpu.memory_space<vmem_shared>>) target_semaphore(%run_scoped3A : memref<!tpu.dma_semaphore, #tpu.memory_space<semaphore_mem>>)
      %dma_wait3A_204 = arith.constant 0 : i32
      %dma_wait3A_205 = tpu.memref_slice %arg10[%add3A_112, %dma_wait3A_204] : memref<10240x128xf32, #tpu.memory_space<vmem_shared>> -> memref<64x128xf32, #tpu.memory_space<vmem_shared>>
      %dma_wait3A_206 = arith.constant 0 : i32
      %dma_wait3A_207 = tpu.memref_slice %arg10[%add3A_112, %dma_wait3A_206] : memref<10240x128xf32, #tpu.memory_space<vmem_shared>> -> memref<64x128xf32, #tpu.memory_space<vmem_shared>>
      tpu.wait_dma2 semaphore(%run_scoped3A : memref<!tpu.dma_semaphore, #tpu.memory_space<semaphore_mem>>) src(%arg9 : memref<64x128xf32, #tpu.memory_space<vmem>>) dst(%dma_wait3A_207 : memref<64x128xf32, #tpu.memory_space<vmem_shared>>)
      tpu.yield
    }) : () -> ()
    %add3A_113 = arith.constant 384 : i32
    %add3A_114 = arith.addi %mul3A_100, %add3A_113 : i32
    "tpu.region"() ({
      %run_scoped3A = tpu.sem_alloc : memref<!tpu.dma_semaphore, #tpu.memory_space<semaphore_mem>>
      %dma_start3A_200 = arith.constant 0 : i32
      %dma_start3A_201 = tpu.memref_slice %arg10[%add3A_114, %dma_start3A_200] : memref<10240x128xf32, #tpu.memory_space<vmem_shared>> -> memref<64x128xf32, #tpu.memory_space<vmem_shared>>
      %dma_start3A_202 = arith.constant 0 : i32
      %dma_start3A_203 = tpu.memref_slice %arg10[%add3A_114, %dma_start3A_202] : memref<10240x128xf32, #tpu.memory_space<vmem_shared>> -> memref<64x128xf32, #tpu.memory_space<vmem_shared>>
      tpu.enqueue_dma source(%arg9 : memref<64x128xf32, #tpu.memory_space<vmem>>) target(%dma_start3A_203 : memref<64x128xf32, #tpu.memory_space<vmem_shared>>) target_semaphore(%run_scoped3A : memref<!tpu.dma_semaphore, #tpu.memory_space<semaphore_mem>>)
      %dma_wait3A_204 = arith.constant 0 : i32
      %dma_wait3A_205 = tpu.memref_slice %arg10[%add3A_114, %dma_wait3A_204] : memref<10240x128xf32, #tpu.memory_space<vmem_shared>> -> memref<64x128xf32, #tpu.memory_space<vmem_shared>>
      %dma_wait3A_206 = arith.constant 0 : i32
      %dma_wait3A_207 = tpu.memref_slice %arg10[%add3A_114, %dma_wait3A_206] : memref<10240x128xf32, #tpu.memory_space<vmem_shared>> -> memref<64x128xf32, #tpu.memory_space<vmem_shared>>
      tpu.wait_dma2 semaphore(%run_scoped3A : memref<!tpu.dma_semaphore, #tpu.memory_space<semaphore_mem>>) src(%arg9 : memref<64x128xf32, #tpu.memory_space<vmem>>) dst(%dma_wait3A_207 : memref<64x128xf32, #tpu.memory_space<vmem_shared>>)
      tpu.yield
    }) : () -> ()
    %add3A_115 = arith.constant 448 : i32
    %add3A_116 = arith.addi %mul3A_100, %add3A_115 : i32
    "tpu.region"() ({
      %run_scoped3A = tpu.sem_alloc : memref<!tpu.dma_semaphore, #tpu.memory_space<semaphore_mem>>
      %dma_start3A_200 = arith.constant 0 : i32
      %dma_start3A_201 = tpu.memref_slice %arg10[%add3A_116, %dma_start3A_200] : memref<10240x128xf32, #tpu.memory_space<vmem_shared>> -> memref<64x128xf32, #tpu.memory_space<vmem_shared>>
      %dma_start3A_202 = arith.constant 0 : i32
      %dma_start3A_203 = tpu.memref_slice %arg10[%add3A_116, %dma_start3A_202] : memref<10240x128xf32, #tpu.memory_space<vmem_shared>> -> memref<64x128xf32, #tpu.memory_space<vmem_shared>>
      tpu.enqueue_dma source(%arg9 : memref<64x128xf32, #tpu.memory_space<vmem>>) target(%dma_start3A_203 : memref<64x128xf32, #tpu.memory_space<vmem_shared>>) target_semaphore(%run_scoped3A : memref<!tpu.dma_semaphore, #tpu.memory_space<semaphore_mem>>)
      %dma_wait3A_204 = arith.constant 0 : i32
      %dma_wait3A_205 = tpu.memref_slice %arg10[%add3A_116, %dma_wait3A_204] : memref<10240x128xf32, #tpu.memory_space<vmem_shared>> -> memref<64x128xf32, #tpu.memory_space<vmem_shared>>
      %dma_wait3A_206 = arith.constant 0 : i32
      %dma_wait3A_207 = tpu.memref_slice %arg10[%add3A_116, %dma_wait3A_206] : memref<10240x128xf32, #tpu.memory_space<vmem_shared>> -> memref<64x128xf32, #tpu.memory_space<vmem_shared>>
      tpu.wait_dma2 semaphore(%run_scoped3A : memref<!tpu.dma_semaphore, #tpu.memory_space<semaphore_mem>>) src(%arg9 : memref<64x128xf32, #tpu.memory_space<vmem>>) dst(%dma_wait3A_207 : memref<64x128xf32, #tpu.memory_space<vmem_shared>>)
      tpu.yield
    }) : () -> ()
    %add3A_117 = arith.constant 512 : i32
    %add3A_118 = arith.addi %mul3A_100, %add3A_117 : i32
    "tpu.region"() ({
      %run_scoped3A = tpu.sem_alloc : memref<!tpu.dma_semaphore, #tpu.memory_space<semaphore_mem>>
      %dma_start3A_200 = arith.constant 0 : i32
      %dma_start3A_201 = tpu.memref_slice %arg10[%add3A_118, %dma_start3A_200] : memref<10240x128xf32, #tpu.memory_space<vmem_shared>> -> memref<64x128xf32, #tpu.memory_space<vmem_shared>>
      %dma_start3A_202 = arith.constant 0 : i32
      %dma_start3A_203 = tpu.memref_slice %arg10[%add3A_118, %dma_start3A_202] : memref<10240x128xf32, #tpu.memory_space<vmem_shared>> -> memref<64x128xf32, #tpu.memory_space<vmem_shared>>
      tpu.enqueue_dma source(%arg9 : memref<64x128xf32, #tpu.memory_space<vmem>>) target(%dma_start3A_203 : memref<64x128xf32, #tpu.memory_space<vmem_shared>>) target_semaphore(%run_scoped3A : memref<!tpu.dma_semaphore, #tpu.memory_space<semaphore_mem>>)
      %dma_wait3A_204 = arith.constant 0 : i32
      %dma_wait3A_205 = tpu.memref_slice %arg10[%add3A_118, %dma_wait3A_204] : memref<10240x128xf32, #tpu.memory_space<vmem_shared>> -> memref<64x128xf32, #tpu.memory_space<vmem_shared>>
      %dma_wait3A_206 = arith.constant 0 : i32
      %dma_wait3A_207 = tpu.memref_slice %arg10[%add3A_118, %dma_wait3A_206] : memref<10240x128xf32, #tpu.memory_space<vmem_shared>> -> memref<64x128xf32, #tpu.memory_space<vmem_shared>>
      tpu.wait_dma2 semaphore(%run_scoped3A : memref<!tpu.dma_semaphore, #tpu.memory_space<semaphore_mem>>) src(%arg9 : memref<64x128xf32, #tpu.memory_space<vmem>>) dst(%dma_wait3A_207 : memref<64x128xf32, #tpu.memory_space<vmem_shared>>)
      tpu.yield
    }) : () -> ()
    %add3A_119 = arith.constant 576 : i32
    %add3A_120 = arith.addi %mul3A_100, %add3A_119 : i32
    "tpu.region"() ({
      %run_scoped3A = tpu.sem_alloc : memref<!tpu.dma_semaphore, #tpu.memory_space<semaphore_mem>>
      %dma_start3A_200 = arith.constant 0 : i32
      %dma_start3A_201 = tpu.memref_slice %arg10[%add3A_120, %dma_start3A_200] : memref<10240x128xf32, #tpu.memory_space<vmem_shared>> -> memref<64x128xf32, #tpu.memory_space<vmem_shared>>
      %dma_start3A_202 = arith.constant 0 : i32
      %dma_start3A_203 = tpu.memref_slice %arg10[%add3A_120, %dma_start3A_202] : memref<10240x128xf32, #tpu.memory_space<vmem_shared>> -> memref<64x128xf32, #tpu.memory_space<vmem_shared>>
      tpu.enqueue_dma source(%arg9 : memref<64x128xf32, #tpu.memory_space<vmem>>) target(%dma_start3A_203 : memref<64x128xf32, #tpu.memory_space<vmem_shared>>) target_semaphore(%run_scoped3A : memref<!tpu.dma_semaphore, #tpu.memory_space<semaphore_mem>>)
      %dma_wait3A_204 = arith.constant 0 : i32
      %dma_wait3A_205 = tpu.memref_slice %arg10[%add3A_120, %dma_wait3A_204] : memref<10240x128xf32, #tpu.memory_space<vmem_shared>> -> memref<64x128xf32, #tpu.memory_space<vmem_shared>>
      %dma_wait3A_206 = arith.constant 0 : i32
      %dma_wait3A_207 = tpu.memref_slice %arg10[%add3A_120, %dma_wait3A_206] : memref<10240x128xf32, #tpu.memory_space<vmem_shared>> -> memref<64x128xf32, #tpu.memory_space<vmem_shared>>
      tpu.wait_dma2 semaphore(%run_scoped3A : memref<!tpu.dma_semaphore, #tpu.memory_space<semaphore_mem>>) src(%arg9 : memref<64x128xf32, #tpu.memory_space<vmem>>) dst(%dma_wait3A_207 : memref<64x128xf32, #tpu.memory_space<vmem_shared>>)
      tpu.yield
    }) : () -> ()
    %barrier3A = arith.constant 0 : index
    tpu.barrier barrier_id(%barrier3A)
    %dma_start3A_121 = arith.constant 0 : i32
    %dma_start3A_122 = arith.constant 0 : i32
    %dma_start3A_123 = arith.constant 3 : i32
    %dma_start3A_124 = arith.constant 0 : i32
    %dma_start3A_125 = tpu.memref_slice %arg5[%dma_start3A_121, %dma_start3A_122, %dma_start3A_123, %dma_start3A_124] : memref<2x2x4x64xi32, #tpu.memory_space<vmem>> -> memref<1x1x1x64xi32, #tpu.memory_space<vmem>>
    %dma_start3A_126 = tpu.memref_squeeze %dma_start3A_125 : memref<1x1x1x64xi32, #tpu.memory_space<vmem>> -> memref<64xi32, #tpu.memory_space<vmem>>
    %dma_start3A_127 = arith.constant 0 : i32
    %dma_start3A_128 = arith.constant 0 : i32
    %dma_start3A_129 = tpu.memref_slice %arg2[%dma_start3A_127, %dma_start3A_128] : memref<10000x128xf32, #tpu.memory_space<hbm>> -> memref<10000x128xf32, #tpu.memory_space<hbm>>
    tpu.enqueue_indirect_dma source(%dma_start3A_129 : memref<10000x128xf32, #tpu.memory_space<hbm>>) target(%arg9 : memref<64x128xf32, #tpu.memory_space<vmem>>) offsets(%dma_start3A_126 : memref<64xi32, #tpu.memory_space<vmem>>) semaphore(%arg14 : memref<!tpu.dma_semaphore, #tpu.memory_space<semaphore_mem>>)
    %scan3A_130 = arith.constant 0 : i32
    %scan3A_131 = arith.constant 0 : i32
    %scan3A_132 = arith.constant 20 : i32
    %scan3A_133 = arith.addi %scan3A_131, %scan3A_132 : i32
    %scan3A_134 = arith.constant 1 : i32
    %scan3A_135 = scf.for %scan3A_200 = %scan3A_131 to %scan3A_133 step %scan3A_134 iter_args(%scan3A_201 = %scan3A_130) -> (i32)  : i32 {
      %mul3A_202 = arith.constant 2 : i32
      %mul3A_203 = arith.muli %mul3A_202, %scan3A_200 : i32
      %add3A_204 = arith.constant 2 : i32
      %add3A_205 = arith.addi %mul3A_203, %add3A_204 : i32
      %min3A = arith.constant 39 : i32
      %min3A_206 = arith.minsi %add3A_205, %min3A : i32
      %dma_wait3A_207 = arith.constant 0 : i32
      %dma_wait3A_208 = arith.constant 0 : i32
      %dma_wait3A_209 = arith.constant 0 : i32
      %dma_wait3A_210 = arith.constant 0 : i32
      %dma_wait3A_211 = tpu.memref_slice %arg5[%dma_wait3A_207, %dma_wait3A_208, %dma_wait3A_209, %dma_wait3A_210] : memref<2x2x4x64xi32, #tpu.memory_space<vmem>> -> memref<1x1x1x64xi32, #tpu.memory_space<vmem>>
      %dma_wait3A_212 = tpu.memref_squeeze %dma_wait3A_211 : memref<1x1x1x64xi32, #tpu.memory_space<vmem>> -> memref<64xi32, #tpu.memory_space<vmem>>
      %dma_wait3A_213 = arith.constant 0 : i32
      %dma_wait3A_214 = arith.constant 0 : i32
      %dma_wait3A_215 = tpu.memref_slice %arg2[%dma_wait3A_213, %dma_wait3A_214] : memref<10000x128xf32, #tpu.memory_space<hbm>> -> memref<10000x128xf32, #tpu.memory_space<hbm>>
      tpu.wait_indirect_dma semaphore(%arg11 : memref<!tpu.dma_semaphore, #tpu.memory_space<semaphore_mem>>) src(%dma_wait3A_215 : memref<10000x128xf32, #tpu.memory_space<hbm>>) dst(%arg6 : memref<64x128xf32, #tpu.memory_space<vmem>>)
      %run_scoped3A = arith.constant 0 : i32
      %run_scoped3A_216 = arith.constant 1 : i32
      %run_scoped3A_217 = arith.constant 0 : i32
      "tpu.region"() ({
        %run_scoped3A_467 = tpu.sem_alloc : memref<!tpu.dma_semaphore, #tpu.memory_space<semaphore_mem>>
        %dma_start3A_468 = arith.constant 0 : i32
        %dma_start3A_469 = tpu.memref_slice %arg5[%run_scoped3A, %run_scoped3A_216, %run_scoped3A_217, %dma_start3A_468] : memref<2x2x4x64xi32, #tpu.memory_space<vmem>> -> memref<1x1x1x64xi32, #tpu.memory_space<vmem>>
        %dma_start3A_470 = tpu.memref_squeeze %dma_start3A_469 : memref<1x1x1x64xi32, #tpu.memory_space<vmem>> -> memref<64xi32, #tpu.memory_space<vmem>>
        %dma_start3A_471 = arith.constant 0 : i32
        %dma_start3A_472 = arith.constant 0 : i32
        %dma_start3A_473 = tpu.memref_slice %arg10[%dma_start3A_471, %dma_start3A_472] : memref<10240x128xf32, #tpu.memory_space<vmem_shared>> -> memref<10240x128xf32, #tpu.memory_space<vmem_shared>>
        tpu.enqueue_indirect_dma source(%arg6 : memref<64x128xf32, #tpu.memory_space<vmem>>) target(%dma_start3A_473 : memref<10240x128xf32, #tpu.memory_space<vmem_shared>>) offsets(%dma_start3A_470 : memref<64xi32, #tpu.memory_space<vmem>>) semaphore(%run_scoped3A_467 : memref<!tpu.dma_semaphore, #tpu.memory_space<semaphore_mem>>) {add = true}
        %dma_wait3A_474 = arith.constant 0 : i32
        %dma_wait3A_475 = tpu.memref_slice %arg5[%run_scoped3A, %run_scoped3A_216, %run_scoped3A_217, %dma_wait3A_474] : memref<2x2x4x64xi32, #tpu.memory_space<vmem>> -> memref<1x1x1x64xi32, #tpu.memory_space<vmem>>
        %dma_wait3A_476 = tpu.memref_squeeze %dma_wait3A_475 : memref<1x1x1x64xi32, #tpu.memory_space<vmem>> -> memref<64xi32, #tpu.memory_space<vmem>>
        %dma_wait3A_477 = arith.constant 0 : i32
        %dma_wait3A_478 = arith.constant 0 : i32
        %dma_wait3A_479 = tpu.memref_slice %arg10[%dma_wait3A_477, %dma_wait3A_478] : memref<10240x128xf32, #tpu.memory_space<vmem_shared>> -> memref<10240x128xf32, #tpu.memory_space<vmem_shared>>
        tpu.wait_indirect_dma semaphore(%run_scoped3A_467 : memref<!tpu.dma_semaphore, #tpu.memory_space<semaphore_mem>>) src(%arg6 : memref<64x128xf32, #tpu.memory_space<vmem>>) dst(%dma_wait3A_479 : memref<10240x128xf32, #tpu.memory_space<vmem_shared>>)
        tpu.yield
      }) : () -> ()
      %dma_wait3A_218 = arith.constant 0 : i32
      %dma_wait3A_219 = arith.constant 1 : i32
      %dma_wait3A_220 = arith.constant 0 : i32
      %dma_wait3A_221 = arith.constant 0 : i32
      %dma_wait3A_222 = arith.constant 0 : i32
      %dma_wait3A_223 = tpu.memref_slice %arg5[%dma_wait3A_219, %dma_wait3A_220, %dma_wait3A_221, %dma_wait3A_222] : memref<2x2x4x64xi32, #tpu.memory_space<vmem>> -> memref<1x2x4x64xi32, #tpu.memory_space<vmem>>
      %dma_wait3A_224 = tpu.memref_squeeze %dma_wait3A_223 : memref<1x2x4x64xi32, #tpu.memory_space<vmem>> -> memref<2x4x64xi32, #tpu.memory_space<vmem>>
      %dma_wait3A_225 = arith.constant 0 : i32
      %dma_wait3A_226 = arith.constant 0 : i32
      %dma_wait3A_227 = arith.constant 0 : i32
      %dma_wait3A_228 = tpu.memref_slice %arg3[%add3A, %dma_wait3A_218, %dma_wait3A_225, %dma_wait3A_226, %dma_wait3A_227] : memref<32x40x2x4x64xi32, #tpu.memory_space<hbm>> -> memref<1x1x2x4x64xi32, #tpu.memory_space<hbm>>
      %dma_wait3A_229 = tpu.memref_squeeze %dma_wait3A_228 : memref<1x1x2x4x64xi32, #tpu.memory_space<hbm>> -> memref<2x4x64xi32, #tpu.memory_space<hbm>>
      %dma_wait3A_230 = arith.constant 0 : i32
      %dma_wait3A_231 = arith.constant 0 : i32
      %dma_wait3A_232 = arith.constant 0 : i32
      %dma_wait3A_233 = tpu.memref_slice %arg5[%dma_wait3A_219, %dma_wait3A_230, %dma_wait3A_231, %dma_wait3A_232] : memref<2x2x4x64xi32, #tpu.memory_space<vmem>> -> memref<1x2x4x64xi32, #tpu.memory_space<vmem>>
      %dma_wait3A_234 = tpu.memref_squeeze %dma_wait3A_233 : memref<1x2x4x64xi32, #tpu.memory_space<vmem>> -> memref<2x4x64xi32, #tpu.memory_space<vmem>>
      %dma_wait3A_235 = arith.constant 0 : i32
      %dma_wait3A_236 = arith.constant 0 : i32
      %dma_wait3A_237 = arith.constant 0 : i32
      %dma_wait3A_238 = tpu.memref_slice %arg3[%add3A, %dma_wait3A_218, %dma_wait3A_235, %dma_wait3A_236, %dma_wait3A_237] : memref<32x40x2x4x64xi32, #tpu.memory_space<hbm>> -> memref<1x1x2x4x64xi32, #tpu.memory_space<hbm>>
      %dma_wait3A_239 = tpu.memref_squeeze %dma_wait3A_238 : memref<1x1x2x4x64xi32, #tpu.memory_space<hbm>> -> memref<2x4x64xi32, #tpu.memory_space<hbm>>
      tpu.wait_dma2 semaphore(%arg20 : memref<!tpu.dma_semaphore, #tpu.memory_space<semaphore_mem>>) src(%dma_wait3A_239 : memref<2x4x64xi32, #tpu.memory_space<hbm>>) dst(%dma_wait3A_234 : memref<2x4x64xi32, #tpu.memory_space<vmem>>)
      %dma_start3A_240 = arith.constant 1 : i32
      %dma_start3A_241 = arith.constant 0 : i32
      %dma_start3A_242 = arith.constant 0 : i32
      %dma_start3A_243 = arith.constant 0 : i32
      %dma_start3A_244 = tpu.memref_slice %arg5[%dma_start3A_240, %dma_start3A_241, %dma_start3A_242, %dma_start3A_243] : memref<2x2x4x64xi32, #tpu.memory_space<vmem>> -> memref<1x1x1x64xi32, #tpu.memory_space<vmem>>
      %dma_start3A_245 = tpu.memref_squeeze %dma_start3A_244 : memref<1x1x1x64xi32, #tpu.memory_space<vmem>> -> memref<64xi32, #tpu.memory_space<vmem>>
      %dma_start3A_246 = arith.constant 0 : i32
      %dma_start3A_247 = arith.constant 0 : i32
      %dma_start3A_248 = tpu.memref_slice %arg2[%dma_start3A_246, %dma_start3A_247] : memref<10000x128xf32, #tpu.memory_space<hbm>> -> memref<10000x128xf32, #tpu.memory_space<hbm>>
      tpu.enqueue_indirect_dma source(%dma_start3A_248 : memref<10000x128xf32, #tpu.memory_space<hbm>>) target(%arg6 : memref<64x128xf32, #tpu.memory_space<vmem>>) offsets(%dma_start3A_245 : memref<64xi32, #tpu.memory_space<vmem>>) semaphore(%arg11 : memref<!tpu.dma_semaphore, #tpu.memory_space<semaphore_mem>>)
      %dma_wait3A_249 = arith.constant 0 : i32
      %dma_wait3A_250 = arith.constant 0 : i32
      %dma_wait3A_251 = arith.constant 1 : i32
      %dma_wait3A_252 = arith.constant 0 : i32
      %dma_wait3A_253 = tpu.memref_slice %arg5[%dma_wait3A_249, %dma_wait3A_250, %dma_wait3A_251, %dma_wait3A_252] : memref<2x2x4x64xi32, #tpu.memory_space<vmem>> -> memref<1x1x1x64xi32, #tpu.memory_space<vmem>>
      %dma_wait3A_254 = tpu.memref_squeeze %dma_wait3A_253 : memref<1x1x1x64xi32, #tpu.memory_space<vmem>> -> memref<64xi32, #tpu.memory_space<vmem>>
      %dma_wait3A_255 = arith.constant 0 : i32
      %dma_wait3A_256 = arith.constant 0 : i32
      %dma_wait3A_257 = tpu.memref_slice %arg2[%dma_wait3A_255, %dma_wait3A_256] : memref<10000x128xf32, #tpu.memory_space<hbm>> -> memref<10000x128xf32, #tpu.memory_space<hbm>>
      tpu.wait_indirect_dma semaphore(%arg12 : memref<!tpu.dma_semaphore, #tpu.memory_space<semaphore_mem>>) src(%dma_wait3A_257 : memref<10000x128xf32, #tpu.memory_space<hbm>>) dst(%arg7 : memref<64x128xf32, #tpu.memory_space<vmem>>)
      %run_scoped3A_258 = arith.constant 0 : i32
      %run_scoped3A_259 = arith.constant 1 : i32
      %run_scoped3A_260 = arith.constant 1 : i32
      "tpu.region"() ({
        %run_scoped3A_467 = tpu.sem_alloc : memref<!tpu.dma_semaphore, #tpu.memory_space<semaphore_mem>>
        %dma_start3A_468 = arith.constant 0 : i32
        %dma_start3A_469 = tpu.memref_slice %arg5[%run_scoped3A_258, %run_scoped3A_259, %run_scoped3A_260, %dma_start3A_468] : memref<2x2x4x64xi32, #tpu.memory_space<vmem>> -> memref<1x1x1x64xi32, #tpu.memory_space<vmem>>
        %dma_start3A_470 = tpu.memref_squeeze %dma_start3A_469 : memref<1x1x1x64xi32, #tpu.memory_space<vmem>> -> memref<64xi32, #tpu.memory_space<vmem>>
        %dma_start3A_471 = arith.constant 0 : i32
        %dma_start3A_472 = arith.constant 0 : i32
        %dma_start3A_473 = tpu.memref_slice %arg10[%dma_start3A_471, %dma_start3A_472] : memref<10240x128xf32, #tpu.memory_space<vmem_shared>> -> memref<10240x128xf32, #tpu.memory_space<vmem_shared>>
        tpu.enqueue_indirect_dma source(%arg7 : memref<64x128xf32, #tpu.memory_space<vmem>>) target(%dma_start3A_473 : memref<10240x128xf32, #tpu.memory_space<vmem_shared>>) offsets(%dma_start3A_470 : memref<64xi32, #tpu.memory_space<vmem>>) semaphore(%run_scoped3A_467 : memref<!tpu.dma_semaphore, #tpu.memory_space<semaphore_mem>>) {add = true}
        %dma_wait3A_474 = arith.constant 0 : i32
        %dma_wait3A_475 = tpu.memref_slice %arg5[%run_scoped3A_258, %run_scoped3A_259, %run_scoped3A_260, %dma_wait3A_474] : memref<2x2x4x64xi32, #tpu.memory_space<vmem>> -> memref<1x1x1x64xi32, #tpu.memory_space<vmem>>
        %dma_wait3A_476 = tpu.memref_squeeze %dma_wait3A_475 : memref<1x1x1x64xi32, #tpu.memory_space<vmem>> -> memref<64xi32, #tpu.memory_space<vmem>>
        %dma_wait3A_477 = arith.constant 0 : i32
        %dma_wait3A_478 = arith.constant 0 : i32
        %dma_wait3A_479 = tpu.memref_slice %arg10[%dma_wait3A_477, %dma_wait3A_478] : memref<10240x128xf32, #tpu.memory_space<vmem_shared>> -> memref<10240x128xf32, #tpu.memory_space<vmem_shared>>
        tpu.wait_indirect_dma semaphore(%run_scoped3A_467 : memref<!tpu.dma_semaphore, #tpu.memory_space<semaphore_mem>>) src(%arg7 : memref<64x128xf32, #tpu.memory_space<vmem>>) dst(%dma_wait3A_479 : memref<10240x128xf32, #tpu.memory_space<vmem_shared>>)
        tpu.yield
      }) : () -> ()
      %dma_start3A_261 = arith.constant 1 : i32
      %dma_start3A_262 = arith.constant 0 : i32
      %dma_start3A_263 = arith.constant 1 : i32
      %dma_start3A_264 = arith.constant 0 : i32
      %dma_start3A_265 = tpu.memref_slice %arg5[%dma_start3A_261, %dma_start3A_262, %dma_start3A_263, %dma_start3A_264] : memref<2x2x4x64xi32, #tpu.memory_space<vmem>> -> memref<1x1x1x64xi32, #tpu.memory_space<vmem>>
      %dma_start3A_266 = tpu.memref_squeeze %dma_start3A_265 : memref<1x1x1x64xi32, #tpu.memory_space<vmem>> -> memref<64xi32, #tpu.memory_space<vmem>>
      %dma_start3A_267 = arith.constant 0 : i32
      %dma_start3A_268 = arith.constant 0 : i32
      %dma_start3A_269 = tpu.memref_slice %arg2[%dma_start3A_267, %dma_start3A_268] : memref<10000x128xf32, #tpu.memory_space<hbm>> -> memref<10000x128xf32, #tpu.memory_space<hbm>>
      tpu.enqueue_indirect_dma source(%dma_start3A_269 : memref<10000x128xf32, #tpu.memory_space<hbm>>) target(%arg7 : memref<64x128xf32, #tpu.memory_space<vmem>>) offsets(%dma_start3A_266 : memref<64xi32, #tpu.memory_space<vmem>>) semaphore(%arg12 : memref<!tpu.dma_semaphore, #tpu.memory_space<semaphore_mem>>)
      %dma_wait3A_270 = arith.constant 0 : i32
      %dma_wait3A_271 = arith.constant 0 : i32
      %dma_wait3A_272 = arith.constant 2 : i32
      %dma_wait3A_273 = arith.constant 0 : i32
      %dma_wait3A_274 = tpu.memref_slice %arg5[%dma_wait3A_270, %dma_wait3A_271, %dma_wait3A_272, %dma_wait3A_273] : memref<2x2x4x64xi32, #tpu.memory_space<vmem>> -> memref<1x1x1x64xi32, #tpu.memory_space<vmem>>
      %dma_wait3A_275 = tpu.memref_squeeze %dma_wait3A_274 : memref<1x1x1x64xi32, #tpu.memory_space<vmem>> -> memref<64xi32, #tpu.memory_space<vmem>>
      %dma_wait3A_276 = arith.constant 0 : i32
      %dma_wait3A_277 = arith.constant 0 : i32
      %dma_wait3A_278 = tpu.memref_slice %arg2[%dma_wait3A_276, %dma_wait3A_277] : memref<10000x128xf32, #tpu.memory_space<hbm>> -> memref<10000x128xf32, #tpu.memory_space<hbm>>
      tpu.wait_indirect_dma semaphore(%arg13 : memref<!tpu.dma_semaphore, #tpu.memory_space<semaphore_mem>>) src(%dma_wait3A_278 : memref<10000x128xf32, #tpu.memory_space<hbm>>) dst(%arg8 : memref<64x128xf32, #tpu.memory_space<vmem>>)
      %run_scoped3A_279 = arith.constant 0 : i32
      %run_scoped3A_280 = arith.constant 1 : i32
      %run_scoped3A_281 = arith.constant 2 : i32
      "tpu.region"() ({
        %run_scoped3A_467 = tpu.sem_alloc : memref<!tpu.dma_semaphore, #tpu.memory_space<semaphore_mem>>
        %dma_start3A_468 = arith.constant 0 : i32
        %dma_start3A_469 = tpu.memref_slice %arg5[%run_scoped3A_279, %run_scoped3A_280, %run_scoped3A_281, %dma_start3A_468] : memref<2x2x4x64xi32, #tpu.memory_space<vmem>> -> memref<1x1x1x64xi32, #tpu.memory_space<vmem>>
        %dma_start3A_470 = tpu.memref_squeeze %dma_start3A_469 : memref<1x1x1x64xi32, #tpu.memory_space<vmem>> -> memref<64xi32, #tpu.memory_space<vmem>>
        %dma_start3A_471 = arith.constant 0 : i32
        %dma_start3A_472 = arith.constant 0 : i32
        %dma_start3A_473 = tpu.memref_slice %arg10[%dma_start3A_471, %dma_start3A_472] : memref<10240x128xf32, #tpu.memory_space<vmem_shared>> -> memref<10240x128xf32, #tpu.memory_space<vmem_shared>>
        tpu.enqueue_indirect_dma source(%arg8 : memref<64x128xf32, #tpu.memory_space<vmem>>) target(%dma_start3A_473 : memref<10240x128xf32, #tpu.memory_space<vmem_shared>>) offsets(%dma_start3A_470 : memref<64xi32, #tpu.memory_space<vmem>>) semaphore(%run_scoped3A_467 : memref<!tpu.dma_semaphore, #tpu.memory_space<semaphore_mem>>) {add = true}
        %dma_wait3A_474 = arith.constant 0 : i32
        %dma_wait3A_475 = tpu.memref_slice %arg5[%run_scoped3A_279, %run_scoped3A_280, %run_scoped3A_281, %dma_wait3A_474] : memref<2x2x4x64xi32, #tpu.memory_space<vmem>> -> memref<1x1x1x64xi32, #tpu.memory_space<vmem>>
        %dma_wait3A_476 = tpu.memref_squeeze %dma_wait3A_475 : memref<1x1x1x64xi32, #tpu.memory_space<vmem>> -> memref<64xi32, #tpu.memory_space<vmem>>
        %dma_wait3A_477 = arith.constant 0 : i32
        %dma_wait3A_478 = arith.constant 0 : i32
        %dma_wait3A_479 = tpu.memref_slice %arg10[%dma_wait3A_477, %dma_wait3A_478] : memref<10240x128xf32, #tpu.memory_space<vmem_shared>> -> memref<10240x128xf32, #tpu.memory_space<vmem_shared>>
        tpu.wait_indirect_dma semaphore(%run_scoped3A_467 : memref<!tpu.dma_semaphore, #tpu.memory_space<semaphore_mem>>) src(%arg8 : memref<64x128xf32, #tpu.memory_space<vmem>>) dst(%dma_wait3A_479 : memref<10240x128xf32, #tpu.memory_space<vmem_shared>>)
        tpu.yield
      }) : () -> ()
      %dma_start3A_282 = arith.constant 1 : i32
      %dma_start3A_283 = arith.constant 0 : i32
      %dma_start3A_284 = arith.constant 2 : i32
      %dma_start3A_285 = arith.constant 0 : i32
      %dma_start3A_286 = tpu.memref_slice %arg5[%dma_start3A_282, %dma_start3A_283, %dma_start3A_284, %dma_start3A_285] : memref<2x2x4x64xi32, #tpu.memory_space<vmem>> -> memref<1x1x1x64xi32, #tpu.memory_space<vmem>>
      %dma_start3A_287 = tpu.memref_squeeze %dma_start3A_286 : memref<1x1x1x64xi32, #tpu.memory_space<vmem>> -> memref<64xi32, #tpu.memory_space<vmem>>
      %dma_start3A_288 = arith.constant 0 : i32
      %dma_start3A_289 = arith.constant 0 : i32
      %dma_start3A_290 = tpu.memref_slice %arg2[%dma_start3A_288, %dma_start3A_289] : memref<10000x128xf32, #tpu.memory_space<hbm>> -> memref<10000x128xf32, #tpu.memory_space<hbm>>
      tpu.enqueue_indirect_dma source(%dma_start3A_290 : memref<10000x128xf32, #tpu.memory_space<hbm>>) target(%arg8 : memref<64x128xf32, #tpu.memory_space<vmem>>) offsets(%dma_start3A_287 : memref<64xi32, #tpu.memory_space<vmem>>) semaphore(%arg13 : memref<!tpu.dma_semaphore, #tpu.memory_space<semaphore_mem>>)
      %dma_wait3A_291 = arith.constant 0 : i32
      %dma_wait3A_292 = arith.constant 0 : i32
      %dma_wait3A_293 = arith.constant 3 : i32
      %dma_wait3A_294 = arith.constant 0 : i32
      %dma_wait3A_295 = tpu.memref_slice %arg5[%dma_wait3A_291, %dma_wait3A_292, %dma_wait3A_293, %dma_wait3A_294] : memref<2x2x4x64xi32, #tpu.memory_space<vmem>> -> memref<1x1x1x64xi32, #tpu.memory_space<vmem>>
      %dma_wait3A_296 = tpu.memref_squeeze %dma_wait3A_295 : memref<1x1x1x64xi32, #tpu.memory_space<vmem>> -> memref<64xi32, #tpu.memory_space<vmem>>
      %dma_wait3A_297 = arith.constant 0 : i32
      %dma_wait3A_298 = arith.constant 0 : i32
      %dma_wait3A_299 = tpu.memref_slice %arg2[%dma_wait3A_297, %dma_wait3A_298] : memref<10000x128xf32, #tpu.memory_space<hbm>> -> memref<10000x128xf32, #tpu.memory_space<hbm>>
      tpu.wait_indirect_dma semaphore(%arg14 : memref<!tpu.dma_semaphore, #tpu.memory_space<semaphore_mem>>) src(%dma_wait3A_299 : memref<10000x128xf32, #tpu.memory_space<hbm>>) dst(%arg9 : memref<64x128xf32, #tpu.memory_space<vmem>>)
      %run_scoped3A_300 = arith.constant 0 : i32
      %run_scoped3A_301 = arith.constant 1 : i32
      %run_scoped3A_302 = arith.constant 3 : i32
      "tpu.region"() ({
        %run_scoped3A_467 = tpu.sem_alloc : memref<!tpu.dma_semaphore, #tpu.memory_space<semaphore_mem>>
        %dma_start3A_468 = arith.constant 0 : i32
        %dma_start3A_469 = tpu.memref_slice %arg5[%run_scoped3A_300, %run_scoped3A_301, %run_scoped3A_302, %dma_start3A_468] : memref<2x2x4x64xi32, #tpu.memory_space<vmem>> -> memref<1x1x1x64xi32, #tpu.memory_space<vmem>>
        %dma_start3A_470 = tpu.memref_squeeze %dma_start3A_469 : memref<1x1x1x64xi32, #tpu.memory_space<vmem>> -> memref<64xi32, #tpu.memory_space<vmem>>
        %dma_start3A_471 = arith.constant 0 : i32
        %dma_start3A_472 = arith.constant 0 : i32
        %dma_start3A_473 = tpu.memref_slice %arg10[%dma_start3A_471, %dma_start3A_472] : memref<10240x128xf32, #tpu.memory_space<vmem_shared>> -> memref<10240x128xf32, #tpu.memory_space<vmem_shared>>
        tpu.enqueue_indirect_dma source(%arg9 : memref<64x128xf32, #tpu.memory_space<vmem>>) target(%dma_start3A_473 : memref<10240x128xf32, #tpu.memory_space<vmem_shared>>) offsets(%dma_start3A_470 : memref<64xi32, #tpu.memory_space<vmem>>) semaphore(%run_scoped3A_467 : memref<!tpu.dma_semaphore, #tpu.memory_space<semaphore_mem>>) {add = true}
        %dma_wait3A_474 = arith.constant 0 : i32
        %dma_wait3A_475 = tpu.memref_slice %arg5[%run_scoped3A_300, %run_scoped3A_301, %run_scoped3A_302, %dma_wait3A_474] : memref<2x2x4x64xi32, #tpu.memory_space<vmem>> -> memref<1x1x1x64xi32, #tpu.memory_space<vmem>>
        %dma_wait3A_476 = tpu.memref_squeeze %dma_wait3A_475 : memref<1x1x1x64xi32, #tpu.memory_space<vmem>> -> memref<64xi32, #tpu.memory_space<vmem>>
        %dma_wait3A_477 = arith.constant 0 : i32
        %dma_wait3A_478 = arith.constant 0 : i32
        %dma_wait3A_479 = tpu.memref_slice %arg10[%dma_wait3A_477, %dma_wait3A_478] : memref<10240x128xf32, #tpu.memory_space<vmem_shared>> -> memref<10240x128xf32, #tpu.memory_space<vmem_shared>>
        tpu.wait_indirect_dma semaphore(%run_scoped3A_467 : memref<!tpu.dma_semaphore, #tpu.memory_space<semaphore_mem>>) src(%arg9 : memref<64x128xf32, #tpu.memory_space<vmem>>) dst(%dma_wait3A_479 : memref<10240x128xf32, #tpu.memory_space<vmem_shared>>)
        tpu.yield
      }) : () -> ()
      %dma_start3A_303 = arith.constant 1 : i32
      %dma_start3A_304 = arith.constant 0 : i32
      %dma_start3A_305 = arith.constant 3 : i32
      %dma_start3A_306 = arith.constant 0 : i32
      %dma_start3A_307 = tpu.memref_slice %arg5[%dma_start3A_303, %dma_start3A_304, %dma_start3A_305, %dma_start3A_306] : memref<2x2x4x64xi32, #tpu.memory_space<vmem>> -> memref<1x1x1x64xi32, #tpu.memory_space<vmem>>
      %dma_start3A_308 = tpu.memref_squeeze %dma_start3A_307 : memref<1x1x1x64xi32, #tpu.memory_space<vmem>> -> memref<64xi32, #tpu.memory_space<vmem>>
      %dma_start3A_309 = arith.constant 0 : i32
      %dma_start3A_310 = arith.constant 0 : i32
      %dma_start3A_311 = tpu.memref_slice %arg2[%dma_start3A_309, %dma_start3A_310] : memref<10000x128xf32, #tpu.memory_space<hbm>> -> memref<10000x128xf32, #tpu.memory_space<hbm>>
      tpu.enqueue_indirect_dma source(%dma_start3A_311 : memref<10000x128xf32, #tpu.memory_space<hbm>>) target(%arg9 : memref<64x128xf32, #tpu.memory_space<vmem>>) offsets(%dma_start3A_308 : memref<64xi32, #tpu.memory_space<vmem>>) semaphore(%arg14 : memref<!tpu.dma_semaphore, #tpu.memory_space<semaphore_mem>>)
      %dma_start3A_312 = arith.constant 0 : i32
      %dma_start3A_313 = arith.constant 0 : i32
      %dma_start3A_314 = arith.constant 0 : i32
      %dma_start3A_315 = arith.constant 0 : i32
      %dma_start3A_316 = tpu.memref_slice %arg5[%dma_start3A_312, %dma_start3A_313, %dma_start3A_314, %dma_start3A_315] : memref<2x2x4x64xi32, #tpu.memory_space<vmem>> -> memref<1x2x4x64xi32, #tpu.memory_space<vmem>>
      %dma_start3A_317 = tpu.memref_squeeze %dma_start3A_316 : memref<1x2x4x64xi32, #tpu.memory_space<vmem>> -> memref<2x4x64xi32, #tpu.memory_space<vmem>>
      %dma_start3A_318 = arith.constant 0 : i32
      %dma_start3A_319 = arith.constant 0 : i32
      %dma_start3A_320 = arith.constant 0 : i32
      %dma_start3A_321 = tpu.memref_slice %arg3[%add3A, %min3A_206, %dma_start3A_318, %dma_start3A_319, %dma_start3A_320] : memref<32x40x2x4x64xi32, #tpu.memory_space<hbm>> -> memref<1x1x2x4x64xi32, #tpu.memory_space<hbm>>
      %dma_start3A_322 = tpu.memref_squeeze %dma_start3A_321 : memref<1x1x2x4x64xi32, #tpu.memory_space<hbm>> -> memref<2x4x64xi32, #tpu.memory_space<hbm>>
      %dma_start3A_323 = arith.constant 0 : i32
      %dma_start3A_324 = arith.constant 0 : i32
      %dma_start3A_325 = arith.constant 0 : i32
      %dma_start3A_326 = tpu.memref_slice %arg5[%dma_start3A_312, %dma_start3A_323, %dma_start3A_324, %dma_start3A_325] : memref<2x2x4x64xi32, #tpu.memory_space<vmem>> -> memref<1x2x4x64xi32, #tpu.memory_space<vmem>>
      %dma_start3A_327 = tpu.memref_squeeze %dma_start3A_326 : memref<1x2x4x64xi32, #tpu.memory_space<vmem>> -> memref<2x4x64xi32, #tpu.memory_space<vmem>>
      %dma_start3A_328 = arith.constant 0 : i32
      %dma_start3A_329 = arith.constant 0 : i32
      %dma_start3A_330 = arith.constant 0 : i32
      %dma_start3A_331 = tpu.memref_slice %arg3[%add3A, %min3A_206, %dma_start3A_328, %dma_start3A_329, %dma_start3A_330] : memref<32x40x2x4x64xi32, #tpu.memory_space<hbm>> -> memref<1x1x2x4x64xi32, #tpu.memory_space<hbm>>
      %dma_start3A_332 = tpu.memref_squeeze %dma_start3A_331 : memref<1x1x2x4x64xi32, #tpu.memory_space<hbm>> -> memref<2x4x64xi32, #tpu.memory_space<hbm>>
      tpu.enqueue_dma source(%dma_start3A_332 : memref<2x4x64xi32, #tpu.memory_space<hbm>>) target(%dma_start3A_327 : memref<2x4x64xi32, #tpu.memory_space<vmem>>) target_semaphore(%arg19 : memref<!tpu.dma_semaphore, #tpu.memory_space<semaphore_mem>>)
      %mul3A_333 = arith.constant 2 : i32
      %mul3A_334 = arith.muli %mul3A_333, %scan3A_200 : i32
      %add3A_335 = arith.constant 3 : i32
      %add3A_336 = arith.addi %mul3A_334, %add3A_335 : i32
      %min3A_337 = arith.constant 39 : i32
      %min3A_338 = arith.minsi %add3A_336, %min3A_337 : i32
      %dma_wait3A_339 = arith.constant 1 : i32
      %dma_wait3A_340 = arith.constant 0 : i32
      %dma_wait3A_341 = arith.constant 0 : i32
      %dma_wait3A_342 = arith.constant 0 : i32
      %dma_wait3A_343 = tpu.memref_slice %arg5[%dma_wait3A_339, %dma_wait3A_340, %dma_wait3A_341, %dma_wait3A_342] : memref<2x2x4x64xi32, #tpu.memory_space<vmem>> -> memref<1x1x1x64xi32, #tpu.memory_space<vmem>>
      %dma_wait3A_344 = tpu.memref_squeeze %dma_wait3A_343 : memref<1x1x1x64xi32, #tpu.memory_space<vmem>> -> memref<64xi32, #tpu.memory_space<vmem>>
      %dma_wait3A_345 = arith.constant 0 : i32
      %dma_wait3A_346 = arith.constant 0 : i32
      %dma_wait3A_347 = tpu.memref_slice %arg2[%dma_wait3A_345, %dma_wait3A_346] : memref<10000x128xf32, #tpu.memory_space<hbm>> -> memref<10000x128xf32, #tpu.memory_space<hbm>>
      tpu.wait_indirect_dma semaphore(%arg11 : memref<!tpu.dma_semaphore, #tpu.memory_space<semaphore_mem>>) src(%dma_wait3A_347 : memref<10000x128xf32, #tpu.memory_space<hbm>>) dst(%arg6 : memref<64x128xf32, #tpu.memory_space<vmem>>)
      %run_scoped3A_348 = arith.constant 1 : i32
      %run_scoped3A_349 = arith.constant 1 : i32
      %run_scoped3A_350 = arith.constant 0 : i32
      "tpu.region"() ({
        %run_scoped3A_467 = tpu.sem_alloc : memref<!tpu.dma_semaphore, #tpu.memory_space<semaphore_mem>>
        %dma_start3A_468 = arith.constant 0 : i32
        %dma_start3A_469 = tpu.memref_slice %arg5[%run_scoped3A_348, %run_scoped3A_349, %run_scoped3A_350, %dma_start3A_468] : memref<2x2x4x64xi32, #tpu.memory_space<vmem>> -> memref<1x1x1x64xi32, #tpu.memory_space<vmem>>
        %dma_start3A_470 = tpu.memref_squeeze %dma_start3A_469 : memref<1x1x1x64xi32, #tpu.memory_space<vmem>> -> memref<64xi32, #tpu.memory_space<vmem>>
        %dma_start3A_471 = arith.constant 0 : i32
        %dma_start3A_472 = arith.constant 0 : i32
        %dma_start3A_473 = tpu.memref_slice %arg10[%dma_start3A_471, %dma_start3A_472] : memref<10240x128xf32, #tpu.memory_space<vmem_shared>> -> memref<10240x128xf32, #tpu.memory_space<vmem_shared>>
        tpu.enqueue_indirect_dma source(%arg6 : memref<64x128xf32, #tpu.memory_space<vmem>>) target(%dma_start3A_473 : memref<10240x128xf32, #tpu.memory_space<vmem_shared>>) offsets(%dma_start3A_470 : memref<64xi32, #tpu.memory_space<vmem>>) semaphore(%run_scoped3A_467 : memref<!tpu.dma_semaphore, #tpu.memory_space<semaphore_mem>>) {add = true}
        %dma_wait3A_474 = arith.constant 0 : i32
        %dma_wait3A_475 = tpu.memref_slice %arg5[%run_scoped3A_348, %run_scoped3A_349, %run_scoped3A_350, %dma_wait3A_474] : memref<2x2x4x64xi32, #tpu.memory_space<vmem>> -> memref<1x1x1x64xi32, #tpu.memory_space<vmem>>
        %dma_wait3A_476 = tpu.memref_squeeze %dma_wait3A_475 : memref<1x1x1x64xi32, #tpu.memory_space<vmem>> -> memref<64xi32, #tpu.memory_space<vmem>>
        %dma_wait3A_477 = arith.constant 0 : i32
        %dma_wait3A_478 = arith.constant 0 : i32
        %dma_wait3A_479 = tpu.memref_slice %arg10[%dma_wait3A_477, %dma_wait3A_478] : memref<10240x128xf32, #tpu.memory_space<vmem_shared>> -> memref<10240x128xf32, #tpu.memory_space<vmem_shared>>
        tpu.wait_indirect_dma semaphore(%run_scoped3A_467 : memref<!tpu.dma_semaphore, #tpu.memory_space<semaphore_mem>>) src(%arg6 : memref<64x128xf32, #tpu.memory_space<vmem>>) dst(%dma_wait3A_479 : memref<10240x128xf32, #tpu.memory_space<vmem_shared>>)
        tpu.yield
      }) : () -> ()
      %dma_wait3A_351 = arith.constant 0 : i32
      %dma_wait3A_352 = arith.constant 0 : i32
      %dma_wait3A_353 = arith.constant 0 : i32
      %dma_wait3A_354 = arith.constant 0 : i32
      %dma_wait3A_355 = arith.constant 0 : i32
      %dma_wait3A_356 = tpu.memref_slice %arg5[%dma_wait3A_352, %dma_wait3A_353, %dma_wait3A_354, %dma_wait3A_355] : memref<2x2x4x64xi32, #tpu.memory_space<vmem>> -> memref<1x2x4x64xi32, #tpu.memory_space<vmem>>
      %dma_wait3A_357 = tpu.memref_squeeze %dma_wait3A_356 : memref<1x2x4x64xi32, #tpu.memory_space<vmem>> -> memref<2x4x64xi32, #tpu.memory_space<vmem>>
      %dma_wait3A_358 = arith.constant 0 : i32
      %dma_wait3A_359 = arith.constant 0 : i32
      %dma_wait3A_360 = arith.constant 0 : i32
      %dma_wait3A_361 = tpu.memref_slice %arg3[%add3A, %dma_wait3A_351, %dma_wait3A_358, %dma_wait3A_359, %dma_wait3A_360] : memref<32x40x2x4x64xi32, #tpu.memory_space<hbm>> -> memref<1x1x2x4x64xi32, #tpu.memory_space<hbm>>
      %dma_wait3A_362 = tpu.memref_squeeze %dma_wait3A_361 : memref<1x1x2x4x64xi32, #tpu.memory_space<hbm>> -> memref<2x4x64xi32, #tpu.memory_space<hbm>>
      %dma_wait3A_363 = arith.constant 0 : i32
      %dma_wait3A_364 = arith.constant 0 : i32
      %dma_wait3A_365 = arith.constant 0 : i32
      %dma_wait3A_366 = tpu.memref_slice %arg5[%dma_wait3A_352, %dma_wait3A_363, %dma_wait3A_364, %dma_wait3A_365] : memref<2x2x4x64xi32, #tpu.memory_space<vmem>> -> memref<1x2x4x64xi32, #tpu.memory_space<vmem>>
      %dma_wait3A_367 = tpu.memref_squeeze %dma_wait3A_366 : memref<1x2x4x64xi32, #tpu.memory_space<vmem>> -> memref<2x4x64xi32, #tpu.memory_space<vmem>>
      %dma_wait3A_368 = arith.constant 0 : i32
      %dma_wait3A_369 = arith.constant 0 : i32
      %dma_wait3A_370 = arith.constant 0 : i32
      %dma_wait3A_371 = tpu.memref_slice %arg3[%add3A, %dma_wait3A_351, %dma_wait3A_368, %dma_wait3A_369, %dma_wait3A_370] : memref<32x40x2x4x64xi32, #tpu.memory_space<hbm>> -> memref<1x1x2x4x64xi32, #tpu.memory_space<hbm>>
      %dma_wait3A_372 = tpu.memref_squeeze %dma_wait3A_371 : memref<1x1x2x4x64xi32, #tpu.memory_space<hbm>> -> memref<2x4x64xi32, #tpu.memory_space<hbm>>
      tpu.wait_dma2 semaphore(%arg19 : memref<!tpu.dma_semaphore, #tpu.memory_space<semaphore_mem>>) src(%dma_wait3A_372 : memref<2x4x64xi32, #tpu.memory_space<hbm>>) dst(%dma_wait3A_367 : memref<2x4x64xi32, #tpu.memory_space<vmem>>)
      %dma_start3A_373 = arith.constant 0 : i32
      %dma_start3A_374 = arith.constant 0 : i32
      %dma_start3A_375 = arith.constant 0 : i32
      %dma_start3A_376 = arith.constant 0 : i32
      %dma_start3A_377 = tpu.memref_slice %arg5[%dma_start3A_373, %dma_start3A_374, %dma_start3A_375, %dma_start3A_376] : memref<2x2x4x64xi32, #tpu.memory_space<vmem>> -> memref<1x1x1x64xi32, #tpu.memory_space<vmem>>
      %dma_start3A_378 = tpu.memref_squeeze %dma_start3A_377 : memref<1x1x1x64xi32, #tpu.memory_space<vmem>> -> memref<64xi32, #tpu.memory_space<vmem>>
      %dma_start3A_379 = arith.constant 0 : i32
      %dma_start3A_380 = arith.constant 0 : i32
      %dma_start3A_381 = tpu.memref_slice %arg2[%dma_start3A_379, %dma_start3A_380] : memref<10000x128xf32, #tpu.memory_space<hbm>> -> memref<10000x128xf32, #tpu.memory_space<hbm>>
      tpu.enqueue_indirect_dma source(%dma_start3A_381 : memref<10000x128xf32, #tpu.memory_space<hbm>>) target(%arg6 : memref<64x128xf32, #tpu.memory_space<vmem>>) offsets(%dma_start3A_378 : memref<64xi32, #tpu.memory_space<vmem>>) semaphore(%arg11 : memref<!tpu.dma_semaphore, #tpu.memory_space<semaphore_mem>>)
      %dma_wait3A_382 = arith.constant 1 : i32
      %dma_wait3A_383 = arith.constant 0 : i32
      %dma_wait3A_384 = arith.constant 1 : i32
      %dma_wait3A_385 = arith.constant 0 : i32
      %dma_wait3A_386 = tpu.memref_slice %arg5[%dma_wait3A_382, %dma_wait3A_383, %dma_wait3A_384, %dma_wait3A_385] : memref<2x2x4x64xi32, #tpu.memory_space<vmem>> -> memref<1x1x1x64xi32, #tpu.memory_space<vmem>>
      %dma_wait3A_387 = tpu.memref_squeeze %dma_wait3A_386 : memref<1x1x1x64xi32, #tpu.memory_space<vmem>> -> memref<64xi32, #tpu.memory_space<vmem>>
      %dma_wait3A_388 = arith.constant 0 : i32
      %dma_wait3A_389 = arith.constant 0 : i32
      %dma_wait3A_390 = tpu.memref_slice %arg2[%dma_wait3A_388, %dma_wait3A_389] : memref<10000x128xf32, #tpu.memory_space<hbm>> -> memref<10000x128xf32, #tpu.memory_space<hbm>>
      tpu.wait_indirect_dma semaphore(%arg12 : memref<!tpu.dma_semaphore, #tpu.memory_space<semaphore_mem>>) src(%dma_wait3A_390 : memref<10000x128xf32, #tpu.memory_space<hbm>>) dst(%arg7 : memref<64x128xf32, #tpu.memory_space<vmem>>)
      %run_scoped3A_391 = arith.constant 1 : i32
      %run_scoped3A_392 = arith.constant 1 : i32
      %run_scoped3A_393 = arith.constant 1 : i32
      "tpu.region"() ({
        %run_scoped3A_467 = tpu.sem_alloc : memref<!tpu.dma_semaphore, #tpu.memory_space<semaphore_mem>>
        %dma_start3A_468 = arith.constant 0 : i32
        %dma_start3A_469 = tpu.memref_slice %arg5[%run_scoped3A_391, %run_scoped3A_392, %run_scoped3A_393, %dma_start3A_468] : memref<2x2x4x64xi32, #tpu.memory_space<vmem>> -> memref<1x1x1x64xi32, #tpu.memory_space<vmem>>
        %dma_start3A_470 = tpu.memref_squeeze %dma_start3A_469 : memref<1x1x1x64xi32, #tpu.memory_space<vmem>> -> memref<64xi32, #tpu.memory_space<vmem>>
        %dma_start3A_471 = arith.constant 0 : i32
        %dma_start3A_472 = arith.constant 0 : i32
        %dma_start3A_473 = tpu.memref_slice %arg10[%dma_start3A_471, %dma_start3A_472] : memref<10240x128xf32, #tpu.memory_space<vmem_shared>> -> memref<10240x128xf32, #tpu.memory_space<vmem_shared>>
        tpu.enqueue_indirect_dma source(%arg7 : memref<64x128xf32, #tpu.memory_space<vmem>>) target(%dma_start3A_473 : memref<10240x128xf32, #tpu.memory_space<vmem_shared>>) offsets(%dma_start3A_470 : memref<64xi32, #tpu.memory_space<vmem>>) semaphore(%run_scoped3A_467 : memref<!tpu.dma_semaphore, #tpu.memory_space<semaphore_mem>>) {add = true}
        %dma_wait3A_474 = arith.constant 0 : i32
        %dma_wait3A_475 = tpu.memref_slice %arg5[%run_scoped3A_391, %run_scoped3A_392, %run_scoped3A_393, %dma_wait3A_474] : memref<2x2x4x64xi32, #tpu.memory_space<vmem>> -> memref<1x1x1x64xi32, #tpu.memory_space<vmem>>
        %dma_wait3A_476 = tpu.memref_squeeze %dma_wait3A_475 : memref<1x1x1x64xi32, #tpu.memory_space<vmem>> -> memref<64xi32, #tpu.memory_space<vmem>>
        %dma_wait3A_477 = arith.constant 0 : i32
        %dma_wait3A_478 = arith.constant 0 : i32
        %dma_wait3A_479 = tpu.memref_slice %arg10[%dma_wait3A_477, %dma_wait3A_478] : memref<10240x128xf32, #tpu.memory_space<vmem_shared>> -> memref<10240x128xf32, #tpu.memory_space<vmem_shared>>
        tpu.wait_indirect_dma semaphore(%run_scoped3A_467 : memref<!tpu.dma_semaphore, #tpu.memory_space<semaphore_mem>>) src(%arg7 : memref<64x128xf32, #tpu.memory_space<vmem>>) dst(%dma_wait3A_479 : memref<10240x128xf32, #tpu.memory_space<vmem_shared>>)
        tpu.yield
      }) : () -> ()
      %dma_start3A_394 = arith.constant 0 : i32
      %dma_start3A_395 = arith.constant 0 : i32
      %dma_start3A_396 = arith.constant 1 : i32
      %dma_start3A_397 = arith.constant 0 : i32
      %dma_start3A_398 = tpu.memref_slice %arg5[%dma_start3A_394, %dma_start3A_395, %dma_start3A_396, %dma_start3A_397] : memref<2x2x4x64xi32, #tpu.memory_space<vmem>> -> memref<1x1x1x64xi32, #tpu.memory_space<vmem>>
      %dma_start3A_399 = tpu.memref_squeeze %dma_start3A_398 : memref<1x1x1x64xi32, #tpu.memory_space<vmem>> -> memref<64xi32, #tpu.memory_space<vmem>>
      %dma_start3A_400 = arith.constant 0 : i32
      %dma_start3A_401 = arith.constant 0 : i32
      %dma_start3A_402 = tpu.memref_slice %arg2[%dma_start3A_400, %dma_start3A_401] : memref<10000x128xf32, #tpu.memory_space<hbm>> -> memref<10000x128xf32, #tpu.memory_space<hbm>>
      tpu.enqueue_indirect_dma source(%dma_start3A_402 : memref<10000x128xf32, #tpu.memory_space<hbm>>) target(%arg7 : memref<64x128xf32, #tpu.memory_space<vmem>>) offsets(%dma_start3A_399 : memref<64xi32, #tpu.memory_space<vmem>>) semaphore(%arg12 : memref<!tpu.dma_semaphore, #tpu.memory_space<semaphore_mem>>)
      %dma_wait3A_403 = arith.constant 1 : i32
      %dma_wait3A_404 = arith.constant 0 : i32
      %dma_wait3A_405 = arith.constant 2 : i32
      %dma_wait3A_406 = arith.constant 0 : i32
      %dma_wait3A_407 = tpu.memref_slice %arg5[%dma_wait3A_403, %dma_wait3A_404, %dma_wait3A_405, %dma_wait3A_406] : memref<2x2x4x64xi32, #tpu.memory_space<vmem>> -> memref<1x1x1x64xi32, #tpu.memory_space<vmem>>
      %dma_wait3A_408 = tpu.memref_squeeze %dma_wait3A_407 : memref<1x1x1x64xi32, #tpu.memory_space<vmem>> -> memref<64xi32, #tpu.memory_space<vmem>>
      %dma_wait3A_409 = arith.constant 0 : i32
      %dma_wait3A_410 = arith.constant 0 : i32
      %dma_wait3A_411 = tpu.memref_slice %arg2[%dma_wait3A_409, %dma_wait3A_410] : memref<10000x128xf32, #tpu.memory_space<hbm>> -> memref<10000x128xf32, #tpu.memory_space<hbm>>
      tpu.wait_indirect_dma semaphore(%arg13 : memref<!tpu.dma_semaphore, #tpu.memory_space<semaphore_mem>>) src(%dma_wait3A_411 : memref<10000x128xf32, #tpu.memory_space<hbm>>) dst(%arg8 : memref<64x128xf32, #tpu.memory_space<vmem>>)
      %run_scoped3A_412 = arith.constant 1 : i32
      %run_scoped3A_413 = arith.constant 1 : i32
      %run_scoped3A_414 = arith.constant 2 : i32
      "tpu.region"() ({
        %run_scoped3A_467 = tpu.sem_alloc : memref<!tpu.dma_semaphore, #tpu.memory_space<semaphore_mem>>
        %dma_start3A_468 = arith.constant 0 : i32
        %dma_start3A_469 = tpu.memref_slice %arg5[%run_scoped3A_412, %run_scoped3A_413, %run_scoped3A_414, %dma_start3A_468] : memref<2x2x4x64xi32, #tpu.memory_space<vmem>> -> memref<1x1x1x64xi32, #tpu.memory_space<vmem>>
        %dma_start3A_470 = tpu.memref_squeeze %dma_start3A_469 : memref<1x1x1x64xi32, #tpu.memory_space<vmem>> -> memref<64xi32, #tpu.memory_space<vmem>>
        %dma_start3A_471 = arith.constant 0 : i32
        %dma_start3A_472 = arith.constant 0 : i32
        %dma_start3A_473 = tpu.memref_slice %arg10[%dma_start3A_471, %dma_start3A_472] : memref<10240x128xf32, #tpu.memory_space<vmem_shared>> -> memref<10240x128xf32, #tpu.memory_space<vmem_shared>>
        tpu.enqueue_indirect_dma source(%arg8 : memref<64x128xf32, #tpu.memory_space<vmem>>) target(%dma_start3A_473 : memref<10240x128xf32, #tpu.memory_space<vmem_shared>>) offsets(%dma_start3A_470 : memref<64xi32, #tpu.memory_space<vmem>>) semaphore(%run_scoped3A_467 : memref<!tpu.dma_semaphore, #tpu.memory_space<semaphore_mem>>) {add = true}
        %dma_wait3A_474 = arith.constant 0 : i32
        %dma_wait3A_475 = tpu.memref_slice %arg5[%run_scoped3A_412, %run_scoped3A_413, %run_scoped3A_414, %dma_wait3A_474] : memref<2x2x4x64xi32, #tpu.memory_space<vmem>> -> memref<1x1x1x64xi32, #tpu.memory_space<vmem>>
        %dma_wait3A_476 = tpu.memref_squeeze %dma_wait3A_475 : memref<1x1x1x64xi32, #tpu.memory_space<vmem>> -> memref<64xi32, #tpu.memory_space<vmem>>
        %dma_wait3A_477 = arith.constant 0 : i32
        %dma_wait3A_478 = arith.constant 0 : i32
        %dma_wait3A_479 = tpu.memref_slice %arg10[%dma_wait3A_477, %dma_wait3A_478] : memref<10240x128xf32, #tpu.memory_space<vmem_shared>> -> memref<10240x128xf32, #tpu.memory_space<vmem_shared>>
        tpu.wait_indirect_dma semaphore(%run_scoped3A_467 : memref<!tpu.dma_semaphore, #tpu.memory_space<semaphore_mem>>) src(%arg8 : memref<64x128xf32, #tpu.memory_space<vmem>>) dst(%dma_wait3A_479 : memref<10240x128xf32, #tpu.memory_space<vmem_shared>>)
        tpu.yield
      }) : () -> ()
      %dma_start3A_415 = arith.constant 0 : i32
      %dma_start3A_416 = arith.constant 0 : i32
      %dma_start3A_417 = arith.constant 2 : i32
      %dma_start3A_418 = arith.constant 0 : i32
      %dma_start3A_419 = tpu.memref_slice %arg5[%dma_start3A_415, %dma_start3A_416, %dma_start3A_417, %dma_start3A_418] : memref<2x2x4x64xi32, #tpu.memory_space<vmem>> -> memref<1x1x1x64xi32, #tpu.memory_space<vmem>>
      %dma_start3A_420 = tpu.memref_squeeze %dma_start3A_419 : memref<1x1x1x64xi32, #tpu.memory_space<vmem>> -> memref<64xi32, #tpu.memory_space<vmem>>
      %dma_start3A_421 = arith.constant 0 : i32
      %dma_start3A_422 = arith.constant 0 : i32
      %dma_start3A_423 = tpu.memref_slice %arg2[%dma_start3A_421, %dma_start3A_422] : memref<10000x128xf32, #tpu.memory_space<hbm>> -> memref<10000x128xf32, #tpu.memory_space<hbm>>
      tpu.enqueue_indirect_dma source(%dma_start3A_423 : memref<10000x128xf32, #tpu.memory_space<hbm>>) target(%arg8 : memref<64x128xf32, #tpu.memory_space<vmem>>) offsets(%dma_start3A_420 : memref<64xi32, #tpu.memory_space<vmem>>) semaphore(%arg13 : memref<!tpu.dma_semaphore, #tpu.memory_space<semaphore_mem>>)
      %dma_wait3A_424 = arith.constant 1 : i32
      %dma_wait3A_425 = arith.constant 0 : i32
      %dma_wait3A_426 = arith.constant 3 : i32
      %dma_wait3A_427 = arith.constant 0 : i32
      %dma_wait3A_428 = tpu.memref_slice %arg5[%dma_wait3A_424, %dma_wait3A_425, %dma_wait3A_426, %dma_wait3A_427] : memref<2x2x4x64xi32, #tpu.memory_space<vmem>> -> memref<1x1x1x64xi32, #tpu.memory_space<vmem>>
      %dma_wait3A_429 = tpu.memref_squeeze %dma_wait3A_428 : memref<1x1x1x64xi32, #tpu.memory_space<vmem>> -> memref<64xi32, #tpu.memory_space<vmem>>
      %dma_wait3A_430 = arith.constant 0 : i32
      %dma_wait3A_431 = arith.constant 0 : i32
      %dma_wait3A_432 = tpu.memref_slice %arg2[%dma_wait3A_430, %dma_wait3A_431] : memref<10000x128xf32, #tpu.memory_space<hbm>> -> memref<10000x128xf32, #tpu.memory_space<hbm>>
      tpu.wait_indirect_dma semaphore(%arg14 : memref<!tpu.dma_semaphore, #tpu.memory_space<semaphore_mem>>) src(%dma_wait3A_432 : memref<10000x128xf32, #tpu.memory_space<hbm>>) dst(%arg9 : memref<64x128xf32, #tpu.memory_space<vmem>>)
      %run_scoped3A_433 = arith.constant 1 : i32
      %run_scoped3A_434 = arith.constant 1 : i32
      %run_scoped3A_435 = arith.constant 3 : i32
      "tpu.region"() ({
        %run_scoped3A_467 = tpu.sem_alloc : memref<!tpu.dma_semaphore, #tpu.memory_space<semaphore_mem>>
        %dma_start3A_468 = arith.constant 0 : i32
        %dma_start3A_469 = tpu.memref_slice %arg5[%run_scoped3A_433, %run_scoped3A_434, %run_scoped3A_435, %dma_start3A_468] : memref<2x2x4x64xi32, #tpu.memory_space<vmem>> -> memref<1x1x1x64xi32, #tpu.memory_space<vmem>>
        %dma_start3A_470 = tpu.memref_squeeze %dma_start3A_469 : memref<1x1x1x64xi32, #tpu.memory_space<vmem>> -> memref<64xi32, #tpu.memory_space<vmem>>
        %dma_start3A_471 = arith.constant 0 : i32
        %dma_start3A_472 = arith.constant 0 : i32
        %dma_start3A_473 = tpu.memref_slice %arg10[%dma_start3A_471, %dma_start3A_472] : memref<10240x128xf32, #tpu.memory_space<vmem_shared>> -> memref<10240x128xf32, #tpu.memory_space<vmem_shared>>
        tpu.enqueue_indirect_dma source(%arg9 : memref<64x128xf32, #tpu.memory_space<vmem>>) target(%dma_start3A_473 : memref<10240x128xf32, #tpu.memory_space<vmem_shared>>) offsets(%dma_start3A_470 : memref<64xi32, #tpu.memory_space<vmem>>) semaphore(%run_scoped3A_467 : memref<!tpu.dma_semaphore, #tpu.memory_space<semaphore_mem>>) {add = true}
        %dma_wait3A_474 = arith.constant 0 : i32
        %dma_wait3A_475 = tpu.memref_slice %arg5[%run_scoped3A_433, %run_scoped3A_434, %run_scoped3A_435, %dma_wait3A_474] : memref<2x2x4x64xi32, #tpu.memory_space<vmem>> -> memref<1x1x1x64xi32, #tpu.memory_space<vmem>>
        %dma_wait3A_476 = tpu.memref_squeeze %dma_wait3A_475 : memref<1x1x1x64xi32, #tpu.memory_space<vmem>> -> memref<64xi32, #tpu.memory_space<vmem>>
        %dma_wait3A_477 = arith.constant 0 : i32
        %dma_wait3A_478 = arith.constant 0 : i32
        %dma_wait3A_479 = tpu.memref_slice %arg10[%dma_wait3A_477, %dma_wait3A_478] : memref<10240x128xf32, #tpu.memory_space<vmem_shared>> -> memref<10240x128xf32, #tpu.memory_space<vmem_shared>>
        tpu.wait_indirect_dma semaphore(%run_scoped3A_467 : memref<!tpu.dma_semaphore, #tpu.memory_space<semaphore_mem>>) src(%arg9 : memref<64x128xf32, #tpu.memory_space<vmem>>) dst(%dma_wait3A_479 : memref<10240x128xf32, #tpu.memory_space<vmem_shared>>)
        tpu.yield
      }) : () -> ()
      %dma_start3A_436 = arith.constant 0 : i32
      %dma_start3A_437 = arith.constant 0 : i32
      %dma_start3A_438 = arith.constant 3 : i32
      %dma_start3A_439 = arith.constant 0 : i32
      %dma_start3A_440 = tpu.memref_slice %arg5[%dma_start3A_436, %dma_start3A_437, %dma_start3A_438, %dma_start3A_439] : memref<2x2x4x64xi32, #tpu.memory_space<vmem>> -> memref<1x1x1x64xi32, #tpu.memory_space<vmem>>
      %dma_start3A_441 = tpu.memref_squeeze %dma_start3A_440 : memref<1x1x1x64xi32, #tpu.memory_space<vmem>> -> memref<64xi32, #tpu.memory_space<vmem>>
      %dma_start3A_442 = arith.constant 0 : i32
      %dma_start3A_443 = arith.constant 0 : i32
      %dma_start3A_444 = tpu.memref_slice %arg2[%dma_start3A_442, %dma_start3A_443] : memref<10000x128xf32, #tpu.memory_space<hbm>> -> memref<10000x128xf32, #tpu.memory_space<hbm>>
      tpu.enqueue_indirect_dma source(%dma_start3A_444 : memref<10000x128xf32, #tpu.memory_space<hbm>>) target(%arg9 : memref<64x128xf32, #tpu.memory_space<vmem>>) offsets(%dma_start3A_441 : memref<64xi32, #tpu.memory_space<vmem>>) semaphore(%arg14 : memref<!tpu.dma_semaphore, #tpu.memory_space<semaphore_mem>>)
      %dma_start3A_445 = arith.constant 1 : i32
      %dma_start3A_446 = arith.constant 0 : i32
      %dma_start3A_447 = arith.constant 0 : i32
      %dma_start3A_448 = arith.constant 0 : i32
      %dma_start3A_449 = tpu.memref_slice %arg5[%dma_start3A_445, %dma_start3A_446, %dma_start3A_447, %dma_start3A_448] : memref<2x2x4x64xi32, #tpu.memory_space<vmem>> -> memref<1x2x4x64xi32, #tpu.memory_space<vmem>>
      %dma_start3A_450 = tpu.memref_squeeze %dma_start3A_449 : memref<1x2x4x64xi32, #tpu.memory_space<vmem>> -> memref<2x4x64xi32, #tpu.memory_space<vmem>>
      %dma_start3A_451 = arith.constant 0 : i32
      %dma_start3A_452 = arith.constant 0 : i32
      %dma_start3A_453 = arith.constant 0 : i32
      %dma_start3A_454 = tpu.memref_slice %arg3[%add3A, %min3A_338, %dma_start3A_451, %dma_start3A_452, %dma_start3A_453] : memref<32x40x2x4x64xi32, #tpu.memory_space<hbm>> -> memref<1x1x2x4x64xi32, #tpu.memory_space<hbm>>
      %dma_start3A_455 = tpu.memref_squeeze %dma_start3A_454 : memref<1x1x2x4x64xi32, #tpu.memory_space<hbm>> -> memref<2x4x64xi32, #tpu.memory_space<hbm>>
      %dma_start3A_456 = arith.constant 0 : i32
      %dma_start3A_457 = arith.constant 0 : i32
      %dma_start3A_458 = arith.constant 0 : i32
      %dma_start3A_459 = tpu.memref_slice %arg5[%dma_start3A_445, %dma_start3A_456, %dma_start3A_457, %dma_start3A_458] : memref<2x2x4x64xi32, #tpu.memory_space<vmem>> -> memref<1x2x4x64xi32, #tpu.memory_space<vmem>>
      %dma_start3A_460 = tpu.memref_squeeze %dma_start3A_459 : memref<1x2x4x64xi32, #tpu.memory_space<vmem>> -> memref<2x4x64xi32, #tpu.memory_space<vmem>>
      %dma_start3A_461 = arith.constant 0 : i32
      %dma_start3A_462 = arith.constant 0 : i32
      %dma_start3A_463 = arith.constant 0 : i32
      %dma_start3A_464 = tpu.memref_slice %arg3[%add3A, %min3A_338, %dma_start3A_461, %dma_start3A_462, %dma_start3A_463] : memref<32x40x2x4x64xi32, #tpu.memory_space<hbm>> -> memref<1x1x2x4x64xi32, #tpu.memory_space<hbm>>
      %dma_start3A_465 = tpu.memref_squeeze %dma_start3A_464 : memref<1x1x2x4x64xi32, #tpu.memory_space<hbm>> -> memref<2x4x64xi32, #tpu.memory_space<hbm>>
      tpu.enqueue_dma source(%dma_start3A_465 : memref<2x4x64xi32, #tpu.memory_space<hbm>>) target(%dma_start3A_460 : memref<2x4x64xi32, #tpu.memory_space<vmem>>) target_semaphore(%arg20 : memref<!tpu.dma_semaphore, #tpu.memory_space<semaphore_mem>>)
      %scan3A_466 = arith.constant 0 : i32
      scf.yield %scan3A_466 : i32
    }
    %scan3A_136 = arith.constant 20 : i32
    %dma_wait3A_137 = arith.constant 0 : i32
    %dma_wait3A_138 = arith.constant 0 : i32
    %dma_wait3A_139 = arith.constant 0 : i32
    %dma_wait3A_140 = arith.constant 0 : i32
    %dma_wait3A_141 = tpu.memref_slice %arg5[%dma_wait3A_137, %dma_wait3A_138, %dma_wait3A_139, %dma_wait3A_140] : memref<2x2x4x64xi32, #tpu.memory_space<vmem>> -> memref<1x1x1x64xi32, #tpu.memory_space<vmem>>
    %dma_wait3A_142 = tpu.memref_squeeze %dma_wait3A_141 : memref<1x1x1x64xi32, #tpu.memory_space<vmem>> -> memref<64xi32, #tpu.memory_space<vmem>>
    %dma_wait3A_143 = arith.constant 0 : i32
    %dma_wait3A_144 = arith.constant 0 : i32
    %dma_wait3A_145 = tpu.memref_slice %arg2[%dma_wait3A_143, %dma_wait3A_144] : memref<10000x128xf32, #tpu.memory_space<hbm>> -> memref<10000x128xf32, #tpu.memory_space<hbm>>
    tpu.wait_indirect_dma semaphore(%arg11 : memref<!tpu.dma_semaphore, #tpu.memory_space<semaphore_mem>>) src(%dma_wait3A_145 : memref<10000x128xf32, #tpu.memory_space<hbm>>) dst(%arg6 : memref<64x128xf32, #tpu.memory_space<vmem>>)
    %dma_wait3A_146 = arith.constant 0 : i32
    %dma_wait3A_147 = arith.constant 0 : i32
    %dma_wait3A_148 = arith.constant 1 : i32
    %dma_wait3A_149 = arith.constant 0 : i32
    %dma_wait3A_150 = tpu.memref_slice %arg5[%dma_wait3A_146, %dma_wait3A_147, %dma_wait3A_148, %dma_wait3A_149] : memref<2x2x4x64xi32, #tpu.memory_space<vmem>> -> memref<1x1x1x64xi32, #tpu.memory_space<vmem>>
    %dma_wait3A_151 = tpu.memref_squeeze %dma_wait3A_150 : memref<1x1x1x64xi32, #tpu.memory_space<vmem>> -> memref<64xi32, #tpu.memory_space<vmem>>
    %dma_wait3A_152 = arith.constant 0 : i32
    %dma_wait3A_153 = arith.constant 0 : i32
    %dma_wait3A_154 = tpu.memref_slice %arg2[%dma_wait3A_152, %dma_wait3A_153] : memref<10000x128xf32, #tpu.memory_space<hbm>> -> memref<10000x128xf32, #tpu.memory_space<hbm>>
    tpu.wait_indirect_dma semaphore(%arg12 : memref<!tpu.dma_semaphore, #tpu.memory_space<semaphore_mem>>) src(%dma_wait3A_154 : memref<10000x128xf32, #tpu.memory_space<hbm>>) dst(%arg7 : memref<64x128xf32, #tpu.memory_space<vmem>>)
    %dma_wait3A_155 = arith.constant 0 : i32
    %dma_wait3A_156 = arith.constant 0 : i32
    %dma_wait3A_157 = arith.constant 2 : i32
    %dma_wait3A_158 = arith.constant 0 : i32
    %dma_wait3A_159 = tpu.memref_slice %arg5[%dma_wait3A_155, %dma_wait3A_156, %dma_wait3A_157, %dma_wait3A_158] : memref<2x2x4x64xi32, #tpu.memory_space<vmem>> -> memref<1x1x1x64xi32, #tpu.memory_space<vmem>>
    %dma_wait3A_160 = tpu.memref_squeeze %dma_wait3A_159 : memref<1x1x1x64xi32, #tpu.memory_space<vmem>> -> memref<64xi32, #tpu.memory_space<vmem>>
    %dma_wait3A_161 = arith.constant 0 : i32
    %dma_wait3A_162 = arith.constant 0 : i32
    %dma_wait3A_163 = tpu.memref_slice %arg2[%dma_wait3A_161, %dma_wait3A_162] : memref<10000x128xf32, #tpu.memory_space<hbm>> -> memref<10000x128xf32, #tpu.memory_space<hbm>>
    tpu.wait_indirect_dma semaphore(%arg13 : memref<!tpu.dma_semaphore, #tpu.memory_space<semaphore_mem>>) src(%dma_wait3A_163 : memref<10000x128xf32, #tpu.memory_space<hbm>>) dst(%arg8 : memref<64x128xf32, #tpu.memory_space<vmem>>)
    %dma_wait3A_164 = arith.constant 0 : i32
    %dma_wait3A_165 = arith.constant 0 : i32
    %dma_wait3A_166 = arith.constant 3 : i32
    %dma_wait3A_167 = arith.constant 0 : i32
    %dma_wait3A_168 = tpu.memref_slice %arg5[%dma_wait3A_164, %dma_wait3A_165, %dma_wait3A_166, %dma_wait3A_167] : memref<2x2x4x64xi32, #tpu.memory_space<vmem>> -> memref<1x1x1x64xi32, #tpu.memory_space<vmem>>
    %dma_wait3A_169 = tpu.memref_squeeze %dma_wait3A_168 : memref<1x1x1x64xi32, #tpu.memory_space<vmem>> -> memref<64xi32, #tpu.memory_space<vmem>>
    %dma_wait3A_170 = arith.constant 0 : i32
    %dma_wait3A_171 = arith.constant 0 : i32
    %dma_wait3A_172 = tpu.memref_slice %arg2[%dma_wait3A_170, %dma_wait3A_171] : memref<10000x128xf32, #tpu.memory_space<hbm>> -> memref<10000x128xf32, #tpu.memory_space<hbm>>
    tpu.wait_indirect_dma semaphore(%arg14 : memref<!tpu.dma_semaphore, #tpu.memory_space<semaphore_mem>>) src(%dma_wait3A_172 : memref<10000x128xf32, #tpu.memory_space<hbm>>) dst(%arg9 : memref<64x128xf32, #tpu.memory_space<vmem>>)
    %dma_wait3A_173 = arith.constant 0 : i32
    %dma_wait3A_174 = arith.constant 1 : i32
    %dma_wait3A_175 = arith.constant 0 : i32
    %dma_wait3A_176 = arith.constant 0 : i32
    %dma_wait3A_177 = arith.constant 0 : i32
    %dma_wait3A_178 = tpu.memref_slice %arg5[%dma_wait3A_174, %dma_wait3A_175, %dma_wait3A_176, %dma_wait3A_177] : memref<2x2x4x64xi32, #tpu.memory_space<vmem>> -> memref<1x2x4x64xi32, #tpu.memory_space<vmem>>
    %dma_wait3A_179 = tpu.memref_squeeze %dma_wait3A_178 : memref<1x2x4x64xi32, #tpu.memory_space<vmem>> -> memref<2x4x64xi32, #tpu.memory_space<vmem>>
    %dma_wait3A_180 = arith.constant 0 : i32
    %dma_wait3A_181 = arith.constant 0 : i32
    %dma_wait3A_182 = arith.constant 0 : i32
    %dma_wait3A_183 = tpu.memref_slice %arg3[%add3A, %dma_wait3A_173, %dma_wait3A_180, %dma_wait3A_181, %dma_wait3A_182] : memref<32x40x2x4x64xi32, #tpu.memory_space<hbm>> -> memref<1x1x2x4x64xi32, #tpu.memory_space<hbm>>
    %dma_wait3A_184 = tpu.memref_squeeze %dma_wait3A_183 : memref<1x1x2x4x64xi32, #tpu.memory_space<hbm>> -> memref<2x4x64xi32, #tpu.memory_space<hbm>>
    %dma_wait3A_185 = arith.constant 0 : i32
    %dma_wait3A_186 = arith.constant 0 : i32
    %dma_wait3A_187 = arith.constant 0 : i32
    %dma_wait3A_188 = tpu.memref_slice %arg5[%dma_wait3A_174, %dma_wait3A_185, %dma_wait3A_186, %dma_wait3A_187] : memref<2x2x4x64xi32, #tpu.memory_space<vmem>> -> memref<1x2x4x64xi32, #tpu.memory_space<vmem>>
    %dma_wait3A_189 = tpu.memref_squeeze %dma_wait3A_188 : memref<1x2x4x64xi32, #tpu.memory_space<vmem>> -> memref<2x4x64xi32, #tpu.memory_space<vmem>>
    %dma_wait3A_190 = arith.constant 0 : i32
    %dma_wait3A_191 = arith.constant 0 : i32
    %dma_wait3A_192 = arith.constant 0 : i32
    %dma_wait3A_193 = tpu.memref_slice %arg3[%add3A, %dma_wait3A_173, %dma_wait3A_190, %dma_wait3A_191, %dma_wait3A_192] : memref<32x40x2x4x64xi32, #tpu.memory_space<hbm>> -> memref<1x1x2x4x64xi32, #tpu.memory_space<hbm>>
    %dma_wait3A_194 = tpu.memref_squeeze %dma_wait3A_193 : memref<1x1x2x4x64xi32, #tpu.memory_space<hbm>> -> memref<2x4x64xi32, #tpu.memory_space<hbm>>
    tpu.wait_dma2 semaphore(%arg20 : memref<!tpu.dma_semaphore, #tpu.memory_space<semaphore_mem>>) src(%dma_wait3A_194 : memref<2x4x64xi32, #tpu.memory_space<hbm>>) dst(%dma_wait3A_189 : memref<2x4x64xi32, #tpu.memory_space<vmem>>)
    %barrier3A_195 = arith.constant 0 : index
    tpu.barrier barrier_id(%barrier3A_195)
    %mul3A_196 = arith.constant 624 : i32
    %mul3A_197 = arith.muli %arg1, %mul3A_196 : i32
    "tpu.region"() ({
      %run_scoped3A = tpu.sem_alloc : memref<!tpu.dma_semaphore, #tpu.memory_space<semaphore_mem>>
      %dma_start3A_200 = arith.constant 0 : i32
      %dma_start3A_201 = tpu.memref_slice %arg4[%arg0, %mul3A_197, %dma_start3A_200] : memref<2x10000x128xf32, #tpu.memory_space<hbm>> -> memref<1x624x128xf32, #tpu.memory_space<hbm>>
      %dma_start3A_202 = tpu.memref_squeeze %dma_start3A_201 : memref<1x624x128xf32, #tpu.memory_space<hbm>> -> memref<624x128xf32, #tpu.memory_space<hbm>>
      %dma_start3A_203 = arith.constant 0 : i32
      %dma_start3A_204 = tpu.memref_slice %arg10[%mul3A_197, %dma_start3A_203] : memref<10240x128xf32, #tpu.memory_space<vmem_shared>> -> memref<624x128xf32, #tpu.memory_space<vmem_shared>>
      tpu.enqueue_dma source(%dma_start3A_204 : memref<624x128xf32, #tpu.memory_space<vmem_shared>>) target(%dma_start3A_202 : memref<624x128xf32, #tpu.memory_space<hbm>>) target_semaphore(%run_scoped3A : memref<!tpu.dma_semaphore, #tpu.memory_space<semaphore_mem>>)
      %dma_wait3A_205 = arith.constant 0 : i32
      %dma_wait3A_206 = tpu.memref_slice %arg4[%arg0, %mul3A_197, %dma_wait3A_205] : memref<2x10000x128xf32, #tpu.memory_space<hbm>> -> memref<1x624x128xf32, #tpu.memory_space<hbm>>
      %dma_wait3A_207 = tpu.memref_squeeze %dma_wait3A_206 : memref<1x624x128xf32, #tpu.memory_space<hbm>> -> memref<624x128xf32, #tpu.memory_space<hbm>>
      %dma_wait3A_208 = arith.constant 0 : i32
      %dma_wait3A_209 = tpu.memref_slice %arg10[%mul3A_197, %dma_wait3A_208] : memref<10240x128xf32, #tpu.memory_space<vmem_shared>> -> memref<624x128xf32, #tpu.memory_space<vmem_shared>>
      tpu.wait_dma2 semaphore(%run_scoped3A : memref<!tpu.dma_semaphore, #tpu.memory_space<semaphore_mem>>) src(%dma_wait3A_209 : memref<624x128xf32, #tpu.memory_space<vmem_shared>>) dst(%dma_wait3A_207 : memref<624x128xf32, #tpu.memory_space<hbm>>)
      tpu.yield
    }) : () -> ()
    %eq3A = arith.constant 0 : i32
    %eq3A_198 = arith.cmpi eq, %arg1, %eq3A : i32
    %convert_element_type3A = arith.extui %eq3A_198 : i1 to i32
    %cond3A = arith.constant 0 : i32
    %cond3A_199 = arith.cmpi ne, %convert_element_type3A, %cond3A : i32
    scf.if %cond3A_199 {
      "tpu.region"() ({
        %run_scoped3A = tpu.sem_alloc : memref<!tpu.dma_semaphore, #tpu.memory_space<semaphore_mem>>
        %dma_start3A_200 = arith.constant 9984 : i32
        %dma_start3A_201 = arith.constant 0 : i32
        %dma_start3A_202 = tpu.memref_slice %arg4[%arg0, %dma_start3A_200, %dma_start3A_201] : memref<2x10000x128xf32, #tpu.memory_space<hbm>> -> memref<1x16x128xf32, #tpu.memory_space<hbm>>
        %dma_start3A_203 = tpu.memref_squeeze %dma_start3A_202 : memref<1x16x128xf32, #tpu.memory_space<hbm>> -> memref<16x128xf32, #tpu.memory_space<hbm>>
        %dma_start3A_204 = arith.constant 9984 : i32
        %dma_start3A_205 = arith.constant 0 : i32
        %dma_start3A_206 = tpu.memref_slice %arg10[%dma_start3A_204, %dma_start3A_205] : memref<10240x128xf32, #tpu.memory_space<vmem_shared>> -> memref<16x128xf32, #tpu.memory_space<vmem_shared>>
        tpu.enqueue_dma source(%dma_start3A_206 : memref<16x128xf32, #tpu.memory_space<vmem_shared>>) target(%dma_start3A_203 : memref<16x128xf32, #tpu.memory_space<hbm>>) target_semaphore(%run_scoped3A : memref<!tpu.dma_semaphore, #tpu.memory_space<semaphore_mem>>)
        %dma_wait3A_207 = arith.constant 9984 : i32
        %dma_wait3A_208 = arith.constant 0 : i32
        %dma_wait3A_209 = tpu.memref_slice %arg4[%arg0, %dma_wait3A_207, %dma_wait3A_208] : memref<2x10000x128xf32, #tpu.memory_space<hbm>> -> memref<1x16x128xf32, #tpu.memory_space<hbm>>
        %dma_wait3A_210 = tpu.memref_squeeze %dma_wait3A_209 : memref<1x16x128xf32, #tpu.memory_space<hbm>> -> memref<16x128xf32, #tpu.memory_space<hbm>>
        %dma_wait3A_211 = arith.constant 9984 : i32
        %dma_wait3A_212 = arith.constant 0 : i32
        %dma_wait3A_213 = tpu.memref_slice %arg10[%dma_wait3A_211, %dma_wait3A_212] : memref<10240x128xf32, #tpu.memory_space<vmem_shared>> -> memref<16x128xf32, #tpu.memory_space<vmem_shared>>
        tpu.wait_dma2 semaphore(%run_scoped3A : memref<!tpu.dma_semaphore, #tpu.memory_space<semaphore_mem>>) src(%dma_wait3A_213 : memref<16x128xf32, #tpu.memory_space<vmem_shared>>) dst(%dma_wait3A_210 : memref<16x128xf32, #tpu.memory_space<hbm>>)
        tpu.yield
      }) : () -> ()
    } else {
    }
    return
  }
}

module attributes {stable_mosaic.version = 14 : i64} {
  func.func @_mlp_body(%arg0: memref<2x10000x128xf32, #tpu.memory_space<vmem>>, %arg1: memref<10000x128xf32, #tpu.memory_space<vmem>>, %arg2: memref<128x128xf32, #tpu.memory_space<vmem>>, %arg3: memref<1x128xf32, #tpu.memory_space<vmem>>, %arg4: memref<1x128xf32, #tpu.memory_space<vmem>>, %arg5: memref<1x128xf32, #tpu.memory_space<vmem>>, %arg6: memref<128x128xf32, #tpu.memory_space<vmem>>, %arg7: memref<1x128xf32, #tpu.memory_space<vmem>>, %arg8: memref<10000x128xf32, #tpu.memory_space<vmem>>) attributes {dimension_semantics = [], scalar_prefetch = 0 : i64, scratch_operands = 0 : i64, tpu.core_type = #tpu.core_type<tc>} {
    %get3A = arith.constant 0 : index
    %get3A_0 = arith.constant 0 : index
    %get3A_1 = arith.constant 0 : index
    %get3A_2 = vector.load %arg0[%get3A, %get3A_0, %get3A_1] : memref<2x10000x128xf32, #tpu.memory_space<vmem>>, vector<1x10000x128xf32>
    %get3A_3 = vector.shape_cast %get3A_2 : vector<1x10000x128xf32> to vector<10000x128xf32>
    %get3A_4 = arith.constant 1 : index
    %get3A_5 = arith.constant 0 : index
    %get3A_6 = arith.constant 0 : index
    %get3A_7 = vector.load %arg0[%get3A_4, %get3A_5, %get3A_6] : memref<2x10000x128xf32, #tpu.memory_space<vmem>>, vector<1x10000x128xf32>
    %get3A_8 = vector.shape_cast %get3A_7 : vector<1x10000x128xf32> to vector<10000x128xf32>
    %add3A = arith.addf %get3A_3, %get3A_8 : vector<10000x128xf32>
    %get3A_9 = arith.constant 0 : index
    %get3A_10 = arith.constant 0 : index
    %get3A_11 = vector.load %arg1[%get3A_9, %get3A_10] : memref<10000x128xf32, #tpu.memory_space<vmem>>, vector<10000x128xf32>
    %add3A_12 = arith.addf %add3A, %get3A_11 : vector<10000x128xf32>
    %get3A_13 = arith.constant 0 : index
    %get3A_14 = arith.constant 0 : index
    %get3A_15 = vector.load %arg2[%get3A_13, %get3A_14] : memref<128x128xf32, #tpu.memory_space<vmem>>, vector<128x128xf32>
    %dot_general3A = arith.constant dense<0.000000e+00> : vector<10000x128xf32>
    %dot_general3A_16 = tpu.matmul %add3A_12, %get3A_15, %dot_general3A {dimension_numbers = #tpu.dot_dimension_numbers<[1], [0], [0], [1], [0, 0, 1, 1], [], []>, precision = #tpu.contract_precision<fp32>, transpose_lhs_hint = false} : vector<10000x128xf32>, vector<128x128xf32>, vector<10000x128xf32> -> vector<10000x128xf32>
    %get3A_17 = arith.constant 0 : index
    %get3A_18 = arith.constant 0 : index
    %get3A_19 = vector.load %arg3[%get3A_17, %get3A_18] : memref<1x128xf32, #tpu.memory_space<vmem>>, vector<1x128xf32>
    %add3A_20 = vector.broadcast %get3A_19 : vector<1x128xf32> to vector<10000x128xf32>
    %add3A_21 = arith.addf %dot_general3A_16, %add3A_20 : vector<10000x128xf32>
    %reduce_sum3A = arith.constant dense<0.000000e+00> : vector<128xf32>
    %reduce_sum3A_22 = vector.multi_reduction <add>, %add3A_21, %reduce_sum3A [0] : vector<10000x128xf32> to vector<128xf32>
    %broadcast_in_dim3A = vector.shape_cast %reduce_sum3A_22 : vector<128xf32> to vector<1x128xf32>
    %div3A = arith.constant 1.000000e+04 : f32
    %div3A_23 = vector.broadcast %div3A : f32 to vector<1x128xf32>
    %div3A_24 = arith.divf %broadcast_in_dim3A, %div3A_23 : vector<1x128xf32>
    %sub3A = vector.broadcast %div3A_24 : vector<1x128xf32> to vector<10000x128xf32>
    %sub3A_25 = arith.subf %add3A_21, %sub3A : vector<10000x128xf32>
    %square3A = arith.mulf %sub3A_25, %sub3A_25 : vector<10000x128xf32>
    %reduce_sum3A_26 = arith.constant dense<0.000000e+00> : vector<128xf32>
    %reduce_sum3A_27 = vector.multi_reduction <add>, %square3A, %reduce_sum3A_26 [0] : vector<10000x128xf32> to vector<128xf32>
    %broadcast_in_dim3A_28 = vector.shape_cast %reduce_sum3A_27 : vector<128xf32> to vector<1x128xf32>
    %div3A_29 = arith.constant 1.000000e+04 : f32
    %div3A_30 = vector.broadcast %div3A_29 : f32 to vector<1x128xf32>
    %div3A_31 = arith.divf %broadcast_in_dim3A_28, %div3A_30 : vector<1x128xf32>
    %sub3A_32 = vector.broadcast %div3A_24 : vector<1x128xf32> to vector<10000x128xf32>
    %sub3A_33 = arith.subf %add3A_21, %sub3A_32 : vector<10000x128xf32>
    %add3A_34 = arith.constant 9.99999974E-6 : f32
    %add3A_35 = vector.broadcast %add3A_34 : f32 to vector<1x128xf32>
    %add3A_36 = arith.addf %div3A_31, %add3A_35 : vector<1x128xf32>
    %sqrt3A = math.sqrt %add3A_36 : vector<1x128xf32>
    %div3A_37 = vector.broadcast %sqrt3A : vector<1x128xf32> to vector<10000x128xf32>
    %div3A_38 = arith.divf %sub3A_33, %div3A_37 : vector<10000x128xf32>
    %get3A_39 = arith.constant 0 : index
    %get3A_40 = arith.constant 0 : index
    %get3A_41 = vector.load %arg4[%get3A_39, %get3A_40] : memref<1x128xf32, #tpu.memory_space<vmem>>, vector<1x128xf32>
    %mul3A = vector.broadcast %get3A_41 : vector<1x128xf32> to vector<10000x128xf32>
    %mul3A_42 = arith.mulf %div3A_38, %mul3A : vector<10000x128xf32>
    %get3A_43 = arith.constant 0 : index
    %get3A_44 = arith.constant 0 : index
    %get3A_45 = vector.load %arg5[%get3A_43, %get3A_44] : memref<1x128xf32, #tpu.memory_space<vmem>>, vector<1x128xf32>
    %add3A_46 = vector.broadcast %get3A_45 : vector<1x128xf32> to vector<10000x128xf32>
    %add3A_47 = arith.addf %mul3A_42, %add3A_46 : vector<10000x128xf32>
    %max3A = arith.constant 0.000000e+00 : f32
    %max3A_48 = vector.broadcast %max3A : f32 to vector<10000x128xf32>
    %max3A_49 = arith.maximumf %add3A_47, %max3A_48 : vector<10000x128xf32>
    %get3A_50 = arith.constant 0 : index
    %get3A_51 = arith.constant 0 : index
    %get3A_52 = vector.load %arg6[%get3A_50, %get3A_51] : memref<128x128xf32, #tpu.memory_space<vmem>>, vector<128x128xf32>
    %dot_general3A_53 = arith.constant dense<0.000000e+00> : vector<10000x128xf32>
    %dot_general3A_54 = tpu.matmul %max3A_49, %get3A_52, %dot_general3A_53 {dimension_numbers = #tpu.dot_dimension_numbers<[1], [0], [0], [1], [0, 0, 1, 1], [], []>, precision = #tpu.contract_precision<fp32>, transpose_lhs_hint = false} : vector<10000x128xf32>, vector<128x128xf32>, vector<10000x128xf32> -> vector<10000x128xf32>
    %get3A_55 = arith.constant 0 : index
    %get3A_56 = arith.constant 0 : index
    %get3A_57 = vector.load %arg7[%get3A_55, %get3A_56] : memref<1x128xf32, #tpu.memory_space<vmem>>, vector<1x128xf32>
    %add3A_58 = vector.broadcast %get3A_57 : vector<1x128xf32> to vector<10000x128xf32>
    %add3A_59 = arith.addf %dot_general3A_54, %add3A_58 : vector<10000x128xf32>
    %max3A_60 = arith.constant 0.000000e+00 : f32
    %max3A_61 = vector.broadcast %max3A_60 : f32 to vector<10000x128xf32>
    %max3A_62 = arith.maximumf %add3A_59, %max3A_61 : vector<10000x128xf32>
    %swap3A = arith.constant 0 : index
    %swap3A_63 = arith.constant 0 : index
    %swap3A_64 = vector.load %arg8[%swap3A, %swap3A_63] : memref<10000x128xf32, #tpu.memory_space<vmem>>, vector<10000x128xf32>
    tpu.vector_store %arg8[%swap3A, %swap3A_63], %max3A_62 {strides = array<i32>} : memref<10000x128xf32, #tpu.memory_space<vmem>>, vector<10000x128xf32>,
    return
  }
}

module attributes {stable_mosaic.version = 14 : i64} {
  func.func @_pool_body(%arg0: memref<10000x128xf32, #tpu.memory_space<vmem>>, %arg1: memref<1x10000xi32, #tpu.memory_space<vmem>>, %arg2: memref<128x128xf32, #tpu.memory_space<vmem>>, %arg3: memref<1x128xf32, #tpu.memory_space<vmem>>, %arg4: memref<128x128xf32, #tpu.memory_space<vmem>>, %arg5: memref<1x128xf32, #tpu.memory_space<vmem>>, %arg6: memref<128x128xf32, #tpu.memory_space<vmem>>) attributes {dimension_semantics = [], scalar_prefetch = 0 : i64, scratch_operands = 0 : i64, tpu.core_type = #tpu.core_type<tc>} {
    %iota3A = tpu.iota {dimensions = array<i32: 0>} : vector<128x10000xi32>
    %get3A = arith.constant 0 : index
    %get3A_0 = arith.constant 0 : index
    %get3A_1 = vector.load %arg1[%get3A, %get3A_0] : memref<1x10000xi32, #tpu.memory_space<vmem>>, vector<1x10000xi32>
    %eq3A = vector.broadcast %get3A_1 : vector<1x10000xi32> to vector<128x10000xi32>
    %eq3A_2 = arith.cmpi eq, %eq3A, %iota3A : vector<128x10000xi32>
    %jit3A = arith.constant 1.000000e+00 : f32
    %jit3A_3 = arith.constant 0.000000e+00 : f32
    %broadcast_in_dim3A = vector.broadcast %jit3A : f32 to vector<128x10000xf32>
    %broadcast_in_dim3A_4 = vector.broadcast %jit3A_3 : f32 to vector<128x10000xf32>
    %select_n3A = arith.select %eq3A_2, %broadcast_in_dim3A, %broadcast_in_dim3A_4 : vector<128x10000xi1>, vector<128x10000xf32>
    %get3A_5 = arith.constant 0 : index
    %get3A_6 = arith.constant 0 : index
    %get3A_7 = vector.load %arg0[%get3A_5, %get3A_6] : memref<10000x128xf32, #tpu.memory_space<vmem>>, vector<10000x128xf32>
    %dot_general3A = arith.constant dense<0.000000e+00> : vector<128x128xf32>
    %dot_general3A_8 = tpu.matmul %select_n3A, %get3A_7, %dot_general3A {dimension_numbers = #tpu.dot_dimension_numbers<[1], [0], [0], [1], [0, 0, 1, 1], [], []>, precision = #tpu.contract_precision<fp32>, transpose_lhs_hint = false} : vector<128x10000xf32>, vector<10000x128xf32>, vector<128x128xf32> -> vector<128x128xf32>
    %get3A_9 = arith.constant 0 : index
    %get3A_10 = arith.constant 0 : index
    %get3A_11 = vector.load %arg2[%get3A_9, %get3A_10] : memref<128x128xf32, #tpu.memory_space<vmem>>, vector<128x128xf32>
    %dot_general3A_12 = arith.constant dense<0.000000e+00> : vector<128x128xf32>
    %dot_general3A_13 = tpu.matmul %dot_general3A_8, %get3A_11, %dot_general3A_12 {dimension_numbers = #tpu.dot_dimension_numbers<[1], [0], [0], [1], [0, 0, 1, 1], [], []>, precision = #tpu.contract_precision<fp32>, transpose_lhs_hint = false} : vector<128x128xf32>, vector<128x128xf32>, vector<128x128xf32> -> vector<128x128xf32>
    %get3A_14 = arith.constant 0 : index
    %get3A_15 = arith.constant 0 : index
    %get3A_16 = vector.load %arg3[%get3A_14, %get3A_15] : memref<1x128xf32, #tpu.memory_space<vmem>>, vector<1x128xf32>
    %add3A = vector.broadcast %get3A_16 : vector<1x128xf32> to vector<128x128xf32>
    %add3A_17 = arith.addf %dot_general3A_13, %add3A : vector<128x128xf32>
    %max3A = arith.constant 0.000000e+00 : f32
    %max3A_18 = vector.broadcast %max3A : f32 to vector<128x128xf32>
    %max3A_19 = arith.maximumf %add3A_17, %max3A_18 : vector<128x128xf32>
    %get3A_20 = arith.constant 0 : index
    %get3A_21 = arith.constant 0 : index
    %get3A_22 = vector.load %arg4[%get3A_20, %get3A_21] : memref<128x128xf32, #tpu.memory_space<vmem>>, vector<128x128xf32>
    %dot_general3A_23 = arith.constant dense<0.000000e+00> : vector<128x128xf32>
    %dot_general3A_24 = tpu.matmul %max3A_19, %get3A_22, %dot_general3A_23 {dimension_numbers = #tpu.dot_dimension_numbers<[1], [0], [0], [1], [0, 0, 1, 1], [], []>, precision = #tpu.contract_precision<fp32>, transpose_lhs_hint = false} : vector<128x128xf32>, vector<128x128xf32>, vector<128x128xf32> -> vector<128x128xf32>
    %get3A_25 = arith.constant 0 : index
    %get3A_26 = arith.constant 0 : index
    %get3A_27 = vector.load %arg5[%get3A_25, %get3A_26] : memref<1x128xf32, #tpu.memory_space<vmem>>, vector<1x128xf32>
    %add3A_28 = vector.broadcast %get3A_27 : vector<1x128xf32> to vector<128x128xf32>
    %add3A_29 = arith.addf %dot_general3A_24, %add3A_28 : vector<128x128xf32>
    %swap3A = arith.constant 0 : index
    %swap3A_30 = arith.constant 0 : index
    %swap3A_31 = vector.load %arg6[%swap3A, %swap3A_30] : memref<128x128xf32, #tpu.memory_space<vmem>>, vector<128x128xf32>
    tpu.vector_store %arg6[%swap3A, %swap3A_30], %add3A_29 {strides = array<i32>} : memref<128x128xf32, #tpu.memory_space<vmem>>, vector<128x128xf32>,
    return
  }
}

</mosaic_0001>

<sc_bundles>
// kernel: kernel.12.cloned.1.call-start
scs
__scs_entry_jumppad:
0x0: {  	(pc) =	sbr.rel $0x88, $3  }
0x1: {  	(tag) =	ssettag $0x0;
	lr =	simm.s32 $0x1  }
0x2: {  	[smem:$0x3F94] =	sst lr;
	_ =	strace $0xD0000000  }
0x3: {  	_ = 	snop  }
0x4: {  	_ = 	snop  }
0x5: {  	_ = 	snop  }
0x6: {  	_ = 	snop  }
0x7: {  	_ = 	snop  }
__scs_overlays_trampoline_lowered:
0x8: {  	[smem:$0x3FA3] =	sst s0  }
0x9: {  	[smem:$0x3FA4] =	sst s1  }
0xa: {  	[smem:$0x3FA5] =	sst s2  }
0xb: {  	[smem:$0x3FA6] =	sst s3  }
0xc: {  	[smem:$0x3FA7] =	sst s4  }
0xd: {  	[smem:$0x3FA8] =	sst s5  }
0xe: {  	[smem:$0x3FA9] =	sst s6  }
0xf: {  	[smem:$0x3FAA] =	sst s7  }
0x10: {  	[smem:$0x3FAB] =	sst s8  }
0x11: {  	[smem:$0x3FAC] =	sst s9;
	s0 =	simm.s32 @!p0 $0x0  }
0x12: {  	s1 =	sld [smem:$0x3F92];
	s0 =	simm.s32 @p0 $0x1  }
0x13: {  	[smem:$0x3FAD] =	sst s0;
	s0 =	simm.s32 @!p1 $0x0  }
0x14: {  	s2 =	sld [smem:$0x3F91];
	s0 =	simm.s32 @p1 $0x1  }
0x15: {  	[smem:$0x3FAE] =	sst s0;
	s0 =	simm.s32 @!p2 $0x0  }
0x16: {  	s3 =	sld [smem:$0x3FDB];
	s0 =	simm.s32 @p2 $0x1  }
0x17: {  	s4 =	simm.s32 $0x1BF5;
	[smem:$0x3FB0] =	sst s0  }
0x18: {  	s0 =	sld [smem:$0x3F93];
	_ =	swait.ge [sflag:s4], $0x0  }
0x19: {  	s7 =	sld [smem:$0x3F94]  }
0x1a: {  	s8 =	sadd.s32 $0xFFFFE003, lr  }
0x1b: {  	s9 =	sadd.s32 $0xFFFFFEF7, lr;
	s5 =	simm.s32 $0xFFFFFFFF;
	p2 =	slt.u32 s8, $0xFFFFF086  }
0x1c: {  	p1 =	slt.u32 s9, $0xF7A;
	s5 =	simm.s32 @!p2 $0x0  }
0x1d: {  	s5 =	simm.s32 @p1 $0x1;
	p0 =	seq.s32 s7, s2  }
0x1e: {  	s7 =	smul.u32 @!p0 $0xF7A, s2;
	p2 =	seq.s32 @!p0 s5, $0x0  }
0x1f: {  	s9 =	smul.u32 $0xF7A, s1;
	s8 =	simm.s32 @!p0 $0x1BF5;
	p2 =	por !p2, p0  }
0x20: {  	[sflag:s8] =	ssyncset.s32 @!p0 $0xFFFFF086;
	s6 =	sadd.s32 @!p0 s3, s7;
	s7 =	simm.s32 @!p0 $0x108  }
0x21: {  	s3 =	sadd.s32 s3, s9;
	s6 =	sadd.s32 @!p0 $0x88, s6;
	s7 =	simm.s32 @p2 $0x1082  }
0x22: {  	[simem:s7], [sflag:s8] =	dma.local @!p0 [hbm:s6], $0xF7A  }
0x23: {  	s9 =	sor.u32 $0xD0000000, s2;
	s6 =	simm.s32 $0x108;
	_ =	swait.ge @!p0 [sflag:s8], $0x0  }
0x24: {  	s3 =	sadd.s32 $0x88, s3;
	s6 =	simm.s32 @!p1 $0x1082;
	[sflag:s4] =	ssyncset.s32 $0xFFFFF086  }
0x25: {  	[simem:s6], [sflag:s4] =	dma.local [hbm:s3], $0xF7A  }
0x26: {  	[smem:$0x3F94] =	sst s1;
	(tag) =	ssettag s2;
	_ =	strace s9  }
0x27: {  	s1 =	sld [smem:$0x3FA4]  }
0x28: {  	s2 =	sld [smem:$0x3FA5]  }
0x29: {  	s4 =	sld [smem:$0x3FA7]  }
0x2a: {  	p0 =	seq.s32 s5, $0x0;
	s5 =	sld [smem:$0x3FA8]  }
0x2b: {  	s6 =	sld [smem:$0x3FA9]  }
0x2c: {  	s7 =	sld [smem:$0x3FAA]  }
0x2d: {  	s3 =	simm.s32 $0x108;
	s8 =	sld [smem:$0x3FAB]  }
0x2e: {  	s3 =	simm.s32 @!p0 $0x1082;
	s9 =	sld [smem:$0x3FAC]  }
0x2f: {  	lr =	sadd.s32 s0, s3;
	s0 =	sld [smem:$0x3FA3]  }
0x30: {  	s3 =	sld [smem:$0x3FA6]  }
0x31: {  	[smem:$0x3FAF] =	sst s10  }
0x32: {  	s10 =	sld [smem:$0x3FAD];
	_ =	sdelay $0x3  }
0x33: {  	p0 =	seq.s32 s10, $0x1;
	s10 =	sld [smem:$0x3FAF];
	_ =	sdelay $0x3  }
0x34: {  	[smem:$0x3FAF] =	sst s10  }
0x35: {  	s10 =	sld [smem:$0x3FAE];
	_ =	sdelay $0x3  }
0x36: {  	p1 =	seq.s32 s10, $0x1;
	s10 =	sld [smem:$0x3FAF];
	_ =	sdelay $0x3  }
0x37: {  	[smem:$0x3FAF] =	sst s10  }
0x38: {  	s10 =	sld [smem:$0x3FB0]  }
0x39: {  	_ = 	snop;
	(pc) =	sbr.ind lr, $3  }
0x3a: {  	_ = 	snop  }
0x3b: {  	_ = 	snop  }
0x3c: {  	p2 =	seq.s32 s10, $0x1;
	s10 =	sld [smem:$0x3FAF]  }
0x3d: {  	_ =	shalt  }
0x3e: {  	_ =	shalt  }
0x3f: {  	_ =	shalt  }
0x40: {  	_ =	shalt  }
0x41: {  	_ =	shalt  }
0x42: {  	_ =	shalt  }
0x43: {  	_ =	shalt  }
0x44: {  	_ =	shalt  }
0x45: {  	_ =	shalt  }
0x46: {  	_ =	shalt  }
0x47: {  	_ =	shalt  }
0x48: {  	_ =	shalt  }
0x49: {  	_ =	shalt  }
0x4a: {  	_ =	shalt  }
0x4b: {  	_ =	shalt  }
0x4c: {  	_ =	shalt  }
0x4d: {  	_ =	shalt  }
0x4e: {  	_ =	shalt  }
0x4f: {  	_ =	shalt  }
0x50: {  	_ =	shalt  }
0x51: {  	_ =	shalt  }
0x52: {  	_ =	shalt  }
0x53: {  	_ =	shalt  }
0x54: {  	_ =	shalt  }
0x55: {  	_ =	shalt  }
0x56: {  	_ =	shalt  }
0x57: {  	_ =	shalt  }
0x58: {  	_ =	shalt  }
0x59: {  	_ =	shalt  }
0x5a: {  	_ =	shalt  }
0x5b: {  	_ =	shalt  }
0x5c: {  	_ =	shalt  }
0x5d: {  	_ =	shalt  }
0x5e: {  	_ =	shalt  }
0x5f: {  	_ =	shalt  }
0x60: {  	_ =	shalt  }
0x61: {  	_ =	shalt  }
0x62: {  	_ =	shalt  }
0x63: {  	_ =	shalt  }
0x64: {  	_ =	shalt  }
0x65: {  	_ =	shalt  }
0x66: {  	_ =	shalt  }
0x67: {  	_ =	shalt  }
0x68: {  	_ =	shalt  }
0x69: {  	_ =	shalt  }
0x6a: {  	_ =	shalt  }
0x6b: {  	_ =	shalt  }
0x6c: {  	_ =	shalt  }
0x6d: {  	_ =	shalt  }
0x6e: {  	_ =	shalt  }
0x6f: {  	_ =	shalt  }
0x70: {  	_ =	shalt  }
0x71: {  	_ =	shalt  }
0x72: {  	_ =	shalt  }
0x73: {  	_ =	shalt  }
0x74: {  	_ =	shalt  }
0x75: {  	_ =	shalt  }
0x76: {  	_ =	shalt  }
0x77: {  	_ =	shalt  }
0x78: {  	_ =	shalt  }
0x79: {  	_ =	shalt  }
0x7a: {  	_ =	shalt  }
0x7b: {  	_ =	shalt  }
0x7c: {  	_ =	shalt  }
0x7d: {  	_ =	shalt  }
0x7e: {  	_ =	shalt  }
0x7f: {  	_ =	shalt  }
0x80: {  	_ =	shalt  }
0x81: {  	_ =	shalt  }
0x82: {  	_ =	shalt  }
0x83: {  	_ =	shalt  }
0x84: {  	_ =	shalt  }
0x85: {  	_ =	shalt  }
0x86: {  	_ =	shalt  }
0x87: {  	_ =	shalt  }
.Lfunc_end0:
.L_simem_size_0:
called_computation.1_lowered:
.L_overlay_start_0:
0x88: {  	s2 =	sld [smem:$0x3FD9]  }
0x89: {  	s3 =	sld [smem:$0x3FFE];
	_ =	sdelay $0x1  }
0x8a: {  	s1 =	srdreg.scid  }
0x8b: {  	s0 =	sand.u32 $0x1, s1  }
0x8c: {  	s16 =	sshll.u32 s0, $0xA;
	s2 =	sadd.s32 s3, s2  }
0x8d: {  	s2 =	sadd.s32 s2, s16  }
0x8e: {  	[smem:$0x3FBB] =	sst s2  }
0x8f: {  	_ = 	snop  }
0x90: {  	(tm) =	ssettm $0x1  }
0x91: {  	s17 =	sld [smem:$0x3FFB];
	_ =	sdelay $0x3  }
0x92: {  	_ =	strace s17  }
0x93: {  	s2 =	sld [smem:$0x3FFC];
	_ =	sdelay $0x3  }
0x94: {  	_ =	strace s2  }
0x95: {  	s2 =	sld [smem:$0x3FFD];
	_ =	sdelay $0x3  }
0x96: {  	_ =	strace s2  }
0x97: {  	_ =	strace $0x8FFFFFFF  }
0x98: {  	s18 =	sld [smem:$0x3FDB];
	_ =	sdelay $0x1  }
0x99: {  	s19 =	simm.s32 $_scs_section_size  }
0x9a: {  	s4 =	simm.s32 $_size__tile_overlayer_lowered;
	s5 =	simm.s32 $_tile_overlayer_lowered  }
0x9b: {  	s22 =	simm.s32 $0x1BFF;
	s21 =	sshll.u32 s5, $0x1;
	s2 =	sadd.s32 s19, s18  }
0x9c: {  	s6 =	simm.s32 $0x0;
	s20 =	sshll.u32 s4, $0x1;
	s4 =	sadd.s32 s21, s2  }
0x9d: {  	[timem:s6], [sflag:s22] =	dma.local [hbm:s4], s20  }
0x9e: {  	_ =	swait.ge [sflag:s22], s20  }
0x9f: {  	s3 =	ssub.s32 $0x0, s20;
	[sflag:s22] =	ssyncset.done $0x0  }
0xa0: {  	[sflag:s22] =	ssyncadd.s32 s3;
	_ =	sdelay $0x1  }
0xa1: {  	s23 =	simm.s32 $0x1B8B  }
0xa2: {  	_ =	swait.ge [sflag:s23], $0x1  }
0xa3: {  	[sflag:s23] =	ssyncset.done $0x0  }
0xa4: {  	s25 =	simm.s32 $0x1B8E;
	s24 =	sld [smem:$0x3FFE];
	[sflag:s23] =	ssyncadd.s32 $0xFFFFFFFF  }
0xa5: {  	s26 =	simm.s32 $execute0_lowered;
	[smem:$0x3FD2] =	sst s25  }
0xa6: {  	s4 =	sshll.u32 s26, $0x1;
	_ =	strace $0x80000049;
	[dreg:$0x1] =	wrdreg $0xFFFFFFFF  }
0xa7: {  	s28 =	simm.s32 $_size_execute0_lowered;
	s2 =	sadd.s32 s2, s4;
	[dreg:$0x0] =	wrdreg $0x0  }
0xa8: {  	s4 =	sshll.u32 s28, $0x1;
	[dreg:$0x2] =	wrdreg s2  }
0xa9: {  	[dreg:$0x3] =	wrdreg s4  }
0xaa: {  	[dreg:$0x4] =	wrdreg $0xC0  }
0xab: {  	_ =	task [dreg:s6], $0x5FFFF  }
0xac: {  	[dreg:$0x1] =	wrdreg $0xFFFFFFFF  }
0xad: {  	[dreg:$0x0] =	wrdreg $0x60  }
0xae: {  	[dreg:$0x2] =	wrdreg s24  }
0xaf: {  	[dreg:$0x3] =	wrdreg $0x88000  }
0xb0: {  	[dreg:$0x4] =	wrdreg $0x9  }
0xb1: {  	_ =	task.clear_ibuf [dreg:s6], $0x5FFFF;
	_ =	strace $0x90000049  }
0xb2: {  	s29 =	simm.s32 $0x9;
	_ =	strace $0x8000004B  }
0xb3: {  	_ =	swait.ge [sflag:s29], $0x1  }
0xb4: {  	[sflag:s29] =	ssyncadd.s32 $0xFFFFFFFF  }
0xb5: {  	_ =	strace $0x9000004B  }
0xb6: {  	_ =	sfence  }
0xb7: {  	s30 =	sld [smem:$0x0];
	_ =	sdelay $0x2  }
0xb8: {  	s31 =	sshll.u32 s1, $0xD;
	s1 =	sshrl.u32 s1, $0x2  }
0xb9: {  	s3 =	sand.u32 $0x4000, s31;
	s1 =	sadd.s32 s1, s30  }
0xba: {  	s0 =	sor.u32 s3, s0;
	s1 =	sshll.u32 s1, $0x11  }
0xbb: {  	s0 =	sor.u32 s1, s0  }
0xbc: {  	s0 =	sadd.s32 $0x8F2B, s0  }
0xbd: {  	[sflag:s0] =	ssyncadd.remote.s32 $0x1  }
0xbe: {  	_ =	sfence.sel $0xFFFF  }
0xbf: {  	[dreg:$0x0] =	wrdreg $0xFFFFFFFF;
	(pc) =	sbr.abs _section_cstart, $3  }
0xc0: {  	[dreg:$0x1] =	wrdreg $0xFFFFFFFF  }
0xc1: {  	_ =	task.clear_ibuf [dreg:s6], $0x2FFFF;
	_ =	strace $0x9FFFFFFF  }
0xc2: {  	(tm) =	ssettm $0x7FFFFFFF  }
0xc3: {  	_ =	shalt  }
tec
execute0_lowered:
.L_overlay_start_1:
0x0: {  	(tag) =	ssettag $0x1  }
0x1: {  	s0 =	rddreg [dreg:$0x0];
	s1 =	srdreg.scid  }
0x2: {  	s11 =	stileid.u32;
	s2 =	rddreg [dreg:$0x1]  }
0x3: {  	s3 =	simm.s32 $0x0;
	s17 =	simm.s32 $0x200;
	s18 =	simm.s32 $0x280  }
0x4: {  	s19 =	simm.s32 $0x480;
	s28 =	simm.s32 $0x80;
	s29 =	simm.s32 $0x2800  }
0x5: {  	s30 =	simm.s32 $0x100;
	s31 =	simm.s32 $0x4800;
	s7 =	smul.u32 $0x50000, s11  }
0x6: {  	s1 =	sand.u32 $0x1, s1;
	s4 =	sshll.u32 s11, $0x1;
	s13 =	smul.u32 $0x13800, s11  }
0x7: {  	[smem:$0x7FF] =	sst s3;
	s5 =	sadd.s32 $0x3A00, s0;
	s16 =	smul.u32 $0x4E000, s11  }
0x8: {  	p0 =	sne.s32 s11, $0x0;
	s11 =	simm.s32 $0x2;
	s4 =	sor.u32 s1, s4  }
0x9: {  	_ =	strace $0x8000004A;
	[dreg:$0x5] =	wrdreg s17;
	s7 =	sshrl.u32 s7, $0x2  }
0xa: {  	s8 =	ssub.s32 $0x2, s1;
	[dreg:$0x6] =	wrdreg s18;
	s7 =	sadd.s32 s7, s2  }
0xb: {  	s1 =	smul.u32 $0x138800, s1;
	[dreg:$0x7] =	wrdreg s19;
	s20 =	sadd.s32 $0x2000, s7  }
0xc: {  	s6 =	smul.u32 $0xA000, s4;
	s21 =	sadd.s32 $0x4000, s7;
	[dreg:$0x11] =	wrdreg s20  }
0xd: {  	s4 =	sadd.s32 $0x2BA00, s0;
	s22 =	sadd.s32 $0x6000, s7;
	[dreg:$0x12] =	wrdreg s21  }
0xe: {  	s0 =	sadd.s32 $0x52C00, s0;
	s23 =	sadd.s32 $0x8000, s7;
	[dreg:$0x13] =	wrdreg s22  }
0xf: {  	s10 =	sshrl.u32 s8, $0x1;
	s24 =	sadd.s32 $0xA000, s7;
	[dreg:$0x14] =	wrdreg s23  }
0x10: {  	s8 =	ssub.s32 s8, s10;
	s25 =	sadd.s32 $0xC000, s7;
	[dreg:$0x15] =	wrdreg s24  }
0x11: {  	s15 =	sadd.s32 s13, s1;
	s26 =	sadd.s32 $0xE000, s7;
	[dreg:$0x16] =	wrdreg s25  }
0x12: {  	s1 =	sshrl.u32 s1, $0x3;
	s12 =	sadd.s32 $0x10000, s7;
	[dreg:$0x17] =	wrdreg s26  }
0x13: {  	s13 =	simm.s32 $0x4;
	s10 =	sor.u32 $0x800, s6;
	[dreg:$0x18] =	wrdreg s12  }
0x14: {  	s9 =	sshrl.u32 s6, $0x3;
	s14 =	sadd.s32 $0x12000, s7;
	[dreg:$0x3] =	wrdreg s10  }
0x15: {  	s6 =	sor.u32 $0xC00, s6;
	s9 =	sadd.s32 s5, s9;
	[dreg:$0x19] =	wrdreg s14  }
0x16: {  	[dreg:$0x4] =	wrdreg s6;
	s6 =	sshrl.u32 s15, $0x3;
	s20 =	simm.s32 $0x300  }
0x17: {  	s21 =	simm.s32 $0x500;
	s22 =	simm.s32 $0x380;
	[dreg:$0xf] =	wrdreg s9  }
0x18: {  	s23 =	simm.s32 $0x580;
	s24 =	simm.s32 $0x600;
	[dreg:$0x8] =	wrdreg s20  }
0x19: {  	s25 =	simm.s32 $0x680;
	s26 =	simm.s32 $0x700;
	[dreg:$0x9] =	wrdreg s21  }
0x1a: {  	s10 =	simm.s32 $0x6;
	s12 =	simm.s32 $0x3;
	[dreg:$0xa] =	wrdreg s22  }
0x1b: {  	s14 =	simm.s32 $0x780;
	s15 =	simm.s32 $0x0;
	[dreg:$0xb] =	wrdreg s23  }
0x1c: {  	s9 =	sadd.s32 $0x80, s9;
	s6 =	sadd.s32 s0, s6;
	[dreg:$0xc] =	wrdreg s24  }
0x1d: {  	s0 =	sadd.s32 s0, s1;
	s1 =	sadd.s32 $0x138000, s2;
	[dreg:$0xd] =	wrdreg s25  }
0x1e: {  	s20 =	smax.u32 s8, $0x1;
	s21 =	simm.s32 $0x5;
	[dreg:$0xe] =	wrdreg s26  }
0x1f: {  	s22 =	simm.s32 $0x400;
	s23 =	simm.s32 $0x40;
	[dreg:$0x10] =	wrdreg s9  }
0x20: {  	s26 =	simm.s32 $0x800;
	s8 =	simm.s32 $0x180;
	[dreg:$0x1a] =	wrdreg s6  }
0x21: {  	s9 =	sshrl.u32 s16, $0x2;
	s0 =	sadd.s32 $0x27000, s0;
	s25 =	sshrl.u32 @!p0 s1, $0x3  }
0x22: {  	s1 =	simm.s32 $0x7;
	s9 =	sadd.s32 s9, s2;
	[dreg:$0x1b] =	wrdreg s0  }
0x23: {  	v0 =	vimm.f32 $0.0e+00;
	s0 =	simm.s32 $0x6800;
	s24 =	sshrl.u32 s9, $0x3;
	s9 =	simm.s32 $0x1  }
.LBB2_1:
0x24: {  	s6 =	rddreg [dreg:$0xf]  }
0x25: {  	[tilespmem:s3], [sflag:$0x5] =	stream.linear.gather [hbm4b:s6+s3], $0x400, $0x38;
	[tilespmem:$0x1C800] =	vst v63  }
0x26: {  	_ =	swait.ge [sflag:s21], $0x400  }
0x27: {  	[sflag:s21] =	ssyncset.done $0x0  }
0x28: {  	s19 =	rddreg [dreg:$0x10];
	[sflag:s21] =	ssyncadd.s32 $0xFFFFFC00  }
0x29: {  	[tilespmem:s22], [sflag:$0x6] =	stream.linear.gather [hbm4b:s19+s3], $0x400, $0x38;
	[tilespmem:$0x1C800] =	vst v63  }
0x2a: {  	_ = 	snop  }
0x2b: {  	[tilespmem:s26], [sflag:$0x1] =	stream.indirect.gather [hbm4b:s4+s23], $0x80, s3, s23, $0xb8;
	[tilespmem:$0x1C800] =	vst v63  }
0x2c: {  	_ = 	snop  }
0x2d: {  	[tilespmem:s29], [sflag:$0x2] =	stream.indirect.gather [hbm4b:s4+s23], $0x80, s28, s23, $0xb8;
	[tilespmem:$0x1C800] =	vst v63  }
0x2e: {  	s16 =	simm.s32 $0x200;
	s6 =	simm.s32 $0x0  }
0x2f: {  	[tilespmem:s31], [sflag:$0x3] =	stream.indirect.gather [hbm4b:s4+s23], $0x80, s30, s23, $0xb8;
	[tilespmem:$0x1C800] =	vst v63  }
.LBB2_2:
0x30: {  	p1 =	sne.s32 s16, $0x7E00;
	[tilespmem:s6+$0x6870] =	vst v0  }
0x31: {  	[tilespmem:s6+$0x6800] =	vst v0  }
0x32: {  	[tilespmem:s6+$0x6810] =	vst v0  }
.Ltmp0:
0x33: {  	[tilespmem:s6+$0x6820] =	vst v0;
	(pc) =	sbr.rel @p1 .LBB2_2-.Ltmp0, $4  }
0x34: {  	[tilespmem:s6+$0x6830] =	vst v0  }
0x35: {  	[tilespmem:s6+$0x6840] =	vst v0  }
0x36: {  	[tilespmem:s6+$0x6850] =	vst v0  }
0x37: {  	[tilespmem:s6+$0x6860] =	vst v0;
	s6 =	sshra.s32 s16, $0x2;
	s16 =	sadd.s32 $0x200, s16  }
0x38: {  	[tilespmem:s6+$0x6870] =	vst v0  }
0x39: {  	[tilespmem:s6+$0x6800] =	vst v0  }
0x3a: {  	[tilespmem:s6+$0x6810] =	vst v0  }
0x3b: {  	[tilespmem:s6+$0x6820] =	vst v0  }
0x3c: {  	[tilespmem:s6+$0x6830] =	vst v0  }
0x3d: {  	[tilespmem:s6+$0x6840] =	vst v0  }
0x3e: {  	[tilespmem:s6+$0x6850] =	vst v0  }
0x3f: {  	[tilespmem:s6+$0x6860] =	vst v0  }
0x40: {  	[spmem:s7] =	stream.linear.scatter [tilespmem:s0], [sflag:$0x7], $0x2000, $0x38;
	[tilespmem:$0x1C800] =	vst v63  }
0x41: {  	_ =	swait.ge [sflag:s1], $0x2000  }
0x42: {  	[sflag:s1] =	ssyncset.done $0x0  }
0x43: {  	s16 =	rddreg [dreg:$0x11];
	[sflag:s1] =	ssyncadd.s32 $0xFFFFE000  }
0x44: {  	[spmem:s16] =	stream.linear.scatter [tilespmem:s0], [sflag:$0x7], $0x2000, $0x38;
	[tilespmem:$0x1C800] =	vst v63  }
0x45: {  	_ =	swait.ge [sflag:s1], $0x2000  }
0x46: {  	[sflag:s1] =	ssyncset.done $0x0  }
0x47: {  	s17 =	rddreg [dreg:$0x12];
	[sflag:s1] =	ssyncadd.s32 $0xFFFFE000  }
0x48: {  	[spmem:s17] =	stream.linear.scatter [tilespmem:s0], [sflag:$0x7], $0x2000, $0x38;
	[tilespmem:$0x1C800] =	vst v63  }
0x49: {  	_ =	swait.ge [sflag:s1], $0x2000  }
0x4a: {  	[sflag:s1] =	ssyncset.done $0x0  }
0x4b: {  	s18 =	rddreg [dreg:$0x13];
	[sflag:s1] =	ssyncadd.s32 $0xFFFFE000  }
0x4c: {  	[spmem:s18] =	stream.linear.scatter [tilespmem:s0], [sflag:$0x7], $0x2000, $0x38;
	[tilespmem:$0x1C800] =	vst v63  }
0x4d: {  	_ =	swait.ge [sflag:s1], $0x2000  }
0x4e: {  	[sflag:s1] =	ssyncset.done $0x0  }
0x4f: {  	s19 =	rddreg [dreg:$0x14];
	[sflag:s1] =	ssyncadd.s32 $0xFFFFE000  }
0x50: {  	[spmem:s19] =	stream.linear.scatter [tilespmem:s0], [sflag:$0x7], $0x2000, $0x38;
	[tilespmem:$0x1C800] =	vst v63  }
0x51: {  	_ =	swait.ge [sflag:s1], $0x2000  }
0x52: {  	[sflag:s1] =	ssyncset.done $0x0  }
0x53: {  	s16 =	rddreg [dreg:$0x15];
	[sflag:s1] =	ssyncadd.s32 $0xFFFFE000  }
0x54: {  	[spmem:s16] =	stream.linear.scatter [tilespmem:s0], [sflag:$0x7], $0x2000, $0x38;
	[tilespmem:$0x1C800] =	vst v63  }
0x55: {  	_ =	swait.ge [sflag:s1], $0x2000  }
0x56: {  	[sflag:s1] =	ssyncset.done $0x0  }
0x57: {  	s17 =	rddreg [dreg:$0x16];
	[sflag:s1] =	ssyncadd.s32 $0xFFFFE000  }
0x58: {  	[spmem:s17] =	stream.linear.scatter [tilespmem:s0], [sflag:$0x7], $0x2000, $0x38;
	[tilespmem:$0x1C800] =	vst v63  }
0x59: {  	_ =	swait.ge [sflag:s1], $0x2000  }
0x5a: {  	[sflag:s1] =	ssyncset.done $0x0  }
0x5b: {  	s18 =	rddreg [dreg:$0x17];
	[sflag:s1] =	ssyncadd.s32 $0xFFFFE000  }
0x5c: {  	[spmem:s18] =	stream.linear.scatter [tilespmem:s0], [sflag:$0x7], $0x2000, $0x38;
	[tilespmem:$0x1C800] =	vst v63  }
0x5d: {  	_ =	swait.ge [sflag:s1], $0x2000  }
0x5e: {  	[sflag:s1] =	ssyncset.done $0x0  }
0x5f: {  	s19 =	rddreg [dreg:$0x18];
	[sflag:s1] =	ssyncadd.s32 $0xFFFFE000  }
0x60: {  	[spmem:s19] =	stream.linear.scatter [tilespmem:s0], [sflag:$0x7], $0x2000, $0x38;
	[tilespmem:$0x1C800] =	vst v63  }
0x61: {  	_ =	swait.ge [sflag:s1], $0x2000  }
0x62: {  	[sflag:s1] =	ssyncset.done $0x0  }
0x63: {  	s16 =	rddreg [dreg:$0x19];
	[sflag:s1] =	ssyncadd.s32 $0xFFFFE000  }
0x64: {  	[spmem:s16] =	stream.linear.scatter [tilespmem:s0], [sflag:$0x7], $0x2000, $0x38;
	[tilespmem:$0x1C800] =	vst v63  }
0x65: {  	_ =	swait.ge [sflag:s1], $0x2000  }
0x66: {  	[sflag:s1] =	ssyncset.done $0x0  }
0x67: {  	[sflag:s1] =	ssyncadd.s32 $0xFFFFE000  }
0x68: {  	[bflag:$0x0] =	sbarrier.arrive $0xFFFF  }
0x69: {  	[tilespmem:s0], [sflag:$0x4] =	stream.indirect.gather [hbm4b:s4+s23], $0x80, s8, s23, $0xb8;
	[tilespmem:$0x1C800] =	vst v63  }
0x6a: {  	_ =	swait.ge [sflag:s9], $0x2000  }
0x6b: {  	[sflag:s9] =	ssyncset.done $0x0  }
0x6c: {  	s17 =	rddreg [dreg:$0x5];
	[sflag:s9] =	ssyncadd.s32 $0xFFFFE000  }
0x6d: {  	[spmem:s2] =	stream.indirect.scatter.add.f32 [tilespmem:s26], [sflag:$0x7], $0x80, s17, s23, $0xb8;
	[tilespmem:$0x1C800] =	vst v63  }
0x6e: {  	_ =	swait.ge [sflag:s1], $0x2000  }
0x6f: {  	[sflag:s1] =	ssyncset.done $0x0  }
0x70: {  	[sflag:s1] =	ssyncadd.s32 $0xFFFFE000  }
0x71: {  	_ =	swait.ge [sflag:s10], $0x400  }
0x72: {  	[sflag:s10] =	ssyncset.done $0x0  }
0x73: {  	[sflag:s10] =	ssyncadd.s32 $0xFFFFFC00  }
0x74: {  	[tilespmem:s26], [sflag:$0x1] =	stream.indirect.gather [hbm4b:s4+s23], $0x80, s22, s23, $0xb8;
	[tilespmem:$0x1C800] =	vst v63  }
0x75: {  	_ =	swait.ge [sflag:s11], $0x2000  }
0x76: {  	[sflag:s11] =	ssyncset.done $0x0  }
0x77: {  	s18 =	rddreg [dreg:$0x6];
	[sflag:s11] =	ssyncadd.s32 $0xFFFFE000  }
0x78: {  	[spmem:s2] =	stream.indirect.scatter.add.f32 [tilespmem:s29], [sflag:$0x7], $0x80, s18, s23, $0xb8;
	[tilespmem:$0x1C800] =	vst v63  }
0x79: {  	_ =	swait.ge [sflag:s1], $0x2000  }
0x7a: {  	[sflag:s1] =	ssyncset.done $0x0  }
0x7b: {  	s19 =	rddreg [dreg:$0x7];
	[sflag:s1] =	ssyncadd.s32 $0xFFFFE000  }
0x7c: {  	[tilespmem:s29], [sflag:$0x2] =	stream.indirect.gather [hbm4b:s4+s23], $0x80, s19, s23, $0xb8;
	[tilespmem:$0x1C800] =	vst v63  }
0x7d: {  	_ =	swait.ge [sflag:s12], $0x2000  }
0x7e: {  	[sflag:s12] =	ssyncset.done $0x0  }
0x7f: {  	s16 =	rddreg [dreg:$0x8];
	[sflag:s12] =	ssyncadd.s32 $0xFFFFE000  }
0x80: {  	[spmem:s2] =	stream.indirect.scatter.add.f32 [tilespmem:s31], [sflag:$0x7], $0x80, s16, s23, $0xb8;
	[tilespmem:$0x1C800] =	vst v63  }
0x81: {  	_ =	swait.ge [sflag:s1], $0x2000  }
0x82: {  	[sflag:s1] =	ssyncset.done $0x0  }
0x83: {  	s17 =	rddreg [dreg:$0x9];
	[sflag:s1] =	ssyncadd.s32 $0xFFFFE000  }
0x84: {  	[tilespmem:s31], [sflag:$0x3] =	stream.indirect.gather [hbm4b:s4+s23], $0x80, s17, s23, $0xb8;
	[tilespmem:$0x1C800] =	vst v63  }
0x85: {  	_ =	swait.ge [sflag:s13], $0x2000  }
0x86: {  	[sflag:s13] =	ssyncset.done $0x0  }
0x87: {  	s6 =	simm.s32 $0x0;
	s18 =	rddreg [dreg:$0xa];
	[sflag:s13] =	ssyncadd.s32 $0xFFFFE000  }
0x88: {  	[spmem:s2] =	stream.indirect.scatter.add.f32 [tilespmem:s0], [sflag:$0x7], $0x80, s18, s23, $0xb8;
	[tilespmem:$0x1C800] =	vst v63  }
0x89: {  	s18 =	smin.u32 s6, $0x25;
	_ =	swait.ge [sflag:s1], $0x2000  }
0x8a: {  	s18 =	sshll.u32 s18, $0xA;
	s16 =	rddreg [dreg:$0x3];
	[sflag:s1] =	ssyncset.done $0x0  }
0x8b: {  	s17 =	rddreg [dreg:$0xb];
	s16 =	sadd.s32 s18, s16;
	[sflag:s1] =	ssyncadd.s32 $0xFFFFE000  }
0x8c: {  	[tilespmem:s0], [sflag:$0x4] =	stream.indirect.gather [hbm4b:s4+s23], $0x80, s17, s23, $0xb8;
	[tilespmem:$0x1C800] =	vst v63  }
0x8d: {  	s16 =	sshrl.u32 s16, $0x3  }
0x8e: {  	s16 =	sadd.s32 s5, s16  }
0x8f: {  	[tilespmem:s3], [sflag:$0x5] =	stream.linear.gather [hbm4b:s16+s3], $0x400, $0x38;
	[tilespmem:$0x1C800] =	vst v63  }
0x90: {  	_ =	swait.ge [sflag:s9], $0x2000  }
0x91: {  	[sflag:s9] =	ssyncset.done $0x0  }
0x92: {  	s19 =	rddreg [dreg:$0xc];
	[sflag:s9] =	ssyncadd.s32 $0xFFFFE000  }
0x93: {  	[spmem:s2] =	stream.indirect.scatter.add.f32 [tilespmem:s26], [sflag:$0x7], $0x80, s19, s23, $0xb8;
	[tilespmem:$0x1C800] =	vst v63  }
0x94: {  	_ =	swait.ge [sflag:s1], $0x2000  }
0x95: {  	[sflag:s1] =	ssyncset.done $0x0  }
0x96: {  	[sflag:s1] =	ssyncadd.s32 $0xFFFFE000  }
0x97: {  	_ =	swait.ge [sflag:s21], $0x400  }
0x98: {  	[sflag:s21] =	ssyncset.done $0x0  }
0x99: {  	[sflag:s21] =	ssyncadd.s32 $0xFFFFFC00  }
0x9a: {  	[tilespmem:s26], [sflag:$0x1] =	stream.indirect.gather [hbm4b:s4+s23], $0x80, s3, s23, $0xb8;
	[tilespmem:$0x1C800] =	vst v63  }
0x9b: {  	_ =	swait.ge [sflag:s11], $0x2000  }
0x9c: {  	[sflag:s11] =	ssyncset.done $0x0  }
0x9d: {  	s17 =	rddreg [dreg:$0xd];
	[sflag:s11] =	ssyncadd.s32 $0xFFFFE000  }
0x9e: {  	[spmem:s2] =	stream.indirect.scatter.add.f32 [tilespmem:s29], [sflag:$0x7], $0x80, s17, s23, $0xb8;
	[tilespmem:$0x1C800] =	vst v63  }
0x9f: {  	_ =	swait.ge [sflag:s1], $0x2000  }
0xa0: {  	[sflag:s1] =	ssyncset.done $0x0  }
0xa1: {  	[sflag:s1] =	ssyncadd.s32 $0xFFFFE000  }
0xa2: {  	[tilespmem:s29], [sflag:$0x2] =	stream.indirect.gather [hbm4b:s4+s23], $0x80, s28, s23, $0xb8;
	[tilespmem:$0x1C800] =	vst v63  }
0xa3: {  	_ =	swait.ge [sflag:s12], $0x2000  }
0xa4: {  	[sflag:s12] =	ssyncset.done $0x0  }
0xa5: {  	s18 =	rddreg [dreg:$0xe];
	[sflag:s12] =	ssyncadd.s32 $0xFFFFE000  }
0xa6: {  	[spmem:s2] =	stream.indirect.scatter.add.f32 [tilespmem:s31], [sflag:$0x7], $0x80, s18, s23, $0xb8;
	[tilespmem:$0x1C800] =	vst v63  }
0xa7: {  	_ =	swait.ge [sflag:s1], $0x2000  }
0xa8: {  	[sflag:s1] =	ssyncset.done $0x0  }
0xa9: {  	[sflag:s1] =	ssyncadd.s32 $0xFFFFE000  }
0xaa: {  	[tilespmem:s31], [sflag:$0x3] =	stream.indirect.gather [hbm4b:s4+s23], $0x80, s30, s23, $0xb8;
	[tilespmem:$0x1C800] =	vst v63  }
0xab: {  	_ =	swait.ge [sflag:s13], $0x2000  }
0xac: {  	[sflag:s13] =	ssyncset.done $0x0  }
0xad: {  	[sflag:s13] =	ssyncadd.s32 $0xFFFFE000  }
0xae: {  	[spmem:s2] =	stream.indirect.scatter.add.f32 [tilespmem:s0], [sflag:$0x7], $0x80, s14, s23, $0xb8;
	[tilespmem:$0x1C800] =	vst v63  }
0xaf: {  	s6 =	smin.u32 s6, $0x24;
	_ =	swait.ge [sflag:s1], $0x2000  }
0xb0: {  	s6 =	sshll.u32 s6, $0xA;
	[sflag:s1] =	ssyncset.done $0x0;
	s19 =	rddreg [dreg:$0x4]  }
0xb1: {  	s16 =	simm.s32 $0x2;
	[sflag:s1] =	ssyncadd.s32 $0xFFFFE000;
	s6 =	sadd.s32 s6, s19  }
0xb2: {  	[tilespmem:s0], [sflag:$0x4] =	stream.indirect.gather [hbm4b:s4+s23], $0x80, s8, s23, $0xb8;
	[tilespmem:$0x1C800] =	vst v63  }
.LBB2_4:
0xb3: {  	s17 =	sshrl.u32 s6, $0x3  }
0xb4: {  	s17 =	sadd.s32 s5, s17  }
0xb5: {  	[tilespmem:s22], [sflag:$0x6] =	stream.linear.gather [hbm4b:s17+s3], $0x400, $0x38;
	[tilespmem:$0x1C800] =	vst v63  }
0xb6: {  	_ =	swait.ge [sflag:s9], $0x2000  }
0xb7: {  	[sflag:s9] =	ssyncset.done $0x0  }
0xb8: {  	s18 =	rddreg [dreg:$0x5];
	[sflag:s9] =	ssyncadd.s32 $0xFFFFE000  }
0xb9: {  	[spmem:s2] =	stream.indirect.scatter.add.f32 [tilespmem:s26], [sflag:$0x7], $0x80, s18, s23, $0xb8;
	[tilespmem:$0x1C800] =	vst v63  }
0xba: {  	_ =	swait.ge [sflag:s1], $0x2000  }
0xbb: {  	[sflag:s1] =	ssyncset.done $0x0  }
0xbc: {  	[sflag:s1] =	ssyncadd.s32 $0xFFFFE000  }
0xbd: {  	_ =	swait.ge [sflag:s10], $0x400  }
0xbe: {  	[sflag:s10] =	ssyncset.done $0x0  }
0xbf: {  	[sflag:s10] =	ssyncadd.s32 $0xFFFFFC00  }
0xc0: {  	[tilespmem:s26], [sflag:$0x1] =	stream.indirect.gather [hbm4b:s4+s23], $0x80, s22, s23, $0xb8;
	[tilespmem:$0x1C800] =	vst v63  }
0xc1: {  	_ =	swait.ge [sflag:s11], $0x2000  }
0xc2: {  	[sflag:s11] =	ssyncset.done $0x0  }
0xc3: {  	s19 =	rddreg [dreg:$0x6];
	[sflag:s11] =	ssyncadd.s32 $0xFFFFE000  }
0xc4: {  	[spmem:s2] =	stream.indirect.scatter.add.f32 [tilespmem:s29], [sflag:$0x7], $0x80, s19, s23, $0xb8;
	[tilespmem:$0x1C800] =	vst v63  }
0xc5: {  	_ =	swait.ge [sflag:s1], $0x2000  }
0xc6: {  	[sflag:s1] =	ssyncset.done $0x0  }
0xc7: {  	s18 =	rddreg [dreg:$0x7];
	[sflag:s1] =	ssyncadd.s32 $0xFFFFE000  }
0xc8: {  	[tilespmem:s29], [sflag:$0x2] =	stream.indirect.gather [hbm4b:s4+s23], $0x80, s18, s23, $0xb8;
	[tilespmem:$0x1C800] =	vst v63  }
0xc9: {  	_ =	swait.ge [sflag:s12], $0x2000  }
0xca: {  	[sflag:s12] =	ssyncset.done $0x0  }
0xcb: {  	s19 =	rddreg [dreg:$0x8];
	[sflag:s12] =	ssyncadd.s32 $0xFFFFE000  }
0xcc: {  	[spmem:s2] =	stream.indirect.scatter.add.f32 [tilespmem:s31], [sflag:$0x7], $0x80, s19, s23, $0xb8;
	[tilespmem:$0x1C800] =	vst v63  }
0xcd: {  	_ =	swait.ge [sflag:s1], $0x2000  }
0xce: {  	[sflag:s1] =	ssyncset.done $0x0  }
0xcf: {  	s18 =	rddreg [dreg:$0x9];
	[sflag:s1] =	ssyncadd.s32 $0xFFFFE000  }
0xd0: {  	[tilespmem:s31], [sflag:$0x3] =	stream.indirect.gather [hbm4b:s4+s23], $0x80, s18, s23, $0xb8;
	[tilespmem:$0x1C800] =	vst v63  }
0xd1: {  	_ =	swait.ge [sflag:s13], $0x2000  }
0xd2: {  	[sflag:s13] =	ssyncset.done $0x0  }
0xd3: {  	s6 =	smov.u32 s16;
	s19 =	rddreg [dreg:$0xa];
	[sflag:s13] =	ssyncadd.s32 $0xFFFFE000  }
0xd4: {  	[spmem:s2] =	stream.indirect.scatter.add.f32 [tilespmem:s0], [sflag:$0x7], $0x80, s19, s23, $0xb8;
	[tilespmem:$0x1C800] =	vst v63  }
0xd5: {  	s19 =	smin.u32 s6, $0x25;
	_ =	swait.ge [sflag:s1], $0x2000  }
0xd6: {  	s19 =	sshll.u32 s19, $0xA;
	s17 =	rddreg [dreg:$0x3]  }
0xd7: {  	[sflag:s1] =	ssyncset.done $0x0;
	s17 =	sadd.s32 s19, s17  }
0xd8: {  	s18 =	rddreg [dreg:$0xb];
	[sflag:s1] =	ssyncadd.s32 $0xFFFFE000;
	s17 =	sshrl.u32 s17, $0x3  }
0xd9: {  	[tilespmem:s0], [sflag:$0x4] =	stream.indirect.gather [hbm4b:s4+s23], $0x80, s18, s23, $0xb8;
	[tilespmem:$0x1C800] =	vst v63  }
0xda: {  	s17 =	sadd.s32 s5, s17  }
0xdb: {  	[tilespmem:s3], [sflag:$0x5] =	stream.linear.gather [hbm4b:s17+s3], $0x400, $0x38;
	[tilespmem:$0x1C800] =	vst v63  }
0xdc: {  	_ =	swait.ge [sflag:s9], $0x2000  }
0xdd: {  	[sflag:s9] =	ssyncset.done $0x0  }
0xde: {  	s18 =	rddreg [dreg:$0xc];
	[sflag:s9] =	ssyncadd.s32 $0xFFFFE000  }
0xdf: {  	[spmem:s2] =	stream.indirect.scatter.add.f32 [tilespmem:s26], [sflag:$0x7], $0x80, s18, s23, $0xb8;
	[tilespmem:$0x1C800] =	vst v63  }
0xe0: {  	_ =	swait.ge [sflag:s1], $0x2000  }
0xe1: {  	[sflag:s1] =	ssyncset.done $0x0  }
0xe2: {  	[sflag:s1] =	ssyncadd.s32 $0xFFFFE000  }
0xe3: {  	_ =	swait.ge [sflag:s21], $0x400  }
0xe4: {  	[sflag:s21] =	ssyncset.done $0x0  }
0xe5: {  	[sflag:s21] =	ssyncadd.s32 $0xFFFFFC00  }
0xe6: {  	[tilespmem:s26], [sflag:$0x1] =	stream.indirect.gather [hbm4b:s4+s23], $0x80, s3, s23, $0xb8;
	[tilespmem:$0x1C800] =	vst v63  }
0xe7: {  	_ =	swait.ge [sflag:s11], $0x2000  }
0xe8: {  	[sflag:s11] =	ssyncset.done $0x0  }
0xe9: {  	s19 =	rddreg [dreg:$0xd];
	[sflag:s11] =	ssyncadd.s32 $0xFFFFE000  }
0xea: {  	[spmem:s2] =	stream.indirect.scatter.add.f32 [tilespmem:s29], [sflag:$0x7], $0x80, s19, s23, $0xb8;
	[tilespmem:$0x1C800] =	vst v63  }
0xeb: {  	_ =	swait.ge [sflag:s1], $0x2000  }
0xec: {  	[sflag:s1] =	ssyncset.done $0x0  }
0xed: {  	[sflag:s1] =	ssyncadd.s32 $0xFFFFE000  }
0xee: {  	[tilespmem:s29], [sflag:$0x2] =	stream.indirect.gather [hbm4b:s4+s23], $0x80, s28, s23, $0xb8;
	[tilespmem:$0x1C800] =	vst v63  }
0xef: {  	_ =	swait.ge [sflag:s12], $0x2000  }
0xf0: {  	[sflag:s12] =	ssyncset.done $0x0  }
0xf1: {  	s18 =	rddreg [dreg:$0xe];
	[sflag:s12] =	ssyncadd.s32 $0xFFFFE000  }
0xf2: {  	[spmem:s2] =	stream.indirect.scatter.add.f32 [tilespmem:s31], [sflag:$0x7], $0x80, s18, s23, $0xb8;
	[tilespmem:$0x1C800] =	vst v63  }
0xf3: {  	_ =	swait.ge [sflag:s1], $0x2000  }
0xf4: {  	[sflag:s1] =	ssyncset.done $0x0  }
0xf5: {  	[sflag:s1] =	ssyncadd.s32 $0xFFFFE000  }
0xf6: {  	[tilespmem:s31], [sflag:$0x3] =	stream.indirect.gather [hbm4b:s4+s23], $0x80, s30, s23, $0xb8;
	[tilespmem:$0x1C800] =	vst v63  }
0xf7: {  	_ =	swait.ge [sflag:s13], $0x2000  }
0xf8: {  	[sflag:s13] =	ssyncset.done $0x0  }
0xf9: {  	p1 =	sne.s32 s16, $0x26;
	[sflag:s13] =	ssyncadd.s32 $0xFFFFE000  }
0xfa: {  	[spmem:s2] =	stream.indirect.scatter.add.f32 [tilespmem:s0], [sflag:$0x7], $0x80, s14, s23, $0xb8;
	[tilespmem:$0x1C800] =	vst v63  }
.Ltmp1:
0xfb: {  	_ = 	snop;
	(pc) =	sbr.rel @p1 .LBB2_4-.Ltmp1, $4  }
0xfc: {  	s6 =	smin.u32 s6, $0x24;
	_ =	swait.ge [sflag:s1], $0x2000  }
0xfd: {  	s6 =	sshll.u32 s6, $0xA;
	[sflag:s1] =	ssyncset.done $0x0;
	s19 =	rddreg [dreg:$0x4]  }
0xfe: {  	s16 =	sadd.s32 $0x2, s16;
	[sflag:s1] =	ssyncadd.s32 $0xFFFFE000;
	s6 =	sadd.s32 s6, s19  }
0xff: {  	[tilespmem:s0], [sflag:$0x4] =	stream.indirect.gather [hbm4b:s4+s23], $0x80, s8, s23, $0xb8;
	[tilespmem:$0x1C800] =	vst v63  }
0x100: {  	s6 =	sshrl.u32 s6, $0x3  }
0x101: {  	s6 =	sadd.s32 s5, s6  }
0x102: {  	[tilespmem:s22], [sflag:$0x6] =	stream.linear.gather [hbm4b:s6+s3], $0x400, $0x38;
	[tilespmem:$0x1C800] =	vst v63  }
0x103: {  	_ =	swait.ge [sflag:s9], $0x2000  }
0x104: {  	[sflag:s9] =	ssyncset.done $0x0  }
0x105: {  	[sflag:s9] =	ssyncadd.s32 $0xFFFFE000  }
0x106: {  	_ =	swait.ge [sflag:s11], $0x2000  }
0x107: {  	[sflag:s11] =	ssyncset.done $0x0  }
0x108: {  	[sflag:s11] =	ssyncadd.s32 $0xFFFFE000  }
0x109: {  	_ =	swait.ge [sflag:s12], $0x2000  }
0x10a: {  	[sflag:s12] =	ssyncset.done $0x0  }
0x10b: {  	[sflag:s12] =	ssyncadd.s32 $0xFFFFE000  }
0x10c: {  	_ =	swait.ge [sflag:s13], $0x2000  }
0x10d: {  	[sflag:s13] =	ssyncset.done $0x0  }
0x10e: {  	[sflag:s13] =	ssyncadd.s32 $0xFFFFE000  }
0x10f: {  	_ =	swait.ge [sflag:s10], $0x400  }
0x110: {  	[sflag:s10] =	ssyncset.done $0x0  }
0x111: {  	s19 =	stileid.u32;
	[sflag:s10] =	ssyncadd.s32 $0xFFFFFC00  }
0x112: {  	s6 =	sshll.u32 s19, $0x6;
	[bflag:$0x0] =	sbarrier.arrive $0xFFFF  }
0x113: {  	s6 =	sor.u32 $0x1C07, s6;
	s16 =	rddreg [dreg:$0x1a]  }
0x114: {  	[hbm:s16], [sflag:s6] =	dma.local [spmem:s24], $0x2700  }
0x115: {  	_ =	swait.ge [sflag:s1], $0x2700  }
0x116: {  	s15 =	sadd.s32 $0x1, s15;
	[sflag:s1] =	ssyncset.done $0x0  }
0x117: {  	p1 =	sne.s32 s15, s20;
	s16 =	rddreg [dreg:$0x1b];
	[sflag:s1] =	ssyncadd.s32 $0xFFFFD900  }
0x118: {  	[hbm:s16], [sflag:s6] =	dma.local @!p0 [spmem:s25], $0x100  }
.Ltmp2:
0x119: {  	_ = 	snop;
	(pc) =	sbr.rel @p1 .LBB2_1-.Ltmp2, $4  }
0x11a: {  	s6 =	simm.s32 @!p0 $0x7  }
0x11b: {  	_ =	swait.ge @!p0 [sflag:s6], $0x100  }
0x11c: {  	[sflag:s6] =	ssyncset.done @!p0 $0x0  }
0x11d: {  	[sflag:s6] =	ssyncadd.s32 @!p0 $0xFFFFFF00  }
0x11e: {  	_ =	sfence.sel $0x180000  }
0x11f: {  	[bflag:$0x0] =	sbarrier.arrive $0xFFFF  }
0x120: {  	_ =	strace $0x9000004A  }
0x121: {  	[bflag:$0x2] =	sbarrier.arrive $0xFFFF  }
0x122: {  	s0 =	rddreg [dreg:$0x2]  }
0x123: {  	s0 =	sadd.s32 @!p0 $0x100000, s0  }
0x124: {  	[sflag:s0] =	ssyncadd.tile.s32 @!p0 $0x1;
	_ =	shalt  }
.Lfunc_end2:
_tile_overlayer_lowered:
.L_overlay_start_2:
0x125: {  	(tag) =	ssettag $0x2  }
0x126: {  	s0 =	rddreg [dreg:$0x0];
	s2 =	stileid.u32  }
0x127: {  	s1 =	rddreg [dreg:$0x1];
	p0 =	sne.s32 s2, $0x0  }
0x128: {  	s3 =	rddreg [dreg:$0x2];
	[bflag:$0x3] =	sbarrier.arrive $0xFFFF;
	s2 =	simm.s32 @!p0 $0x1C07  }
0x129: {  	[timem:s3], [sflag:s2] =	dma.local @!p0 [hbm:s0], s1  }
0x12a: {  	s0 =	simm.s32 @!p0 $0x7  }
0x12b: {  	_ =	swait.ge @!p0 [sflag:s0], s1  }
0x12c: {  	s1 =	ssub.s32 @!p0 $0x0, s1;
	[sflag:s0] =	ssyncset.done @!p0 $0x0  }
0x12d: {  	[sflag:s0] =	ssyncadd.s32 @!p0 s1  }
0x12e: {  	[bflag:$0x3] =	sbarrier.arrive $0xFFFF  }
0x12f: {  	_ =	shalt  }

// kernel: kernel.15.cloned.1.call-start
scs
__scs_entry_jumppad:
0x0: {  	(pc) =	sbr.rel $0x88, $3  }
0x1: {  	(tag) =	ssettag $0x0;
	lr =	simm.s32 $0x1  }
0x2: {  	[smem:$0x3F94] =	sst lr;
	_ =	strace $0xD0000000  }
0x3: {  	_ = 	snop  }
0x4: {  	_ = 	snop  }
0x5: {  	_ = 	snop  }
0x6: {  	_ = 	snop  }
0x7: {  	_ = 	snop  }
__scs_overlays_trampoline_lowered:
0x8: {  	[smem:$0x3FA3] =	sst s0  }
0x9: {  	[smem:$0x3FA4] =	sst s1  }
0xa: {  	[smem:$0x3FA5] =	sst s2  }
0xb: {  	[smem:$0x3FA6] =	sst s3  }
0xc: {  	[smem:$0x3FA7] =	sst s4  }
0xd: {  	[smem:$0x3FA8] =	sst s5  }
0xe: {  	[smem:$0x3FA9] =	sst s6  }
0xf: {  	[smem:$0x3FAA] =	sst s7  }
0x10: {  	[smem:$0x3FAB] =	sst s8  }
0x11: {  	[smem:$0x3FAC] =	sst s9;
	s0 =	simm.s32 @!p0 $0x0  }
0x12: {  	s1 =	sld [smem:$0x3F92];
	s0 =	simm.s32 @p0 $0x1  }
0x13: {  	[smem:$0x3FAD] =	sst s0;
	s0 =	simm.s32 @!p1 $0x0  }
0x14: {  	s2 =	sld [smem:$0x3F91];
	s0 =	simm.s32 @p1 $0x1  }
0x15: {  	[smem:$0x3FAE] =	sst s0;
	s0 =	simm.s32 @!p2 $0x0  }
0x16: {  	s3 =	sld [smem:$0x3FDB];
	s0 =	simm.s32 @p2 $0x1  }
0x17: {  	s4 =	simm.s32 $0x1BF5;
	[smem:$0x3FB0] =	sst s0  }
0x18: {  	s0 =	sld [smem:$0x3F93];
	_ =	swait.ge [sflag:s4], $0x0  }
0x19: {  	s7 =	sld [smem:$0x3F94]  }
0x1a: {  	s8 =	sadd.s32 $0xFFFFE003, lr  }
0x1b: {  	s9 =	sadd.s32 $0xFFFFFEF7, lr;
	s5 =	simm.s32 $0xFFFFFFFF;
	p2 =	slt.u32 s8, $0xFFFFF086  }
0x1c: {  	p1 =	slt.u32 s9, $0xF7A;
	s5 =	simm.s32 @!p2 $0x0  }
0x1d: {  	s5 =	simm.s32 @p1 $0x1;
	p0 =	seq.s32 s7, s2  }
0x1e: {  	s7 =	smul.u32 @!p0 $0xF7A, s2;
	p2 =	seq.s32 @!p0 s5, $0x0  }
0x1f: {  	s9 =	smul.u32 $0xF7A, s1;
	s8 =	simm.s32 @!p0 $0x1BF5;
	p2 =	por !p2, p0  }
0x20: {  	[sflag:s8] =	ssyncset.s32 @!p0 $0xFFFFF086;
	s6 =	sadd.s32 @!p0 s3, s7;
	s7 =	simm.s32 @!p0 $0x108  }
0x21: {  	s3 =	sadd.s32 s3, s9;
	s6 =	sadd.s32 @!p0 $0x88, s6;
	s7 =	simm.s32 @p2 $0x1082  }
0x22: {  	[simem:s7], [sflag:s8] =	dma.local @!p0 [hbm:s6], $0xF7A  }
0x23: {  	s9 =	sor.u32 $0xD0000000, s2;
	s6 =	simm.s32 $0x108;
	_ =	swait.ge @!p0 [sflag:s8], $0x0  }
0x24: {  	s3 =	sadd.s32 $0x88, s3;
	s6 =	simm.s32 @!p1 $0x1082;
	[sflag:s4] =	ssyncset.s32 $0xFFFFF086  }
0x25: {  	[simem:s6], [sflag:s4] =	dma.local [hbm:s3], $0xF7A  }
0x26: {  	[smem:$0x3F94] =	sst s1;
	(tag) =	ssettag s2;
	_ =	strace s9  }
0x27: {  	s1 =	sld [smem:$0x3FA4]  }
0x28: {  	s2 =	sld [smem:$0x3FA5]  }
0x29: {  	s4 =	sld [smem:$0x3FA7]  }
0x2a: {  	p0 =	seq.s32 s5, $0x0;
	s5 =	sld [smem:$0x3FA8]  }
0x2b: {  	s6 =	sld [smem:$0x3FA9]  }
0x2c: {  	s7 =	sld [smem:$0x3FAA]  }
0x2d: {  	s3 =	simm.s32 $0x108;
	s8 =	sld [smem:$0x3FAB]  }
0x2e: {  	s3 =	simm.s32 @!p0 $0x1082;
	s9 =	sld [smem:$0x3FAC]  }
0x2f: {  	lr =	sadd.s32 s0, s3;
	s0 =	sld [smem:$0x3FA3]  }
0x30: {  	s3 =	sld [smem:$0x3FA6]  }
0x31: {  	[smem:$0x3FAF] =	sst s10  }
0x32: {  	s10 =	sld [smem:$0x3FAD];
	_ =	sdelay $0x3  }
0x33: {  	p0 =	seq.s32 s10, $0x1;
	s10 =	sld [smem:$0x3FAF];
	_ =	sdelay $0x3  }
0x34: {  	[smem:$0x3FAF] =	sst s10  }
0x35: {  	s10 =	sld [smem:$0x3FAE];
	_ =	sdelay $0x3  }
0x36: {  	p1 =	seq.s32 s10, $0x1;
	s10 =	sld [smem:$0x3FAF];
	_ =	sdelay $0x3  }
0x37: {  	[smem:$0x3FAF] =	sst s10  }
0x38: {  	s10 =	sld [smem:$0x3FB0]  }
0x39: {  	_ = 	snop;
	(pc) =	sbr.ind lr, $3  }
0x3a: {  	_ = 	snop  }
0x3b: {  	_ = 	snop  }
0x3c: {  	p2 =	seq.s32 s10, $0x1;
	s10 =	sld [smem:$0x3FAF]  }
0x3d: {  	_ =	shalt  }
0x3e: {  	_ =	shalt  }
0x3f: {  	_ =	shalt  }
0x40: {  	_ =	shalt  }
0x41: {  	_ =	shalt  }
0x42: {  	_ =	shalt  }
0x43: {  	_ =	shalt  }
0x44: {  	_ =	shalt  }
0x45: {  	_ =	shalt  }
0x46: {  	_ =	shalt  }
0x47: {  	_ =	shalt  }
0x48: {  	_ =	shalt  }
0x49: {  	_ =	shalt  }
0x4a: {  	_ =	shalt  }
0x4b: {  	_ =	shalt  }
0x4c: {  	_ =	shalt  }
0x4d: {  	_ =	shalt  }
0x4e: {  	_ =	shalt  }
0x4f: {  	_ =	shalt  }
0x50: {  	_ =	shalt  }
0x51: {  	_ =	shalt  }
0x52: {  	_ =	shalt  }
0x53: {  	_ =	shalt  }
0x54: {  	_ =	shalt  }
0x55: {  	_ =	shalt  }
0x56: {  	_ =	shalt  }
0x57: {  	_ =	shalt  }
0x58: {  	_ =	shalt  }
0x59: {  	_ =	shalt  }
0x5a: {  	_ =	shalt  }
0x5b: {  	_ =	shalt  }
0x5c: {  	_ =	shalt  }
0x5d: {  	_ =	shalt  }
0x5e: {  	_ =	shalt  }
0x5f: {  	_ =	shalt  }
0x60: {  	_ =	shalt  }
0x61: {  	_ =	shalt  }
0x62: {  	_ =	shalt  }
0x63: {  	_ =	shalt  }
0x64: {  	_ =	shalt  }
0x65: {  	_ =	shalt  }
0x66: {  	_ =	shalt  }
0x67: {  	_ =	shalt  }
0x68: {  	_ =	shalt  }
0x69: {  	_ =	shalt  }
0x6a: {  	_ =	shalt  }
0x6b: {  	_ =	shalt  }
0x6c: {  	_ =	shalt  }
0x6d: {  	_ =	shalt  }
0x6e: {  	_ =	shalt  }
0x6f: {  	_ =	shalt  }
0x70: {  	_ =	shalt  }
0x71: {  	_ =	shalt  }
0x72: {  	_ =	shalt  }
0x73: {  	_ =	shalt  }
0x74: {  	_ =	shalt  }
0x75: {  	_ =	shalt  }
0x76: {  	_ =	shalt  }
0x77: {  	_ =	shalt  }
0x78: {  	_ =	shalt  }
0x79: {  	_ =	shalt  }
0x7a: {  	_ =	shalt  }
0x7b: {  	_ =	shalt  }
0x7c: {  	_ =	shalt  }
0x7d: {  	_ =	shalt  }
0x7e: {  	_ =	shalt  }
0x7f: {  	_ =	shalt  }
0x80: {  	_ =	shalt  }
0x81: {  	_ =	shalt  }
0x82: {  	_ =	shalt  }
0x83: {  	_ =	shalt  }
0x84: {  	_ =	shalt  }
0x85: {  	_ =	shalt  }
0x86: {  	_ =	shalt  }
0x87: {  	_ =	shalt  }
.Lfunc_end0:
.L_simem_size_0:
called_computation.2_lowered:
.L_overlay_start_0:
0x88: {  	s2 =	sld [smem:$0x3FD9]  }
0x89: {  	s3 =	sld [smem:$0x3FFE];
	_ =	sdelay $0x1  }
0x8a: {  	s1 =	srdreg.scid  }
0x8b: {  	s0 =	sand.u32 $0x1, s1  }
0x8c: {  	s16 =	sshll.u32 s0, $0xA;
	s2 =	sadd.s32 s3, s2  }
0x8d: {  	s2 =	sadd.s32 s2, s16  }
0x8e: {  	[smem:$0x3FBB] =	sst s2  }
0x8f: {  	_ = 	snop  }
0x90: {  	(tm) =	ssettm $0x1  }
0x91: {  	s17 =	sld [smem:$0x3FFB];
	_ =	sdelay $0x3  }
0x92: {  	_ =	strace s17  }
0x93: {  	s2 =	sld [smem:$0x3FFC];
	_ =	sdelay $0x3  }
0x94: {  	_ =	strace s2  }
0x95: {  	s2 =	sld [smem:$0x3FFD];
	_ =	sdelay $0x3  }
0x96: {  	_ =	strace s2  }
0x97: {  	_ =	strace $0x8FFFFFFF  }
0x98: {  	s18 =	sld [smem:$0x3FDB];
	_ =	sdelay $0x1  }
0x99: {  	s19 =	simm.s32 $_scs_section_size  }
0x9a: {  	s4 =	simm.s32 $_size__tile_overlayer_lowered;
	s5 =	simm.s32 $_tile_overlayer_lowered  }
0x9b: {  	s22 =	simm.s32 $0x1BFF;
	s21 =	sshll.u32 s5, $0x1;
	s2 =	sadd.s32 s19, s18  }
0x9c: {  	s6 =	simm.s32 $0x0;
	s20 =	sshll.u32 s4, $0x1;
	s4 =	sadd.s32 s21, s2  }
0x9d: {  	[timem:s6], [sflag:s22] =	dma.local [hbm:s4], s20  }
0x9e: {  	_ =	swait.ge [sflag:s22], s20  }
0x9f: {  	s3 =	ssub.s32 $0x0, s20;
	[sflag:s22] =	ssyncset.done $0x0  }
0xa0: {  	[sflag:s22] =	ssyncadd.s32 s3;
	_ =	sdelay $0x1  }
0xa1: {  	s23 =	simm.s32 $0x1B8B  }
0xa2: {  	_ =	swait.ge [sflag:s23], $0x1  }
0xa3: {  	[sflag:s23] =	ssyncset.done $0x0  }
0xa4: {  	s25 =	simm.s32 $0x1B8E;
	s24 =	sld [smem:$0x3FFE];
	[sflag:s23] =	ssyncadd.s32 $0xFFFFFFFF  }
0xa5: {  	s26 =	simm.s32 $execute0_lowered;
	[smem:$0x3FD2] =	sst s25  }
0xa6: {  	s4 =	sshll.u32 s26, $0x1;
	_ =	strace $0x8000004C;
	[dreg:$0x1] =	wrdreg $0xFFFFFFFF  }
0xa7: {  	s28 =	simm.s32 $_size_execute0_lowered;
	s2 =	sadd.s32 s2, s4;
	[dreg:$0x0] =	wrdreg $0x0  }
0xa8: {  	s4 =	sshll.u32 s28, $0x1;
	[dreg:$0x2] =	wrdreg s2  }
0xa9: {  	[dreg:$0x3] =	wrdreg s4  }
0xaa: {  	[dreg:$0x4] =	wrdreg $0xC0  }
0xab: {  	_ =	task [dreg:s6], $0x5FFFF  }
0xac: {  	[dreg:$0x1] =	wrdreg $0xFFFFFFFF  }
0xad: {  	[dreg:$0x0] =	wrdreg $0x60  }
0xae: {  	[dreg:$0x2] =	wrdreg s24  }
0xaf: {  	[dreg:$0x3] =	wrdreg $0x88000  }
0xb0: {  	[dreg:$0x4] =	wrdreg $0x9  }
0xb1: {  	_ =	task.clear_ibuf [dreg:s6], $0x5FFFF;
	_ =	strace $0x9000004C  }
0xb2: {  	s29 =	simm.s32 $0x9;
	_ =	strace $0x8000004E  }
0xb3: {  	_ =	swait.ge [sflag:s29], $0x1  }
0xb4: {  	[sflag:s29] =	ssyncadd.s32 $0xFFFFFFFF  }
0xb5: {  	_ =	strace $0x9000004E  }
0xb6: {  	_ =	sfence  }
0xb7: {  	s30 =	sld [smem:$0x0];
	_ =	sdelay $0x2  }
0xb8: {  	s31 =	sshll.u32 s1, $0xD;
	s1 =	sshrl.u32 s1, $0x2  }
0xb9: {  	s3 =	sand.u32 $0x4000, s31;
	s1 =	sadd.s32 s1, s30  }
0xba: {  	s0 =	sor.u32 s3, s0;
	s1 =	sshll.u32 s1, $0x11  }
0xbb: {  	s0 =	sor.u32 s1, s0  }
0xbc: {  	s0 =	sadd.s32 $0x8F2B, s0  }
0xbd: {  	[sflag:s0] =	ssyncadd.remote.s32 $0x1  }
0xbe: {  	_ =	sfence.sel $0xFFFF  }
0xbf: {  	[dreg:$0x0] =	wrdreg $0xFFFFFFFF;
	(pc) =	sbr.abs _section_cstart, $3  }
0xc0: {  	[dreg:$0x1] =	wrdreg $0xFFFFFFFF  }
0xc1: {  	_ =	task.clear_ibuf [dreg:s6], $0x2FFFF;
	_ =	strace $0x9FFFFFFF  }
0xc2: {  	(tm) =	ssettm $0x7FFFFFFF  }
0xc3: {  	_ =	shalt  }
tec
execute0_lowered:
.L_overlay_start_1:
0x0: {  	(tag) =	ssettag $0x1  }
0x1: {  	s0 =	rddreg [dreg:$0x0];
	s1 =	srdreg.scid  }
0x2: {  	s11 =	stileid.u32;
	s2 =	rddreg [dreg:$0x1]  }
0x3: {  	s3 =	simm.s32 $0x0;
	s17 =	simm.s32 $0x200;
	s18 =	simm.s32 $0x280  }
0x4: {  	s19 =	simm.s32 $0x480;
	s28 =	simm.s32 $0x80;
	s29 =	simm.s32 $0x2800  }
0x5: {  	s30 =	simm.s32 $0x100;
	s31 =	simm.s32 $0x4800;
	s7 =	smul.u32 $0x50000, s11  }
0x6: {  	s1 =	sand.u32 $0x1, s1;
	s4 =	sshll.u32 s11, $0x1;
	s13 =	smul.u32 $0x13800, s11  }
0x7: {  	[smem:$0x7FF] =	sst s3;
	s5 =	sadd.s32 $0x3A00, s0;
	s16 =	smul.u32 $0x4E000, s11  }
0x8: {  	p0 =	sne.s32 s11, $0x0;
	s11 =	simm.s32 $0x2;
	s4 =	sor.u32 s1, s4  }
0x9: {  	_ =	strace $0x8000004D;
	[dreg:$0x5] =	wrdreg s17;
	s7 =	sshrl.u32 s7, $0x2  }
0xa: {  	s8 =	ssub.s32 $0x2, s1;
	[dreg:$0x6] =	wrdreg s18;
	s7 =	sadd.s32 s7, s2  }
0xb: {  	s1 =	smul.u32 $0x138800, s1;
	[dreg:$0x7] =	wrdreg s19;
	s20 =	sadd.s32 $0x2000, s7  }
0xc: {  	s6 =	smul.u32 $0xA000, s4;
	s21 =	sadd.s32 $0x4000, s7;
	[dreg:$0x11] =	wrdreg s20  }
0xd: {  	s4 =	sadd.s32 $0x2BA00, s0;
	s22 =	sadd.s32 $0x6000, s7;
	[dreg:$0x12] =	wrdreg s21  }
0xe: {  	s0 =	sadd.s32 $0x52C00, s0;
	s23 =	sadd.s32 $0x8000, s7;
	[dreg:$0x13] =	wrdreg s22  }
0xf: {  	s10 =	sshrl.u32 s8, $0x1;
	s24 =	sadd.s32 $0xA000, s7;
	[dreg:$0x14] =	wrdreg s23  }
0x10: {  	s8 =	ssub.s32 s8, s10;
	s25 =	sadd.s32 $0xC000, s7;
	[dreg:$0x15] =	wrdreg s24  }
0x11: {  	s15 =	sadd.s32 s13, s1;
	s26 =	sadd.s32 $0xE000, s7;
	[dreg:$0x16] =	wrdreg s25  }
0x12: {  	s1 =	sshrl.u32 s1, $0x3;
	s12 =	sadd.s32 $0x10000, s7;
	[dreg:$0x17] =	wrdreg s26  }
0x13: {  	s13 =	simm.s32 $0x4;
	s10 =	sor.u32 $0x800, s6;
	[dreg:$0x18] =	wrdreg s12  }
0x14: {  	s9 =	sshrl.u32 s6, $0x3;
	s14 =	sadd.s32 $0x12000, s7;
	[dreg:$0x3] =	wrdreg s10  }
0x15: {  	s6 =	sor.u32 $0xC00, s6;
	s9 =	sadd.s32 s5, s9;
	[dreg:$0x19] =	wrdreg s14  }
0x16: {  	[dreg:$0x4] =	wrdreg s6;
	s6 =	sshrl.u32 s15, $0x3;
	s20 =	simm.s32 $0x300  }
0x17: {  	s21 =	simm.s32 $0x500;
	s22 =	simm.s32 $0x380;
	[dreg:$0xf] =	wrdreg s9  }
0x18: {  	s23 =	simm.s32 $0x580;
	s24 =	simm.s32 $0x600;
	[dreg:$0x8] =	wrdreg s20  }
0x19: {  	s25 =	simm.s32 $0x680;
	s26 =	simm.s32 $0x700;
	[dreg:$0x9] =	wrdreg s21  }
0x1a: {  	s10 =	simm.s32 $0x6;
	s12 =	simm.s32 $0x3;
	[dreg:$0xa] =	wrdreg s22  }
0x1b: {  	s14 =	simm.s32 $0x780;
	s15 =	simm.s32 $0x0;
	[dreg:$0xb] =	wrdreg s23  }
0x1c: {  	s9 =	sadd.s32 $0x80, s9;
	s6 =	sadd.s32 s0, s6;
	[dreg:$0xc] =	wrdreg s24  }
0x1d: {  	s0 =	sadd.s32 s0, s1;
	s1 =	sadd.s32 $0x138000, s2;
	[dreg:$0xd] =	wrdreg s25  }
0x1e: {  	s20 =	smax.u32 s8, $0x1;
	s21 =	simm.s32 $0x5;
	[dreg:$0xe] =	wrdreg s26  }
0x1f: {  	s22 =	simm.s32 $0x400;
	s23 =	simm.s32 $0x40;
	[dreg:$0x10] =	wrdreg s9  }
0x20: {  	s26 =	simm.s32 $0x800;
	s8 =	simm.s32 $0x180;
	[dreg:$0x1a] =	wrdreg s6  }
0x21: {  	s9 =	sshrl.u32 s16, $0x2;
	s0 =	sadd.s32 $0x27000, s0;
	s25 =	sshrl.u32 @!p0 s1, $0x3  }
0x22: {  	s1 =	simm.s32 $0x7;
	s9 =	sadd.s32 s9, s2;
	[dreg:$0x1b] =	wrdreg s0  }
0x23: {  	v0 =	vimm.f32 $0.0e+00;
	s0 =	simm.s32 $0x6800;
	s24 =	sshrl.u32 s9, $0x3;
	s9 =	simm.s32 $0x1  }
.LBB2_1:
0x24: {  	s6 =	rddreg [dreg:$0xf]  }
0x25: {  	[tilespmem:s3], [sflag:$0x5] =	stream.linear.gather [hbm4b:s6+s3], $0x400, $0x38;
	[tilespmem:$0x1C800] =	vst v63  }
0x26: {  	_ =	swait.ge [sflag:s21], $0x400  }
0x27: {  	[sflag:s21] =	ssyncset.done $0x0  }
0x28: {  	s19 =	rddreg [dreg:$0x10];
	[sflag:s21] =	ssyncadd.s32 $0xFFFFFC00  }
0x29: {  	[tilespmem:s22], [sflag:$0x6] =	stream.linear.gather [hbm4b:s19+s3], $0x400, $0x38;
	[tilespmem:$0x1C800] =	vst v63  }
0x2a: {  	_ = 	snop  }
0x2b: {  	[tilespmem:s26], [sflag:$0x1] =	stream.indirect.gather [hbm4b:s4+s23], $0x80, s3, s23, $0xb8;
	[tilespmem:$0x1C800] =	vst v63  }
0x2c: {  	_ = 	snop  }
0x2d: {  	[tilespmem:s29], [sflag:$0x2] =	stream.indirect.gather [hbm4b:s4+s23], $0x80, s28, s23, $0xb8;
	[tilespmem:$0x1C800] =	vst v63  }
0x2e: {  	s16 =	simm.s32 $0x200;
	s6 =	simm.s32 $0x0  }
0x2f: {  	[tilespmem:s31], [sflag:$0x3] =	stream.indirect.gather [hbm4b:s4+s23], $0x80, s30, s23, $0xb8;
	[tilespmem:$0x1C800] =	vst v63  }
.LBB2_2:
0x30: {  	p1 =	sne.s32 s16, $0x7E00;
	[tilespmem:s6+$0x6870] =	vst v0  }
0x31: {  	[tilespmem:s6+$0x6800] =	vst v0  }
0x32: {  	[tilespmem:s6+$0x6810] =	vst v0  }
.Ltmp0:
0x33: {  	[tilespmem:s6+$0x6820] =	vst v0;
	(pc) =	sbr.rel @p1 .LBB2_2-.Ltmp0, $4  }
0x34: {  	[tilespmem:s6+$0x6830] =	vst v0  }
0x35: {  	[tilespmem:s6+$0x6840] =	vst v0  }
0x36: {  	[tilespmem:s6+$0x6850] =	vst v0  }
0x37: {  	[tilespmem:s6+$0x6860] =	vst v0;
	s6 =	sshra.s32 s16, $0x2;
	s16 =	sadd.s32 $0x200, s16  }
0x38: {  	[tilespmem:s6+$0x6870] =	vst v0  }
0x39: {  	[tilespmem:s6+$0x6800] =	vst v0  }
0x3a: {  	[tilespmem:s6+$0x6810] =	vst v0  }
0x3b: {  	[tilespmem:s6+$0x6820] =	vst v0  }
0x3c: {  	[tilespmem:s6+$0x6830] =	vst v0  }
0x3d: {  	[tilespmem:s6+$0x6840] =	vst v0  }
0x3e: {  	[tilespmem:s6+$0x6850] =	vst v0  }
0x3f: {  	[tilespmem:s6+$0x6860] =	vst v0  }
0x40: {  	[spmem:s7] =	stream.linear.scatter [tilespmem:s0], [sflag:$0x7], $0x2000, $0x38;
	[tilespmem:$0x1C800] =	vst v63  }
0x41: {  	_ =	swait.ge [sflag:s1], $0x2000  }
0x42: {  	[sflag:s1] =	ssyncset.done $0x0  }
0x43: {  	s16 =	rddreg [dreg:$0x11];
	[sflag:s1] =	ssyncadd.s32 $0xFFFFE000  }
0x44: {  	[spmem:s16] =	stream.linear.scatter [tilespmem:s0], [sflag:$0x7], $0x2000, $0x38;
	[tilespmem:$0x1C800] =	vst v63  }
0x45: {  	_ =	swait.ge [sflag:s1], $0x2000  }
0x46: {  	[sflag:s1] =	ssyncset.done $0x0  }
0x47: {  	s17 =	rddreg [dreg:$0x12];
	[sflag:s1] =	ssyncadd.s32 $0xFFFFE000  }
0x48: {  	[spmem:s17] =	stream.linear.scatter [tilespmem:s0], [sflag:$0x7], $0x2000, $0x38;
	[tilespmem:$0x1C800] =	vst v63  }
0x49: {  	_ =	swait.ge [sflag:s1], $0x2000  }
0x4a: {  	[sflag:s1] =	ssyncset.done $0x0  }
0x4b: {  	s18 =	rddreg [dreg:$0x13];
	[sflag:s1] =	ssyncadd.s32 $0xFFFFE000  }
0x4c: {  	[spmem:s18] =	stream.linear.scatter [tilespmem:s0], [sflag:$0x7], $0x2000, $0x38;
	[tilespmem:$0x1C800] =	vst v63  }
0x4d: {  	_ =	swait.ge [sflag:s1], $0x2000  }
0x4e: {  	[sflag:s1] =	ssyncset.done $0x0  }
0x4f: {  	s19 =	rddreg [dreg:$0x14];
	[sflag:s1] =	ssyncadd.s32 $0xFFFFE000  }
0x50: {  	[spmem:s19] =	stream.linear.scatter [tilespmem:s0], [sflag:$0x7], $0x2000, $0x38;
	[tilespmem:$0x1C800] =	vst v63  }
0x51: {  	_ =	swait.ge [sflag:s1], $0x2000  }
0x52: {  	[sflag:s1] =	ssyncset.done $0x0  }
0x53: {  	s16 =	rddreg [dreg:$0x15];
	[sflag:s1] =	ssyncadd.s32 $0xFFFFE000  }
0x54: {  	[spmem:s16] =	stream.linear.scatter [tilespmem:s0], [sflag:$0x7], $0x2000, $0x38;
	[tilespmem:$0x1C800] =	vst v63  }
0x55: {  	_ =	swait.ge [sflag:s1], $0x2000  }
0x56: {  	[sflag:s1] =	ssyncset.done $0x0  }
0x57: {  	s17 =	rddreg [dreg:$0x16];
	[sflag:s1] =	ssyncadd.s32 $0xFFFFE000  }
0x58: {  	[spmem:s17] =	stream.linear.scatter [tilespmem:s0], [sflag:$0x7], $0x2000, $0x38;
	[tilespmem:$0x1C800] =	vst v63  }
0x59: {  	_ =	swait.ge [sflag:s1], $0x2000  }
0x5a: {  	[sflag:s1] =	ssyncset.done $0x0  }
0x5b: {  	s18 =	rddreg [dreg:$0x17];
	[sflag:s1] =	ssyncadd.s32 $0xFFFFE000  }
0x5c: {  	[spmem:s18] =	stream.linear.scatter [tilespmem:s0], [sflag:$0x7], $0x2000, $0x38;
	[tilespmem:$0x1C800] =	vst v63  }
0x5d: {  	_ =	swait.ge [sflag:s1], $0x2000  }
0x5e: {  	[sflag:s1] =	ssyncset.done $0x0  }
0x5f: {  	s19 =	rddreg [dreg:$0x18];
	[sflag:s1] =	ssyncadd.s32 $0xFFFFE000  }
0x60: {  	[spmem:s19] =	stream.linear.scatter [tilespmem:s0], [sflag:$0x7], $0x2000, $0x38;
	[tilespmem:$0x1C800] =	vst v63  }
0x61: {  	_ =	swait.ge [sflag:s1], $0x2000  }
0x62: {  	[sflag:s1] =	ssyncset.done $0x0  }
0x63: {  	s16 =	rddreg [dreg:$0x19];
	[sflag:s1] =	ssyncadd.s32 $0xFFFFE000  }
0x64: {  	[spmem:s16] =	stream.linear.scatter [tilespmem:s0], [sflag:$0x7], $0x2000, $0x38;
	[tilespmem:$0x1C800] =	vst v63  }
0x65: {  	_ =	swait.ge [sflag:s1], $0x2000  }
0x66: {  	[sflag:s1] =	ssyncset.done $0x0  }
0x67: {  	[sflag:s1] =	ssyncadd.s32 $0xFFFFE000  }
0x68: {  	[bflag:$0x0] =	sbarrier.arrive $0xFFFF  }
0x69: {  	[tilespmem:s0], [sflag:$0x4] =	stream.indirect.gather [hbm4b:s4+s23], $0x80, s8, s23, $0xb8;
	[tilespmem:$0x1C800] =	vst v63  }
0x6a: {  	_ =	swait.ge [sflag:s9], $0x2000  }
0x6b: {  	[sflag:s9] =	ssyncset.done $0x0  }
0x6c: {  	s17 =	rddreg [dreg:$0x5];
	[sflag:s9] =	ssyncadd.s32 $0xFFFFE000  }
0x6d: {  	[spmem:s2] =	stream.indirect.scatter.add.f32 [tilespmem:s26], [sflag:$0x7], $0x80, s17, s23, $0xb8;
	[tilespmem:$0x1C800] =	vst v63  }
0x6e: {  	_ =	swait.ge [sflag:s1], $0x2000  }
0x6f: {  	[sflag:s1] =	ssyncset.done $0x0  }
0x70: {  	[sflag:s1] =	ssyncadd.s32 $0xFFFFE000  }
0x71: {  	_ =	swait.ge [sflag:s10], $0x400  }
0x72: {  	[sflag:s10] =	ssyncset.done $0x0  }
0x73: {  	[sflag:s10] =	ssyncadd.s32 $0xFFFFFC00  }
0x74: {  	[tilespmem:s26], [sflag:$0x1] =	stream.indirect.gather [hbm4b:s4+s23], $0x80, s22, s23, $0xb8;
	[tilespmem:$0x1C800] =	vst v63  }
0x75: {  	_ =	swait.ge [sflag:s11], $0x2000  }
0x76: {  	[sflag:s11] =	ssyncset.done $0x0  }
0x77: {  	s18 =	rddreg [dreg:$0x6];
	[sflag:s11] =	ssyncadd.s32 $0xFFFFE000  }
0x78: {  	[spmem:s2] =	stream.indirect.scatter.add.f32 [tilespmem:s29], [sflag:$0x7], $0x80, s18, s23, $0xb8;
	[tilespmem:$0x1C800] =	vst v63  }
0x79: {  	_ =	swait.ge [sflag:s1], $0x2000  }
0x7a: {  	[sflag:s1] =	ssyncset.done $0x0  }
0x7b: {  	s19 =	rddreg [dreg:$0x7];
	[sflag:s1] =	ssyncadd.s32 $0xFFFFE000  }
0x7c: {  	[tilespmem:s29], [sflag:$0x2] =	stream.indirect.gather [hbm4b:s4+s23], $0x80, s19, s23, $0xb8;
	[tilespmem:$0x1C800] =	vst v63  }
0x7d: {  	_ =	swait.ge [sflag:s12], $0x2000  }
0x7e: {  	[sflag:s12] =	ssyncset.done $0x0  }
0x7f: {  	s16 =	rddreg [dreg:$0x8];
	[sflag:s12] =	ssyncadd.s32 $0xFFFFE000  }
0x80: {  	[spmem:s2] =	stream.indirect.scatter.add.f32 [tilespmem:s31], [sflag:$0x7], $0x80, s16, s23, $0xb8;
	[tilespmem:$0x1C800] =	vst v63  }
0x81: {  	_ =	swait.ge [sflag:s1], $0x2000  }
0x82: {  	[sflag:s1] =	ssyncset.done $0x0  }
0x83: {  	s17 =	rddreg [dreg:$0x9];
	[sflag:s1] =	ssyncadd.s32 $0xFFFFE000  }
0x84: {  	[tilespmem:s31], [sflag:$0x3] =	stream.indirect.gather [hbm4b:s4+s23], $0x80, s17, s23, $0xb8;
	[tilespmem:$0x1C800] =	vst v63  }
0x85: {  	_ =	swait.ge [sflag:s13], $0x2000  }
0x86: {  	[sflag:s13] =	ssyncset.done $0x0  }
0x87: {  	s6 =	simm.s32 $0x0;
	s18 =	rddreg [dreg:$0xa];
	[sflag:s13] =	ssyncadd.s32 $0xFFFFE000  }
0x88: {  	[spmem:s2] =	stream.indirect.scatter.add.f32 [tilespmem:s0], [sflag:$0x7], $0x80, s18, s23, $0xb8;
	[tilespmem:$0x1C800] =	vst v63  }
0x89: {  	s18 =	smin.u32 s6, $0x25;
	_ =	swait.ge [sflag:s1], $0x2000  }
0x8a: {  	s18 =	sshll.u32 s18, $0xA;
	s16 =	rddreg [dreg:$0x3];
	[sflag:s1] =	ssyncset.done $0x0  }
0x8b: {  	s17 =	rddreg [dreg:$0xb];
	s16 =	sadd.s32 s18, s16;
	[sflag:s1] =	ssyncadd.s32 $0xFFFFE000  }
0x8c: {  	[tilespmem:s0], [sflag:$0x4] =	stream.indirect.gather [hbm4b:s4+s23], $0x80, s17, s23, $0xb8;
	[tilespmem:$0x1C800] =	vst v63  }
0x8d: {  	s16 =	sshrl.u32 s16, $0x3  }
0x8e: {  	s16 =	sadd.s32 s5, s16  }
0x8f: {  	[tilespmem:s3], [sflag:$0x5] =	stream.linear.gather [hbm4b:s16+s3], $0x400, $0x38;
	[tilespmem:$0x1C800] =	vst v63  }
0x90: {  	_ =	swait.ge [sflag:s9], $0x2000  }
0x91: {  	[sflag:s9] =	ssyncset.done $0x0  }
0x92: {  	s19 =	rddreg [dreg:$0xc];
	[sflag:s9] =	ssyncadd.s32 $0xFFFFE000  }
0x93: {  	[spmem:s2] =	stream.indirect.scatter.add.f32 [tilespmem:s26], [sflag:$0x7], $0x80, s19, s23, $0xb8;
	[tilespmem:$0x1C800] =	vst v63  }
0x94: {  	_ =	swait.ge [sflag:s1], $0x2000  }
0x95: {  	[sflag:s1] =	ssyncset.done $0x0  }
0x96: {  	[sflag:s1] =	ssyncadd.s32 $0xFFFFE000  }
0x97: {  	_ =	swait.ge [sflag:s21], $0x400  }
0x98: {  	[sflag:s21] =	ssyncset.done $0x0  }
0x99: {  	[sflag:s21] =	ssyncadd.s32 $0xFFFFFC00  }
0x9a: {  	[tilespmem:s26], [sflag:$0x1] =	stream.indirect.gather [hbm4b:s4+s23], $0x80, s3, s23, $0xb8;
	[tilespmem:$0x1C800] =	vst v63  }
0x9b: {  	_ =	swait.ge [sflag:s11], $0x2000  }
0x9c: {  	[sflag:s11] =	ssyncset.done $0x0  }
0x9d: {  	s17 =	rddreg [dreg:$0xd];
	[sflag:s11] =	ssyncadd.s32 $0xFFFFE000  }
0x9e: {  	[spmem:s2] =	stream.indirect.scatter.add.f32 [tilespmem:s29], [sflag:$0x7], $0x80, s17, s23, $0xb8;
	[tilespmem:$0x1C800] =	vst v63  }
0x9f: {  	_ =	swait.ge [sflag:s1], $0x2000  }
0xa0: {  	[sflag:s1] =	ssyncset.done $0x0  }
0xa1: {  	[sflag:s1] =	ssyncadd.s32 $0xFFFFE000  }
0xa2: {  	[tilespmem:s29], [sflag:$0x2] =	stream.indirect.gather [hbm4b:s4+s23], $0x80, s28, s23, $0xb8;
	[tilespmem:$0x1C800] =	vst v63  }
0xa3: {  	_ =	swait.ge [sflag:s12], $0x2000  }
0xa4: {  	[sflag:s12] =	ssyncset.done $0x0  }
0xa5: {  	s18 =	rddreg [dreg:$0xe];
	[sflag:s12] =	ssyncadd.s32 $0xFFFFE000  }
0xa6: {  	[spmem:s2] =	stream.indirect.scatter.add.f32 [tilespmem:s31], [sflag:$0x7], $0x80, s18, s23, $0xb8;
	[tilespmem:$0x1C800] =	vst v63  }
0xa7: {  	_ =	swait.ge [sflag:s1], $0x2000  }
0xa8: {  	[sflag:s1] =	ssyncset.done $0x0  }
0xa9: {  	[sflag:s1] =	ssyncadd.s32 $0xFFFFE000  }
0xaa: {  	[tilespmem:s31], [sflag:$0x3] =	stream.indirect.gather [hbm4b:s4+s23], $0x80, s30, s23, $0xb8;
	[tilespmem:$0x1C800] =	vst v63  }
0xab: {  	_ =	swait.ge [sflag:s13], $0x2000  }
0xac: {  	[sflag:s13] =	ssyncset.done $0x0  }
0xad: {  	[sflag:s13] =	ssyncadd.s32 $0xFFFFE000  }
0xae: {  	[spmem:s2] =	stream.indirect.scatter.add.f32 [tilespmem:s0], [sflag:$0x7], $0x80, s14, s23, $0xb8;
	[tilespmem:$0x1C800] =	vst v63  }
0xaf: {  	s6 =	smin.u32 s6, $0x24;
	_ =	swait.ge [sflag:s1], $0x2000  }
0xb0: {  	s6 =	sshll.u32 s6, $0xA;
	[sflag:s1] =	ssyncset.done $0x0;
	s19 =	rddreg [dreg:$0x4]  }
0xb1: {  	s16 =	simm.s32 $0x2;
	[sflag:s1] =	ssyncadd.s32 $0xFFFFE000;
	s6 =	sadd.s32 s6, s19  }
0xb2: {  	[tilespmem:s0], [sflag:$0x4] =	stream.indirect.gather [hbm4b:s4+s23], $0x80, s8, s23, $0xb8;
	[tilespmem:$0x1C800] =	vst v63  }
.LBB2_4:
0xb3: {  	s17 =	sshrl.u32 s6, $0x3  }
0xb4: {  	s17 =	sadd.s32 s5, s17  }
0xb5: {  	[tilespmem:s22], [sflag:$0x6] =	stream.linear.gather [hbm4b:s17+s3], $0x400, $0x38;
	[tilespmem:$0x1C800] =	vst v63  }
0xb6: {  	_ =	swait.ge [sflag:s9], $0x2000  }
0xb7: {  	[sflag:s9] =	ssyncset.done $0x0  }
0xb8: {  	s18 =	rddreg [dreg:$0x5];
	[sflag:s9] =	ssyncadd.s32 $0xFFFFE000  }
0xb9: {  	[spmem:s2] =	stream.indirect.scatter.add.f32 [tilespmem:s26], [sflag:$0x7], $0x80, s18, s23, $0xb8;
	[tilespmem:$0x1C800] =	vst v63  }
0xba: {  	_ =	swait.ge [sflag:s1], $0x2000  }
0xbb: {  	[sflag:s1] =	ssyncset.done $0x0  }
0xbc: {  	[sflag:s1] =	ssyncadd.s32 $0xFFFFE000  }
0xbd: {  	_ =	swait.ge [sflag:s10], $0x400  }
0xbe: {  	[sflag:s10] =	ssyncset.done $0x0  }
0xbf: {  	[sflag:s10] =	ssyncadd.s32 $0xFFFFFC00  }
0xc0: {  	[tilespmem:s26], [sflag:$0x1] =	stream.indirect.gather [hbm4b:s4+s23], $0x80, s22, s23, $0xb8;
	[tilespmem:$0x1C800] =	vst v63  }
0xc1: {  	_ =	swait.ge [sflag:s11], $0x2000  }
0xc2: {  	[sflag:s11] =	ssyncset.done $0x0  }
0xc3: {  	s19 =	rddreg [dreg:$0x6];
	[sflag:s11] =	ssyncadd.s32 $0xFFFFE000  }
0xc4: {  	[spmem:s2] =	stream.indirect.scatter.add.f32 [tilespmem:s29], [sflag:$0x7], $0x80, s19, s23, $0xb8;
	[tilespmem:$0x1C800] =	vst v63  }
0xc5: {  	_ =	swait.ge [sflag:s1], $0x2000  }
0xc6: {  	[sflag:s1] =	ssyncset.done $0x0  }
0xc7: {  	s18 =	rddreg [dreg:$0x7];
	[sflag:s1] =	ssyncadd.s32 $0xFFFFE000  }
0xc8: {  	[tilespmem:s29], [sflag:$0x2] =	stream.indirect.gather [hbm4b:s4+s23], $0x80, s18, s23, $0xb8;
	[tilespmem:$0x1C800] =	vst v63  }
0xc9: {  	_ =	swait.ge [sflag:s12], $0x2000  }
0xca: {  	[sflag:s12] =	ssyncset.done $0x0  }
0xcb: {  	s19 =	rddreg [dreg:$0x8];
	[sflag:s12] =	ssyncadd.s32 $0xFFFFE000  }
0xcc: {  	[spmem:s2] =	stream.indirect.scatter.add.f32 [tilespmem:s31], [sflag:$0x7], $0x80, s19, s23, $0xb8;
	[tilespmem:$0x1C800] =	vst v63  }
0xcd: {  	_ =	swait.ge [sflag:s1], $0x2000  }
0xce: {  	[sflag:s1] =	ssyncset.done $0x0  }
0xcf: {  	s18 =	rddreg [dreg:$0x9];
	[sflag:s1] =	ssyncadd.s32 $0xFFFFE000  }
0xd0: {  	[tilespmem:s31], [sflag:$0x3] =	stream.indirect.gather [hbm4b:s4+s23], $0x80, s18, s23, $0xb8;
	[tilespmem:$0x1C800] =	vst v63  }
0xd1: {  	_ =	swait.ge [sflag:s13], $0x2000  }
0xd2: {  	[sflag:s13] =	ssyncset.done $0x0  }
0xd3: {  	s6 =	smov.u32 s16;
	s19 =	rddreg [dreg:$0xa];
	[sflag:s13] =	ssyncadd.s32 $0xFFFFE000  }
0xd4: {  	[spmem:s2] =	stream.indirect.scatter.add.f32 [tilespmem:s0], [sflag:$0x7], $0x80, s19, s23, $0xb8;
	[tilespmem:$0x1C800] =	vst v63  }
0xd5: {  	s19 =	smin.u32 s6, $0x25;
	_ =	swait.ge [sflag:s1], $0x2000  }
0xd6: {  	s19 =	sshll.u32 s19, $0xA;
	s17 =	rddreg [dreg:$0x3]  }
0xd7: {  	[sflag:s1] =	ssyncset.done $0x0;
	s17 =	sadd.s32 s19, s17  }
0xd8: {  	s18 =	rddreg [dreg:$0xb];
	[sflag:s1] =	ssyncadd.s32 $0xFFFFE000;
	s17 =	sshrl.u32 s17, $0x3  }
0xd9: {  	[tilespmem:s0], [sflag:$0x4] =	stream.indirect.gather [hbm4b:s4+s23], $0x80, s18, s23, $0xb8;
	[tilespmem:$0x1C800] =	vst v63  }
0xda: {  	s17 =	sadd.s32 s5, s17  }
0xdb: {  	[tilespmem:s3], [sflag:$0x5] =	stream.linear.gather [hbm4b:s17+s3], $0x400, $0x38;
	[tilespmem:$0x1C800] =	vst v63  }
0xdc: {  	_ =	swait.ge [sflag:s9], $0x2000  }
0xdd: {  	[sflag:s9] =	ssyncset.done $0x0  }
0xde: {  	s18 =	rddreg [dreg:$0xc];
	[sflag:s9] =	ssyncadd.s32 $0xFFFFE000  }
0xdf: {  	[spmem:s2] =	stream.indirect.scatter.add.f32 [tilespmem:s26], [sflag:$0x7], $0x80, s18, s23, $0xb8;
	[tilespmem:$0x1C800] =	vst v63  }
0xe0: {  	_ =	swait.ge [sflag:s1], $0x2000  }
0xe1: {  	[sflag:s1] =	ssyncset.done $0x0  }
0xe2: {  	[sflag:s1] =	ssyncadd.s32 $0xFFFFE000  }
0xe3: {  	_ =	swait.ge [sflag:s21], $0x400  }
0xe4: {  	[sflag:s21] =	ssyncset.done $0x0  }
0xe5: {  	[sflag:s21] =	ssyncadd.s32 $0xFFFFFC00  }
0xe6: {  	[tilespmem:s26], [sflag:$0x1] =	stream.indirect.gather [hbm4b:s4+s23], $0x80, s3, s23, $0xb8;
	[tilespmem:$0x1C800] =	vst v63  }
0xe7: {  	_ =	swait.ge [sflag:s11], $0x2000  }
0xe8: {  	[sflag:s11] =	ssyncset.done $0x0  }
0xe9: {  	s19 =	rddreg [dreg:$0xd];
	[sflag:s11] =	ssyncadd.s32 $0xFFFFE000  }
0xea: {  	[spmem:s2] =	stream.indirect.scatter.add.f32 [tilespmem:s29], [sflag:$0x7], $0x80, s19, s23, $0xb8;
	[tilespmem:$0x1C800] =	vst v63  }
0xeb: {  	_ =	swait.ge [sflag:s1], $0x2000  }
0xec: {  	[sflag:s1] =	ssyncset.done $0x0  }
0xed: {  	[sflag:s1] =	ssyncadd.s32 $0xFFFFE000  }
0xee: {  	[tilespmem:s29], [sflag:$0x2] =	stream.indirect.gather [hbm4b:s4+s23], $0x80, s28, s23, $0xb8;
	[tilespmem:$0x1C800] =	vst v63  }
0xef: {  	_ =	swait.ge [sflag:s12], $0x2000  }
0xf0: {  	[sflag:s12] =	ssyncset.done $0x0  }
0xf1: {  	s18 =	rddreg [dreg:$0xe];
	[sflag:s12] =	ssyncadd.s32 $0xFFFFE000  }
0xf2: {  	[spmem:s2] =	stream.indirect.scatter.add.f32 [tilespmem:s31], [sflag:$0x7], $0x80, s18, s23, $0xb8;
	[tilespmem:$0x1C800] =	vst v63  }
0xf3: {  	_ =	swait.ge [sflag:s1], $0x2000  }
0xf4: {  	[sflag:s1] =	ssyncset.done $0x0  }
0xf5: {  	[sflag:s1] =	ssyncadd.s32 $0xFFFFE000  }
0xf6: {  	[tilespmem:s31], [sflag:$0x3] =	stream.indirect.gather [hbm4b:s4+s23], $0x80, s30, s23, $0xb8;
	[tilespmem:$0x1C800] =	vst v63  }
0xf7: {  	_ =	swait.ge [sflag:s13], $0x2000  }
0xf8: {  	[sflag:s13] =	ssyncset.done $0x0  }
0xf9: {  	p1 =	sne.s32 s16, $0x26;
	[sflag:s13] =	ssyncadd.s32 $0xFFFFE000  }
0xfa: {  	[spmem:s2] =	stream.indirect.scatter.add.f32 [tilespmem:s0], [sflag:$0x7], $0x80, s14, s23, $0xb8;
	[tilespmem:$0x1C800] =	vst v63  }
.Ltmp1:
0xfb: {  	_ = 	snop;
	(pc) =	sbr.rel @p1 .LBB2_4-.Ltmp1, $4  }
0xfc: {  	s6 =	smin.u32 s6, $0x24;
	_ =	swait.ge [sflag:s1], $0x2000  }
0xfd: {  	s6 =	sshll.u32 s6, $0xA;
	[sflag:s1] =	ssyncset.done $0x0;
	s19 =	rddreg [dreg:$0x4]  }
0xfe: {  	s16 =	sadd.s32 $0x2, s16;
	[sflag:s1] =	ssyncadd.s32 $0xFFFFE000;
	s6 =	sadd.s32 s6, s19  }
0xff: {  	[tilespmem:s0], [sflag:$0x4] =	stream.indirect.gather [hbm4b:s4+s23], $0x80, s8, s23, $0xb8;
	[tilespmem:$0x1C800] =	vst v63  }
0x100: {  	s6 =	sshrl.u32 s6, $0x3  }
0x101: {  	s6 =	sadd.s32 s5, s6  }
0x102: {  	[tilespmem:s22], [sflag:$0x6] =	stream.linear.gather [hbm4b:s6+s3], $0x400, $0x38;
	[tilespmem:$0x1C800] =	vst v63  }
0x103: {  	_ =	swait.ge [sflag:s9], $0x2000  }
0x104: {  	[sflag:s9] =	ssyncset.done $0x0  }
0x105: {  	[sflag:s9] =	ssyncadd.s32 $0xFFFFE000  }
0x106: {  	_ =	swait.ge [sflag:s11], $0x2000  }
0x107: {  	[sflag:s11] =	ssyncset.done $0x0  }
0x108: {  	[sflag:s11] =	ssyncadd.s32 $0xFFFFE000  }
0x109: {  	_ =	swait.ge [sflag:s12], $0x2000  }
0x10a: {  	[sflag:s12] =	ssyncset.done $0x0  }
0x10b: {  	[sflag:s12] =	ssyncadd.s32 $0xFFFFE000  }
0x10c: {  	_ =	swait.ge [sflag:s13], $0x2000  }
0x10d: {  	[sflag:s13] =	ssyncset.done $0x0  }
0x10e: {  	[sflag:s13] =	ssyncadd.s32 $0xFFFFE000  }
0x10f: {  	_ =	swait.ge [sflag:s10], $0x400  }
0x110: {  	[sflag:s10] =	ssyncset.done $0x0  }
0x111: {  	s19 =	stileid.u32;
	[sflag:s10] =	ssyncadd.s32 $0xFFFFFC00  }
0x112: {  	s6 =	sshll.u32 s19, $0x6;
	[bflag:$0x0] =	sbarrier.arrive $0xFFFF  }
0x113: {  	s6 =	sor.u32 $0x1C07, s6;
	s16 =	rddreg [dreg:$0x1a]  }
0x114: {  	[hbm:s16], [sflag:s6] =	dma.local [spmem:s24], $0x2700  }
0x115: {  	_ =	swait.ge [sflag:s1], $0x2700  }
0x116: {  	s15 =	sadd.s32 $0x1, s15;
	[sflag:s1] =	ssyncset.done $0x0  }
0x117: {  	p1 =	sne.s32 s15, s20;
	s16 =	rddreg [dreg:$0x1b];
	[sflag:s1] =	ssyncadd.s32 $0xFFFFD900  }
0x118: {  	[hbm:s16], [sflag:s6] =	dma.local @!p0 [spmem:s25], $0x100  }
.Ltmp2:
0x119: {  	_ = 	snop;
	(pc) =	sbr.rel @p1 .LBB2_1-.Ltmp2, $4  }
0x11a: {  	s6 =	simm.s32 @!p0 $0x7  }
0x11b: {  	_ =	swait.ge @!p0 [sflag:s6], $0x100  }
0x11c: {  	[sflag:s6] =	ssyncset.done @!p0 $0x0  }
0x11d: {  	[sflag:s6] =	ssyncadd.s32 @!p0 $0xFFFFFF00  }
0x11e: {  	_ =	sfence.sel $0x180000  }
0x11f: {  	[bflag:$0x0] =	sbarrier.arrive $0xFFFF  }
0x120: {  	_ =	strace $0x9000004D  }
0x121: {  	[bflag:$0x2] =	sbarrier.arrive $0xFFFF  }
0x122: {  	s0 =	rddreg [dreg:$0x2]  }
0x123: {  	s0 =	sadd.s32 @!p0 $0x100000, s0  }
0x124: {  	[sflag:s0] =	ssyncadd.tile.s32 @!p0 $0x1;
	_ =	shalt  }
.Lfunc_end2:
_tile_overlayer_lowered:
.L_overlay_start_2:
0x125: {  	(tag) =	ssettag $0x2  }
0x126: {  	s0 =	rddreg [dreg:$0x0];
	s2 =	stileid.u32  }
0x127: {  	s1 =	rddreg [dreg:$0x1];
	p0 =	sne.s32 s2, $0x0  }
0x128: {  	s3 =	rddreg [dreg:$0x2];
	[bflag:$0x3] =	sbarrier.arrive $0xFFFF;
	s2 =	simm.s32 @!p0 $0x1C07  }
0x129: {  	[timem:s3], [sflag:s2] =	dma.local @!p0 [hbm:s0], s1  }
0x12a: {  	s0 =	simm.s32 @!p0 $0x7  }
0x12b: {  	_ =	swait.ge @!p0 [sflag:s0], s1  }
0x12c: {  	s1 =	ssub.s32 @!p0 $0x0, s1;
	[sflag:s0] =	ssyncset.done @!p0 $0x0  }
0x12d: {  	[sflag:s0] =	ssyncadd.s32 @!p0 s1  }
0x12e: {  	[bflag:$0x3] =	sbarrier.arrive $0xFFFF  }
0x12f: {  	_ =	shalt  }

// kernel: kernel.9.cloned.1.call-start
scs
__scs_entry_jumppad:
0x0: {  	(pc) =	sbr.rel $0x88, $3  }
0x1: {  	(tag) =	ssettag $0x0;
	lr =	simm.s32 $0x1  }
0x2: {  	[smem:$0x3F94] =	sst lr;
	_ =	strace $0xD0000000  }
0x3: {  	_ = 	snop  }
0x4: {  	_ = 	snop  }
0x5: {  	_ = 	snop  }
0x6: {  	_ = 	snop  }
0x7: {  	_ = 	snop  }
__scs_overlays_trampoline_lowered:
0x8: {  	[smem:$0x3FA3] =	sst s0  }
0x9: {  	[smem:$0x3FA4] =	sst s1  }
0xa: {  	[smem:$0x3FA5] =	sst s2  }
0xb: {  	[smem:$0x3FA6] =	sst s3  }
0xc: {  	[smem:$0x3FA7] =	sst s4  }
0xd: {  	[smem:$0x3FA8] =	sst s5  }
0xe: {  	[smem:$0x3FA9] =	sst s6  }
0xf: {  	[smem:$0x3FAA] =	sst s7  }
0x10: {  	[smem:$0x3FAB] =	sst s8  }
0x11: {  	[smem:$0x3FAC] =	sst s9;
	s0 =	simm.s32 @!p0 $0x0  }
0x12: {  	s1 =	sld [smem:$0x3F92];
	s0 =	simm.s32 @p0 $0x1  }
0x13: {  	[smem:$0x3FAD] =	sst s0;
	s0 =	simm.s32 @!p1 $0x0  }
0x14: {  	s2 =	sld [smem:$0x3F91];
	s0 =	simm.s32 @p1 $0x1  }
0x15: {  	[smem:$0x3FAE] =	sst s0;
	s0 =	simm.s32 @!p2 $0x0  }
0x16: {  	s3 =	sld [smem:$0x3FDB];
	s0 =	simm.s32 @p2 $0x1  }
0x17: {  	s4 =	simm.s32 $0x1BF5;
	[smem:$0x3FB0] =	sst s0  }
0x18: {  	s0 =	sld [smem:$0x3F93];
	_ =	swait.ge [sflag:s4], $0x0  }
0x19: {  	s7 =	sld [smem:$0x3F94]  }
0x1a: {  	s8 =	sadd.s32 $0xFFFFE003, lr  }
0x1b: {  	s9 =	sadd.s32 $0xFFFFFEF7, lr;
	s5 =	simm.s32 $0xFFFFFFFF;
	p2 =	slt.u32 s8, $0xFFFFF086  }
0x1c: {  	p1 =	slt.u32 s9, $0xF7A;
	s5 =	simm.s32 @!p2 $0x0  }
0x1d: {  	s5 =	simm.s32 @p1 $0x1;
	p0 =	seq.s32 s7, s2  }
0x1e: {  	s7 =	smul.u32 @!p0 $0xF7A, s2;
	p2 =	seq.s32 @!p0 s5, $0x0  }
0x1f: {  	s9 =	smul.u32 $0xF7A, s1;
	s8 =	simm.s32 @!p0 $0x1BF5;
	p2 =	por !p2, p0  }
0x20: {  	[sflag:s8] =	ssyncset.s32 @!p0 $0xFFFFF086;
	s6 =	sadd.s32 @!p0 s3, s7;
	s7 =	simm.s32 @!p0 $0x108  }
0x21: {  	s3 =	sadd.s32 s3, s9;
	s6 =	sadd.s32 @!p0 $0x88, s6;
	s7 =	simm.s32 @p2 $0x1082  }
0x22: {  	[simem:s7], [sflag:s8] =	dma.local @!p0 [hbm:s6], $0xF7A  }
0x23: {  	s9 =	sor.u32 $0xD0000000, s2;
	s6 =	simm.s32 $0x108;
	_ =	swait.ge @!p0 [sflag:s8], $0x0  }
0x24: {  	s3 =	sadd.s32 $0x88, s3;
	s6 =	simm.s32 @!p1 $0x1082;
	[sflag:s4] =	ssyncset.s32 $0xFFFFF086  }
0x25: {  	[simem:s6], [sflag:s4] =	dma.local [hbm:s3], $0xF7A  }
0x26: {  	[smem:$0x3F94] =	sst s1;
	(tag) =	ssettag s2;
	_ =	strace s9  }
0x27: {  	s1 =	sld [smem:$0x3FA4]  }
0x28: {  	s2 =	sld [smem:$0x3FA5]  }
0x29: {  	s4 =	sld [smem:$0x3FA7]  }
0x2a: {  	p0 =	seq.s32 s5, $0x0;
	s5 =	sld [smem:$0x3FA8]  }
0x2b: {  	s6 =	sld [smem:$0x3FA9]  }
0x2c: {  	s7 =	sld [smem:$0x3FAA]  }
0x2d: {  	s3 =	simm.s32 $0x108;
	s8 =	sld [smem:$0x3FAB]  }
0x2e: {  	s3 =	simm.s32 @!p0 $0x1082;
	s9 =	sld [smem:$0x3FAC]  }
0x2f: {  	lr =	sadd.s32 s0, s3;
	s0 =	sld [smem:$0x3FA3]  }
0x30: {  	s3 =	sld [smem:$0x3FA6]  }
0x31: {  	[smem:$0x3FAF] =	sst s10  }
0x32: {  	s10 =	sld [smem:$0x3FAD];
	_ =	sdelay $0x3  }
0x33: {  	p0 =	seq.s32 s10, $0x1;
	s10 =	sld [smem:$0x3FAF];
	_ =	sdelay $0x3  }
0x34: {  	[smem:$0x3FAF] =	sst s10  }
0x35: {  	s10 =	sld [smem:$0x3FAE];
	_ =	sdelay $0x3  }
0x36: {  	p1 =	seq.s32 s10, $0x1;
	s10 =	sld [smem:$0x3FAF];
	_ =	sdelay $0x3  }
0x37: {  	[smem:$0x3FAF] =	sst s10  }
0x38: {  	s10 =	sld [smem:$0x3FB0]  }
0x39: {  	_ = 	snop;
	(pc) =	sbr.ind lr, $3  }
0x3a: {  	_ = 	snop  }
0x3b: {  	_ = 	snop  }
0x3c: {  	p2 =	seq.s32 s10, $0x1;
	s10 =	sld [smem:$0x3FAF]  }
0x3d: {  	_ =	shalt  }
0x3e: {  	_ =	shalt  }
0x3f: {  	_ =	shalt  }
0x40: {  	_ =	shalt  }
0x41: {  	_ =	shalt  }
0x42: {  	_ =	shalt  }
0x43: {  	_ =	shalt  }
0x44: {  	_ =	shalt  }
0x45: {  	_ =	shalt  }
0x46: {  	_ =	shalt  }
0x47: {  	_ =	shalt  }
0x48: {  	_ =	shalt  }
0x49: {  	_ =	shalt  }
0x4a: {  	_ =	shalt  }
0x4b: {  	_ =	shalt  }
0x4c: {  	_ =	shalt  }
0x4d: {  	_ =	shalt  }
0x4e: {  	_ =	shalt  }
0x4f: {  	_ =	shalt  }
0x50: {  	_ =	shalt  }
0x51: {  	_ =	shalt  }
0x52: {  	_ =	shalt  }
0x53: {  	_ =	shalt  }
0x54: {  	_ =	shalt  }
0x55: {  	_ =	shalt  }
0x56: {  	_ =	shalt  }
0x57: {  	_ =	shalt  }
0x58: {  	_ =	shalt  }
0x59: {  	_ =	shalt  }
0x5a: {  	_ =	shalt  }
0x5b: {  	_ =	shalt  }
0x5c: {  	_ =	shalt  }
0x5d: {  	_ =	shalt  }
0x5e: {  	_ =	shalt  }
0x5f: {  	_ =	shalt  }
0x60: {  	_ =	shalt  }
0x61: {  	_ =	shalt  }
0x62: {  	_ =	shalt  }
0x63: {  	_ =	shalt  }
0x64: {  	_ =	shalt  }
0x65: {  	_ =	shalt  }
0x66: {  	_ =	shalt  }
0x67: {  	_ =	shalt  }
0x68: {  	_ =	shalt  }
0x69: {  	_ =	shalt  }
0x6a: {  	_ =	shalt  }
0x6b: {  	_ =	shalt  }
0x6c: {  	_ =	shalt  }
0x6d: {  	_ =	shalt  }
0x6e: {  	_ =	shalt  }
0x6f: {  	_ =	shalt  }
0x70: {  	_ =	shalt  }
0x71: {  	_ =	shalt  }
0x72: {  	_ =	shalt  }
0x73: {  	_ =	shalt  }
0x74: {  	_ =	shalt  }
0x75: {  	_ =	shalt  }
0x76: {  	_ =	shalt  }
0x77: {  	_ =	shalt  }
0x78: {  	_ =	shalt  }
0x79: {  	_ =	shalt  }
0x7a: {  	_ =	shalt  }
0x7b: {  	_ =	shalt  }
0x7c: {  	_ =	shalt  }
0x7d: {  	_ =	shalt  }
0x7e: {  	_ =	shalt  }
0x7f: {  	_ =	shalt  }
0x80: {  	_ =	shalt  }
0x81: {  	_ =	shalt  }
0x82: {  	_ =	shalt  }
0x83: {  	_ =	shalt  }
0x84: {  	_ =	shalt  }
0x85: {  	_ =	shalt  }
0x86: {  	_ =	shalt  }
0x87: {  	_ =	shalt  }
.Lfunc_end0:
.L_simem_size_0:
called_computation_lowered:
.L_overlay_start_0:
0x88: {  	s2 =	sld [smem:$0x3FD9]  }
0x89: {  	s3 =	sld [smem:$0x3FFE];
	_ =	sdelay $0x1  }
0x8a: {  	s1 =	srdreg.scid  }
0x8b: {  	s0 =	sand.u32 $0x1, s1  }
0x8c: {  	s17 =	sshll.u32 s0, $0xA;
	s2 =	sadd.s32 s3, s2  }
0x8d: {  	s2 =	sadd.s32 s2, s17  }
0x8e: {  	[smem:$0x3FBB] =	sst s2  }
0x8f: {  	_ = 	snop  }
0x90: {  	s2 =	sld [smem:$0x3FC9];
	(tm) =	ssettm $0x1  }
0x91: {  	s18 =	sld [smem:$0x3FFB];
	_ =	sdelay $0x3  }
0x92: {  	_ =	strace s18  }
0x93: {  	s3 =	sld [smem:$0x3FFC];
	_ =	sdelay $0x3  }
0x94: {  	_ =	strace s3  }
0x95: {  	s3 =	sld [smem:$0x3FFD];
	_ =	sdelay $0x3  }
0x96: {  	_ =	strace s3  }
0x97: {  	_ =	strace $0x8FFFFFFF  }
0x98: {  	s19 =	sld [smem:$0x3FDB];
	_ =	sdelay $0x1  }
0x99: {  	s4 =	simm.s32 $_scs_section_size  }
0x9a: {  	s5 =	simm.s32 $_size__tile_overlayer_lowered;
	s6 =	simm.s32 $_tile_overlayer_lowered  }
0x9b: {  	s22 =	simm.s32 $0x1BFF;
	s21 =	sshll.u32 s6, $0x1;
	s3 =	sadd.s32 s4, s19  }
0x9c: {  	s7 =	simm.s32 $0x0;
	s20 =	sshll.u32 s5, $0x1;
	s5 =	sadd.s32 s21, s3  }
0x9d: {  	[timem:s7], [sflag:s22] =	dma.local [hbm:s5], s20  }
0x9e: {  	_ =	swait.ge [sflag:s22], s20  }
0x9f: {  	s4 =	ssub.s32 $0x0, s20;
	[sflag:s22] =	ssyncset.done $0x0  }
0xa0: {  	[sflag:s22] =	ssyncadd.s32 s4;
	_ =	sdelay $0x1  }
0xa1: {  	s23 =	simm.s32 $0x1B8B  }
0xa2: {  	_ =	swait.ge [sflag:s23], $0x1  }
0xa3: {  	[sflag:s23] =	ssyncset.done $0x0  }
0xa4: {  	s25 =	simm.s32 $0x1B8E;
	s24 =	sld [smem:$0x3FFE];
	[sflag:s23] =	ssyncadd.s32 $0xFFFFFFFF  }
0xa5: {  	s26 =	simm.s32 $execute0_lowered;
	[smem:$0x3FD2] =	sst s25  }
0xa6: {  	s5 =	sshll.u32 s26, $0x1;
	_ =	strace $0x80000046;
	[dreg:$0x1] =	wrdreg $0xFFFFFFFF  }
0xa7: {  	s28 =	simm.s32 $_size_execute0_lowered;
	s3 =	sadd.s32 s3, s5;
	[dreg:$0x0] =	wrdreg $0x0  }
0xa8: {  	s5 =	sshll.u32 s28, $0x1;
	[dreg:$0x2] =	wrdreg s3  }
0xa9: {  	[dreg:$0x3] =	wrdreg s5  }
0xaa: {  	[dreg:$0x4] =	wrdreg $0xC0  }
0xab: {  	_ =	task [dreg:s7], $0x5FFFF  }
0xac: {  	[dreg:$0x1] =	wrdreg $0xFFFFFFFF  }
0xad: {  	[dreg:$0x0] =	wrdreg $0x60  }
0xae: {  	[dreg:$0x2] =	wrdreg s2  }
0xaf: {  	[dreg:$0x3] =	wrdreg s24  }
0xb0: {  	[dreg:$0x4] =	wrdreg $0x88000  }
0xb1: {  	[dreg:$0x5] =	wrdreg $0x9  }
0xb2: {  	_ =	task.clear_ibuf [dreg:s7], $0x6FFFF;
	_ =	strace $0x90000046  }
0xb3: {  	s29 =	simm.s32 $0x9;
	_ =	strace $0x80000048  }
0xb4: {  	_ =	swait.ge [sflag:s29], $0x1  }
0xb5: {  	[sflag:s29] =	ssyncadd.s32 $0xFFFFFFFF  }
0xb6: {  	_ =	strace $0x90000048  }
0xb7: {  	_ =	sfence  }
0xb8: {  	s30 =	sld [smem:$0x0];
	_ =	sdelay $0x2  }
0xb9: {  	s31 =	sshll.u32 s1, $0xD;
	s1 =	sshrl.u32 s1, $0x2  }
0xba: {  	s3 =	sand.u32 $0x4000, s31;
	s1 =	sadd.s32 s1, s30  }
0xbb: {  	s0 =	sor.u32 s3, s0;
	s1 =	sshll.u32 s1, $0x11  }
0xbc: {  	s0 =	sor.u32 s1, s0  }
0xbd: {  	s0 =	sadd.s32 $0x8F2B, s0  }
0xbe: {  	[sflag:s0] =	ssyncadd.remote.s32 $0x1  }
0xbf: {  	_ =	sfence.sel $0xFFFF  }
0xc0: {  	[dreg:$0x0] =	wrdreg $0xFFFFFFFF;
	(pc) =	sbr.abs _section_cstart, $3  }
0xc1: {  	[dreg:$0x1] =	wrdreg $0xFFFFFFFF  }
0xc2: {  	_ =	task.clear_ibuf [dreg:s7], $0x2FFFF;
	_ =	strace $0x9FFFFFFF  }
0xc3: {  	(tm) =	ssettm $0x7FFFFFFF  }
tec
execute0_lowered:
.L_overlay_start_1:
0x0: {  	(tag) =	ssettag $0x1  }
0x1: {  	s0 =	rddreg [dreg:$0x0];
	s1 =	srdreg.scid  }
0x2: {  	s11 =	stileid.u32;
	s2 =	rddreg [dreg:$0x1]  }
0x3: {  	s3 =	rddreg [dreg:$0x2];
	s17 =	simm.s32 $0x200;
	s18 =	simm.s32 $0x280  }
0x4: {  	s19 =	simm.s32 $0x480;
	s28 =	simm.s32 $0x80;
	s29 =	simm.s32 $0x2800  }
0x5: {  	s30 =	simm.s32 $0x100;
	s31 =	simm.s32 $0x4800;
	s7 =	smul.u32 $0x50000, s11  }
0x6: {  	s1 =	sand.u32 $0x1, s1;
	s4 =	sshll.u32 s11, $0x1;
	s13 =	smul.u32 $0x13800, s11  }
0x7: {  	s16 =	smul.u32 $0x4E000, s11;
	s5 =	sor.u32 s1, s4;
	s4 =	simm.s32 $0x0  }
0x8: {  	p0 =	sne.s32 s11, $0x0;
	s11 =	simm.s32 $0x2;
	[smem:$0x7FF] =	sst s4  }
0x9: {  	s7 =	sshrl.u32 s7, $0x2;
	_ =	strace $0x80000047;
	[dreg:$0x6] =	wrdreg s17  }
0xa: {  	s8 =	ssub.s32 $0x2, s1;
	s7 =	sadd.s32 s7, s3;
	[dreg:$0x7] =	wrdreg s18  }
0xb: {  	s1 =	smul.u32 $0x138800, s1;
	[dreg:$0x8] =	wrdreg s19;
	s20 =	sadd.s32 $0x2000, s7  }
0xc: {  	s6 =	smul.u32 $0xA000, s5;
	s21 =	sadd.s32 $0x4000, s7;
	[dreg:$0x12] =	wrdreg s20  }
0xd: {  	s5 =	sadd.s32 $0x3A00, s2;
	s22 =	sadd.s32 $0x6000, s7;
	[dreg:$0x13] =	wrdreg s21  }
0xe: {  	s2 =	sadd.s32 $0x2BA00, s2;
	s23 =	sadd.s32 $0x8000, s7;
	[dreg:$0x14] =	wrdreg s22  }
0xf: {  	s10 =	sshrl.u32 s8, $0x1;
	s24 =	sadd.s32 $0xA000, s7;
	[dreg:$0x15] =	wrdreg s23  }
0x10: {  	s8 =	ssub.s32 s8, s10;
	s25 =	sadd.s32 $0xC000, s7;
	[dreg:$0x16] =	wrdreg s24  }
0x11: {  	s15 =	sadd.s32 s13, s1;
	s26 =	sadd.s32 $0xE000, s7;
	[dreg:$0x17] =	wrdreg s25  }
0x12: {  	s1 =	sshrl.u32 s1, $0x3;
	s12 =	sadd.s32 $0x10000, s7;
	[dreg:$0x18] =	wrdreg s26  }
0x13: {  	s13 =	simm.s32 $0x4;
	s10 =	sor.u32 $0x800, s6;
	[dreg:$0x19] =	wrdreg s12  }
0x14: {  	s9 =	sshrl.u32 s6, $0x3;
	s14 =	sadd.s32 $0x12000, s7;
	[dreg:$0x4] =	wrdreg s10  }
0x15: {  	s6 =	sor.u32 $0xC00, s6;
	s1 =	sadd.s32 s2, s1;
	[dreg:$0x1a] =	wrdreg s14  }
0x16: {  	s9 =	sadd.s32 s5, s9;
	[dreg:$0x5] =	wrdreg s6;
	s6 =	sshrl.u32 s15, $0x3  }
0x17: {  	s20 =	simm.s32 $0x300;
	s21 =	simm.s32 $0x500;
	[dreg:$0x10] =	wrdreg s9  }
0x18: {  	s22 =	simm.s32 $0x380;
	s1 =	sadd.s32 $0x27000, s1;
	[dreg:$0x9] =	wrdreg s20  }
0x19: {  	s23 =	simm.s32 $0x580;
	s24 =	simm.s32 $0x600;
	[dreg:$0xa] =	wrdreg s21  }
0x1a: {  	s25 =	simm.s32 $0x680;
	s26 =	simm.s32 $0x700;
	[dreg:$0x1c] =	wrdreg s1  }
0x1b: {  	s10 =	simm.s32 $0x6;
	s12 =	simm.s32 $0x3;
	[dreg:$0xb] =	wrdreg s22  }
0x1c: {  	s14 =	simm.s32 $0x780;
	s15 =	simm.s32 $0x0;
	[dreg:$0xc] =	wrdreg s23  }
0x1d: {  	s9 =	sadd.s32 $0x80, s9;
	s6 =	sadd.s32 s2, s6;
	[dreg:$0xd] =	wrdreg s24  }
0x1e: {  	s2 =	sadd.s32 $0x138000, s3;
	s20 =	smax.u32 s8, $0x1;
	[dreg:$0xe] =	wrdreg s25  }
0x1f: {  	s21 =	simm.s32 $0x5;
	s22 =	simm.s32 $0x400;
	[dreg:$0xf] =	wrdreg s26  }
0x20: {  	s23 =	simm.s32 $0x40;
	s26 =	simm.s32 $0x800;
	s1 =	simm.s32 $0x7  }
0x21: {  	s8 =	simm.s32 $0x180;
	[dreg:$0x11] =	wrdreg s9;
	s9 =	sshrl.u32 s16, $0x2  }
0x22: {  	[dreg:$0x1b] =	wrdreg s6;
	s25 =	sshrl.u32 @!p0 s2, $0x3;
	s9 =	sadd.s32 s9, s3  }
0x23: {  	v0 =	vimm.f32 $0.0e+00;
	s2 =	simm.s32 $0x6800;
	s24 =	sshrl.u32 s9, $0x3;
	s9 =	simm.s32 $0x1  }
.LBB2_1:
0x24: {  	s6 =	rddreg [dreg:$0x10]  }
0x25: {  	[tilespmem:s4], [sflag:$0x5] =	stream.linear.gather [hbm4b:s6+s4], $0x400, $0x38;
	[tilespmem:$0x1C800] =	vst v63  }
0x26: {  	_ =	swait.ge [sflag:s21], $0x400  }
0x27: {  	[sflag:s21] =	ssyncset.done $0x0  }
0x28: {  	s19 =	rddreg [dreg:$0x11];
	[sflag:s21] =	ssyncadd.s32 $0xFFFFFC00  }
0x29: {  	[tilespmem:s22], [sflag:$0x6] =	stream.linear.gather [hbm4b:s19+s4], $0x400, $0x38;
	[tilespmem:$0x1C800] =	vst v63  }
0x2a: {  	_ = 	snop  }
0x2b: {  	[tilespmem:s26], [sflag:$0x1] =	stream.indirect.gather [hbm4b:s0+s23], $0x80, s4, s23, $0xb8;
	[tilespmem:$0x1C800] =	vst v63  }
0x2c: {  	_ = 	snop  }
0x2d: {  	[tilespmem:s29], [sflag:$0x2] =	stream.indirect.gather [hbm4b:s0+s23], $0x80, s28, s23, $0xb8;
	[tilespmem:$0x1C800] =	vst v63  }
0x2e: {  	s16 =	simm.s32 $0x200;
	s6 =	simm.s32 $0x0  }
0x2f: {  	[tilespmem:s31], [sflag:$0x3] =	stream.indirect.gather [hbm4b:s0+s23], $0x80, s30, s23, $0xb8;
	[tilespmem:$0x1C800] =	vst v63  }
.LBB2_2:
0x30: {  	p1 =	sne.s32 s16, $0x7E00;
	[tilespmem:s6+$0x6870] =	vst v0  }
0x31: {  	[tilespmem:s6+$0x6800] =	vst v0  }
0x32: {  	[tilespmem:s6+$0x6810] =	vst v0  }
.Ltmp0:
0x33: {  	[tilespmem:s6+$0x6820] =	vst v0;
	(pc) =	sbr.rel @p1 .LBB2_2-.Ltmp0, $4  }
0x34: {  	[tilespmem:s6+$0x6830] =	vst v0  }
0x35: {  	[tilespmem:s6+$0x6840] =	vst v0  }
0x36: {  	[tilespmem:s6+$0x6850] =	vst v0  }
0x37: {  	[tilespmem:s6+$0x6860] =	vst v0;
	s6 =	sshra.s32 s16, $0x2;
	s16 =	sadd.s32 $0x200, s16  }
0x38: {  	[tilespmem:s6+$0x6870] =	vst v0  }
0x39: {  	[tilespmem:s6+$0x6800] =	vst v0  }
0x3a: {  	[tilespmem:s6+$0x6810] =	vst v0  }
0x3b: {  	[tilespmem:s6+$0x6820] =	vst v0  }
0x3c: {  	[tilespmem:s6+$0x6830] =	vst v0  }
0x3d: {  	[tilespmem:s6+$0x6840] =	vst v0  }
0x3e: {  	[tilespmem:s6+$0x6850] =	vst v0  }
0x3f: {  	[tilespmem:s6+$0x6860] =	vst v0  }
0x40: {  	[spmem:s7] =	stream.linear.scatter [tilespmem:s2], [sflag:$0x7], $0x2000, $0x38;
	[tilespmem:$0x1C800] =	vst v63  }
0x41: {  	_ =	swait.ge [sflag:s1], $0x2000  }
0x42: {  	[sflag:s1] =	ssyncset.done $0x0  }
0x43: {  	s16 =	rddreg [dreg:$0x12];
	[sflag:s1] =	ssyncadd.s32 $0xFFFFE000  }
0x44: {  	[spmem:s16] =	stream.linear.scatter [tilespmem:s2], [sflag:$0x7], $0x2000, $0x38;
	[tilespmem:$0x1C800] =	vst v63  }
0x45: {  	_ =	swait.ge [sflag:s1], $0x2000  }
0x46: {  	[sflag:s1] =	ssyncset.done $0x0  }
0x47: {  	s17 =	rddreg [dreg:$0x13];
	[sflag:s1] =	ssyncadd.s32 $0xFFFFE000  }
0x48: {  	[spmem:s17] =	stream.linear.scatter [tilespmem:s2], [sflag:$0x7], $0x2000, $0x38;
	[tilespmem:$0x1C800] =	vst v63  }
0x49: {  	_ =	swait.ge [sflag:s1], $0x2000  }
0x4a: {  	[sflag:s1] =	ssyncset.done $0x0  }
0x4b: {  	s18 =	rddreg [dreg:$0x14];
	[sflag:s1] =	ssyncadd.s32 $0xFFFFE000  }
0x4c: {  	[spmem:s18] =	stream.linear.scatter [tilespmem:s2], [sflag:$0x7], $0x2000, $0x38;
	[tilespmem:$0x1C800] =	vst v63  }
0x4d: {  	_ =	swait.ge [sflag:s1], $0x2000  }
0x4e: {  	[sflag:s1] =	ssyncset.done $0x0  }
0x4f: {  	s19 =	rddreg [dreg:$0x15];
	[sflag:s1] =	ssyncadd.s32 $0xFFFFE000  }
0x50: {  	[spmem:s19] =	stream.linear.scatter [tilespmem:s2], [sflag:$0x7], $0x2000, $0x38;
	[tilespmem:$0x1C800] =	vst v63  }
0x51: {  	_ =	swait.ge [sflag:s1], $0x2000  }
0x52: {  	[sflag:s1] =	ssyncset.done $0x0  }
0x53: {  	s16 =	rddreg [dreg:$0x16];
	[sflag:s1] =	ssyncadd.s32 $0xFFFFE000  }
0x54: {  	[spmem:s16] =	stream.linear.scatter [tilespmem:s2], [sflag:$0x7], $0x2000, $0x38;
	[tilespmem:$0x1C800] =	vst v63  }
0x55: {  	_ =	swait.ge [sflag:s1], $0x2000  }
0x56: {  	[sflag:s1] =	ssyncset.done $0x0  }
0x57: {  	s17 =	rddreg [dreg:$0x17];
	[sflag:s1] =	ssyncadd.s32 $0xFFFFE000  }
0x58: {  	[spmem:s17] =	stream.linear.scatter [tilespmem:s2], [sflag:$0x7], $0x2000, $0x38;
	[tilespmem:$0x1C800] =	vst v63  }
0x59: {  	_ =	swait.ge [sflag:s1], $0x2000  }
0x5a: {  	[sflag:s1] =	ssyncset.done $0x0  }
0x5b: {  	s18 =	rddreg [dreg:$0x18];
	[sflag:s1] =	ssyncadd.s32 $0xFFFFE000  }
0x5c: {  	[spmem:s18] =	stream.linear.scatter [tilespmem:s2], [sflag:$0x7], $0x2000, $0x38;
	[tilespmem:$0x1C800] =	vst v63  }
0x5d: {  	_ =	swait.ge [sflag:s1], $0x2000  }
0x5e: {  	[sflag:s1] =	ssyncset.done $0x0  }
0x5f: {  	s19 =	rddreg [dreg:$0x19];
	[sflag:s1] =	ssyncadd.s32 $0xFFFFE000  }
0x60: {  	[spmem:s19] =	stream.linear.scatter [tilespmem:s2], [sflag:$0x7], $0x2000, $0x38;
	[tilespmem:$0x1C800] =	vst v63  }
0x61: {  	_ =	swait.ge [sflag:s1], $0x2000  }
0x62: {  	[sflag:s1] =	ssyncset.done $0x0  }
0x63: {  	s16 =	rddreg [dreg:$0x1a];
	[sflag:s1] =	ssyncadd.s32 $0xFFFFE000  }
0x64: {  	[spmem:s16] =	stream.linear.scatter [tilespmem:s2], [sflag:$0x7], $0x2000, $0x38;
	[tilespmem:$0x1C800] =	vst v63  }
0x65: {  	_ =	swait.ge [sflag:s1], $0x2000  }
0x66: {  	[sflag:s1] =	ssyncset.done $0x0  }
0x67: {  	[sflag:s1] =	ssyncadd.s32 $0xFFFFE000  }
0x68: {  	[bflag:$0x0] =	sbarrier.arrive $0xFFFF  }
0x69: {  	[tilespmem:s2], [sflag:$0x4] =	stream.indirect.gather [hbm4b:s0+s23], $0x80, s8, s23, $0xb8;
	[tilespmem:$0x1C800] =	vst v63  }
0x6a: {  	_ =	swait.ge [sflag:s9], $0x2000  }
0x6b: {  	[sflag:s9] =	ssyncset.done $0x0  }
0x6c: {  	s17 =	rddreg [dreg:$0x6];
	[sflag:s9] =	ssyncadd.s32 $0xFFFFE000  }
0x6d: {  	[spmem:s3] =	stream.indirect.scatter.add.f32 [tilespmem:s26], [sflag:$0x7], $0x80, s17, s23, $0xb8;
	[tilespmem:$0x1C800] =	vst v63  }
0x6e: {  	_ =	swait.ge [sflag:s1], $0x2000  }
0x6f: {  	[sflag:s1] =	ssyncset.done $0x0  }
0x70: {  	[sflag:s1] =	ssyncadd.s32 $0xFFFFE000  }
0x71: {  	_ =	swait.ge [sflag:s10], $0x400  }
0x72: {  	[sflag:s10] =	ssyncset.done $0x0  }
0x73: {  	[sflag:s10] =	ssyncadd.s32 $0xFFFFFC00  }
0x74: {  	[tilespmem:s26], [sflag:$0x1] =	stream.indirect.gather [hbm4b:s0+s23], $0x80, s22, s23, $0xb8;
	[tilespmem:$0x1C800] =	vst v63  }
0x75: {  	_ =	swait.ge [sflag:s11], $0x2000  }
0x76: {  	[sflag:s11] =	ssyncset.done $0x0  }
0x77: {  	s18 =	rddreg [dreg:$0x7];
	[sflag:s11] =	ssyncadd.s32 $0xFFFFE000  }
0x78: {  	[spmem:s3] =	stream.indirect.scatter.add.f32 [tilespmem:s29], [sflag:$0x7], $0x80, s18, s23, $0xb8;
	[tilespmem:$0x1C800] =	vst v63  }
0x79: {  	_ =	swait.ge [sflag:s1], $0x2000  }
0x7a: {  	[sflag:s1] =	ssyncset.done $0x0  }
0x7b: {  	s19 =	rddreg [dreg:$0x8];
	[sflag:s1] =	ssyncadd.s32 $0xFFFFE000  }
0x7c: {  	[tilespmem:s29], [sflag:$0x2] =	stream.indirect.gather [hbm4b:s0+s23], $0x80, s19, s23, $0xb8;
	[tilespmem:$0x1C800] =	vst v63  }
0x7d: {  	_ =	swait.ge [sflag:s12], $0x2000  }
0x7e: {  	[sflag:s12] =	ssyncset.done $0x0  }
0x7f: {  	s16 =	rddreg [dreg:$0x9];
	[sflag:s12] =	ssyncadd.s32 $0xFFFFE000  }
0x80: {  	[spmem:s3] =	stream.indirect.scatter.add.f32 [tilespmem:s31], [sflag:$0x7], $0x80, s16, s23, $0xb8;
	[tilespmem:$0x1C800] =	vst v63  }
0x81: {  	_ =	swait.ge [sflag:s1], $0x2000  }
0x82: {  	[sflag:s1] =	ssyncset.done $0x0  }
0x83: {  	s17 =	rddreg [dreg:$0xa];
	[sflag:s1] =	ssyncadd.s32 $0xFFFFE000  }
0x84: {  	[tilespmem:s31], [sflag:$0x3] =	stream.indirect.gather [hbm4b:s0+s23], $0x80, s17, s23, $0xb8;
	[tilespmem:$0x1C800] =	vst v63  }
0x85: {  	_ =	swait.ge [sflag:s13], $0x2000  }
0x86: {  	[sflag:s13] =	ssyncset.done $0x0  }
0x87: {  	s6 =	simm.s32 $0x0;
	s18 =	rddreg [dreg:$0xb];
	[sflag:s13] =	ssyncadd.s32 $0xFFFFE000  }
0x88: {  	[spmem:s3] =	stream.indirect.scatter.add.f32 [tilespmem:s2], [sflag:$0x7], $0x80, s18, s23, $0xb8;
	[tilespmem:$0x1C800] =	vst v63  }
0x89: {  	s18 =	smin.u32 s6, $0x25;
	_ =	swait.ge [sflag:s1], $0x2000  }
0x8a: {  	s18 =	sshll.u32 s18, $0xA;
	s16 =	rddreg [dreg:$0x4];
	[sflag:s1] =	ssyncset.done $0x0  }
0x8b: {  	s17 =	rddreg [dreg:$0xc];
	s16 =	sadd.s32 s18, s16;
	[sflag:s1] =	ssyncadd.s32 $0xFFFFE000  }
0x8c: {  	[tilespmem:s2], [sflag:$0x4] =	stream.indirect.gather [hbm4b:s0+s23], $0x80, s17, s23, $0xb8;
	[tilespmem:$0x1C800] =	vst v63  }
0x8d: {  	s16 =	sshrl.u32 s16, $0x3  }
0x8e: {  	s16 =	sadd.s32 s5, s16  }
0x8f: {  	[tilespmem:s4], [sflag:$0x5] =	stream.linear.gather [hbm4b:s16+s4], $0x400, $0x38;
	[tilespmem:$0x1C800] =	vst v63  }
0x90: {  	_ =	swait.ge [sflag:s9], $0x2000  }
0x91: {  	[sflag:s9] =	ssyncset.done $0x0  }
0x92: {  	s19 =	rddreg [dreg:$0xd];
	[sflag:s9] =	ssyncadd.s32 $0xFFFFE000  }
0x93: {  	[spmem:s3] =	stream.indirect.scatter.add.f32 [tilespmem:s26], [sflag:$0x7], $0x80, s19, s23, $0xb8;
	[tilespmem:$0x1C800] =	vst v63  }
0x94: {  	_ =	swait.ge [sflag:s1], $0x2000  }
0x95: {  	[sflag:s1] =	ssyncset.done $0x0  }
0x96: {  	[sflag:s1] =	ssyncadd.s32 $0xFFFFE000  }
0x97: {  	_ =	swait.ge [sflag:s21], $0x400  }
0x98: {  	[sflag:s21] =	ssyncset.done $0x0  }
0x99: {  	[sflag:s21] =	ssyncadd.s32 $0xFFFFFC00  }
0x9a: {  	[tilespmem:s26], [sflag:$0x1] =	stream.indirect.gather [hbm4b:s0+s23], $0x80, s4, s23, $0xb8;
	[tilespmem:$0x1C800] =	vst v63  }
0x9b: {  	_ =	swait.ge [sflag:s11], $0x2000  }
0x9c: {  	[sflag:s11] =	ssyncset.done $0x0  }
0x9d: {  	s17 =	rddreg [dreg:$0xe];
	[sflag:s11] =	ssyncadd.s32 $0xFFFFE000  }
0x9e: {  	[spmem:s3] =	stream.indirect.scatter.add.f32 [tilespmem:s29], [sflag:$0x7], $0x80, s17, s23, $0xb8;
	[tilespmem:$0x1C800] =	vst v63  }
0x9f: {  	_ =	swait.ge [sflag:s1], $0x2000  }
0xa0: {  	[sflag:s1] =	ssyncset.done $0x0  }
0xa1: {  	[sflag:s1] =	ssyncadd.s32 $0xFFFFE000  }
0xa2: {  	[tilespmem:s29], [sflag:$0x2] =	stream.indirect.gather [hbm4b:s0+s23], $0x80, s28, s23, $0xb8;
	[tilespmem:$0x1C800] =	vst v63  }
0xa3: {  	_ =	swait.ge [sflag:s12], $0x2000  }
0xa4: {  	[sflag:s12] =	ssyncset.done $0x0  }
0xa5: {  	s18 =	rddreg [dreg:$0xf];
	[sflag:s12] =	ssyncadd.s32 $0xFFFFE000  }
0xa6: {  	[spmem:s3] =	stream.indirect.scatter.add.f32 [tilespmem:s31], [sflag:$0x7], $0x80, s18, s23, $0xb8;
	[tilespmem:$0x1C800] =	vst v63  }
0xa7: {  	_ =	swait.ge [sflag:s1], $0x2000  }
0xa8: {  	[sflag:s1] =	ssyncset.done $0x0  }
0xa9: {  	[sflag:s1] =	ssyncadd.s32 $0xFFFFE000  }
0xaa: {  	[tilespmem:s31], [sflag:$0x3] =	stream.indirect.gather [hbm4b:s0+s23], $0x80, s30, s23, $0xb8;
	[tilespmem:$0x1C800] =	vst v63  }
0xab: {  	_ =	swait.ge [sflag:s13], $0x2000  }
0xac: {  	[sflag:s13] =	ssyncset.done $0x0  }
0xad: {  	[sflag:s13] =	ssyncadd.s32 $0xFFFFE000  }
0xae: {  	[spmem:s3] =	stream.indirect.scatter.add.f32 [tilespmem:s2], [sflag:$0x7], $0x80, s14, s23, $0xb8;
	[tilespmem:$0x1C800] =	vst v63  }
0xaf: {  	s6 =	smin.u32 s6, $0x24;
	_ =	swait.ge [sflag:s1], $0x2000  }
0xb0: {  	s6 =	sshll.u32 s6, $0xA;
	[sflag:s1] =	ssyncset.done $0x0;
	s19 =	rddreg [dreg:$0x5]  }
0xb1: {  	s16 =	simm.s32 $0x2;
	[sflag:s1] =	ssyncadd.s32 $0xFFFFE000;
	s6 =	sadd.s32 s6, s19  }
0xb2: {  	[tilespmem:s2], [sflag:$0x4] =	stream.indirect.gather [hbm4b:s0+s23], $0x80, s8, s23, $0xb8;
	[tilespmem:$0x1C800] =	vst v63  }
.LBB2_4:
0xb3: {  	s17 =	sshrl.u32 s6, $0x3  }
0xb4: {  	s17 =	sadd.s32 s5, s17  }
0xb5: {  	[tilespmem:s22], [sflag:$0x6] =	stream.linear.gather [hbm4b:s17+s4], $0x400, $0x38;
	[tilespmem:$0x1C800] =	vst v63  }
0xb6: {  	_ =	swait.ge [sflag:s9], $0x2000  }
0xb7: {  	[sflag:s9] =	ssyncset.done $0x0  }
0xb8: {  	s18 =	rddreg [dreg:$0x6];
	[sflag:s9] =	ssyncadd.s32 $0xFFFFE000  }
0xb9: {  	[spmem:s3] =	stream.indirect.scatter.add.f32 [tilespmem:s26], [sflag:$0x7], $0x80, s18, s23, $0xb8;
	[tilespmem:$0x1C800] =	vst v63  }
0xba: {  	_ =	swait.ge [sflag:s1], $0x2000  }
0xbb: {  	[sflag:s1] =	ssyncset.done $0x0  }
0xbc: {  	[sflag:s1] =	ssyncadd.s32 $0xFFFFE000  }
0xbd: {  	_ =	swait.ge [sflag:s10], $0x400  }
0xbe: {  	[sflag:s10] =	ssyncset.done $0x0  }
0xbf: {  	[sflag:s10] =	ssyncadd.s32 $0xFFFFFC00  }
0xc0: {  	[tilespmem:s26], [sflag:$0x1] =	stream.indirect.gather [hbm4b:s0+s23], $0x80, s22, s23, $0xb8;
	[tilespmem:$0x1C800] =	vst v63  }
0xc1: {  	_ =	swait.ge [sflag:s11], $0x2000  }
0xc2: {  	[sflag:s11] =	ssyncset.done $0x0  }
0xc3: {  	s19 =	rddreg [dreg:$0x7];
	[sflag:s11] =	ssyncadd.s32 $0xFFFFE000  }
0xc4: {  	[spmem:s3] =	stream.indirect.scatter.add.f32 [tilespmem:s29], [sflag:$0x7], $0x80, s19, s23, $0xb8;
	[tilespmem:$0x1C800] =	vst v63  }
0xc5: {  	_ =	swait.ge [sflag:s1], $0x2000  }
0xc6: {  	[sflag:s1] =	ssyncset.done $0x0  }
0xc7: {  	s18 =	rddreg [dreg:$0x8];
	[sflag:s1] =	ssyncadd.s32 $0xFFFFE000  }
0xc8: {  	[tilespmem:s29], [sflag:$0x2] =	stream.indirect.gather [hbm4b:s0+s23], $0x80, s18, s23, $0xb8;
	[tilespmem:$0x1C800] =	vst v63  }
0xc9: {  	_ =	swait.ge [sflag:s12], $0x2000  }
0xca: {  	[sflag:s12] =	ssyncset.done $0x0  }
0xcb: {  	s19 =	rddreg [dreg:$0x9];
	[sflag:s12] =	ssyncadd.s32 $0xFFFFE000  }
0xcc: {  	[spmem:s3] =	stream.indirect.scatter.add.f32 [tilespmem:s31], [sflag:$0x7], $0x80, s19, s23, $0xb8;
	[tilespmem:$0x1C800] =	vst v63  }
0xcd: {  	_ =	swait.ge [sflag:s1], $0x2000  }
0xce: {  	[sflag:s1] =	ssyncset.done $0x0  }
0xcf: {  	s18 =	rddreg [dreg:$0xa];
	[sflag:s1] =	ssyncadd.s32 $0xFFFFE000  }
0xd0: {  	[tilespmem:s31], [sflag:$0x3] =	stream.indirect.gather [hbm4b:s0+s23], $0x80, s18, s23, $0xb8;
	[tilespmem:$0x1C800] =	vst v63  }
0xd1: {  	_ =	swait.ge [sflag:s13], $0x2000  }
0xd2: {  	[sflag:s13] =	ssyncset.done $0x0  }
0xd3: {  	s6 =	smov.u32 s16;
	s19 =	rddreg [dreg:$0xb];
	[sflag:s13] =	ssyncadd.s32 $0xFFFFE000  }
0xd4: {  	[spmem:s3] =	stream.indirect.scatter.add.f32 [tilespmem:s2], [sflag:$0x7], $0x80, s19, s23, $0xb8;
	[tilespmem:$0x1C800] =	vst v63  }
0xd5: {  	s19 =	smin.u32 s6, $0x25;
	_ =	swait.ge [sflag:s1], $0x2000  }
0xd6: {  	s19 =	sshll.u32 s19, $0xA;
	s17 =	rddreg [dreg:$0x4]  }
0xd7: {  	[sflag:s1] =	ssyncset.done $0x0;
	s17 =	sadd.s32 s19, s17  }
0xd8: {  	s18 =	rddreg [dreg:$0xc];
	[sflag:s1] =	ssyncadd.s32 $0xFFFFE000;
	s17 =	sshrl.u32 s17, $0x3  }
0xd9: {  	[tilespmem:s2], [sflag:$0x4] =	stream.indirect.gather [hbm4b:s0+s23], $0x80, s18, s23, $0xb8;
	[tilespmem:$0x1C800] =	vst v63  }
0xda: {  	s17 =	sadd.s32 s5, s17  }
0xdb: {  	[tilespmem:s4], [sflag:$0x5] =	stream.linear.gather [hbm4b:s17+s4], $0x400, $0x38;
	[tilespmem:$0x1C800] =	vst v63  }
0xdc: {  	_ =	swait.ge [sflag:s9], $0x2000  }
0xdd: {  	[sflag:s9] =	ssyncset.done $0x0  }
0xde: {  	s18 =	rddreg [dreg:$0xd];
	[sflag:s9] =	ssyncadd.s32 $0xFFFFE000  }
0xdf: {  	[spmem:s3] =	stream.indirect.scatter.add.f32 [tilespmem:s26], [sflag:$0x7], $0x80, s18, s23, $0xb8;
	[tilespmem:$0x1C800] =	vst v63  }
0xe0: {  	_ =	swait.ge [sflag:s1], $0x2000  }
0xe1: {  	[sflag:s1] =	ssyncset.done $0x0  }
0xe2: {  	[sflag:s1] =	ssyncadd.s32 $0xFFFFE000  }
0xe3: {  	_ =	swait.ge [sflag:s21], $0x400  }
0xe4: {  	[sflag:s21] =	ssyncset.done $0x0  }
0xe5: {  	[sflag:s21] =	ssyncadd.s32 $0xFFFFFC00  }
0xe6: {  	[tilespmem:s26], [sflag:$0x1] =	stream.indirect.gather [hbm4b:s0+s23], $0x80, s4, s23, $0xb8;
	[tilespmem:$0x1C800] =	vst v63  }
0xe7: {  	_ =	swait.ge [sflag:s11], $0x2000  }
0xe8: {  	[sflag:s11] =	ssyncset.done $0x0  }
0xe9: {  	s19 =	rddreg [dreg:$0xe];
	[sflag:s11] =	ssyncadd.s32 $0xFFFFE000  }
0xea: {  	[spmem:s3] =	stream.indirect.scatter.add.f32 [tilespmem:s29], [sflag:$0x7], $0x80, s19, s23, $0xb8;
	[tilespmem:$0x1C800] =	vst v63  }
0xeb: {  	_ =	swait.ge [sflag:s1], $0x2000  }
0xec: {  	[sflag:s1] =	ssyncset.done $0x0  }
0xed: {  	[sflag:s1] =	ssyncadd.s32 $0xFFFFE000  }
0xee: {  	[tilespmem:s29], [sflag:$0x2] =	stream.indirect.gather [hbm4b:s0+s23], $0x80, s28, s23, $0xb8;
	[tilespmem:$0x1C800] =	vst v63  }
0xef: {  	_ =	swait.ge [sflag:s12], $0x2000  }
0xf0: {  	[sflag:s12] =	ssyncset.done $0x0  }
0xf1: {  	s18 =	rddreg [dreg:$0xf];
	[sflag:s12] =	ssyncadd.s32 $0xFFFFE000  }
0xf2: {  	[spmem:s3] =	stream.indirect.scatter.add.f32 [tilespmem:s31], [sflag:$0x7], $0x80, s18, s23, $0xb8;
	[tilespmem:$0x1C800] =	vst v63  }
0xf3: {  	_ =	swait.ge [sflag:s1], $0x2000  }
0xf4: {  	[sflag:s1] =	ssyncset.done $0x0  }
0xf5: {  	[sflag:s1] =	ssyncadd.s32 $0xFFFFE000  }
0xf6: {  	[tilespmem:s31], [sflag:$0x3] =	stream.indirect.gather [hbm4b:s0+s23], $0x80, s30, s23, $0xb8;
	[tilespmem:$0x1C800] =	vst v63  }
0xf7: {  	_ =	swait.ge [sflag:s13], $0x2000  }
0xf8: {  	[sflag:s13] =	ssyncset.done $0x0  }
0xf9: {  	p1 =	sne.s32 s16, $0x26;
	[sflag:s13] =	ssyncadd.s32 $0xFFFFE000  }
0xfa: {  	[spmem:s3] =	stream.indirect.scatter.add.f32 [tilespmem:s2], [sflag:$0x7], $0x80, s14, s23, $0xb8;
	[tilespmem:$0x1C800] =	vst v63  }
.Ltmp1:
0xfb: {  	_ = 	snop;
	(pc) =	sbr.rel @p1 .LBB2_4-.Ltmp1, $4  }
0xfc: {  	s6 =	smin.u32 s6, $0x24;
	_ =	swait.ge [sflag:s1], $0x2000  }
0xfd: {  	s6 =	sshll.u32 s6, $0xA;
	[sflag:s1] =	ssyncset.done $0x0;
	s19 =	rddreg [dreg:$0x5]  }
0xfe: {  	s16 =	sadd.s32 $0x2, s16;
	[sflag:s1] =	ssyncadd.s32 $0xFFFFE000;
	s6 =	sadd.s32 s6, s19  }
0xff: {  	[tilespmem:s2], [sflag:$0x4] =	stream.indirect.gather [hbm4b:s0+s23], $0x80, s8, s23, $0xb8;
	[tilespmem:$0x1C800] =	vst v63  }
0x100: {  	s6 =	sshrl.u32 s6, $0x3  }
0x101: {  	s6 =	sadd.s32 s5, s6  }
0x102: {  	[tilespmem:s22], [sflag:$0x6] =	stream.linear.gather [hbm4b:s6+s4], $0x400, $0x38;
	[tilespmem:$0x1C800] =	vst v63  }
0x103: {  	_ =	swait.ge [sflag:s9], $0x2000  }
0x104: {  	[sflag:s9] =	ssyncset.done $0x0  }
0x105: {  	[sflag:s9] =	ssyncadd.s32 $0xFFFFE000  }
0x106: {  	_ =	swait.ge [sflag:s11], $0x2000  }
0x107: {  	[sflag:s11] =	ssyncset.done $0x0  }
0x108: {  	[sflag:s11] =	ssyncadd.s32 $0xFFFFE000  }
0x109: {  	_ =	swait.ge [sflag:s12], $0x2000  }
0x10a: {  	[sflag:s12] =	ssyncset.done $0x0  }
0x10b: {  	[sflag:s12] =	ssyncadd.s32 $0xFFFFE000  }
0x10c: {  	_ =	swait.ge [sflag:s13], $0x2000  }
0x10d: {  	[sflag:s13] =	ssyncset.done $0x0  }
0x10e: {  	[sflag:s13] =	ssyncadd.s32 $0xFFFFE000  }
0x10f: {  	_ =	swait.ge [sflag:s10], $0x400  }
0x110: {  	[sflag:s10] =	ssyncset.done $0x0  }
0x111: {  	s19 =	stileid.u32;
	[sflag:s10] =	ssyncadd.s32 $0xFFFFFC00  }
0x112: {  	s6 =	sshll.u32 s19, $0x6;
	[bflag:$0x0] =	sbarrier.arrive $0xFFFF  }
0x113: {  	s6 =	sor.u32 $0x1C07, s6;
	s16 =	rddreg [dreg:$0x1b]  }
0x114: {  	[hbm:s16], [sflag:s6] =	dma.local [spmem:s24], $0x2700  }
0x115: {  	_ =	swait.ge [sflag:s1], $0x2700  }
0x116: {  	s15 =	sadd.s32 $0x1, s15;
	[sflag:s1] =	ssyncset.done $0x0  }
0x117: {  	p1 =	sne.s32 s15, s20;
	s16 =	rddreg [dreg:$0x1c];
	[sflag:s1] =	ssyncadd.s32 $0xFFFFD900  }
0x118: {  	[hbm:s16], [sflag:s6] =	dma.local @!p0 [spmem:s25], $0x100  }
.Ltmp2:
0x119: {  	_ = 	snop;
	(pc) =	sbr.rel @p1 .LBB2_1-.Ltmp2, $4  }
0x11a: {  	s6 =	simm.s32 @!p0 $0x7  }
0x11b: {  	_ =	swait.ge @!p0 [sflag:s6], $0x100  }
0x11c: {  	[sflag:s6] =	ssyncset.done @!p0 $0x0  }
0x11d: {  	[sflag:s6] =	ssyncadd.s32 @!p0 $0xFFFFFF00  }
0x11e: {  	_ =	sfence.sel $0x180000  }
0x11f: {  	[bflag:$0x0] =	sbarrier.arrive $0xFFFF  }
0x120: {  	_ =	strace $0x90000047  }
0x121: {  	[bflag:$0x2] =	sbarrier.arrive $0xFFFF  }
0x122: {  	s0 =	rddreg [dreg:$0x3]  }
0x123: {  	s0 =	sadd.s32 @!p0 $0x100000, s0  }
0x124: {  	[sflag:s0] =	ssyncadd.tile.s32 @!p0 $0x1;
	_ =	shalt  }
.Lfunc_end2:
_tile_overlayer_lowered:
.L_overlay_start_2:
0x125: {  	(tag) =	ssettag $0x2  }
0x126: {  	s0 =	rddreg [dreg:$0x0];
	s2 =	stileid.u32  }
0x127: {  	s1 =	rddreg [dreg:$0x1];
	p0 =	sne.s32 s2, $0x0  }
0x128: {  	s3 =	rddreg [dreg:$0x2];
	[bflag:$0x3] =	sbarrier.arrive $0xFFFF;
	s2 =	simm.s32 @!p0 $0x1C07  }
0x129: {  	[timem:s3], [sflag:s2] =	dma.local @!p0 [hbm:s0], s1  }
0x12a: {  	s0 =	simm.s32 @!p0 $0x7  }
0x12b: {  	_ =	swait.ge @!p0 [sflag:s0], s1  }
0x12c: {  	s1 =	ssub.s32 @!p0 $0x0, s1;
	[sflag:s0] =	ssyncset.done @!p0 $0x0  }
0x12d: {  	[sflag:s0] =	ssyncadd.s32 @!p0 s1  }
0x12e: {  	[bflag:$0x3] =	sbarrier.arrive $0xFFFF  }
0x12f: {  	_ =	shalt  }

</sc_bundles>
